<compile_context>
chip_gen: v7x
topology: tpu7x:2x2x1
jax: 0.10.2.dev20260603
libtpu: 0.0.44.dev20260713+nightly
codegen_flags: <defaults>
</compile_context>

<pallas_src>
import functools

import jax
import jax.numpy as jnp
from jax import lax
from jax.experimental import pallas as pl
from jax.experimental.pallas import tpu as pltpu
from jax.experimental.pallas import tpu_sc as plsc

VOCAB = 1000000
D = 64
B = 4096
SEQ = 200
EPS = 1e-5

NC, NS = 2, 16
NW = NC * NS
BB = B // NW
NLT = SEQ // 8
NITEM = SEQ

_mesh = plsc.VectorSubcoreMesh(core_axis_name="c", subcore_axis_name="s")


def _rsqrt(x):
    i = lax.bitcast_convert_type(x, jnp.int32)
    i = jnp.int32(0x5F3759DF) - lax.shift_right_logical(i, 1)
    y = lax.bitcast_convert_type(i, jnp.float32)
    hx = 0.5 * x
    y = y * (1.5 - hx * y * y)
    y = y * (1.5 - hx * y * y)
    y = y * (1.5 - hx * y * y)
    return y


@functools.partial(
    pl.kernel,
    out_type=jax.ShapeDtypeStruct((SEQ, D // 8, NW, 8, BB), jnp.float32),
    mesh=_mesh,
    scratch_types=[
        pltpu.VMEM((2, 8, BB), jnp.int32),
        pltpu.VMEM((3, BB, D), jnp.float32),
        pltpu.VMEM((2, D, BB), jnp.float32),
        pltpu.VMEM((2, 2, 8, 16), jnp.float32),
        pltpu.VMEM((D,), jnp.float32),
        pltpu.VMEM((D,), jnp.float32),
        pltpu.VMEM((D, 16), jnp.float32),
        pltpu.VMEM((D, 16), jnp.float32),
        pltpu.SemaphoreType.DMA((3,)),
        pltpu.SemaphoreType.DMA((2,)),
    ],
    compiler_params=pltpu.CompilerParams(
        needs_layout_passes=False, use_tc_tiling_on_sc=False),
)
def _emb_ln(x4_hbm, table_hbm, gamma_hbm, beta_hbm, out_hbm,
            idx_v, rows_v, obuf_v, stats_v, gamma_v, beta_v,
            gspl, bspl, gsem, osem):
    w = lax.axis_index("s") * NC + lax.axis_index("c")

    pltpu.sync_copy(gamma_hbm, gamma_v)
    pltpu.sync_copy(beta_hbm, beta_v)
    iota16 = lax.iota(jnp.int32, 16)
    zeros16 = jnp.zeros((16,), jnp.float32)

    for c in range(D // 16):
        gv = gamma_v[pl.ds(c * 16, 16)]
        bv = beta_v[pl.ds(c * 16, 16)]
        for j in range(16):
            d = c * 16 + j
            gspl[d] = jnp.full((16,), gv[j], jnp.float32)
            bspl[d] = jnp.full((16,), bv[j], jnp.float32)

    pltpu.sync_copy(x4_hbm.at[0, w], idx_v.at[0])
    pltpu.async_copy(table_hbm.at[idx_v.at[0, 0]], rows_v.at[0], gsem.at[0])
    pltpu.async_copy(table_hbm.at[idx_v.at[0, 1]], rows_v.at[1], gsem.at[1])

    def item_body(l, carry):
        cur = lax.rem(l, 3)
        cur2 = lax.rem(l, 2)
        lt = lax.div(l, 8)
        l8 = lax.rem(l, 8)

        @pl.when(jnp.logical_and(l8 == 0, lt + 1 < NLT))
        def _():
            pltpu.sync_copy(x4_hbm.at[lt + 1, w], idx_v.at[lax.rem(lt + 1, 2)])

        @pl.when(l + 2 < NITEM)
        def _():
            nlt = lax.div(l + 2, 8)
            nl8 = lax.rem(l + 2, 8)
            pltpu.async_copy(
                table_hbm.at[idx_v.at[lax.rem(nlt, 2), nl8]],
                rows_v.at[lax.rem(l + 2, 3)], gsem.at[lax.rem(l + 2, 3)])

        pltpu.make_async_copy(table_hbm.at[idx_v.at[0, 0]],
                              rows_v.at[cur], gsem.at[cur]).wait()

        @pl.when(l >= 2)
        def _():
            for dt in range(D // 8):
                pltpu.make_async_copy(
                    obuf_v.at[cur2, pl.ds(dt * 8, 8)],
                    out_hbm.at[0, dt, 0], osem.at[cur2]).wait()

        rows = rows_v.at[cur]
        obuf = obuf_v.at[cur2]
        stats = stats_v.at[cur2]

        def grp_body(g, c2):
            row16 = g * 16 + iota16

            @plsc.parallel_loop(0, D, unroll=32, carry=(zeros16, zeros16))
            def sq_loop(k, sq):
                s, q = sq
                cm = jnp.bitwise_and(iota16 + jnp.broadcast_to(k, (16,)),
                                     D - 1)
                dk = plsc.load_gather(rows, [row16, cm])
                plsc.store_scatter(obuf, [cm, row16], dk)
                return (s + dk, q + dk * dk)

            s, q = sq_loop
            mean = s * (1.0 / D)
            var = q * (1.0 / D) - mean * mean
            inv = _rsqrt(var + EPS)
            stats[0, g] = mean
            stats[1, g] = inv
            return c2

        lax.fori_loop(0, BB // 16, grp_body, 0)

        means = [stats[0, c] for c in range(8)]
        invs = [stats[1, c] for c in range(8)]

        @plsc.parallel_loop(0, D, unroll=4)
        def d_loop(d):
            gd = gspl[d]
            bd = bspl[d]
            for c in range(8):
                v = obuf[d, pl.ds(c * 16, 16)]
                obuf[d, pl.ds(c * 16, 16)] = (
                    (v - means[c]) * invs[c] * gd + bd)

        for dt in range(D // 8):
            pltpu.async_copy(obuf.at[pl.ds(dt * 8, 8)],
                             out_hbm.at[l, dt, w], osem.at[cur2])
        return carry

    lax.fori_loop(0, NITEM, item_body, 0)

    for par in range(2):
        for dt in range(D // 8):
            pltpu.make_async_copy(
                obuf_v.at[par, pl.ds(dt * 8, 8)],
                out_hbm.at[0, dt, 0], osem.at[par]).wait()


def kernel(x, table, gamma, beta):
    x4 = x.astype(jnp.int32).T.reshape(NLT, 8, NW, BB).transpose(0, 2, 1, 3)
    o5 = _emb_ln(x4, table, gamma, beta)
    return o5.transpose(2, 4, 0, 1, 3).reshape(B, SEQ, D)

# --- scband reference (transcript-rebuilt; emitter-appended) ---
"""Pipeline reference for scband-embeddings-27410481283485 (READ-ONLY COPY).

The authoritative reference and input builder live on the scoring server;
editing this copy changes nothing except your own understanding.
"""

import jax, jax.numpy as jnp
import numpy as np

VOCAB = 1000000
DIM = 64
B = 4096
L = 200
EPS = 1e-5

def setup_inputs(seed: int = 0) -> dict:
    key = jax.random.key(seed)
    k1, k2 = jax.random.split(key)
    x = jax.random.randint(k1, (B, L), 0, VOCAB)
    table = jax.random.normal(k2, (VOCAB, DIM), dtype=jnp.float32)
    # padding_idx=0 -> row 0 initialized to zeros
    table = table.at[0].set(0.0)
    gamma = jnp.ones((DIM,), dtype=jnp.float32)  # LayerNorm weight
    beta = jnp.zeros((DIM,), dtype=jnp.float32)  # LayerNorm bias
    return {"x": x, "table": table, "gamma": gamma, "beta": beta}

def reference(x, table, gamma, beta):
    # nn.Embedding with padding_idx=0: forward is a plain gather; row 0 is
    # pinned to zero (matches init and grad semantics).
    t = table.at[0].set(0.0)
    emb = jnp.take(t, x, axis=0)  # [B, L, DIM]
    # with_pos=False -> no positional encoding
    # LayerNorm over last dim (eps=1e-5, elementwise affine)
    mean = jnp.mean(emb, axis=-1, keepdims=True)
    var = jnp.var(emb, axis=-1, keepdims=True)
    normed = (emb - mean) / jnp.sqrt(var + EPS)
    out = normed * gamma + beta
    # dropout is identity in eval/reference mode
    return out

if __name__ == "__main__":
    import jax
    _d = setup_inputs()
    print(jax.jit(kernel)(*tuple(_d.values())))

</pallas_src>

<mosaic_0001>
#map = affine_map<(d0, d1) -> (0, 0, 0, 0)>
#map1 = affine_map<(d0, d1) -> (0, 0)>
#map2 = affine_map<(d0, d1) -> (0)>
#map3 = affine_map<(d0, d1) -> (0, 0, 0, 0, 0)>
module attributes {stable_mosaic.version = 14 : i64} {
  func.func @_emb_ln(%arg0: i32, %arg1: i32, %arg2: memref<25x32x8x128xi32, #tpu.memory_space<hbm>>, %arg3: memref<1000000x64xf32, #tpu.memory_space<hbm>>, %arg4: memref<64xf32, #tpu.memory_space<hbm>>, %arg5: memref<64xf32, #tpu.memory_space<hbm>>, %arg6: memref<200x8x32x8x128xf32, #tpu.memory_space<hbm>>, %arg7: memref<2x8x128xi32, #tpu.memory_space<vmem>>, %arg8: memref<3x128x64xf32, #tpu.memory_space<vmem>>, %arg9: memref<2x64x128xf32, #tpu.memory_space<vmem>>, %arg10: memref<2x2x8x16xf32, #tpu.memory_space<vmem>>, %arg11: memref<64xf32, #tpu.memory_space<vmem>>, %arg12: memref<64xf32, #tpu.memory_space<vmem>>, %arg13: memref<64x16xf32, #tpu.memory_space<vmem>>, %arg14: memref<64x16xf32, #tpu.memory_space<vmem>>, %arg15: memref<3x!tpu.dma_semaphore, #tpu.memory_space<semaphore_mem>>, %arg16: memref<2x!tpu.dma_semaphore, #tpu.memory_space<semaphore_mem>>) attributes {dimension_semantics = [#tpu.dimension_semantics<core_parallel>, #tpu.dimension_semantics<subcore_parallel>], iteration_bounds = array<i64: 2, 16>, scalar_prefetch = 0 : i64, scratch_operands = 10 : i64, tpu.core_type = #tpu.core_type<sc_vector_subcore>, window_params = [{transform_indices = #map}, {transform_indices = #map1}, {transform_indices = #map2}, {transform_indices = #map2}, {transform_indices = #map3}]} {
    %mul3A = arith.constant 2 : i32
    %mul3A_0 = arith.muli %arg1, %mul3A : i32
    %add3A = arith.addi %mul3A_0, %arg0 : i32
    "tpu.region"() ({
      %run_scoped3A_1314 = tpu.sem_alloc : memref<!tpu.dma_semaphore, #tpu.memory_space<semaphore_mem>>
      tpu.enqueue_dma source(%arg4 : memref<64xf32, #tpu.memory_space<hbm>>) target(%arg11 : memref<64xf32, #tpu.memory_space<vmem>>) target_semaphore(%run_scoped3A_1314 : memref<!tpu.dma_semaphore, #tpu.memory_space<semaphore_mem>>)
      tpu.wait_dma2 semaphore(%run_scoped3A_1314 : memref<!tpu.dma_semaphore, #tpu.memory_space<semaphore_mem>>) src(%arg4 : memref<64xf32, #tpu.memory_space<hbm>>) dst(%arg11 : memref<64xf32, #tpu.memory_space<vmem>>)
      tpu.yield
    }) : () -> ()
    "tpu.region"() ({
      %run_scoped3A_1314 = tpu.sem_alloc : memref<!tpu.dma_semaphore, #tpu.memory_space<semaphore_mem>>
      tpu.enqueue_dma source(%arg5 : memref<64xf32, #tpu.memory_space<hbm>>) target(%arg12 : memref<64xf32, #tpu.memory_space<vmem>>) target_semaphore(%run_scoped3A_1314 : memref<!tpu.dma_semaphore, #tpu.memory_space<semaphore_mem>>)
      tpu.wait_dma2 semaphore(%run_scoped3A_1314 : memref<!tpu.dma_semaphore, #tpu.memory_space<semaphore_mem>>) src(%arg5 : memref<64xf32, #tpu.memory_space<hbm>>) dst(%arg12 : memref<64xf32, #tpu.memory_space<vmem>>)
      tpu.yield
    }) : () -> ()
    %iota3A = tpu.iota {dimensions = array<i32: 0>} : vector<16xi32>
    %broadcast_in_dim3A = arith.constant 0.000000e+00 : f32
    %broadcast_in_dim3A_1 = vector.broadcast %broadcast_in_dim3A : f32 to vector<16xf32>
    %get3A = arith.constant 0 : index
    %get3A_2 = tpu.vector_load %arg11[%get3A] {strides = array<i32>} : memref<64xf32, #tpu.memory_space<vmem>>, vector<16xf32>,
    %get3A_3 = arith.constant 0 : index
    %get3A_4 = tpu.vector_load %arg12[%get3A_3] {strides = array<i32>} : memref<64xf32, #tpu.memory_space<vmem>>, vector<16xf32>,
    %slice3A = vector.extract_strided_slice %get3A_2 {offsets = [0], sizes = [1], strides = [1]} : vector<16xf32> to vector<1xf32>
    %squeeze3A = vector.extract %slice3A[0] : f32 from vector<1xf32>
    %broadcast_in_dim3A_5 = vector.broadcast %squeeze3A : f32 to vector<16xf32>
    %swap3A = arith.constant 0 : i32
    %swap3A_6 = arith.index_cast %swap3A : i32 to index
    %swap3A_7 = arith.constant 0 : index
    %swap3A_8 = tpu.vector_load %arg13[%swap3A_6, %swap3A_7] {strides = array<i32>} : memref<64x16xf32, #tpu.memory_space<vmem>>, vector<16xf32>,
    tpu.vector_store %arg13[%swap3A_6, %swap3A_7], %broadcast_in_dim3A_5 {strides = array<i32>} : memref<64x16xf32, #tpu.memory_space<vmem>>, vector<16xf32>,
    %slice3A_9 = vector.extract_strided_slice %get3A_4 {offsets = [0], sizes = [1], strides = [1]} : vector<16xf32> to vector<1xf32>
    %squeeze3A_10 = vector.extract %slice3A_9[0] : f32 from vector<1xf32>
    %broadcast_in_dim3A_11 = vector.broadcast %squeeze3A_10 : f32 to vector<16xf32>
    %swap3A_12 = arith.constant 0 : i32
    %swap3A_13 = arith.index_cast %swap3A_12 : i32 to index
    %swap3A_14 = arith.constant 0 : index
    %swap3A_15 = tpu.vector_load %arg14[%swap3A_13, %swap3A_14] {strides = array<i32>} : memref<64x16xf32, #tpu.memory_space<vmem>>, vector<16xf32>,
    tpu.vector_store %arg14[%swap3A_13, %swap3A_14], %broadcast_in_dim3A_11 {strides = array<i32>} : memref<64x16xf32, #tpu.memory_space<vmem>>, vector<16xf32>,
    %slice3A_16 = vector.extract_strided_slice %get3A_2 {offsets = [1], sizes = [1], strides = [1]} : vector<16xf32> to vector<1xf32>
    %squeeze3A_17 = vector.extract %slice3A_16[0] : f32 from vector<1xf32>
    %broadcast_in_dim3A_18 = vector.broadcast %squeeze3A_17 : f32 to vector<16xf32>
    %swap3A_19 = arith.constant 1 : i32
    %swap3A_20 = arith.index_cast %swap3A_19 : i32 to index
    %swap3A_21 = arith.constant 0 : index
    %swap3A_22 = tpu.vector_load %arg13[%swap3A_20, %swap3A_21] {strides = array<i32>} : memref<64x16xf32, #tpu.memory_space<vmem>>, vector<16xf32>,
    tpu.vector_store %arg13[%swap3A_20, %swap3A_21], %broadcast_in_dim3A_18 {strides = array<i32>} : memref<64x16xf32, #tpu.memory_space<vmem>>, vector<16xf32>,
    %slice3A_23 = vector.extract_strided_slice %get3A_4 {offsets = [1], sizes = [1], strides = [1]} : vector<16xf32> to vector<1xf32>
    %squeeze3A_24 = vector.extract %slice3A_23[0] : f32 from vector<1xf32>
    %broadcast_in_dim3A_25 = vector.broadcast %squeeze3A_24 : f32 to vector<16xf32>
    %swap3A_26 = arith.constant 1 : i32
    %swap3A_27 = arith.index_cast %swap3A_26 : i32 to index
    %swap3A_28 = arith.constant 0 : index
    %swap3A_29 = tpu.vector_load %arg14[%swap3A_27, %swap3A_28] {strides = array<i32>} : memref<64x16xf32, #tpu.memory_space<vmem>>, vector<16xf32>,
    tpu.vector_store %arg14[%swap3A_27, %swap3A_28], %broadcast_in_dim3A_25 {strides = array<i32>} : memref<64x16xf32, #tpu.memory_space<vmem>>, vector<16xf32>,
    %slice3A_30 = vector.extract_strided_slice %get3A_2 {offsets = [2], sizes = [1], strides = [1]} : vector<16xf32> to vector<1xf32>
    %squeeze3A_31 = vector.extract %slice3A_30[0] : f32 from vector<1xf32>
    %broadcast_in_dim3A_32 = vector.broadcast %squeeze3A_31 : f32 to vector<16xf32>
    %swap3A_33 = arith.constant 2 : i32
    %swap3A_34 = arith.index_cast %swap3A_33 : i32 to index
    %swap3A_35 = arith.constant 0 : index
    %swap3A_36 = tpu.vector_load %arg13[%swap3A_34, %swap3A_35] {strides = array<i32>} : memref<64x16xf32, #tpu.memory_space<vmem>>, vector<16xf32>,
    tpu.vector_store %arg13[%swap3A_34, %swap3A_35], %broadcast_in_dim3A_32 {strides = array<i32>} : memref<64x16xf32, #tpu.memory_space<vmem>>, vector<16xf32>,
    %slice3A_37 = vector.extract_strided_slice %get3A_4 {offsets = [2], sizes = [1], strides = [1]} : vector<16xf32> to vector<1xf32>
    %squeeze3A_38 = vector.extract %slice3A_37[0] : f32 from vector<1xf32>
    %broadcast_in_dim3A_39 = vector.broadcast %squeeze3A_38 : f32 to vector<16xf32>
    %swap3A_40 = arith.constant 2 : i32
    %swap3A_41 = arith.index_cast %swap3A_40 : i32 to index
    %swap3A_42 = arith.constant 0 : index
    %swap3A_43 = tpu.vector_load %arg14[%swap3A_41, %swap3A_42] {strides = array<i32>} : memref<64x16xf32, #tpu.memory_space<vmem>>, vector<16xf32>,
    tpu.vector_store %arg14[%swap3A_41, %swap3A_42], %broadcast_in_dim3A_39 {strides = array<i32>} : memref<64x16xf32, #tpu.memory_space<vmem>>, vector<16xf32>,
    %slice3A_44 = vector.extract_strided_slice %get3A_2 {offsets = [3], sizes = [1], strides = [1]} : vector<16xf32> to vector<1xf32>
    %squeeze3A_45 = vector.extract %slice3A_44[0] : f32 from vector<1xf32>
    %broadcast_in_dim3A_46 = vector.broadcast %squeeze3A_45 : f32 to vector<16xf32>
    %swap3A_47 = arith.constant 3 : i32
    %swap3A_48 = arith.index_cast %swap3A_47 : i32 to index
    %swap3A_49 = arith.constant 0 : index
    %swap3A_50 = tpu.vector_load %arg13[%swap3A_48, %swap3A_49] {strides = array<i32>} : memref<64x16xf32, #tpu.memory_space<vmem>>, vector<16xf32>,
    tpu.vector_store %arg13[%swap3A_48, %swap3A_49], %broadcast_in_dim3A_46 {strides = array<i32>} : memref<64x16xf32, #tpu.memory_space<vmem>>, vector<16xf32>,
    %slice3A_51 = vector.extract_strided_slice %get3A_4 {offsets = [3], sizes = [1], strides = [1]} : vector<16xf32> to vector<1xf32>
    %squeeze3A_52 = vector.extract %slice3A_51[0] : f32 from vector<1xf32>
    %broadcast_in_dim3A_53 = vector.broadcast %squeeze3A_52 : f32 to vector<16xf32>
    %swap3A_54 = arith.constant 3 : i32
    %swap3A_55 = arith.index_cast %swap3A_54 : i32 to index
    %swap3A_56 = arith.constant 0 : index
    %swap3A_57 = tpu.vector_load %arg14[%swap3A_55, %swap3A_56] {strides = array<i32>} : memref<64x16xf32, #tpu.memory_space<vmem>>, vector<16xf32>,
    tpu.vector_store %arg14[%swap3A_55, %swap3A_56], %broadcast_in_dim3A_53 {strides = array<i32>} : memref<64x16xf32, #tpu.memory_space<vmem>>, vector<16xf32>,
    %slice3A_58 = vector.extract_strided_slice %get3A_2 {offsets = [4], sizes = [1], strides = [1]} : vector<16xf32> to vector<1xf32>
    %squeeze3A_59 = vector.extract %slice3A_58[0] : f32 from vector<1xf32>
    %broadcast_in_dim3A_60 = vector.broadcast %squeeze3A_59 : f32 to vector<16xf32>
    %swap3A_61 = arith.constant 4 : i32
    %swap3A_62 = arith.index_cast %swap3A_61 : i32 to index
    %swap3A_63 = arith.constant 0 : index
    %swap3A_64 = tpu.vector_load %arg13[%swap3A_62, %swap3A_63] {strides = array<i32>} : memref<64x16xf32, #tpu.memory_space<vmem>>, vector<16xf32>,
    tpu.vector_store %arg13[%swap3A_62, %swap3A_63], %broadcast_in_dim3A_60 {strides = array<i32>} : memref<64x16xf32, #tpu.memory_space<vmem>>, vector<16xf32>,
    %slice3A_65 = vector.extract_strided_slice %get3A_4 {offsets = [4], sizes = [1], strides = [1]} : vector<16xf32> to vector<1xf32>
    %squeeze3A_66 = vector.extract %slice3A_65[0] : f32 from vector<1xf32>
    %broadcast_in_dim3A_67 = vector.broadcast %squeeze3A_66 : f32 to vector<16xf32>
    %swap3A_68 = arith.constant 4 : i32
    %swap3A_69 = arith.index_cast %swap3A_68 : i32 to index
    %swap3A_70 = arith.constant 0 : index
    %swap3A_71 = tpu.vector_load %arg14[%swap3A_69, %swap3A_70] {strides = array<i32>} : memref<64x16xf32, #tpu.memory_space<vmem>>, vector<16xf32>,
    tpu.vector_store %arg14[%swap3A_69, %swap3A_70], %broadcast_in_dim3A_67 {strides = array<i32>} : memref<64x16xf32, #tpu.memory_space<vmem>>, vector<16xf32>,
    %slice3A_72 = vector.extract_strided_slice %get3A_2 {offsets = [5], sizes = [1], strides = [1]} : vector<16xf32> to vector<1xf32>
    %squeeze3A_73 = vector.extract %slice3A_72[0] : f32 from vector<1xf32>
    %broadcast_in_dim3A_74 = vector.broadcast %squeeze3A_73 : f32 to vector<16xf32>
    %swap3A_75 = arith.constant 5 : i32
    %swap3A_76 = arith.index_cast %swap3A_75 : i32 to index
    %swap3A_77 = arith.constant 0 : index
    %swap3A_78 = tpu.vector_load %arg13[%swap3A_76, %swap3A_77] {strides = array<i32>} : memref<64x16xf32, #tpu.memory_space<vmem>>, vector<16xf32>,
    tpu.vector_store %arg13[%swap3A_76, %swap3A_77], %broadcast_in_dim3A_74 {strides = array<i32>} : memref<64x16xf32, #tpu.memory_space<vmem>>, vector<16xf32>,
    %slice3A_79 = vector.extract_strided_slice %get3A_4 {offsets = [5], sizes = [1], strides = [1]} : vector<16xf32> to vector<1xf32>
    %squeeze3A_80 = vector.extract %slice3A_79[0] : f32 from vector<1xf32>
    %broadcast_in_dim3A_81 = vector.broadcast %squeeze3A_80 : f32 to vector<16xf32>
    %swap3A_82 = arith.constant 5 : i32
    %swap3A_83 = arith.index_cast %swap3A_82 : i32 to index
    %swap3A_84 = arith.constant 0 : index
    %swap3A_85 = tpu.vector_load %arg14[%swap3A_83, %swap3A_84] {strides = array<i32>} : memref<64x16xf32, #tpu.memory_space<vmem>>, vector<16xf32>,
    tpu.vector_store %arg14[%swap3A_83, %swap3A_84], %broadcast_in_dim3A_81 {strides = array<i32>} : memref<64x16xf32, #tpu.memory_space<vmem>>, vector<16xf32>,
    %slice3A_86 = vector.extract_strided_slice %get3A_2 {offsets = [6], sizes = [1], strides = [1]} : vector<16xf32> to vector<1xf32>
    %squeeze3A_87 = vector.extract %slice3A_86[0] : f32 from vector<1xf32>
    %broadcast_in_dim3A_88 = vector.broadcast %squeeze3A_87 : f32 to vector<16xf32>
    %swap3A_89 = arith.constant 6 : i32
    %swap3A_90 = arith.index_cast %swap3A_89 : i32 to index
    %swap3A_91 = arith.constant 0 : index
    %swap3A_92 = tpu.vector_load %arg13[%swap3A_90, %swap3A_91] {strides = array<i32>} : memref<64x16xf32, #tpu.memory_space<vmem>>, vector<16xf32>,
    tpu.vector_store %arg13[%swap3A_90, %swap3A_91], %broadcast_in_dim3A_88 {strides = array<i32>} : memref<64x16xf32, #tpu.memory_space<vmem>>, vector<16xf32>,
    %slice3A_93 = vector.extract_strided_slice %get3A_4 {offsets = [6], sizes = [1], strides = [1]} : vector<16xf32> to vector<1xf32>
    %squeeze3A_94 = vector.extract %slice3A_93[0] : f32 from vector<1xf32>
    %broadcast_in_dim3A_95 = vector.broadcast %squeeze3A_94 : f32 to vector<16xf32>
    %swap3A_96 = arith.constant 6 : i32
    %swap3A_97 = arith.index_cast %swap3A_96 : i32 to index
    %swap3A_98 = arith.constant 0 : index
    %swap3A_99 = tpu.vector_load %arg14[%swap3A_97, %swap3A_98] {strides = array<i32>} : memref<64x16xf32, #tpu.memory_space<vmem>>, vector<16xf32>,
    tpu.vector_store %arg14[%swap3A_97, %swap3A_98], %broadcast_in_dim3A_95 {strides = array<i32>} : memref<64x16xf32, #tpu.memory_space<vmem>>, vector<16xf32>,
    %slice3A_100 = vector.extract_strided_slice %get3A_2 {offsets = [7], sizes = [1], strides = [1]} : vector<16xf32> to vector<1xf32>
    %squeeze3A_101 = vector.extract %slice3A_100[0] : f32 from vector<1xf32>
    %broadcast_in_dim3A_102 = vector.broadcast %squeeze3A_101 : f32 to vector<16xf32>
    %swap3A_103 = arith.constant 7 : i32
    %swap3A_104 = arith.index_cast %swap3A_103 : i32 to index
    %swap3A_105 = arith.constant 0 : index
    %swap3A_106 = tpu.vector_load %arg13[%swap3A_104, %swap3A_105] {strides = array<i32>} : memref<64x16xf32, #tpu.memory_space<vmem>>, vector<16xf32>,
    tpu.vector_store %arg13[%swap3A_104, %swap3A_105], %broadcast_in_dim3A_102 {strides = array<i32>} : memref<64x16xf32, #tpu.memory_space<vmem>>, vector<16xf32>,
    %slice3A_107 = vector.extract_strided_slice %get3A_4 {offsets = [7], sizes = [1], strides = [1]} : vector<16xf32> to vector<1xf32>
    %squeeze3A_108 = vector.extract %slice3A_107[0] : f32 from vector<1xf32>
    %broadcast_in_dim3A_109 = vector.broadcast %squeeze3A_108 : f32 to vector<16xf32>
    %swap3A_110 = arith.constant 7 : i32
    %swap3A_111 = arith.index_cast %swap3A_110 : i32 to index
    %swap3A_112 = arith.constant 0 : index
    %swap3A_113 = tpu.vector_load %arg14[%swap3A_111, %swap3A_112] {strides = array<i32>} : memref<64x16xf32, #tpu.memory_space<vmem>>, vector<16xf32>,
    tpu.vector_store %arg14[%swap3A_111, %swap3A_112], %broadcast_in_dim3A_109 {strides = array<i32>} : memref<64x16xf32, #tpu.memory_space<vmem>>, vector<16xf32>,
    %slice3A_114 = vector.extract_strided_slice %get3A_2 {offsets = [8], sizes = [1], strides = [1]} : vector<16xf32> to vector<1xf32>
    %squeeze3A_115 = vector.extract %slice3A_114[0] : f32 from vector<1xf32>
    %broadcast_in_dim3A_116 = vector.broadcast %squeeze3A_115 : f32 to vector<16xf32>
    %swap3A_117 = arith.constant 8 : i32
    %swap3A_118 = arith.index_cast %swap3A_117 : i32 to index
    %swap3A_119 = arith.constant 0 : index
    %swap3A_120 = tpu.vector_load %arg13[%swap3A_118, %swap3A_119] {strides = array<i32>} : memref<64x16xf32, #tpu.memory_space<vmem>>, vector<16xf32>,
    tpu.vector_store %arg13[%swap3A_118, %swap3A_119], %broadcast_in_dim3A_116 {strides = array<i32>} : memref<64x16xf32, #tpu.memory_space<vmem>>, vector<16xf32>,
    %slice3A_121 = vector.extract_strided_slice %get3A_4 {offsets = [8], sizes = [1], strides = [1]} : vector<16xf32> to vector<1xf32>
    %squeeze3A_122 = vector.extract %slice3A_121[0] : f32 from vector<1xf32>
    %broadcast_in_dim3A_123 = vector.broadcast %squeeze3A_122 : f32 to vector<16xf32>
    %swap3A_124 = arith.constant 8 : i32
    %swap3A_125 = arith.index_cast %swap3A_124 : i32 to index
    %swap3A_126 = arith.constant 0 : index
    %swap3A_127 = tpu.vector_load %arg14[%swap3A_125, %swap3A_126] {strides = array<i32>} : memref<64x16xf32, #tpu.memory_space<vmem>>, vector<16xf32>,
    tpu.vector_store %arg14[%swap3A_125, %swap3A_126], %broadcast_in_dim3A_123 {strides = array<i32>} : memref<64x16xf32, #tpu.memory_space<vmem>>, vector<16xf32>,
    %slice3A_128 = vector.extract_strided_slice %get3A_2 {offsets = [9], sizes = [1], strides = [1]} : vector<16xf32> to vector<1xf32>
    %squeeze3A_129 = vector.extract %slice3A_128[0] : f32 from vector<1xf32>
    %broadcast_in_dim3A_130 = vector.broadcast %squeeze3A_129 : f32 to vector<16xf32>
    %swap3A_131 = arith.constant 9 : i32
    %swap3A_132 = arith.index_cast %swap3A_131 : i32 to index
    %swap3A_133 = arith.constant 0 : index
    %swap3A_134 = tpu.vector_load %arg13[%swap3A_132, %swap3A_133] {strides = array<i32>} : memref<64x16xf32, #tpu.memory_space<vmem>>, vector<16xf32>,
    tpu.vector_store %arg13[%swap3A_132, %swap3A_133], %broadcast_in_dim3A_130 {strides = array<i32>} : memref<64x16xf32, #tpu.memory_space<vmem>>, vector<16xf32>,
    %slice3A_135 = vector.extract_strided_slice %get3A_4 {offsets = [9], sizes = [1], strides = [1]} : vector<16xf32> to vector<1xf32>
    %squeeze3A_136 = vector.extract %slice3A_135[0] : f32 from vector<1xf32>
    %broadcast_in_dim3A_137 = vector.broadcast %squeeze3A_136 : f32 to vector<16xf32>
    %swap3A_138 = arith.constant 9 : i32
    %swap3A_139 = arith.index_cast %swap3A_138 : i32 to index
    %swap3A_140 = arith.constant 0 : index
    %swap3A_141 = tpu.vector_load %arg14[%swap3A_139, %swap3A_140] {strides = array<i32>} : memref<64x16xf32, #tpu.memory_space<vmem>>, vector<16xf32>,
    tpu.vector_store %arg14[%swap3A_139, %swap3A_140], %broadcast_in_dim3A_137 {strides = array<i32>} : memref<64x16xf32, #tpu.memory_space<vmem>>, vector<16xf32>,
    %slice3A_142 = vector.extract_strided_slice %get3A_2 {offsets = [10], sizes = [1], strides = [1]} : vector<16xf32> to vector<1xf32>
    %squeeze3A_143 = vector.extract %slice3A_142[0] : f32 from vector<1xf32>
    %broadcast_in_dim3A_144 = vector.broadcast %squeeze3A_143 : f32 to vector<16xf32>
    %swap3A_145 = arith.constant 10 : i32
    %swap3A_146 = arith.index_cast %swap3A_145 : i32 to index
    %swap3A_147 = arith.constant 0 : index
    %swap3A_148 = tpu.vector_load %arg13[%swap3A_146, %swap3A_147] {strides = array<i32>} : memref<64x16xf32, #tpu.memory_space<vmem>>, vector<16xf32>,
    tpu.vector_store %arg13[%swap3A_146, %swap3A_147], %broadcast_in_dim3A_144 {strides = array<i32>} : memref<64x16xf32, #tpu.memory_space<vmem>>, vector<16xf32>,
    %slice3A_149 = vector.extract_strided_slice %get3A_4 {offsets = [10], sizes = [1], strides = [1]} : vector<16xf32> to vector<1xf32>
    %squeeze3A_150 = vector.extract %slice3A_149[0] : f32 from vector<1xf32>
    %broadcast_in_dim3A_151 = vector.broadcast %squeeze3A_150 : f32 to vector<16xf32>
    %swap3A_152 = arith.constant 10 : i32
    %swap3A_153 = arith.index_cast %swap3A_152 : i32 to index
    %swap3A_154 = arith.constant 0 : index
    %swap3A_155 = tpu.vector_load %arg14[%swap3A_153, %swap3A_154] {strides = array<i32>} : memref<64x16xf32, #tpu.memory_space<vmem>>, vector<16xf32>,
    tpu.vector_store %arg14[%swap3A_153, %swap3A_154], %broadcast_in_dim3A_151 {strides = array<i32>} : memref<64x16xf32, #tpu.memory_space<vmem>>, vector<16xf32>,
    %slice3A_156 = vector.extract_strided_slice %get3A_2 {offsets = [11], sizes = [1], strides = [1]} : vector<16xf32> to vector<1xf32>
    %squeeze3A_157 = vector.extract %slice3A_156[0] : f32 from vector<1xf32>
    %broadcast_in_dim3A_158 = vector.broadcast %squeeze3A_157 : f32 to vector<16xf32>
    %swap3A_159 = arith.constant 11 : i32
    %swap3A_160 = arith.index_cast %swap3A_159 : i32 to index
    %swap3A_161 = arith.constant 0 : index
    %swap3A_162 = tpu.vector_load %arg13[%swap3A_160, %swap3A_161] {strides = array<i32>} : memref<64x16xf32, #tpu.memory_space<vmem>>, vector<16xf32>,
    tpu.vector_store %arg13[%swap3A_160, %swap3A_161], %broadcast_in_dim3A_158 {strides = array<i32>} : memref<64x16xf32, #tpu.memory_space<vmem>>, vector<16xf32>,
    %slice3A_163 = vector.extract_strided_slice %get3A_4 {offsets = [11], sizes = [1], strides = [1]} : vector<16xf32> to vector<1xf32>
    %squeeze3A_164 = vector.extract %slice3A_163[0] : f32 from vector<1xf32>
    %broadcast_in_dim3A_165 = vector.broadcast %squeeze3A_164 : f32 to vector<16xf32>
    %swap3A_166 = arith.constant 11 : i32
    %swap3A_167 = arith.index_cast %swap3A_166 : i32 to index
    %swap3A_168 = arith.constant 0 : index
    %swap3A_169 = tpu.vector_load %arg14[%swap3A_167, %swap3A_168] {strides = array<i32>} : memref<64x16xf32, #tpu.memory_space<vmem>>, vector<16xf32>,
    tpu.vector_store %arg14[%swap3A_167, %swap3A_168], %broadcast_in_dim3A_165 {strides = array<i32>} : memref<64x16xf32, #tpu.memory_space<vmem>>, vector<16xf32>,
    %slice3A_170 = vector.extract_strided_slice %get3A_2 {offsets = [12], sizes = [1], strides = [1]} : vector<16xf32> to vector<1xf32>
    %squeeze3A_171 = vector.extract %slice3A_170[0] : f32 from vector<1xf32>
    %broadcast_in_dim3A_172 = vector.broadcast %squeeze3A_171 : f32 to vector<16xf32>
    %swap3A_173 = arith.constant 12 : i32
    %swap3A_174 = arith.index_cast %swap3A_173 : i32 to index
    %swap3A_175 = arith.constant 0 : index
    %swap3A_176 = tpu.vector_load %arg13[%swap3A_174, %swap3A_175] {strides = array<i32>} : memref<64x16xf32, #tpu.memory_space<vmem>>, vector<16xf32>,
    tpu.vector_store %arg13[%swap3A_174, %swap3A_175], %broadcast_in_dim3A_172 {strides = array<i32>} : memref<64x16xf32, #tpu.memory_space<vmem>>, vector<16xf32>,
    %slice3A_177 = vector.extract_strided_slice %get3A_4 {offsets = [12], sizes = [1], strides = [1]} : vector<16xf32> to vector<1xf32>
    %squeeze3A_178 = vector.extract %slice3A_177[0] : f32 from vector<1xf32>
    %broadcast_in_dim3A_179 = vector.broadcast %squeeze3A_178 : f32 to vector<16xf32>
    %swap3A_180 = arith.constant 12 : i32
    %swap3A_181 = arith.index_cast %swap3A_180 : i32 to index
    %swap3A_182 = arith.constant 0 : index
    %swap3A_183 = tpu.vector_load %arg14[%swap3A_181, %swap3A_182] {strides = array<i32>} : memref<64x16xf32, #tpu.memory_space<vmem>>, vector<16xf32>,
    tpu.vector_store %arg14[%swap3A_181, %swap3A_182], %broadcast_in_dim3A_179 {strides = array<i32>} : memref<64x16xf32, #tpu.memory_space<vmem>>, vector<16xf32>,
    %slice3A_184 = vector.extract_strided_slice %get3A_2 {offsets = [13], sizes = [1], strides = [1]} : vector<16xf32> to vector<1xf32>
    %squeeze3A_185 = vector.extract %slice3A_184[0] : f32 from vector<1xf32>
    %broadcast_in_dim3A_186 = vector.broadcast %squeeze3A_185 : f32 to vector<16xf32>
    %swap3A_187 = arith.constant 13 : i32
    %swap3A_188 = arith.index_cast %swap3A_187 : i32 to index
    %swap3A_189 = arith.constant 0 : index
    %swap3A_190 = tpu.vector_load %arg13[%swap3A_188, %swap3A_189] {strides = array<i32>} : memref<64x16xf32, #tpu.memory_space<vmem>>, vector<16xf32>,
    tpu.vector_store %arg13[%swap3A_188, %swap3A_189], %broadcast_in_dim3A_186 {strides = array<i32>} : memref<64x16xf32, #tpu.memory_space<vmem>>, vector<16xf32>,
    %slice3A_191 = vector.extract_strided_slice %get3A_4 {offsets = [13], sizes = [1], strides = [1]} : vector<16xf32> to vector<1xf32>
    %squeeze3A_192 = vector.extract %slice3A_191[0] : f32 from vector<1xf32>
    %broadcast_in_dim3A_193 = vector.broadcast %squeeze3A_192 : f32 to vector<16xf32>
    %swap3A_194 = arith.constant 13 : i32
    %swap3A_195 = arith.index_cast %swap3A_194 : i32 to index
    %swap3A_196 = arith.constant 0 : index
    %swap3A_197 = tpu.vector_load %arg14[%swap3A_195, %swap3A_196] {strides = array<i32>} : memref<64x16xf32, #tpu.memory_space<vmem>>, vector<16xf32>,
    tpu.vector_store %arg14[%swap3A_195, %swap3A_196], %broadcast_in_dim3A_193 {strides = array<i32>} : memref<64x16xf32, #tpu.memory_space<vmem>>, vector<16xf32>,
    %slice3A_198 = vector.extract_strided_slice %get3A_2 {offsets = [14], sizes = [1], strides = [1]} : vector<16xf32> to vector<1xf32>
    %squeeze3A_199 = vector.extract %slice3A_198[0] : f32 from vector<1xf32>
    %broadcast_in_dim3A_200 = vector.broadcast %squeeze3A_199 : f32 to vector<16xf32>
    %swap3A_201 = arith.constant 14 : i32
    %swap3A_202 = arith.index_cast %swap3A_201 : i32 to index
    %swap3A_203 = arith.constant 0 : index
    %swap3A_204 = tpu.vector_load %arg13[%swap3A_202, %swap3A_203] {strides = array<i32>} : memref<64x16xf32, #tpu.memory_space<vmem>>, vector<16xf32>,
    tpu.vector_store %arg13[%swap3A_202, %swap3A_203], %broadcast_in_dim3A_200 {strides = array<i32>} : memref<64x16xf32, #tpu.memory_space<vmem>>, vector<16xf32>,
    %slice3A_205 = vector.extract_strided_slice %get3A_4 {offsets = [14], sizes = [1], strides = [1]} : vector<16xf32> to vector<1xf32>
    %squeeze3A_206 = vector.extract %slice3A_205[0] : f32 from vector<1xf32>
    %broadcast_in_dim3A_207 = vector.broadcast %squeeze3A_206 : f32 to vector<16xf32>
    %swap3A_208 = arith.constant 14 : i32
    %swap3A_209 = arith.index_cast %swap3A_208 : i32 to index
    %swap3A_210 = arith.constant 0 : index
    %swap3A_211 = tpu.vector_load %arg14[%swap3A_209, %swap3A_210] {strides = array<i32>} : memref<64x16xf32, #tpu.memory_space<vmem>>, vector<16xf32>,
    tpu.vector_store %arg14[%swap3A_209, %swap3A_210], %broadcast_in_dim3A_207 {strides = array<i32>} : memref<64x16xf32, #tpu.memory_space<vmem>>, vector<16xf32>,
    %slice3A_212 = vector.extract_strided_slice %get3A_2 {offsets = [15], sizes = [1], strides = [1]} : vector<16xf32> to vector<1xf32>
    %squeeze3A_213 = vector.extract %slice3A_212[0] : f32 from vector<1xf32>
    %broadcast_in_dim3A_214 = vector.broadcast %squeeze3A_213 : f32 to vector<16xf32>
    %swap3A_215 = arith.constant 15 : i32
    %swap3A_216 = arith.index_cast %swap3A_215 : i32 to index
    %swap3A_217 = arith.constant 0 : index
    %swap3A_218 = tpu.vector_load %arg13[%swap3A_216, %swap3A_217] {strides = array<i32>} : memref<64x16xf32, #tpu.memory_space<vmem>>, vector<16xf32>,
    tpu.vector_store %arg13[%swap3A_216, %swap3A_217], %broadcast_in_dim3A_214 {strides = array<i32>} : memref<64x16xf32, #tpu.memory_space<vmem>>, vector<16xf32>,
    %slice3A_219 = vector.extract_strided_slice %get3A_4 {offsets = [15], sizes = [1], strides = [1]} : vector<16xf32> to vector<1xf32>
    %squeeze3A_220 = vector.extract %slice3A_219[0] : f32 from vector<1xf32>
    %broadcast_in_dim3A_221 = vector.broadcast %squeeze3A_220 : f32 to vector<16xf32>
    %swap3A_222 = arith.constant 15 : i32
    %swap3A_223 = arith.index_cast %swap3A_222 : i32 to index
    %swap3A_224 = arith.constant 0 : index
    %swap3A_225 = tpu.vector_load %arg14[%swap3A_223, %swap3A_224] {strides = array<i32>} : memref<64x16xf32, #tpu.memory_space<vmem>>, vector<16xf32>,
    tpu.vector_store %arg14[%swap3A_223, %swap3A_224], %broadcast_in_dim3A_221 {strides = array<i32>} : memref<64x16xf32, #tpu.memory_space<vmem>>, vector<16xf32>,
    %get3A_226 = arith.constant 16 : index
    %get3A_227 = tpu.vector_load %arg11[%get3A_226] {strides = array<i32>} : memref<64xf32, #tpu.memory_space<vmem>>, vector<16xf32>,
    %get3A_228 = arith.constant 16 : index
    %get3A_229 = tpu.vector_load %arg12[%get3A_228] {strides = array<i32>} : memref<64xf32, #tpu.memory_space<vmem>>, vector<16xf32>,
    %slice3A_230 = vector.extract_strided_slice %get3A_227 {offsets = [0], sizes = [1], strides = [1]} : vector<16xf32> to vector<1xf32>
    %squeeze3A_231 = vector.extract %slice3A_230[0] : f32 from vector<1xf32>
    %broadcast_in_dim3A_232 = vector.broadcast %squeeze3A_231 : f32 to vector<16xf32>
    %swap3A_233 = arith.constant 16 : i32
    %swap3A_234 = arith.index_cast %swap3A_233 : i32 to index
    %swap3A_235 = arith.constant 0 : index
    %swap3A_236 = tpu.vector_load %arg13[%swap3A_234, %swap3A_235] {strides = array<i32>} : memref<64x16xf32, #tpu.memory_space<vmem>>, vector<16xf32>,
    tpu.vector_store %arg13[%swap3A_234, %swap3A_235], %broadcast_in_dim3A_232 {strides = array<i32>} : memref<64x16xf32, #tpu.memory_space<vmem>>, vector<16xf32>,
    %slice3A_237 = vector.extract_strided_slice %get3A_229 {offsets = [0], sizes = [1], strides = [1]} : vector<16xf32> to vector<1xf32>
    %squeeze3A_238 = vector.extract %slice3A_237[0] : f32 from vector<1xf32>
    %broadcast_in_dim3A_239 = vector.broadcast %squeeze3A_238 : f32 to vector<16xf32>
    %swap3A_240 = arith.constant 16 : i32
    %swap3A_241 = arith.index_cast %swap3A_240 : i32 to index
    %swap3A_242 = arith.constant 0 : index
    %swap3A_243 = tpu.vector_load %arg14[%swap3A_241, %swap3A_242] {strides = array<i32>} : memref<64x16xf32, #tpu.memory_space<vmem>>, vector<16xf32>,
    tpu.vector_store %arg14[%swap3A_241, %swap3A_242], %broadcast_in_dim3A_239 {strides = array<i32>} : memref<64x16xf32, #tpu.memory_space<vmem>>, vector<16xf32>,
    %slice3A_244 = vector.extract_strided_slice %get3A_227 {offsets = [1], sizes = [1], strides = [1]} : vector<16xf32> to vector<1xf32>
    %squeeze3A_245 = vector.extract %slice3A_244[0] : f32 from vector<1xf32>
    %broadcast_in_dim3A_246 = vector.broadcast %squeeze3A_245 : f32 to vector<16xf32>
    %swap3A_247 = arith.constant 17 : i32
    %swap3A_248 = arith.index_cast %swap3A_247 : i32 to index
    %swap3A_249 = arith.constant 0 : index
    %swap3A_250 = tpu.vector_load %arg13[%swap3A_248, %swap3A_249] {strides = array<i32>} : memref<64x16xf32, #tpu.memory_space<vmem>>, vector<16xf32>,
    tpu.vector_store %arg13[%swap3A_248, %swap3A_249], %broadcast_in_dim3A_246 {strides = array<i32>} : memref<64x16xf32, #tpu.memory_space<vmem>>, vector<16xf32>,
    %slice3A_251 = vector.extract_strided_slice %get3A_229 {offsets = [1], sizes = [1], strides = [1]} : vector<16xf32> to vector<1xf32>
    %squeeze3A_252 = vector.extract %slice3A_251[0] : f32 from vector<1xf32>
    %broadcast_in_dim3A_253 = vector.broadcast %squeeze3A_252 : f32 to vector<16xf32>
    %swap3A_254 = arith.constant 17 : i32
    %swap3A_255 = arith.index_cast %swap3A_254 : i32 to index
    %swap3A_256 = arith.constant 0 : index
    %swap3A_257 = tpu.vector_load %arg14[%swap3A_255, %swap3A_256] {strides = array<i32>} : memref<64x16xf32, #tpu.memory_space<vmem>>, vector<16xf32>,
    tpu.vector_store %arg14[%swap3A_255, %swap3A_256], %broadcast_in_dim3A_253 {strides = array<i32>} : memref<64x16xf32, #tpu.memory_space<vmem>>, vector<16xf32>,
    %slice3A_258 = vector.extract_strided_slice %get3A_227 {offsets = [2], sizes = [1], strides = [1]} : vector<16xf32> to vector<1xf32>
    %squeeze3A_259 = vector.extract %slice3A_258[0] : f32 from vector<1xf32>
    %broadcast_in_dim3A_260 = vector.broadcast %squeeze3A_259 : f32 to vector<16xf32>
    %swap3A_261 = arith.constant 18 : i32
    %swap3A_262 = arith.index_cast %swap3A_261 : i32 to index
    %swap3A_263 = arith.constant 0 : index
    %swap3A_264 = tpu.vector_load %arg13[%swap3A_262, %swap3A_263] {strides = array<i32>} : memref<64x16xf32, #tpu.memory_space<vmem>>, vector<16xf32>,
    tpu.vector_store %arg13[%swap3A_262, %swap3A_263], %broadcast_in_dim3A_260 {strides = array<i32>} : memref<64x16xf32, #tpu.memory_space<vmem>>, vector<16xf32>,
    %slice3A_265 = vector.extract_strided_slice %get3A_229 {offsets = [2], sizes = [1], strides = [1]} : vector<16xf32> to vector<1xf32>
    %squeeze3A_266 = vector.extract %slice3A_265[0] : f32 from vector<1xf32>
    %broadcast_in_dim3A_267 = vector.broadcast %squeeze3A_266 : f32 to vector<16xf32>
    %swap3A_268 = arith.constant 18 : i32
    %swap3A_269 = arith.index_cast %swap3A_268 : i32 to index
    %swap3A_270 = arith.constant 0 : index
    %swap3A_271 = tpu.vector_load %arg14[%swap3A_269, %swap3A_270] {strides = array<i32>} : memref<64x16xf32, #tpu.memory_space<vmem>>, vector<16xf32>,
    tpu.vector_store %arg14[%swap3A_269, %swap3A_270], %broadcast_in_dim3A_267 {strides = array<i32>} : memref<64x16xf32, #tpu.memory_space<vmem>>, vector<16xf32>,
    %slice3A_272 = vector.extract_strided_slice %get3A_227 {offsets = [3], sizes = [1], strides = [1]} : vector<16xf32> to vector<1xf32>
    %squeeze3A_273 = vector.extract %slice3A_272[0] : f32 from vector<1xf32>
    %broadcast_in_dim3A_274 = vector.broadcast %squeeze3A_273 : f32 to vector<16xf32>
    %swap3A_275 = arith.constant 19 : i32
    %swap3A_276 = arith.index_cast %swap3A_275 : i32 to index
    %swap3A_277 = arith.constant 0 : index
    %swap3A_278 = tpu.vector_load %arg13[%swap3A_276, %swap3A_277] {strides = array<i32>} : memref<64x16xf32, #tpu.memory_space<vmem>>, vector<16xf32>,
    tpu.vector_store %arg13[%swap3A_276, %swap3A_277], %broadcast_in_dim3A_274 {strides = array<i32>} : memref<64x16xf32, #tpu.memory_space<vmem>>, vector<16xf32>,
    %slice3A_279 = vector.extract_strided_slice %get3A_229 {offsets = [3], sizes = [1], strides = [1]} : vector<16xf32> to vector<1xf32>
    %squeeze3A_280 = vector.extract %slice3A_279[0] : f32 from vector<1xf32>
    %broadcast_in_dim3A_281 = vector.broadcast %squeeze3A_280 : f32 to vector<16xf32>
    %swap3A_282 = arith.constant 19 : i32
    %swap3A_283 = arith.index_cast %swap3A_282 : i32 to index
    %swap3A_284 = arith.constant 0 : index
    %swap3A_285 = tpu.vector_load %arg14[%swap3A_283, %swap3A_284] {strides = array<i32>} : memref<64x16xf32, #tpu.memory_space<vmem>>, vector<16xf32>,
    tpu.vector_store %arg14[%swap3A_283, %swap3A_284], %broadcast_in_dim3A_281 {strides = array<i32>} : memref<64x16xf32, #tpu.memory_space<vmem>>, vector<16xf32>,
    %slice3A_286 = vector.extract_strided_slice %get3A_227 {offsets = [4], sizes = [1], strides = [1]} : vector<16xf32> to vector<1xf32>
    %squeeze3A_287 = vector.extract %slice3A_286[0] : f32 from vector<1xf32>
    %broadcast_in_dim3A_288 = vector.broadcast %squeeze3A_287 : f32 to vector<16xf32>
    %swap3A_289 = arith.constant 20 : i32
    %swap3A_290 = arith.index_cast %swap3A_289 : i32 to index
    %swap3A_291 = arith.constant 0 : index
    %swap3A_292 = tpu.vector_load %arg13[%swap3A_290, %swap3A_291] {strides = array<i32>} : memref<64x16xf32, #tpu.memory_space<vmem>>, vector<16xf32>,
    tpu.vector_store %arg13[%swap3A_290, %swap3A_291], %broadcast_in_dim3A_288 {strides = array<i32>} : memref<64x16xf32, #tpu.memory_space<vmem>>, vector<16xf32>,
    %slice3A_293 = vector.extract_strided_slice %get3A_229 {offsets = [4], sizes = [1], strides = [1]} : vector<16xf32> to vector<1xf32>
    %squeeze3A_294 = vector.extract %slice3A_293[0] : f32 from vector<1xf32>
    %broadcast_in_dim3A_295 = vector.broadcast %squeeze3A_294 : f32 to vector<16xf32>
    %swap3A_296 = arith.constant 20 : i32
    %swap3A_297 = arith.index_cast %swap3A_296 : i32 to index
    %swap3A_298 = arith.constant 0 : index
    %swap3A_299 = tpu.vector_load %arg14[%swap3A_297, %swap3A_298] {strides = array<i32>} : memref<64x16xf32, #tpu.memory_space<vmem>>, vector<16xf32>,
    tpu.vector_store %arg14[%swap3A_297, %swap3A_298], %broadcast_in_dim3A_295 {strides = array<i32>} : memref<64x16xf32, #tpu.memory_space<vmem>>, vector<16xf32>,
    %slice3A_300 = vector.extract_strided_slice %get3A_227 {offsets = [5], sizes = [1], strides = [1]} : vector<16xf32> to vector<1xf32>
    %squeeze3A_301 = vector.extract %slice3A_300[0] : f32 from vector<1xf32>
    %broadcast_in_dim3A_302 = vector.broadcast %squeeze3A_301 : f32 to vector<16xf32>
    %swap3A_303 = arith.constant 21 : i32
    %swap3A_304 = arith.index_cast %swap3A_303 : i32 to index
    %swap3A_305 = arith.constant 0 : index
    %swap3A_306 = tpu.vector_load %arg13[%swap3A_304, %swap3A_305] {strides = array<i32>} : memref<64x16xf32, #tpu.memory_space<vmem>>, vector<16xf32>,
    tpu.vector_store %arg13[%swap3A_304, %swap3A_305], %broadcast_in_dim3A_302 {strides = array<i32>} : memref<64x16xf32, #tpu.memory_space<vmem>>, vector<16xf32>,
    %slice3A_307 = vector.extract_strided_slice %get3A_229 {offsets = [5], sizes = [1], strides = [1]} : vector<16xf32> to vector<1xf32>
    %squeeze3A_308 = vector.extract %slice3A_307[0] : f32 from vector<1xf32>
    %broadcast_in_dim3A_309 = vector.broadcast %squeeze3A_308 : f32 to vector<16xf32>
    %swap3A_310 = arith.constant 21 : i32
    %swap3A_311 = arith.index_cast %swap3A_310 : i32 to index
    %swap3A_312 = arith.constant 0 : index
    %swap3A_313 = tpu.vector_load %arg14[%swap3A_311, %swap3A_312] {strides = array<i32>} : memref<64x16xf32, #tpu.memory_space<vmem>>, vector<16xf32>,
    tpu.vector_store %arg14[%swap3A_311, %swap3A_312], %broadcast_in_dim3A_309 {strides = array<i32>} : memref<64x16xf32, #tpu.memory_space<vmem>>, vector<16xf32>,
    %slice3A_314 = vector.extract_strided_slice %get3A_227 {offsets = [6], sizes = [1], strides = [1]} : vector<16xf32> to vector<1xf32>
    %squeeze3A_315 = vector.extract %slice3A_314[0] : f32 from vector<1xf32>
    %broadcast_in_dim3A_316 = vector.broadcast %squeeze3A_315 : f32 to vector<16xf32>
    %swap3A_317 = arith.constant 22 : i32
    %swap3A_318 = arith.index_cast %swap3A_317 : i32 to index
    %swap3A_319 = arith.constant 0 : index
    %swap3A_320 = tpu.vector_load %arg13[%swap3A_318, %swap3A_319] {strides = array<i32>} : memref<64x16xf32, #tpu.memory_space<vmem>>, vector<16xf32>,
    tpu.vector_store %arg13[%swap3A_318, %swap3A_319], %broadcast_in_dim3A_316 {strides = array<i32>} : memref<64x16xf32, #tpu.memory_space<vmem>>, vector<16xf32>,
    %slice3A_321 = vector.extract_strided_slice %get3A_229 {offsets = [6], sizes = [1], strides = [1]} : vector<16xf32> to vector<1xf32>
    %squeeze3A_322 = vector.extract %slice3A_321[0] : f32 from vector<1xf32>
    %broadcast_in_dim3A_323 = vector.broadcast %squeeze3A_322 : f32 to vector<16xf32>
    %swap3A_324 = arith.constant 22 : i32
    %swap3A_325 = arith.index_cast %swap3A_324 : i32 to index
    %swap3A_326 = arith.constant 0 : index
    %swap3A_327 = tpu.vector_load %arg14[%swap3A_325, %swap3A_326] {strides = array<i32>} : memref<64x16xf32, #tpu.memory_space<vmem>>, vector<16xf32>,
    tpu.vector_store %arg14[%swap3A_325, %swap3A_326], %broadcast_in_dim3A_323 {strides = array<i32>} : memref<64x16xf32, #tpu.memory_space<vmem>>, vector<16xf32>,
    %slice3A_328 = vector.extract_strided_slice %get3A_227 {offsets = [7], sizes = [1], strides = [1]} : vector<16xf32> to vector<1xf32>
    %squeeze3A_329 = vector.extract %slice3A_328[0] : f32 from vector<1xf32>
    %broadcast_in_dim3A_330 = vector.broadcast %squeeze3A_329 : f32 to vector<16xf32>
    %swap3A_331 = arith.constant 23 : i32
    %swap3A_332 = arith.index_cast %swap3A_331 : i32 to index
    %swap3A_333 = arith.constant 0 : index
    %swap3A_334 = tpu.vector_load %arg13[%swap3A_332, %swap3A_333] {strides = array<i32>} : memref<64x16xf32, #tpu.memory_space<vmem>>, vector<16xf32>,
    tpu.vector_store %arg13[%swap3A_332, %swap3A_333], %broadcast_in_dim3A_330 {strides = array<i32>} : memref<64x16xf32, #tpu.memory_space<vmem>>, vector<16xf32>,
    %slice3A_335 = vector.extract_strided_slice %get3A_229 {offsets = [7], sizes = [1], strides = [1]} : vector<16xf32> to vector<1xf32>
    %squeeze3A_336 = vector.extract %slice3A_335[0] : f32 from vector<1xf32>
    %broadcast_in_dim3A_337 = vector.broadcast %squeeze3A_336 : f32 to vector<16xf32>
    %swap3A_338 = arith.constant 23 : i32
    %swap3A_339 = arith.index_cast %swap3A_338 : i32 to index
    %swap3A_340 = arith.constant 0 : index
    %swap3A_341 = tpu.vector_load %arg14[%swap3A_339, %swap3A_340] {strides = array<i32>} : memref<64x16xf32, #tpu.memory_space<vmem>>, vector<16xf32>,
    tpu.vector_store %arg14[%swap3A_339, %swap3A_340], %broadcast_in_dim3A_337 {strides = array<i32>} : memref<64x16xf32, #tpu.memory_space<vmem>>, vector<16xf32>,
    %slice3A_342 = vector.extract_strided_slice %get3A_227 {offsets = [8], sizes = [1], strides = [1]} : vector<16xf32> to vector<1xf32>
    %squeeze3A_343 = vector.extract %slice3A_342[0] : f32 from vector<1xf32>
    %broadcast_in_dim3A_344 = vector.broadcast %squeeze3A_343 : f32 to vector<16xf32>
    %swap3A_345 = arith.constant 24 : i32
    %swap3A_346 = arith.index_cast %swap3A_345 : i32 to index
    %swap3A_347 = arith.constant 0 : index
    %swap3A_348 = tpu.vector_load %arg13[%swap3A_346, %swap3A_347] {strides = array<i32>} : memref<64x16xf32, #tpu.memory_space<vmem>>, vector<16xf32>,
    tpu.vector_store %arg13[%swap3A_346, %swap3A_347], %broadcast_in_dim3A_344 {strides = array<i32>} : memref<64x16xf32, #tpu.memory_space<vmem>>, vector<16xf32>,
    %slice3A_349 = vector.extract_strided_slice %get3A_229 {offsets = [8], sizes = [1], strides = [1]} : vector<16xf32> to vector<1xf32>
    %squeeze3A_350 = vector.extract %slice3A_349[0] : f32 from vector<1xf32>
    %broadcast_in_dim3A_351 = vector.broadcast %squeeze3A_350 : f32 to vector<16xf32>
    %swap3A_352 = arith.constant 24 : i32
    %swap3A_353 = arith.index_cast %swap3A_352 : i32 to index
    %swap3A_354 = arith.constant 0 : index
    %swap3A_355 = tpu.vector_load %arg14[%swap3A_353, %swap3A_354] {strides = array<i32>} : memref<64x16xf32, #tpu.memory_space<vmem>>, vector<16xf32>,
    tpu.vector_store %arg14[%swap3A_353, %swap3A_354], %broadcast_in_dim3A_351 {strides = array<i32>} : memref<64x16xf32, #tpu.memory_space<vmem>>, vector<16xf32>,
    %slice3A_356 = vector.extract_strided_slice %get3A_227 {offsets = [9], sizes = [1], strides = [1]} : vector<16xf32> to vector<1xf32>
    %squeeze3A_357 = vector.extract %slice3A_356[0] : f32 from vector<1xf32>
    %broadcast_in_dim3A_358 = vector.broadcast %squeeze3A_357 : f32 to vector<16xf32>
    %swap3A_359 = arith.constant 25 : i32
    %swap3A_360 = arith.index_cast %swap3A_359 : i32 to index
    %swap3A_361 = arith.constant 0 : index
    %swap3A_362 = tpu.vector_load %arg13[%swap3A_360, %swap3A_361] {strides = array<i32>} : memref<64x16xf32, #tpu.memory_space<vmem>>, vector<16xf32>,
    tpu.vector_store %arg13[%swap3A_360, %swap3A_361], %broadcast_in_dim3A_358 {strides = array<i32>} : memref<64x16xf32, #tpu.memory_space<vmem>>, vector<16xf32>,
    %slice3A_363 = vector.extract_strided_slice %get3A_229 {offsets = [9], sizes = [1], strides = [1]} : vector<16xf32> to vector<1xf32>
    %squeeze3A_364 = vector.extract %slice3A_363[0] : f32 from vector<1xf32>
    %broadcast_in_dim3A_365 = vector.broadcast %squeeze3A_364 : f32 to vector<16xf32>
    %swap3A_366 = arith.constant 25 : i32
    %swap3A_367 = arith.index_cast %swap3A_366 : i32 to index
    %swap3A_368 = arith.constant 0 : index
    %swap3A_369 = tpu.vector_load %arg14[%swap3A_367, %swap3A_368] {strides = array<i32>} : memref<64x16xf32, #tpu.memory_space<vmem>>, vector<16xf32>,
    tpu.vector_store %arg14[%swap3A_367, %swap3A_368], %broadcast_in_dim3A_365 {strides = array<i32>} : memref<64x16xf32, #tpu.memory_space<vmem>>, vector<16xf32>,
    %slice3A_370 = vector.extract_strided_slice %get3A_227 {offsets = [10], sizes = [1], strides = [1]} : vector<16xf32> to vector<1xf32>
    %squeeze3A_371 = vector.extract %slice3A_370[0] : f32 from vector<1xf32>
    %broadcast_in_dim3A_372 = vector.broadcast %squeeze3A_371 : f32 to vector<16xf32>
    %swap3A_373 = arith.constant 26 : i32
    %swap3A_374 = arith.index_cast %swap3A_373 : i32 to index
    %swap3A_375 = arith.constant 0 : index
    %swap3A_376 = tpu.vector_load %arg13[%swap3A_374, %swap3A_375] {strides = array<i32>} : memref<64x16xf32, #tpu.memory_space<vmem>>, vector<16xf32>,
    tpu.vector_store %arg13[%swap3A_374, %swap3A_375], %broadcast_in_dim3A_372 {strides = array<i32>} : memref<64x16xf32, #tpu.memory_space<vmem>>, vector<16xf32>,
    %slice3A_377 = vector.extract_strided_slice %get3A_229 {offsets = [10], sizes = [1], strides = [1]} : vector<16xf32> to vector<1xf32>
    %squeeze3A_378 = vector.extract %slice3A_377[0] : f32 from vector<1xf32>
    %broadcast_in_dim3A_379 = vector.broadcast %squeeze3A_378 : f32 to vector<16xf32>
    %swap3A_380 = arith.constant 26 : i32
    %swap3A_381 = arith.index_cast %swap3A_380 : i32 to index
    %swap3A_382 = arith.constant 0 : index
    %swap3A_383 = tpu.vector_load %arg14[%swap3A_381, %swap3A_382] {strides = array<i32>} : memref<64x16xf32, #tpu.memory_space<vmem>>, vector<16xf32>,
    tpu.vector_store %arg14[%swap3A_381, %swap3A_382], %broadcast_in_dim3A_379 {strides = array<i32>} : memref<64x16xf32, #tpu.memory_space<vmem>>, vector<16xf32>,
    %slice3A_384 = vector.extract_strided_slice %get3A_227 {offsets = [11], sizes = [1], strides = [1]} : vector<16xf32> to vector<1xf32>
    %squeeze3A_385 = vector.extract %slice3A_384[0] : f32 from vector<1xf32>
    %broadcast_in_dim3A_386 = vector.broadcast %squeeze3A_385 : f32 to vector<16xf32>
    %swap3A_387 = arith.constant 27 : i32
    %swap3A_388 = arith.index_cast %swap3A_387 : i32 to index
    %swap3A_389 = arith.constant 0 : index
    %swap3A_390 = tpu.vector_load %arg13[%swap3A_388, %swap3A_389] {strides = array<i32>} : memref<64x16xf32, #tpu.memory_space<vmem>>, vector<16xf32>,
    tpu.vector_store %arg13[%swap3A_388, %swap3A_389], %broadcast_in_dim3A_386 {strides = array<i32>} : memref<64x16xf32, #tpu.memory_space<vmem>>, vector<16xf32>,
    %slice3A_391 = vector.extract_strided_slice %get3A_229 {offsets = [11], sizes = [1], strides = [1]} : vector<16xf32> to vector<1xf32>
    %squeeze3A_392 = vector.extract %slice3A_391[0] : f32 from vector<1xf32>
    %broadcast_in_dim3A_393 = vector.broadcast %squeeze3A_392 : f32 to vector<16xf32>
    %swap3A_394 = arith.constant 27 : i32
    %swap3A_395 = arith.index_cast %swap3A_394 : i32 to index
    %swap3A_396 = arith.constant 0 : index
    %swap3A_397 = tpu.vector_load %arg14[%swap3A_395, %swap3A_396] {strides = array<i32>} : memref<64x16xf32, #tpu.memory_space<vmem>>, vector<16xf32>,
    tpu.vector_store %arg14[%swap3A_395, %swap3A_396], %broadcast_in_dim3A_393 {strides = array<i32>} : memref<64x16xf32, #tpu.memory_space<vmem>>, vector<16xf32>,
    %slice3A_398 = vector.extract_strided_slice %get3A_227 {offsets = [12], sizes = [1], strides = [1]} : vector<16xf32> to vector<1xf32>
    %squeeze3A_399 = vector.extract %slice3A_398[0] : f32 from vector<1xf32>
    %broadcast_in_dim3A_400 = vector.broadcast %squeeze3A_399 : f32 to vector<16xf32>
    %swap3A_401 = arith.constant 28 : i32
    %swap3A_402 = arith.index_cast %swap3A_401 : i32 to index
    %swap3A_403 = arith.constant 0 : index
    %swap3A_404 = tpu.vector_load %arg13[%swap3A_402, %swap3A_403] {strides = array<i32>} : memref<64x16xf32, #tpu.memory_space<vmem>>, vector<16xf32>,
    tpu.vector_store %arg13[%swap3A_402, %swap3A_403], %broadcast_in_dim3A_400 {strides = array<i32>} : memref<64x16xf32, #tpu.memory_space<vmem>>, vector<16xf32>,
    %slice3A_405 = vector.extract_strided_slice %get3A_229 {offsets = [12], sizes = [1], strides = [1]} : vector<16xf32> to vector<1xf32>
    %squeeze3A_406 = vector.extract %slice3A_405[0] : f32 from vector<1xf32>
    %broadcast_in_dim3A_407 = vector.broadcast %squeeze3A_406 : f32 to vector<16xf32>
    %swap3A_408 = arith.constant 28 : i32
    %swap3A_409 = arith.index_cast %swap3A_408 : i32 to index
    %swap3A_410 = arith.constant 0 : index
    %swap3A_411 = tpu.vector_load %arg14[%swap3A_409, %swap3A_410] {strides = array<i32>} : memref<64x16xf32, #tpu.memory_space<vmem>>, vector<16xf32>,
    tpu.vector_store %arg14[%swap3A_409, %swap3A_410], %broadcast_in_dim3A_407 {strides = array<i32>} : memref<64x16xf32, #tpu.memory_space<vmem>>, vector<16xf32>,
    %slice3A_412 = vector.extract_strided_slice %get3A_227 {offsets = [13], sizes = [1], strides = [1]} : vector<16xf32> to vector<1xf32>
    %squeeze3A_413 = vector.extract %slice3A_412[0] : f32 from vector<1xf32>
    %broadcast_in_dim3A_414 = vector.broadcast %squeeze3A_413 : f32 to vector<16xf32>
    %swap3A_415 = arith.constant 29 : i32
    %swap3A_416 = arith.index_cast %swap3A_415 : i32 to index
    %swap3A_417 = arith.constant 0 : index
    %swap3A_418 = tpu.vector_load %arg13[%swap3A_416, %swap3A_417] {strides = array<i32>} : memref<64x16xf32, #tpu.memory_space<vmem>>, vector<16xf32>,
    tpu.vector_store %arg13[%swap3A_416, %swap3A_417], %broadcast_in_dim3A_414 {strides = array<i32>} : memref<64x16xf32, #tpu.memory_space<vmem>>, vector<16xf32>,
    %slice3A_419 = vector.extract_strided_slice %get3A_229 {offsets = [13], sizes = [1], strides = [1]} : vector<16xf32> to vector<1xf32>
    %squeeze3A_420 = vector.extract %slice3A_419[0] : f32 from vector<1xf32>
    %broadcast_in_dim3A_421 = vector.broadcast %squeeze3A_420 : f32 to vector<16xf32>
    %swap3A_422 = arith.constant 29 : i32
    %swap3A_423 = arith.index_cast %swap3A_422 : i32 to index
    %swap3A_424 = arith.constant 0 : index
    %swap3A_425 = tpu.vector_load %arg14[%swap3A_423, %swap3A_424] {strides = array<i32>} : memref<64x16xf32, #tpu.memory_space<vmem>>, vector<16xf32>,
    tpu.vector_store %arg14[%swap3A_423, %swap3A_424], %broadcast_in_dim3A_421 {strides = array<i32>} : memref<64x16xf32, #tpu.memory_space<vmem>>, vector<16xf32>,
    %slice3A_426 = vector.extract_strided_slice %get3A_227 {offsets = [14], sizes = [1], strides = [1]} : vector<16xf32> to vector<1xf32>
    %squeeze3A_427 = vector.extract %slice3A_426[0] : f32 from vector<1xf32>
    %broadcast_in_dim3A_428 = vector.broadcast %squeeze3A_427 : f32 to vector<16xf32>
    %swap3A_429 = arith.constant 30 : i32
    %swap3A_430 = arith.index_cast %swap3A_429 : i32 to index
    %swap3A_431 = arith.constant 0 : index
    %swap3A_432 = tpu.vector_load %arg13[%swap3A_430, %swap3A_431] {strides = array<i32>} : memref<64x16xf32, #tpu.memory_space<vmem>>, vector<16xf32>,
    tpu.vector_store %arg13[%swap3A_430, %swap3A_431], %broadcast_in_dim3A_428 {strides = array<i32>} : memref<64x16xf32, #tpu.memory_space<vmem>>, vector<16xf32>,
    %slice3A_433 = vector.extract_strided_slice %get3A_229 {offsets = [14], sizes = [1], strides = [1]} : vector<16xf32> to vector<1xf32>
    %squeeze3A_434 = vector.extract %slice3A_433[0] : f32 from vector<1xf32>
    %broadcast_in_dim3A_435 = vector.broadcast %squeeze3A_434 : f32 to vector<16xf32>
    %swap3A_436 = arith.constant 30 : i32
    %swap3A_437 = arith.index_cast %swap3A_436 : i32 to index
    %swap3A_438 = arith.constant 0 : index
    %swap3A_439 = tpu.vector_load %arg14[%swap3A_437, %swap3A_438] {strides = array<i32>} : memref<64x16xf32, #tpu.memory_space<vmem>>, vector<16xf32>,
    tpu.vector_store %arg14[%swap3A_437, %swap3A_438], %broadcast_in_dim3A_435 {strides = array<i32>} : memref<64x16xf32, #tpu.memory_space<vmem>>, vector<16xf32>,
    %slice3A_440 = vector.extract_strided_slice %get3A_227 {offsets = [15], sizes = [1], strides = [1]} : vector<16xf32> to vector<1xf32>
    %squeeze3A_441 = vector.extract %slice3A_440[0] : f32 from vector<1xf32>
    %broadcast_in_dim3A_442 = vector.broadcast %squeeze3A_441 : f32 to vector<16xf32>
    %swap3A_443 = arith.constant 31 : i32
    %swap3A_444 = arith.index_cast %swap3A_443 : i32 to index
    %swap3A_445 = arith.constant 0 : index
    %swap3A_446 = tpu.vector_load %arg13[%swap3A_444, %swap3A_445] {strides = array<i32>} : memref<64x16xf32, #tpu.memory_space<vmem>>, vector<16xf32>,
    tpu.vector_store %arg13[%swap3A_444, %swap3A_445], %broadcast_in_dim3A_442 {strides = array<i32>} : memref<64x16xf32, #tpu.memory_space<vmem>>, vector<16xf32>,
    %slice3A_447 = vector.extract_strided_slice %get3A_229 {offsets = [15], sizes = [1], strides = [1]} : vector<16xf32> to vector<1xf32>
    %squeeze3A_448 = vector.extract %slice3A_447[0] : f32 from vector<1xf32>
    %broadcast_in_dim3A_449 = vector.broadcast %squeeze3A_448 : f32 to vector<16xf32>
    %swap3A_450 = arith.constant 31 : i32
    %swap3A_451 = arith.index_cast %swap3A_450 : i32 to index
    %swap3A_452 = arith.constant 0 : index
    %swap3A_453 = tpu.vector_load %arg14[%swap3A_451, %swap3A_452] {strides = array<i32>} : memref<64x16xf32, #tpu.memory_space<vmem>>, vector<16xf32>,
    tpu.vector_store %arg14[%swap3A_451, %swap3A_452], %broadcast_in_dim3A_449 {strides = array<i32>} : memref<64x16xf32, #tpu.memory_space<vmem>>, vector<16xf32>,
    %get3A_454 = arith.constant 32 : index
    %get3A_455 = tpu.vector_load %arg11[%get3A_454] {strides = array<i32>} : memref<64xf32, #tpu.memory_space<vmem>>, vector<16xf32>,
    %get3A_456 = arith.constant 32 : index
    %get3A_457 = tpu.vector_load %arg12[%get3A_456] {strides = array<i32>} : memref<64xf32, #tpu.memory_space<vmem>>, vector<16xf32>,
    %slice3A_458 = vector.extract_strided_slice %get3A_455 {offsets = [0], sizes = [1], strides = [1]} : vector<16xf32> to vector<1xf32>
    %squeeze3A_459 = vector.extract %slice3A_458[0] : f32 from vector<1xf32>
    %broadcast_in_dim3A_460 = vector.broadcast %squeeze3A_459 : f32 to vector<16xf32>
    %swap3A_461 = arith.constant 32 : i32
    %swap3A_462 = arith.index_cast %swap3A_461 : i32 to index
    %swap3A_463 = arith.constant 0 : index
    %swap3A_464 = tpu.vector_load %arg13[%swap3A_462, %swap3A_463] {strides = array<i32>} : memref<64x16xf32, #tpu.memory_space<vmem>>, vector<16xf32>,
    tpu.vector_store %arg13[%swap3A_462, %swap3A_463], %broadcast_in_dim3A_460 {strides = array<i32>} : memref<64x16xf32, #tpu.memory_space<vmem>>, vector<16xf32>,
    %slice3A_465 = vector.extract_strided_slice %get3A_457 {offsets = [0], sizes = [1], strides = [1]} : vector<16xf32> to vector<1xf32>
    %squeeze3A_466 = vector.extract %slice3A_465[0] : f32 from vector<1xf32>
    %broadcast_in_dim3A_467 = vector.broadcast %squeeze3A_466 : f32 to vector<16xf32>
    %swap3A_468 = arith.constant 32 : i32
    %swap3A_469 = arith.index_cast %swap3A_468 : i32 to index
    %swap3A_470 = arith.constant 0 : index
    %swap3A_471 = tpu.vector_load %arg14[%swap3A_469, %swap3A_470] {strides = array<i32>} : memref<64x16xf32, #tpu.memory_space<vmem>>, vector<16xf32>,
    tpu.vector_store %arg14[%swap3A_469, %swap3A_470], %broadcast_in_dim3A_467 {strides = array<i32>} : memref<64x16xf32, #tpu.memory_space<vmem>>, vector<16xf32>,
    %slice3A_472 = vector.extract_strided_slice %get3A_455 {offsets = [1], sizes = [1], strides = [1]} : vector<16xf32> to vector<1xf32>
    %squeeze3A_473 = vector.extract %slice3A_472[0] : f32 from vector<1xf32>
    %broadcast_in_dim3A_474 = vector.broadcast %squeeze3A_473 : f32 to vector<16xf32>
    %swap3A_475 = arith.constant 33 : i32
    %swap3A_476 = arith.index_cast %swap3A_475 : i32 to index
    %swap3A_477 = arith.constant 0 : index
    %swap3A_478 = tpu.vector_load %arg13[%swap3A_476, %swap3A_477] {strides = array<i32>} : memref<64x16xf32, #tpu.memory_space<vmem>>, vector<16xf32>,
    tpu.vector_store %arg13[%swap3A_476, %swap3A_477], %broadcast_in_dim3A_474 {strides = array<i32>} : memref<64x16xf32, #tpu.memory_space<vmem>>, vector<16xf32>,
    %slice3A_479 = vector.extract_strided_slice %get3A_457 {offsets = [1], sizes = [1], strides = [1]} : vector<16xf32> to vector<1xf32>
    %squeeze3A_480 = vector.extract %slice3A_479[0] : f32 from vector<1xf32>
    %broadcast_in_dim3A_481 = vector.broadcast %squeeze3A_480 : f32 to vector<16xf32>
    %swap3A_482 = arith.constant 33 : i32
    %swap3A_483 = arith.index_cast %swap3A_482 : i32 to index
    %swap3A_484 = arith.constant 0 : index
    %swap3A_485 = tpu.vector_load %arg14[%swap3A_483, %swap3A_484] {strides = array<i32>} : memref<64x16xf32, #tpu.memory_space<vmem>>, vector<16xf32>,
    tpu.vector_store %arg14[%swap3A_483, %swap3A_484], %broadcast_in_dim3A_481 {strides = array<i32>} : memref<64x16xf32, #tpu.memory_space<vmem>>, vector<16xf32>,
    %slice3A_486 = vector.extract_strided_slice %get3A_455 {offsets = [2], sizes = [1], strides = [1]} : vector<16xf32> to vector<1xf32>
    %squeeze3A_487 = vector.extract %slice3A_486[0] : f32 from vector<1xf32>
    %broadcast_in_dim3A_488 = vector.broadcast %squeeze3A_487 : f32 to vector<16xf32>
    %swap3A_489 = arith.constant 34 : i32
    %swap3A_490 = arith.index_cast %swap3A_489 : i32 to index
    %swap3A_491 = arith.constant 0 : index
    %swap3A_492 = tpu.vector_load %arg13[%swap3A_490, %swap3A_491] {strides = array<i32>} : memref<64x16xf32, #tpu.memory_space<vmem>>, vector<16xf32>,
    tpu.vector_store %arg13[%swap3A_490, %swap3A_491], %broadcast_in_dim3A_488 {strides = array<i32>} : memref<64x16xf32, #tpu.memory_space<vmem>>, vector<16xf32>,
    %slice3A_493 = vector.extract_strided_slice %get3A_457 {offsets = [2], sizes = [1], strides = [1]} : vector<16xf32> to vector<1xf32>
    %squeeze3A_494 = vector.extract %slice3A_493[0] : f32 from vector<1xf32>
    %broadcast_in_dim3A_495 = vector.broadcast %squeeze3A_494 : f32 to vector<16xf32>
    %swap3A_496 = arith.constant 34 : i32
    %swap3A_497 = arith.index_cast %swap3A_496 : i32 to index
    %swap3A_498 = arith.constant 0 : index
    %swap3A_499 = tpu.vector_load %arg14[%swap3A_497, %swap3A_498] {strides = array<i32>} : memref<64x16xf32, #tpu.memory_space<vmem>>, vector<16xf32>,
    tpu.vector_store %arg14[%swap3A_497, %swap3A_498], %broadcast_in_dim3A_495 {strides = array<i32>} : memref<64x16xf32, #tpu.memory_space<vmem>>, vector<16xf32>,
    %slice3A_500 = vector.extract_strided_slice %get3A_455 {offsets = [3], sizes = [1], strides = [1]} : vector<16xf32> to vector<1xf32>
    %squeeze3A_501 = vector.extract %slice3A_500[0] : f32 from vector<1xf32>
    %broadcast_in_dim3A_502 = vector.broadcast %squeeze3A_501 : f32 to vector<16xf32>
    %swap3A_503 = arith.constant 35 : i32
    %swap3A_504 = arith.index_cast %swap3A_503 : i32 to index
    %swap3A_505 = arith.constant 0 : index
    %swap3A_506 = tpu.vector_load %arg13[%swap3A_504, %swap3A_505] {strides = array<i32>} : memref<64x16xf32, #tpu.memory_space<vmem>>, vector<16xf32>,
    tpu.vector_store %arg13[%swap3A_504, %swap3A_505], %broadcast_in_dim3A_502 {strides = array<i32>} : memref<64x16xf32, #tpu.memory_space<vmem>>, vector<16xf32>,
    %slice3A_507 = vector.extract_strided_slice %get3A_457 {offsets = [3], sizes = [1], strides = [1]} : vector<16xf32> to vector<1xf32>
    %squeeze3A_508 = vector.extract %slice3A_507[0] : f32 from vector<1xf32>
    %broadcast_in_dim3A_509 = vector.broadcast %squeeze3A_508 : f32 to vector<16xf32>
    %swap3A_510 = arith.constant 35 : i32
    %swap3A_511 = arith.index_cast %swap3A_510 : i32 to index
    %swap3A_512 = arith.constant 0 : index
    %swap3A_513 = tpu.vector_load %arg14[%swap3A_511, %swap3A_512] {strides = array<i32>} : memref<64x16xf32, #tpu.memory_space<vmem>>, vector<16xf32>,
    tpu.vector_store %arg14[%swap3A_511, %swap3A_512], %broadcast_in_dim3A_509 {strides = array<i32>} : memref<64x16xf32, #tpu.memory_space<vmem>>, vector<16xf32>,
    %slice3A_514 = vector.extract_strided_slice %get3A_455 {offsets = [4], sizes = [1], strides = [1]} : vector<16xf32> to vector<1xf32>
    %squeeze3A_515 = vector.extract %slice3A_514[0] : f32 from vector<1xf32>
    %broadcast_in_dim3A_516 = vector.broadcast %squeeze3A_515 : f32 to vector<16xf32>
    %swap3A_517 = arith.constant 36 : i32
    %swap3A_518 = arith.index_cast %swap3A_517 : i32 to index
    %swap3A_519 = arith.constant 0 : index
    %swap3A_520 = tpu.vector_load %arg13[%swap3A_518, %swap3A_519] {strides = array<i32>} : memref<64x16xf32, #tpu.memory_space<vmem>>, vector<16xf32>,
    tpu.vector_store %arg13[%swap3A_518, %swap3A_519], %broadcast_in_dim3A_516 {strides = array<i32>} : memref<64x16xf32, #tpu.memory_space<vmem>>, vector<16xf32>,
    %slice3A_521 = vector.extract_strided_slice %get3A_457 {offsets = [4], sizes = [1], strides = [1]} : vector<16xf32> to vector<1xf32>
    %squeeze3A_522 = vector.extract %slice3A_521[0] : f32 from vector<1xf32>
    %broadcast_in_dim3A_523 = vector.broadcast %squeeze3A_522 : f32 to vector<16xf32>
    %swap3A_524 = arith.constant 36 : i32
    %swap3A_525 = arith.index_cast %swap3A_524 : i32 to index
    %swap3A_526 = arith.constant 0 : index
    %swap3A_527 = tpu.vector_load %arg14[%swap3A_525, %swap3A_526] {strides = array<i32>} : memref<64x16xf32, #tpu.memory_space<vmem>>, vector<16xf32>,
    tpu.vector_store %arg14[%swap3A_525, %swap3A_526], %broadcast_in_dim3A_523 {strides = array<i32>} : memref<64x16xf32, #tpu.memory_space<vmem>>, vector<16xf32>,
    %slice3A_528 = vector.extract_strided_slice %get3A_455 {offsets = [5], sizes = [1], strides = [1]} : vector<16xf32> to vector<1xf32>
    %squeeze3A_529 = vector.extract %slice3A_528[0] : f32 from vector<1xf32>
    %broadcast_in_dim3A_530 = vector.broadcast %squeeze3A_529 : f32 to vector<16xf32>
    %swap3A_531 = arith.constant 37 : i32
    %swap3A_532 = arith.index_cast %swap3A_531 : i32 to index
    %swap3A_533 = arith.constant 0 : index
    %swap3A_534 = tpu.vector_load %arg13[%swap3A_532, %swap3A_533] {strides = array<i32>} : memref<64x16xf32, #tpu.memory_space<vmem>>, vector<16xf32>,
    tpu.vector_store %arg13[%swap3A_532, %swap3A_533], %broadcast_in_dim3A_530 {strides = array<i32>} : memref<64x16xf32, #tpu.memory_space<vmem>>, vector<16xf32>,
    %slice3A_535 = vector.extract_strided_slice %get3A_457 {offsets = [5], sizes = [1], strides = [1]} : vector<16xf32> to vector<1xf32>
    %squeeze3A_536 = vector.extract %slice3A_535[0] : f32 from vector<1xf32>
    %broadcast_in_dim3A_537 = vector.broadcast %squeeze3A_536 : f32 to vector<16xf32>
    %swap3A_538 = arith.constant 37 : i32
    %swap3A_539 = arith.index_cast %swap3A_538 : i32 to index
    %swap3A_540 = arith.constant 0 : index
    %swap3A_541 = tpu.vector_load %arg14[%swap3A_539, %swap3A_540] {strides = array<i32>} : memref<64x16xf32, #tpu.memory_space<vmem>>, vector<16xf32>,
    tpu.vector_store %arg14[%swap3A_539, %swap3A_540], %broadcast_in_dim3A_537 {strides = array<i32>} : memref<64x16xf32, #tpu.memory_space<vmem>>, vector<16xf32>,
    %slice3A_542 = vector.extract_strided_slice %get3A_455 {offsets = [6], sizes = [1], strides = [1]} : vector<16xf32> to vector<1xf32>
    %squeeze3A_543 = vector.extract %slice3A_542[0] : f32 from vector<1xf32>
    %broadcast_in_dim3A_544 = vector.broadcast %squeeze3A_543 : f32 to vector<16xf32>
    %swap3A_545 = arith.constant 38 : i32
    %swap3A_546 = arith.index_cast %swap3A_545 : i32 to index
    %swap3A_547 = arith.constant 0 : index
    %swap3A_548 = tpu.vector_load %arg13[%swap3A_546, %swap3A_547] {strides = array<i32>} : memref<64x16xf32, #tpu.memory_space<vmem>>, vector<16xf32>,
    tpu.vector_store %arg13[%swap3A_546, %swap3A_547], %broadcast_in_dim3A_544 {strides = array<i32>} : memref<64x16xf32, #tpu.memory_space<vmem>>, vector<16xf32>,
    %slice3A_549 = vector.extract_strided_slice %get3A_457 {offsets = [6], sizes = [1], strides = [1]} : vector<16xf32> to vector<1xf32>
    %squeeze3A_550 = vector.extract %slice3A_549[0] : f32 from vector<1xf32>
    %broadcast_in_dim3A_551 = vector.broadcast %squeeze3A_550 : f32 to vector<16xf32>
    %swap3A_552 = arith.constant 38 : i32
    %swap3A_553 = arith.index_cast %swap3A_552 : i32 to index
    %swap3A_554 = arith.constant 0 : index
    %swap3A_555 = tpu.vector_load %arg14[%swap3A_553, %swap3A_554] {strides = array<i32>} : memref<64x16xf32, #tpu.memory_space<vmem>>, vector<16xf32>,
    tpu.vector_store %arg14[%swap3A_553, %swap3A_554], %broadcast_in_dim3A_551 {strides = array<i32>} : memref<64x16xf32, #tpu.memory_space<vmem>>, vector<16xf32>,
    %slice3A_556 = vector.extract_strided_slice %get3A_455 {offsets = [7], sizes = [1], strides = [1]} : vector<16xf32> to vector<1xf32>
    %squeeze3A_557 = vector.extract %slice3A_556[0] : f32 from vector<1xf32>
    %broadcast_in_dim3A_558 = vector.broadcast %squeeze3A_557 : f32 to vector<16xf32>
    %swap3A_559 = arith.constant 39 : i32
    %swap3A_560 = arith.index_cast %swap3A_559 : i32 to index
    %swap3A_561 = arith.constant 0 : index
    %swap3A_562 = tpu.vector_load %arg13[%swap3A_560, %swap3A_561] {strides = array<i32>} : memref<64x16xf32, #tpu.memory_space<vmem>>, vector<16xf32>,
    tpu.vector_store %arg13[%swap3A_560, %swap3A_561], %broadcast_in_dim3A_558 {strides = array<i32>} : memref<64x16xf32, #tpu.memory_space<vmem>>, vector<16xf32>,
    %slice3A_563 = vector.extract_strided_slice %get3A_457 {offsets = [7], sizes = [1], strides = [1]} : vector<16xf32> to vector<1xf32>
    %squeeze3A_564 = vector.extract %slice3A_563[0] : f32 from vector<1xf32>
    %broadcast_in_dim3A_565 = vector.broadcast %squeeze3A_564 : f32 to vector<16xf32>
    %swap3A_566 = arith.constant 39 : i32
    %swap3A_567 = arith.index_cast %swap3A_566 : i32 to index
    %swap3A_568 = arith.constant 0 : index
    %swap3A_569 = tpu.vector_load %arg14[%swap3A_567, %swap3A_568] {strides = array<i32>} : memref<64x16xf32, #tpu.memory_space<vmem>>, vector<16xf32>,
    tpu.vector_store %arg14[%swap3A_567, %swap3A_568], %broadcast_in_dim3A_565 {strides = array<i32>} : memref<64x16xf32, #tpu.memory_space<vmem>>, vector<16xf32>,
    %slice3A_570 = vector.extract_strided_slice %get3A_455 {offsets = [8], sizes = [1], strides = [1]} : vector<16xf32> to vector<1xf32>
    %squeeze3A_571 = vector.extract %slice3A_570[0] : f32 from vector<1xf32>
    %broadcast_in_dim3A_572 = vector.broadcast %squeeze3A_571 : f32 to vector<16xf32>
    %swap3A_573 = arith.constant 40 : i32
    %swap3A_574 = arith.index_cast %swap3A_573 : i32 to index
    %swap3A_575 = arith.constant 0 : index
    %swap3A_576 = tpu.vector_load %arg13[%swap3A_574, %swap3A_575] {strides = array<i32>} : memref<64x16xf32, #tpu.memory_space<vmem>>, vector<16xf32>,
    tpu.vector_store %arg13[%swap3A_574, %swap3A_575], %broadcast_in_dim3A_572 {strides = array<i32>} : memref<64x16xf32, #tpu.memory_space<vmem>>, vector<16xf32>,
    %slice3A_577 = vector.extract_strided_slice %get3A_457 {offsets = [8], sizes = [1], strides = [1]} : vector<16xf32> to vector<1xf32>
    %squeeze3A_578 = vector.extract %slice3A_577[0] : f32 from vector<1xf32>
    %broadcast_in_dim3A_579 = vector.broadcast %squeeze3A_578 : f32 to vector<16xf32>
    %swap3A_580 = arith.constant 40 : i32
    %swap3A_581 = arith.index_cast %swap3A_580 : i32 to index
    %swap3A_582 = arith.constant 0 : index
    %swap3A_583 = tpu.vector_load %arg14[%swap3A_581, %swap3A_582] {strides = array<i32>} : memref<64x16xf32, #tpu.memory_space<vmem>>, vector<16xf32>,
    tpu.vector_store %arg14[%swap3A_581, %swap3A_582], %broadcast_in_dim3A_579 {strides = array<i32>} : memref<64x16xf32, #tpu.memory_space<vmem>>, vector<16xf32>,
    %slice3A_584 = vector.extract_strided_slice %get3A_455 {offsets = [9], sizes = [1], strides = [1]} : vector<16xf32> to vector<1xf32>
    %squeeze3A_585 = vector.extract %slice3A_584[0] : f32 from vector<1xf32>
    %broadcast_in_dim3A_586 = vector.broadcast %squeeze3A_585 : f32 to vector<16xf32>
    %swap3A_587 = arith.constant 41 : i32
    %swap3A_588 = arith.index_cast %swap3A_587 : i32 to index
    %swap3A_589 = arith.constant 0 : index
    %swap3A_590 = tpu.vector_load %arg13[%swap3A_588, %swap3A_589] {strides = array<i32>} : memref<64x16xf32, #tpu.memory_space<vmem>>, vector<16xf32>,
    tpu.vector_store %arg13[%swap3A_588, %swap3A_589], %broadcast_in_dim3A_586 {strides = array<i32>} : memref<64x16xf32, #tpu.memory_space<vmem>>, vector<16xf32>,
    %slice3A_591 = vector.extract_strided_slice %get3A_457 {offsets = [9], sizes = [1], strides = [1]} : vector<16xf32> to vector<1xf32>
    %squeeze3A_592 = vector.extract %slice3A_591[0] : f32 from vector<1xf32>
    %broadcast_in_dim3A_593 = vector.broadcast %squeeze3A_592 : f32 to vector<16xf32>
    %swap3A_594 = arith.constant 41 : i32
    %swap3A_595 = arith.index_cast %swap3A_594 : i32 to index
    %swap3A_596 = arith.constant 0 : index
    %swap3A_597 = tpu.vector_load %arg14[%swap3A_595, %swap3A_596] {strides = array<i32>} : memref<64x16xf32, #tpu.memory_space<vmem>>, vector<16xf32>,
    tpu.vector_store %arg14[%swap3A_595, %swap3A_596], %broadcast_in_dim3A_593 {strides = array<i32>} : memref<64x16xf32, #tpu.memory_space<vmem>>, vector<16xf32>,
    %slice3A_598 = vector.extract_strided_slice %get3A_455 {offsets = [10], sizes = [1], strides = [1]} : vector<16xf32> to vector<1xf32>
    %squeeze3A_599 = vector.extract %slice3A_598[0] : f32 from vector<1xf32>
    %broadcast_in_dim3A_600 = vector.broadcast %squeeze3A_599 : f32 to vector<16xf32>
    %swap3A_601 = arith.constant 42 : i32
    %swap3A_602 = arith.index_cast %swap3A_601 : i32 to index
    %swap3A_603 = arith.constant 0 : index
    %swap3A_604 = tpu.vector_load %arg13[%swap3A_602, %swap3A_603] {strides = array<i32>} : memref<64x16xf32, #tpu.memory_space<vmem>>, vector<16xf32>,
    tpu.vector_store %arg13[%swap3A_602, %swap3A_603], %broadcast_in_dim3A_600 {strides = array<i32>} : memref<64x16xf32, #tpu.memory_space<vmem>>, vector<16xf32>,
    %slice3A_605 = vector.extract_strided_slice %get3A_457 {offsets = [10], sizes = [1], strides = [1]} : vector<16xf32> to vector<1xf32>
    %squeeze3A_606 = vector.extract %slice3A_605[0] : f32 from vector<1xf32>
    %broadcast_in_dim3A_607 = vector.broadcast %squeeze3A_606 : f32 to vector<16xf32>
    %swap3A_608 = arith.constant 42 : i32
    %swap3A_609 = arith.index_cast %swap3A_608 : i32 to index
    %swap3A_610 = arith.constant 0 : index
    %swap3A_611 = tpu.vector_load %arg14[%swap3A_609, %swap3A_610] {strides = array<i32>} : memref<64x16xf32, #tpu.memory_space<vmem>>, vector<16xf32>,
    tpu.vector_store %arg14[%swap3A_609, %swap3A_610], %broadcast_in_dim3A_607 {strides = array<i32>} : memref<64x16xf32, #tpu.memory_space<vmem>>, vector<16xf32>,
    %slice3A_612 = vector.extract_strided_slice %get3A_455 {offsets = [11], sizes = [1], strides = [1]} : vector<16xf32> to vector<1xf32>
    %squeeze3A_613 = vector.extract %slice3A_612[0] : f32 from vector<1xf32>
    %broadcast_in_dim3A_614 = vector.broadcast %squeeze3A_613 : f32 to vector<16xf32>
    %swap3A_615 = arith.constant 43 : i32
    %swap3A_616 = arith.index_cast %swap3A_615 : i32 to index
    %swap3A_617 = arith.constant 0 : index
    %swap3A_618 = tpu.vector_load %arg13[%swap3A_616, %swap3A_617] {strides = array<i32>} : memref<64x16xf32, #tpu.memory_space<vmem>>, vector<16xf32>,
    tpu.vector_store %arg13[%swap3A_616, %swap3A_617], %broadcast_in_dim3A_614 {strides = array<i32>} : memref<64x16xf32, #tpu.memory_space<vmem>>, vector<16xf32>,
    %slice3A_619 = vector.extract_strided_slice %get3A_457 {offsets = [11], sizes = [1], strides = [1]} : vector<16xf32> to vector<1xf32>
    %squeeze3A_620 = vector.extract %slice3A_619[0] : f32 from vector<1xf32>
    %broadcast_in_dim3A_621 = vector.broadcast %squeeze3A_620 : f32 to vector<16xf32>
    %swap3A_622 = arith.constant 43 : i32
    %swap3A_623 = arith.index_cast %swap3A_622 : i32 to index
    %swap3A_624 = arith.constant 0 : index
    %swap3A_625 = tpu.vector_load %arg14[%swap3A_623, %swap3A_624] {strides = array<i32>} : memref<64x16xf32, #tpu.memory_space<vmem>>, vector<16xf32>,
    tpu.vector_store %arg14[%swap3A_623, %swap3A_624], %broadcast_in_dim3A_621 {strides = array<i32>} : memref<64x16xf32, #tpu.memory_space<vmem>>, vector<16xf32>,
    %slice3A_626 = vector.extract_strided_slice %get3A_455 {offsets = [12], sizes = [1], strides = [1]} : vector<16xf32> to vector<1xf32>
    %squeeze3A_627 = vector.extract %slice3A_626[0] : f32 from vector<1xf32>
    %broadcast_in_dim3A_628 = vector.broadcast %squeeze3A_627 : f32 to vector<16xf32>
    %swap3A_629 = arith.constant 44 : i32
    %swap3A_630 = arith.index_cast %swap3A_629 : i32 to index
    %swap3A_631 = arith.constant 0 : index
    %swap3A_632 = tpu.vector_load %arg13[%swap3A_630, %swap3A_631] {strides = array<i32>} : memref<64x16xf32, #tpu.memory_space<vmem>>, vector<16xf32>,
    tpu.vector_store %arg13[%swap3A_630, %swap3A_631], %broadcast_in_dim3A_628 {strides = array<i32>} : memref<64x16xf32, #tpu.memory_space<vmem>>, vector<16xf32>,
    %slice3A_633 = vector.extract_strided_slice %get3A_457 {offsets = [12], sizes = [1], strides = [1]} : vector<16xf32> to vector<1xf32>
    %squeeze3A_634 = vector.extract %slice3A_633[0] : f32 from vector<1xf32>
    %broadcast_in_dim3A_635 = vector.broadcast %squeeze3A_634 : f32 to vector<16xf32>
    %swap3A_636 = arith.constant 44 : i32
    %swap3A_637 = arith.index_cast %swap3A_636 : i32 to index
    %swap3A_638 = arith.constant 0 : index
    %swap3A_639 = tpu.vector_load %arg14[%swap3A_637, %swap3A_638] {strides = array<i32>} : memref<64x16xf32, #tpu.memory_space<vmem>>, vector<16xf32>,
    tpu.vector_store %arg14[%swap3A_637, %swap3A_638], %broadcast_in_dim3A_635 {strides = array<i32>} : memref<64x16xf32, #tpu.memory_space<vmem>>, vector<16xf32>,
    %slice3A_640 = vector.extract_strided_slice %get3A_455 {offsets = [13], sizes = [1], strides = [1]} : vector<16xf32> to vector<1xf32>
    %squeeze3A_641 = vector.extract %slice3A_640[0] : f32 from vector<1xf32>
    %broadcast_in_dim3A_642 = vector.broadcast %squeeze3A_641 : f32 to vector<16xf32>
    %swap3A_643 = arith.constant 45 : i32
    %swap3A_644 = arith.index_cast %swap3A_643 : i32 to index
    %swap3A_645 = arith.constant 0 : index
    %swap3A_646 = tpu.vector_load %arg13[%swap3A_644, %swap3A_645] {strides = array<i32>} : memref<64x16xf32, #tpu.memory_space<vmem>>, vector<16xf32>,
    tpu.vector_store %arg13[%swap3A_644, %swap3A_645], %broadcast_in_dim3A_642 {strides = array<i32>} : memref<64x16xf32, #tpu.memory_space<vmem>>, vector<16xf32>,
    %slice3A_647 = vector.extract_strided_slice %get3A_457 {offsets = [13], sizes = [1], strides = [1]} : vector<16xf32> to vector<1xf32>
    %squeeze3A_648 = vector.extract %slice3A_647[0] : f32 from vector<1xf32>
    %broadcast_in_dim3A_649 = vector.broadcast %squeeze3A_648 : f32 to vector<16xf32>
    %swap3A_650 = arith.constant 45 : i32
    %swap3A_651 = arith.index_cast %swap3A_650 : i32 to index
    %swap3A_652 = arith.constant 0 : index
    %swap3A_653 = tpu.vector_load %arg14[%swap3A_651, %swap3A_652] {strides = array<i32>} : memref<64x16xf32, #tpu.memory_space<vmem>>, vector<16xf32>,
    tpu.vector_store %arg14[%swap3A_651, %swap3A_652], %broadcast_in_dim3A_649 {strides = array<i32>} : memref<64x16xf32, #tpu.memory_space<vmem>>, vector<16xf32>,
    %slice3A_654 = vector.extract_strided_slice %get3A_455 {offsets = [14], sizes = [1], strides = [1]} : vector<16xf32> to vector<1xf32>
    %squeeze3A_655 = vector.extract %slice3A_654[0] : f32 from vector<1xf32>
    %broadcast_in_dim3A_656 = vector.broadcast %squeeze3A_655 : f32 to vector<16xf32>
    %swap3A_657 = arith.constant 46 : i32
    %swap3A_658 = arith.index_cast %swap3A_657 : i32 to index
    %swap3A_659 = arith.constant 0 : index
    %swap3A_660 = tpu.vector_load %arg13[%swap3A_658, %swap3A_659] {strides = array<i32>} : memref<64x16xf32, #tpu.memory_space<vmem>>, vector<16xf32>,
    tpu.vector_store %arg13[%swap3A_658, %swap3A_659], %broadcast_in_dim3A_656 {strides = array<i32>} : memref<64x16xf32, #tpu.memory_space<vmem>>, vector<16xf32>,
    %slice3A_661 = vector.extract_strided_slice %get3A_457 {offsets = [14], sizes = [1], strides = [1]} : vector<16xf32> to vector<1xf32>
    %squeeze3A_662 = vector.extract %slice3A_661[0] : f32 from vector<1xf32>
    %broadcast_in_dim3A_663 = vector.broadcast %squeeze3A_662 : f32 to vector<16xf32>
    %swap3A_664 = arith.constant 46 : i32
    %swap3A_665 = arith.index_cast %swap3A_664 : i32 to index
    %swap3A_666 = arith.constant 0 : index
    %swap3A_667 = tpu.vector_load %arg14[%swap3A_665, %swap3A_666] {strides = array<i32>} : memref<64x16xf32, #tpu.memory_space<vmem>>, vector<16xf32>,
    tpu.vector_store %arg14[%swap3A_665, %swap3A_666], %broadcast_in_dim3A_663 {strides = array<i32>} : memref<64x16xf32, #tpu.memory_space<vmem>>, vector<16xf32>,
    %slice3A_668 = vector.extract_strided_slice %get3A_455 {offsets = [15], sizes = [1], strides = [1]} : vector<16xf32> to vector<1xf32>
    %squeeze3A_669 = vector.extract %slice3A_668[0] : f32 from vector<1xf32>
    %broadcast_in_dim3A_670 = vector.broadcast %squeeze3A_669 : f32 to vector<16xf32>
    %swap3A_671 = arith.constant 47 : i32
    %swap3A_672 = arith.index_cast %swap3A_671 : i32 to index
    %swap3A_673 = arith.constant 0 : index
    %swap3A_674 = tpu.vector_load %arg13[%swap3A_672, %swap3A_673] {strides = array<i32>} : memref<64x16xf32, #tpu.memory_space<vmem>>, vector<16xf32>,
    tpu.vector_store %arg13[%swap3A_672, %swap3A_673], %broadcast_in_dim3A_670 {strides = array<i32>} : memref<64x16xf32, #tpu.memory_space<vmem>>, vector<16xf32>,
    %slice3A_675 = vector.extract_strided_slice %get3A_457 {offsets = [15], sizes = [1], strides = [1]} : vector<16xf32> to vector<1xf32>
    %squeeze3A_676 = vector.extract %slice3A_675[0] : f32 from vector<1xf32>
    %broadcast_in_dim3A_677 = vector.broadcast %squeeze3A_676 : f32 to vector<16xf32>
    %swap3A_678 = arith.constant 47 : i32
    %swap3A_679 = arith.index_cast %swap3A_678 : i32 to index
    %swap3A_680 = arith.constant 0 : index
    %swap3A_681 = tpu.vector_load %arg14[%swap3A_679, %swap3A_680] {strides = array<i32>} : memref<64x16xf32, #tpu.memory_space<vmem>>, vector<16xf32>,
    tpu.vector_store %arg14[%swap3A_679, %swap3A_680], %broadcast_in_dim3A_677 {strides = array<i32>} : memref<64x16xf32, #tpu.memory_space<vmem>>, vector<16xf32>,
    %get3A_682 = arith.constant 48 : index
    %get3A_683 = tpu.vector_load %arg11[%get3A_682] {strides = array<i32>} : memref<64xf32, #tpu.memory_space<vmem>>, vector<16xf32>,
    %get3A_684 = arith.constant 48 : index
    %get3A_685 = tpu.vector_load %arg12[%get3A_684] {strides = array<i32>} : memref<64xf32, #tpu.memory_space<vmem>>, vector<16xf32>,
    %slice3A_686 = vector.extract_strided_slice %get3A_683 {offsets = [0], sizes = [1], strides = [1]} : vector<16xf32> to vector<1xf32>
    %squeeze3A_687 = vector.extract %slice3A_686[0] : f32 from vector<1xf32>
    %broadcast_in_dim3A_688 = vector.broadcast %squeeze3A_687 : f32 to vector<16xf32>
    %swap3A_689 = arith.constant 48 : i32
    %swap3A_690 = arith.index_cast %swap3A_689 : i32 to index
    %swap3A_691 = arith.constant 0 : index
    %swap3A_692 = tpu.vector_load %arg13[%swap3A_690, %swap3A_691] {strides = array<i32>} : memref<64x16xf32, #tpu.memory_space<vmem>>, vector<16xf32>,
    tpu.vector_store %arg13[%swap3A_690, %swap3A_691], %broadcast_in_dim3A_688 {strides = array<i32>} : memref<64x16xf32, #tpu.memory_space<vmem>>, vector<16xf32>,
    %slice3A_693 = vector.extract_strided_slice %get3A_685 {offsets = [0], sizes = [1], strides = [1]} : vector<16xf32> to vector<1xf32>
    %squeeze3A_694 = vector.extract %slice3A_693[0] : f32 from vector<1xf32>
    %broadcast_in_dim3A_695 = vector.broadcast %squeeze3A_694 : f32 to vector<16xf32>
    %swap3A_696 = arith.constant 48 : i32
    %swap3A_697 = arith.index_cast %swap3A_696 : i32 to index
    %swap3A_698 = arith.constant 0 : index
    %swap3A_699 = tpu.vector_load %arg14[%swap3A_697, %swap3A_698] {strides = array<i32>} : memref<64x16xf32, #tpu.memory_space<vmem>>, vector<16xf32>,
    tpu.vector_store %arg14[%swap3A_697, %swap3A_698], %broadcast_in_dim3A_695 {strides = array<i32>} : memref<64x16xf32, #tpu.memory_space<vmem>>, vector<16xf32>,
    %slice3A_700 = vector.extract_strided_slice %get3A_683 {offsets = [1], sizes = [1], strides = [1]} : vector<16xf32> to vector<1xf32>
    %squeeze3A_701 = vector.extract %slice3A_700[0] : f32 from vector<1xf32>
    %broadcast_in_dim3A_702 = vector.broadcast %squeeze3A_701 : f32 to vector<16xf32>
    %swap3A_703 = arith.constant 49 : i32
    %swap3A_704 = arith.index_cast %swap3A_703 : i32 to index
    %swap3A_705 = arith.constant 0 : index
    %swap3A_706 = tpu.vector_load %arg13[%swap3A_704, %swap3A_705] {strides = array<i32>} : memref<64x16xf32, #tpu.memory_space<vmem>>, vector<16xf32>,
    tpu.vector_store %arg13[%swap3A_704, %swap3A_705], %broadcast_in_dim3A_702 {strides = array<i32>} : memref<64x16xf32, #tpu.memory_space<vmem>>, vector<16xf32>,
    %slice3A_707 = vector.extract_strided_slice %get3A_685 {offsets = [1], sizes = [1], strides = [1]} : vector<16xf32> to vector<1xf32>
    %squeeze3A_708 = vector.extract %slice3A_707[0] : f32 from vector<1xf32>
    %broadcast_in_dim3A_709 = vector.broadcast %squeeze3A_708 : f32 to vector<16xf32>
    %swap3A_710 = arith.constant 49 : i32
    %swap3A_711 = arith.index_cast %swap3A_710 : i32 to index
    %swap3A_712 = arith.constant 0 : index
    %swap3A_713 = tpu.vector_load %arg14[%swap3A_711, %swap3A_712] {strides = array<i32>} : memref<64x16xf32, #tpu.memory_space<vmem>>, vector<16xf32>,
    tpu.vector_store %arg14[%swap3A_711, %swap3A_712], %broadcast_in_dim3A_709 {strides = array<i32>} : memref<64x16xf32, #tpu.memory_space<vmem>>, vector<16xf32>,
    %slice3A_714 = vector.extract_strided_slice %get3A_683 {offsets = [2], sizes = [1], strides = [1]} : vector<16xf32> to vector<1xf32>
    %squeeze3A_715 = vector.extract %slice3A_714[0] : f32 from vector<1xf32>
    %broadcast_in_dim3A_716 = vector.broadcast %squeeze3A_715 : f32 to vector<16xf32>
    %swap3A_717 = arith.constant 50 : i32
    %swap3A_718 = arith.index_cast %swap3A_717 : i32 to index
    %swap3A_719 = arith.constant 0 : index
    %swap3A_720 = tpu.vector_load %arg13[%swap3A_718, %swap3A_719] {strides = array<i32>} : memref<64x16xf32, #tpu.memory_space<vmem>>, vector<16xf32>,
    tpu.vector_store %arg13[%swap3A_718, %swap3A_719], %broadcast_in_dim3A_716 {strides = array<i32>} : memref<64x16xf32, #tpu.memory_space<vmem>>, vector<16xf32>,
    %slice3A_721 = vector.extract_strided_slice %get3A_685 {offsets = [2], sizes = [1], strides = [1]} : vector<16xf32> to vector<1xf32>
    %squeeze3A_722 = vector.extract %slice3A_721[0] : f32 from vector<1xf32>
    %broadcast_in_dim3A_723 = vector.broadcast %squeeze3A_722 : f32 to vector<16xf32>
    %swap3A_724 = arith.constant 50 : i32
    %swap3A_725 = arith.index_cast %swap3A_724 : i32 to index
    %swap3A_726 = arith.constant 0 : index
    %swap3A_727 = tpu.vector_load %arg14[%swap3A_725, %swap3A_726] {strides = array<i32>} : memref<64x16xf32, #tpu.memory_space<vmem>>, vector<16xf32>,
    tpu.vector_store %arg14[%swap3A_725, %swap3A_726], %broadcast_in_dim3A_723 {strides = array<i32>} : memref<64x16xf32, #tpu.memory_space<vmem>>, vector<16xf32>,
    %slice3A_728 = vector.extract_strided_slice %get3A_683 {offsets = [3], sizes = [1], strides = [1]} : vector<16xf32> to vector<1xf32>
    %squeeze3A_729 = vector.extract %slice3A_728[0] : f32 from vector<1xf32>
    %broadcast_in_dim3A_730 = vector.broadcast %squeeze3A_729 : f32 to vector<16xf32>
    %swap3A_731 = arith.constant 51 : i32
    %swap3A_732 = arith.index_cast %swap3A_731 : i32 to index
    %swap3A_733 = arith.constant 0 : index
    %swap3A_734 = tpu.vector_load %arg13[%swap3A_732, %swap3A_733] {strides = array<i32>} : memref<64x16xf32, #tpu.memory_space<vmem>>, vector<16xf32>,
    tpu.vector_store %arg13[%swap3A_732, %swap3A_733], %broadcast_in_dim3A_730 {strides = array<i32>} : memref<64x16xf32, #tpu.memory_space<vmem>>, vector<16xf32>,
    %slice3A_735 = vector.extract_strided_slice %get3A_685 {offsets = [3], sizes = [1], strides = [1]} : vector<16xf32> to vector<1xf32>
    %squeeze3A_736 = vector.extract %slice3A_735[0] : f32 from vector<1xf32>
    %broadcast_in_dim3A_737 = vector.broadcast %squeeze3A_736 : f32 to vector<16xf32>
    %swap3A_738 = arith.constant 51 : i32
    %swap3A_739 = arith.index_cast %swap3A_738 : i32 to index
    %swap3A_740 = arith.constant 0 : index
    %swap3A_741 = tpu.vector_load %arg14[%swap3A_739, %swap3A_740] {strides = array<i32>} : memref<64x16xf32, #tpu.memory_space<vmem>>, vector<16xf32>,
    tpu.vector_store %arg14[%swap3A_739, %swap3A_740], %broadcast_in_dim3A_737 {strides = array<i32>} : memref<64x16xf32, #tpu.memory_space<vmem>>, vector<16xf32>,
    %slice3A_742 = vector.extract_strided_slice %get3A_683 {offsets = [4], sizes = [1], strides = [1]} : vector<16xf32> to vector<1xf32>
    %squeeze3A_743 = vector.extract %slice3A_742[0] : f32 from vector<1xf32>
    %broadcast_in_dim3A_744 = vector.broadcast %squeeze3A_743 : f32 to vector<16xf32>
    %swap3A_745 = arith.constant 52 : i32
    %swap3A_746 = arith.index_cast %swap3A_745 : i32 to index
    %swap3A_747 = arith.constant 0 : index
    %swap3A_748 = tpu.vector_load %arg13[%swap3A_746, %swap3A_747] {strides = array<i32>} : memref<64x16xf32, #tpu.memory_space<vmem>>, vector<16xf32>,
    tpu.vector_store %arg13[%swap3A_746, %swap3A_747], %broadcast_in_dim3A_744 {strides = array<i32>} : memref<64x16xf32, #tpu.memory_space<vmem>>, vector<16xf32>,
    %slice3A_749 = vector.extract_strided_slice %get3A_685 {offsets = [4], sizes = [1], strides = [1]} : vector<16xf32> to vector<1xf32>
    %squeeze3A_750 = vector.extract %slice3A_749[0] : f32 from vector<1xf32>
    %broadcast_in_dim3A_751 = vector.broadcast %squeeze3A_750 : f32 to vector<16xf32>
    %swap3A_752 = arith.constant 52 : i32
    %swap3A_753 = arith.index_cast %swap3A_752 : i32 to index
    %swap3A_754 = arith.constant 0 : index
    %swap3A_755 = tpu.vector_load %arg14[%swap3A_753, %swap3A_754] {strides = array<i32>} : memref<64x16xf32, #tpu.memory_space<vmem>>, vector<16xf32>,
    tpu.vector_store %arg14[%swap3A_753, %swap3A_754], %broadcast_in_dim3A_751 {strides = array<i32>} : memref<64x16xf32, #tpu.memory_space<vmem>>, vector<16xf32>,
    %slice3A_756 = vector.extract_strided_slice %get3A_683 {offsets = [5], sizes = [1], strides = [1]} : vector<16xf32> to vector<1xf32>
    %squeeze3A_757 = vector.extract %slice3A_756[0] : f32 from vector<1xf32>
    %broadcast_in_dim3A_758 = vector.broadcast %squeeze3A_757 : f32 to vector<16xf32>
    %swap3A_759 = arith.constant 53 : i32
    %swap3A_760 = arith.index_cast %swap3A_759 : i32 to index
    %swap3A_761 = arith.constant 0 : index
    %swap3A_762 = tpu.vector_load %arg13[%swap3A_760, %swap3A_761] {strides = array<i32>} : memref<64x16xf32, #tpu.memory_space<vmem>>, vector<16xf32>,
    tpu.vector_store %arg13[%swap3A_760, %swap3A_761], %broadcast_in_dim3A_758 {strides = array<i32>} : memref<64x16xf32, #tpu.memory_space<vmem>>, vector<16xf32>,
    %slice3A_763 = vector.extract_strided_slice %get3A_685 {offsets = [5], sizes = [1], strides = [1]} : vector<16xf32> to vector<1xf32>
    %squeeze3A_764 = vector.extract %slice3A_763[0] : f32 from vector<1xf32>
    %broadcast_in_dim3A_765 = vector.broadcast %squeeze3A_764 : f32 to vector<16xf32>
    %swap3A_766 = arith.constant 53 : i32
    %swap3A_767 = arith.index_cast %swap3A_766 : i32 to index
    %swap3A_768 = arith.constant 0 : index
    %swap3A_769 = tpu.vector_load %arg14[%swap3A_767, %swap3A_768] {strides = array<i32>} : memref<64x16xf32, #tpu.memory_space<vmem>>, vector<16xf32>,
    tpu.vector_store %arg14[%swap3A_767, %swap3A_768], %broadcast_in_dim3A_765 {strides = array<i32>} : memref<64x16xf32, #tpu.memory_space<vmem>>, vector<16xf32>,
    %slice3A_770 = vector.extract_strided_slice %get3A_683 {offsets = [6], sizes = [1], strides = [1]} : vector<16xf32> to vector<1xf32>
    %squeeze3A_771 = vector.extract %slice3A_770[0] : f32 from vector<1xf32>
    %broadcast_in_dim3A_772 = vector.broadcast %squeeze3A_771 : f32 to vector<16xf32>
    %swap3A_773 = arith.constant 54 : i32
    %swap3A_774 = arith.index_cast %swap3A_773 : i32 to index
    %swap3A_775 = arith.constant 0 : index
    %swap3A_776 = tpu.vector_load %arg13[%swap3A_774, %swap3A_775] {strides = array<i32>} : memref<64x16xf32, #tpu.memory_space<vmem>>, vector<16xf32>,
    tpu.vector_store %arg13[%swap3A_774, %swap3A_775], %broadcast_in_dim3A_772 {strides = array<i32>} : memref<64x16xf32, #tpu.memory_space<vmem>>, vector<16xf32>,
    %slice3A_777 = vector.extract_strided_slice %get3A_685 {offsets = [6], sizes = [1], strides = [1]} : vector<16xf32> to vector<1xf32>
    %squeeze3A_778 = vector.extract %slice3A_777[0] : f32 from vector<1xf32>
    %broadcast_in_dim3A_779 = vector.broadcast %squeeze3A_778 : f32 to vector<16xf32>
    %swap3A_780 = arith.constant 54 : i32
    %swap3A_781 = arith.index_cast %swap3A_780 : i32 to index
    %swap3A_782 = arith.constant 0 : index
    %swap3A_783 = tpu.vector_load %arg14[%swap3A_781, %swap3A_782] {strides = array<i32>} : memref<64x16xf32, #tpu.memory_space<vmem>>, vector<16xf32>,
    tpu.vector_store %arg14[%swap3A_781, %swap3A_782], %broadcast_in_dim3A_779 {strides = array<i32>} : memref<64x16xf32, #tpu.memory_space<vmem>>, vector<16xf32>,
    %slice3A_784 = vector.extract_strided_slice %get3A_683 {offsets = [7], sizes = [1], strides = [1]} : vector<16xf32> to vector<1xf32>
    %squeeze3A_785 = vector.extract %slice3A_784[0] : f32 from vector<1xf32>
    %broadcast_in_dim3A_786 = vector.broadcast %squeeze3A_785 : f32 to vector<16xf32>
    %swap3A_787 = arith.constant 55 : i32
    %swap3A_788 = arith.index_cast %swap3A_787 : i32 to index
    %swap3A_789 = arith.constant 0 : index
    %swap3A_790 = tpu.vector_load %arg13[%swap3A_788, %swap3A_789] {strides = array<i32>} : memref<64x16xf32, #tpu.memory_space<vmem>>, vector<16xf32>,
    tpu.vector_store %arg13[%swap3A_788, %swap3A_789], %broadcast_in_dim3A_786 {strides = array<i32>} : memref<64x16xf32, #tpu.memory_space<vmem>>, vector<16xf32>,
    %slice3A_791 = vector.extract_strided_slice %get3A_685 {offsets = [7], sizes = [1], strides = [1]} : vector<16xf32> to vector<1xf32>
    %squeeze3A_792 = vector.extract %slice3A_791[0] : f32 from vector<1xf32>
    %broadcast_in_dim3A_793 = vector.broadcast %squeeze3A_792 : f32 to vector<16xf32>
    %swap3A_794 = arith.constant 55 : i32
    %swap3A_795 = arith.index_cast %swap3A_794 : i32 to index
    %swap3A_796 = arith.constant 0 : index
    %swap3A_797 = tpu.vector_load %arg14[%swap3A_795, %swap3A_796] {strides = array<i32>} : memref<64x16xf32, #tpu.memory_space<vmem>>, vector<16xf32>,
    tpu.vector_store %arg14[%swap3A_795, %swap3A_796], %broadcast_in_dim3A_793 {strides = array<i32>} : memref<64x16xf32, #tpu.memory_space<vmem>>, vector<16xf32>,
    %slice3A_798 = vector.extract_strided_slice %get3A_683 {offsets = [8], sizes = [1], strides = [1]} : vector<16xf32> to vector<1xf32>
    %squeeze3A_799 = vector.extract %slice3A_798[0] : f32 from vector<1xf32>
    %broadcast_in_dim3A_800 = vector.broadcast %squeeze3A_799 : f32 to vector<16xf32>
    %swap3A_801 = arith.constant 56 : i32
    %swap3A_802 = arith.index_cast %swap3A_801 : i32 to index
    %swap3A_803 = arith.constant 0 : index
    %swap3A_804 = tpu.vector_load %arg13[%swap3A_802, %swap3A_803] {strides = array<i32>} : memref<64x16xf32, #tpu.memory_space<vmem>>, vector<16xf32>,
    tpu.vector_store %arg13[%swap3A_802, %swap3A_803], %broadcast_in_dim3A_800 {strides = array<i32>} : memref<64x16xf32, #tpu.memory_space<vmem>>, vector<16xf32>,
    %slice3A_805 = vector.extract_strided_slice %get3A_685 {offsets = [8], sizes = [1], strides = [1]} : vector<16xf32> to vector<1xf32>
    %squeeze3A_806 = vector.extract %slice3A_805[0] : f32 from vector<1xf32>
    %broadcast_in_dim3A_807 = vector.broadcast %squeeze3A_806 : f32 to vector<16xf32>
    %swap3A_808 = arith.constant 56 : i32
    %swap3A_809 = arith.index_cast %swap3A_808 : i32 to index
    %swap3A_810 = arith.constant 0 : index
    %swap3A_811 = tpu.vector_load %arg14[%swap3A_809, %swap3A_810] {strides = array<i32>} : memref<64x16xf32, #tpu.memory_space<vmem>>, vector<16xf32>,
    tpu.vector_store %arg14[%swap3A_809, %swap3A_810], %broadcast_in_dim3A_807 {strides = array<i32>} : memref<64x16xf32, #tpu.memory_space<vmem>>, vector<16xf32>,
    %slice3A_812 = vector.extract_strided_slice %get3A_683 {offsets = [9], sizes = [1], strides = [1]} : vector<16xf32> to vector<1xf32>
    %squeeze3A_813 = vector.extract %slice3A_812[0] : f32 from vector<1xf32>
    %broadcast_in_dim3A_814 = vector.broadcast %squeeze3A_813 : f32 to vector<16xf32>
    %swap3A_815 = arith.constant 57 : i32
    %swap3A_816 = arith.index_cast %swap3A_815 : i32 to index
    %swap3A_817 = arith.constant 0 : index
    %swap3A_818 = tpu.vector_load %arg13[%swap3A_816, %swap3A_817] {strides = array<i32>} : memref<64x16xf32, #tpu.memory_space<vmem>>, vector<16xf32>,
    tpu.vector_store %arg13[%swap3A_816, %swap3A_817], %broadcast_in_dim3A_814 {strides = array<i32>} : memref<64x16xf32, #tpu.memory_space<vmem>>, vector<16xf32>,
    %slice3A_819 = vector.extract_strided_slice %get3A_685 {offsets = [9], sizes = [1], strides = [1]} : vector<16xf32> to vector<1xf32>
    %squeeze3A_820 = vector.extract %slice3A_819[0] : f32 from vector<1xf32>
    %broadcast_in_dim3A_821 = vector.broadcast %squeeze3A_820 : f32 to vector<16xf32>
    %swap3A_822 = arith.constant 57 : i32
    %swap3A_823 = arith.index_cast %swap3A_822 : i32 to index
    %swap3A_824 = arith.constant 0 : index
    %swap3A_825 = tpu.vector_load %arg14[%swap3A_823, %swap3A_824] {strides = array<i32>} : memref<64x16xf32, #tpu.memory_space<vmem>>, vector<16xf32>,
    tpu.vector_store %arg14[%swap3A_823, %swap3A_824], %broadcast_in_dim3A_821 {strides = array<i32>} : memref<64x16xf32, #tpu.memory_space<vmem>>, vector<16xf32>,
    %slice3A_826 = vector.extract_strided_slice %get3A_683 {offsets = [10], sizes = [1], strides = [1]} : vector<16xf32> to vector<1xf32>
    %squeeze3A_827 = vector.extract %slice3A_826[0] : f32 from vector<1xf32>
    %broadcast_in_dim3A_828 = vector.broadcast %squeeze3A_827 : f32 to vector<16xf32>
    %swap3A_829 = arith.constant 58 : i32
    %swap3A_830 = arith.index_cast %swap3A_829 : i32 to index
    %swap3A_831 = arith.constant 0 : index
    %swap3A_832 = tpu.vector_load %arg13[%swap3A_830, %swap3A_831] {strides = array<i32>} : memref<64x16xf32, #tpu.memory_space<vmem>>, vector<16xf32>,
    tpu.vector_store %arg13[%swap3A_830, %swap3A_831], %broadcast_in_dim3A_828 {strides = array<i32>} : memref<64x16xf32, #tpu.memory_space<vmem>>, vector<16xf32>,
    %slice3A_833 = vector.extract_strided_slice %get3A_685 {offsets = [10], sizes = [1], strides = [1]} : vector<16xf32> to vector<1xf32>
    %squeeze3A_834 = vector.extract %slice3A_833[0] : f32 from vector<1xf32>
    %broadcast_in_dim3A_835 = vector.broadcast %squeeze3A_834 : f32 to vector<16xf32>
    %swap3A_836 = arith.constant 58 : i32
    %swap3A_837 = arith.index_cast %swap3A_836 : i32 to index
    %swap3A_838 = arith.constant 0 : index
    %swap3A_839 = tpu.vector_load %arg14[%swap3A_837, %swap3A_838] {strides = array<i32>} : memref<64x16xf32, #tpu.memory_space<vmem>>, vector<16xf32>,
    tpu.vector_store %arg14[%swap3A_837, %swap3A_838], %broadcast_in_dim3A_835 {strides = array<i32>} : memref<64x16xf32, #tpu.memory_space<vmem>>, vector<16xf32>,
    %slice3A_840 = vector.extract_strided_slice %get3A_683 {offsets = [11], sizes = [1], strides = [1]} : vector<16xf32> to vector<1xf32>
    %squeeze3A_841 = vector.extract %slice3A_840[0] : f32 from vector<1xf32>
    %broadcast_in_dim3A_842 = vector.broadcast %squeeze3A_841 : f32 to vector<16xf32>
    %swap3A_843 = arith.constant 59 : i32
    %swap3A_844 = arith.index_cast %swap3A_843 : i32 to index
    %swap3A_845 = arith.constant 0 : index
    %swap3A_846 = tpu.vector_load %arg13[%swap3A_844, %swap3A_845] {strides = array<i32>} : memref<64x16xf32, #tpu.memory_space<vmem>>, vector<16xf32>,
    tpu.vector_store %arg13[%swap3A_844, %swap3A_845], %broadcast_in_dim3A_842 {strides = array<i32>} : memref<64x16xf32, #tpu.memory_space<vmem>>, vector<16xf32>,
    %slice3A_847 = vector.extract_strided_slice %get3A_685 {offsets = [11], sizes = [1], strides = [1]} : vector<16xf32> to vector<1xf32>
    %squeeze3A_848 = vector.extract %slice3A_847[0] : f32 from vector<1xf32>
    %broadcast_in_dim3A_849 = vector.broadcast %squeeze3A_848 : f32 to vector<16xf32>
    %swap3A_850 = arith.constant 59 : i32
    %swap3A_851 = arith.index_cast %swap3A_850 : i32 to index
    %swap3A_852 = arith.constant 0 : index
    %swap3A_853 = tpu.vector_load %arg14[%swap3A_851, %swap3A_852] {strides = array<i32>} : memref<64x16xf32, #tpu.memory_space<vmem>>, vector<16xf32>,
    tpu.vector_store %arg14[%swap3A_851, %swap3A_852], %broadcast_in_dim3A_849 {strides = array<i32>} : memref<64x16xf32, #tpu.memory_space<vmem>>, vector<16xf32>,
    %slice3A_854 = vector.extract_strided_slice %get3A_683 {offsets = [12], sizes = [1], strides = [1]} : vector<16xf32> to vector<1xf32>
    %squeeze3A_855 = vector.extract %slice3A_854[0] : f32 from vector<1xf32>
    %broadcast_in_dim3A_856 = vector.broadcast %squeeze3A_855 : f32 to vector<16xf32>
    %swap3A_857 = arith.constant 60 : i32
    %swap3A_858 = arith.index_cast %swap3A_857 : i32 to index
    %swap3A_859 = arith.constant 0 : index
    %swap3A_860 = tpu.vector_load %arg13[%swap3A_858, %swap3A_859] {strides = array<i32>} : memref<64x16xf32, #tpu.memory_space<vmem>>, vector<16xf32>,
    tpu.vector_store %arg13[%swap3A_858, %swap3A_859], %broadcast_in_dim3A_856 {strides = array<i32>} : memref<64x16xf32, #tpu.memory_space<vmem>>, vector<16xf32>,
    %slice3A_861 = vector.extract_strided_slice %get3A_685 {offsets = [12], sizes = [1], strides = [1]} : vector<16xf32> to vector<1xf32>
    %squeeze3A_862 = vector.extract %slice3A_861[0] : f32 from vector<1xf32>
    %broadcast_in_dim3A_863 = vector.broadcast %squeeze3A_862 : f32 to vector<16xf32>
    %swap3A_864 = arith.constant 60 : i32
    %swap3A_865 = arith.index_cast %swap3A_864 : i32 to index
    %swap3A_866 = arith.constant 0 : index
    %swap3A_867 = tpu.vector_load %arg14[%swap3A_865, %swap3A_866] {strides = array<i32>} : memref<64x16xf32, #tpu.memory_space<vmem>>, vector<16xf32>,
    tpu.vector_store %arg14[%swap3A_865, %swap3A_866], %broadcast_in_dim3A_863 {strides = array<i32>} : memref<64x16xf32, #tpu.memory_space<vmem>>, vector<16xf32>,
    %slice3A_868 = vector.extract_strided_slice %get3A_683 {offsets = [13], sizes = [1], strides = [1]} : vector<16xf32> to vector<1xf32>
    %squeeze3A_869 = vector.extract %slice3A_868[0] : f32 from vector<1xf32>
    %broadcast_in_dim3A_870 = vector.broadcast %squeeze3A_869 : f32 to vector<16xf32>
    %swap3A_871 = arith.constant 61 : i32
    %swap3A_872 = arith.index_cast %swap3A_871 : i32 to index
    %swap3A_873 = arith.constant 0 : index
    %swap3A_874 = tpu.vector_load %arg13[%swap3A_872, %swap3A_873] {strides = array<i32>} : memref<64x16xf32, #tpu.memory_space<vmem>>, vector<16xf32>,
    tpu.vector_store %arg13[%swap3A_872, %swap3A_873], %broadcast_in_dim3A_870 {strides = array<i32>} : memref<64x16xf32, #tpu.memory_space<vmem>>, vector<16xf32>,
    %slice3A_875 = vector.extract_strided_slice %get3A_685 {offsets = [13], sizes = [1], strides = [1]} : vector<16xf32> to vector<1xf32>
    %squeeze3A_876 = vector.extract %slice3A_875[0] : f32 from vector<1xf32>
    %broadcast_in_dim3A_877 = vector.broadcast %squeeze3A_876 : f32 to vector<16xf32>
    %swap3A_878 = arith.constant 61 : i32
    %swap3A_879 = arith.index_cast %swap3A_878 : i32 to index
    %swap3A_880 = arith.constant 0 : index
    %swap3A_881 = tpu.vector_load %arg14[%swap3A_879, %swap3A_880] {strides = array<i32>} : memref<64x16xf32, #tpu.memory_space<vmem>>, vector<16xf32>,
    tpu.vector_store %arg14[%swap3A_879, %swap3A_880], %broadcast_in_dim3A_877 {strides = array<i32>} : memref<64x16xf32, #tpu.memory_space<vmem>>, vector<16xf32>,
    %slice3A_882 = vector.extract_strided_slice %get3A_683 {offsets = [14], sizes = [1], strides = [1]} : vector<16xf32> to vector<1xf32>
    %squeeze3A_883 = vector.extract %slice3A_882[0] : f32 from vector<1xf32>
    %broadcast_in_dim3A_884 = vector.broadcast %squeeze3A_883 : f32 to vector<16xf32>
    %swap3A_885 = arith.constant 62 : i32
    %swap3A_886 = arith.index_cast %swap3A_885 : i32 to index
    %swap3A_887 = arith.constant 0 : index
    %swap3A_888 = tpu.vector_load %arg13[%swap3A_886, %swap3A_887] {strides = array<i32>} : memref<64x16xf32, #tpu.memory_space<vmem>>, vector<16xf32>,
    tpu.vector_store %arg13[%swap3A_886, %swap3A_887], %broadcast_in_dim3A_884 {strides = array<i32>} : memref<64x16xf32, #tpu.memory_space<vmem>>, vector<16xf32>,
    %slice3A_889 = vector.extract_strided_slice %get3A_685 {offsets = [14], sizes = [1], strides = [1]} : vector<16xf32> to vector<1xf32>
    %squeeze3A_890 = vector.extract %slice3A_889[0] : f32 from vector<1xf32>
    %broadcast_in_dim3A_891 = vector.broadcast %squeeze3A_890 : f32 to vector<16xf32>
    %swap3A_892 = arith.constant 62 : i32
    %swap3A_893 = arith.index_cast %swap3A_892 : i32 to index
    %swap3A_894 = arith.constant 0 : index
    %swap3A_895 = tpu.vector_load %arg14[%swap3A_893, %swap3A_894] {strides = array<i32>} : memref<64x16xf32, #tpu.memory_space<vmem>>, vector<16xf32>,
    tpu.vector_store %arg14[%swap3A_893, %swap3A_894], %broadcast_in_dim3A_891 {strides = array<i32>} : memref<64x16xf32, #tpu.memory_space<vmem>>, vector<16xf32>,
    %slice3A_896 = vector.extract_strided_slice %get3A_683 {offsets = [15], sizes = [1], strides = [1]} : vector<16xf32> to vector<1xf32>
    %squeeze3A_897 = vector.extract %slice3A_896[0] : f32 from vector<1xf32>
    %broadcast_in_dim3A_898 = vector.broadcast %squeeze3A_897 : f32 to vector<16xf32>
    %swap3A_899 = arith.constant 63 : i32
    %swap3A_900 = arith.index_cast %swap3A_899 : i32 to index
    %swap3A_901 = arith.constant 0 : index
    %swap3A_902 = tpu.vector_load %arg13[%swap3A_900, %swap3A_901] {strides = array<i32>} : memref<64x16xf32, #tpu.memory_space<vmem>>, vector<16xf32>,
    tpu.vector_store %arg13[%swap3A_900, %swap3A_901], %broadcast_in_dim3A_898 {strides = array<i32>} : memref<64x16xf32, #tpu.memory_space<vmem>>, vector<16xf32>,
    %slice3A_903 = vector.extract_strided_slice %get3A_685 {offsets = [15], sizes = [1], strides = [1]} : vector<16xf32> to vector<1xf32>
    %squeeze3A_904 = vector.extract %slice3A_903[0] : f32 from vector<1xf32>
    %broadcast_in_dim3A_905 = vector.broadcast %squeeze3A_904 : f32 to vector<16xf32>
    %swap3A_906 = arith.constant 63 : i32
    %swap3A_907 = arith.index_cast %swap3A_906 : i32 to index
    %swap3A_908 = arith.constant 0 : index
    %swap3A_909 = tpu.vector_load %arg14[%swap3A_907, %swap3A_908] {strides = array<i32>} : memref<64x16xf32, #tpu.memory_space<vmem>>, vector<16xf32>,
    tpu.vector_store %arg14[%swap3A_907, %swap3A_908], %broadcast_in_dim3A_905 {strides = array<i32>} : memref<64x16xf32, #tpu.memory_space<vmem>>, vector<16xf32>,
    %run_scoped3A = arith.constant 0 : i32
    %run_scoped3A_910 = arith.constant 0 : i32
    "tpu.region"() ({
      %run_scoped3A_1314 = tpu.sem_alloc : memref<!tpu.dma_semaphore, #tpu.memory_space<semaphore_mem>>
      %dma_start3A_1315 = arith.constant 0 : i32
      %dma_start3A_1316 = arith.constant 0 : i32
      %dma_start3A_1317 = tpu.memref_slice %arg7[%run_scoped3A_910, %dma_start3A_1315, %dma_start3A_1316] : memref<2x8x128xi32, #tpu.memory_space<vmem>> -> memref<1x8x128xi32, #tpu.memory_space<vmem>>
      %dma_start3A_1318 = tpu.memref_squeeze %dma_start3A_1317 : memref<1x8x128xi32, #tpu.memory_space<vmem>> -> memref<8x128xi32, #tpu.memory_space<vmem>>
      %dma_start3A_1319 = arith.constant 0 : i32
      %dma_start3A_1320 = arith.constant 0 : i32
      %dma_start3A_1321 = tpu.memref_slice %arg2[%run_scoped3A, %add3A, %dma_start3A_1319, %dma_start3A_1320] : memref<25x32x8x128xi32, #tpu.memory_space<hbm>> -> memref<1x1x8x128xi32, #tpu.memory_space<hbm>>
      %dma_start3A_1322 = tpu.memref_squeeze %dma_start3A_1321 : memref<1x1x8x128xi32, #tpu.memory_space<hbm>> -> memref<8x128xi32, #tpu.memory_space<hbm>>
      %dma_start3A_1323 = arith.constant 0 : i32
      %dma_start3A_1324 = arith.constant 0 : i32
      %dma_start3A_1325 = tpu.memref_slice %arg7[%run_scoped3A_910, %dma_start3A_1323, %dma_start3A_1324] : memref<2x8x128xi32, #tpu.memory_space<vmem>> -> memref<1x8x128xi32, #tpu.memory_space<vmem>>
      %dma_start3A_1326 = tpu.memref_squeeze %dma_start3A_1325 : memref<1x8x128xi32, #tpu.memory_space<vmem>> -> memref<8x128xi32, #tpu.memory_space<vmem>>
      %dma_start3A_1327 = arith.constant 0 : i32
      %dma_start3A_1328 = arith.constant 0 : i32
      %dma_start3A_1329 = tpu.memref_slice %arg2[%run_scoped3A, %add3A, %dma_start3A_1327, %dma_start3A_1328] : memref<25x32x8x128xi32, #tpu.memory_space<hbm>> -> memref<1x1x8x128xi32, #tpu.memory_space<hbm>>
      %dma_start3A_1330 = tpu.memref_squeeze %dma_start3A_1329 : memref<1x1x8x128xi32, #tpu.memory_space<hbm>> -> memref<8x128xi32, #tpu.memory_space<hbm>>
      tpu.enqueue_dma source(%dma_start3A_1330 : memref<8x128xi32, #tpu.memory_space<hbm>>) target(%dma_start3A_1326 : memref<8x128xi32, #tpu.memory_space<vmem>>) target_semaphore(%run_scoped3A_1314 : memref<!tpu.dma_semaphore, #tpu.memory_space<semaphore_mem>>)
      %dma_wait3A_1331 = arith.constant 0 : i32
      %dma_wait3A_1332 = arith.constant 0 : i32
      %dma_wait3A_1333 = tpu.memref_slice %arg7[%run_scoped3A_910, %dma_wait3A_1331, %dma_wait3A_1332] : memref<2x8x128xi32, #tpu.memory_space<vmem>> -> memref<1x8x128xi32, #tpu.memory_space<vmem>>
      %dma_wait3A_1334 = tpu.memref_squeeze %dma_wait3A_1333 : memref<1x8x128xi32, #tpu.memory_space<vmem>> -> memref<8x128xi32, #tpu.memory_space<vmem>>
      %dma_wait3A_1335 = arith.constant 0 : i32
      %dma_wait3A_1336 = arith.constant 0 : i32
      %dma_wait3A_1337 = tpu.memref_slice %arg2[%run_scoped3A, %add3A, %dma_wait3A_1335, %dma_wait3A_1336] : memref<25x32x8x128xi32, #tpu.memory_space<hbm>> -> memref<1x1x8x128xi32, #tpu.memory_space<hbm>>
      %dma_wait3A_1338 = tpu.memref_squeeze %dma_wait3A_1337 : memref<1x1x8x128xi32, #tpu.memory_space<hbm>> -> memref<8x128xi32, #tpu.memory_space<hbm>>
      %dma_wait3A_1339 = arith.constant 0 : i32
      %dma_wait3A_1340 = arith.constant 0 : i32
      %dma_wait3A_1341 = tpu.memref_slice %arg7[%run_scoped3A_910, %dma_wait3A_1339, %dma_wait3A_1340] : memref<2x8x128xi32, #tpu.memory_space<vmem>> -> memref<1x8x128xi32, #tpu.memory_space<vmem>>
      %dma_wait3A_1342 = tpu.memref_squeeze %dma_wait3A_1341 : memref<1x8x128xi32, #tpu.memory_space<vmem>> -> memref<8x128xi32, #tpu.memory_space<vmem>>
      %dma_wait3A_1343 = arith.constant 0 : i32
      %dma_wait3A_1344 = arith.constant 0 : i32
      %dma_wait3A_1345 = tpu.memref_slice %arg2[%run_scoped3A, %add3A, %dma_wait3A_1343, %dma_wait3A_1344] : memref<25x32x8x128xi32, #tpu.memory_space<hbm>> -> memref<1x1x8x128xi32, #tpu.memory_space<hbm>>
      %dma_wait3A_1346 = tpu.memref_squeeze %dma_wait3A_1345 : memref<1x1x8x128xi32, #tpu.memory_space<hbm>> -> memref<8x128xi32, #tpu.memory_space<hbm>>
      tpu.wait_dma2 semaphore(%run_scoped3A_1314 : memref<!tpu.dma_semaphore, #tpu.memory_space<semaphore_mem>>) src(%dma_wait3A_1346 : memref<8x128xi32, #tpu.memory_space<hbm>>) dst(%dma_wait3A_1342 : memref<8x128xi32, #tpu.memory_space<vmem>>)
      tpu.yield
    }) : () -> ()
    %dma_start3A = arith.constant 0 : i32
    %dma_start3A_911 = arith.constant 0 : i32
    %dma_start3A_912 = arith.constant 0 : i32
    %dma_start3A_913 = arith.constant 0 : i32
    %dma_start3A_914 = arith.constant 0 : i32
    %dma_start3A_915 = arith.constant 0 : i32
    %dma_start3A_916 = tpu.memref_slice %arg8[%dma_start3A_912, %dma_start3A_914, %dma_start3A_915] : memref<3x128x64xf32, #tpu.memory_space<vmem>> -> memref<1x128x64xf32, #tpu.memory_space<vmem>>
    %dma_start3A_917 = tpu.memref_squeeze %dma_start3A_916 : memref<1x128x64xf32, #tpu.memory_space<vmem>> -> memref<128x64xf32, #tpu.memory_space<vmem>>
    %dma_start3A_918 = arith.constant 0 : i32
    %dma_start3A_919 = tpu.memref_slice %arg7[%dma_start3A, %dma_start3A_911, %dma_start3A_918] : memref<2x8x128xi32, #tpu.memory_space<vmem>> -> memref<1x1x128xi32, #tpu.memory_space<vmem>>
    %dma_start3A_920 = tpu.memref_squeeze %dma_start3A_919 : memref<1x1x128xi32, #tpu.memory_space<vmem>> -> memref<128xi32, #tpu.memory_space<vmem>>
    %dma_start3A_921 = arith.constant 0 : i32
    %dma_start3A_922 = arith.constant 0 : i32
    %dma_start3A_923 = tpu.memref_slice %arg3[%dma_start3A_921, %dma_start3A_922] : memref<1000000x64xf32, #tpu.memory_space<hbm>> -> memref<1000000x64xf32, #tpu.memory_space<hbm>>
    %dma_start3A_924 = tpu.memref_slice %arg15[%dma_start3A_913] : memref<3x!tpu.dma_semaphore, #tpu.memory_space<semaphore_mem>> -> memref<1x!tpu.dma_semaphore, #tpu.memory_space<semaphore_mem>>
    %dma_start3A_925 = tpu.memref_squeeze %dma_start3A_924 : memref<1x!tpu.dma_semaphore, #tpu.memory_space<semaphore_mem>> -> memref<!tpu.dma_semaphore, #tpu.memory_space<semaphore_mem>>
    tpu.enqueue_indirect_dma source(%dma_start3A_923 : memref<1000000x64xf32, #tpu.memory_space<hbm>>) target(%dma_start3A_917 : memref<128x64xf32, #tpu.memory_space<vmem>>) offsets(%dma_start3A_920 : memref<128xi32, #tpu.memory_space<vmem>>) semaphore(%dma_start3A_925 : memref<!tpu.dma_semaphore, #tpu.memory_space<semaphore_mem>>)
    %dma_start3A_926 = arith.constant 0 : i32
    %dma_start3A_927 = arith.constant 1 : i32
    %dma_start3A_928 = arith.constant 1 : i32
    %dma_start3A_929 = arith.constant 1 : i32
    %dma_start3A_930 = arith.constant 0 : i32
    %dma_start3A_931 = arith.constant 0 : i32
    %dma_start3A_932 = tpu.memref_slice %arg8[%dma_start3A_928, %dma_start3A_930, %dma_start3A_931] : memref<3x128x64xf32, #tpu.memory_space<vmem>> -> memref<1x128x64xf32, #tpu.memory_space<vmem>>
    %dma_start3A_933 = tpu.memref_squeeze %dma_start3A_932 : memref<1x128x64xf32, #tpu.memory_space<vmem>> -> memref<128x64xf32, #tpu.memory_space<vmem>>
    %dma_start3A_934 = arith.constant 0 : i32
    %dma_start3A_935 = tpu.memref_slice %arg7[%dma_start3A_926, %dma_start3A_927, %dma_start3A_934] : memref<2x8x128xi32, #tpu.memory_space<vmem>> -> memref<1x1x128xi32, #tpu.memory_space<vmem>>
    %dma_start3A_936 = tpu.memref_squeeze %dma_start3A_935 : memref<1x1x128xi32, #tpu.memory_space<vmem>> -> memref<128xi32, #tpu.memory_space<vmem>>
    %dma_start3A_937 = arith.constant 0 : i32
    %dma_start3A_938 = arith.constant 0 : i32
    %dma_start3A_939 = tpu.memref_slice %arg3[%dma_start3A_937, %dma_start3A_938] : memref<1000000x64xf32, #tpu.memory_space<hbm>> -> memref<1000000x64xf32, #tpu.memory_space<hbm>>
    %dma_start3A_940 = tpu.memref_slice %arg15[%dma_start3A_929] : memref<3x!tpu.dma_semaphore, #tpu.memory_space<semaphore_mem>> -> memref<1x!tpu.dma_semaphore, #tpu.memory_space<semaphore_mem>>
    %dma_start3A_941 = tpu.memref_squeeze %dma_start3A_940 : memref<1x!tpu.dma_semaphore, #tpu.memory_space<semaphore_mem>> -> memref<!tpu.dma_semaphore, #tpu.memory_space<semaphore_mem>>
    tpu.enqueue_indirect_dma source(%dma_start3A_939 : memref<1000000x64xf32, #tpu.memory_space<hbm>>) target(%dma_start3A_933 : memref<128x64xf32, #tpu.memory_space<vmem>>) offsets(%dma_start3A_936 : memref<128xi32, #tpu.memory_space<vmem>>) semaphore(%dma_start3A_941 : memref<!tpu.dma_semaphore, #tpu.memory_space<semaphore_mem>>)
    %scan3A = arith.constant 0 : i32
    %scan3A_942 = arith.constant 0 : i32
    %scan3A_943 = arith.constant 200 : i32
    %scan3A_944 = arith.addi %scan3A_942, %scan3A_943 : i32
    %scan3A_945 = arith.constant 1 : i32
    scf.for %scan3A_1314 = %scan3A_942 to %scan3A_944 step %scan3A_945  : i32 {
      %rem3A = arith.constant 3 : i32
      %rem3A_1315 = arith.remsi %scan3A_1314, %rem3A : i32
      %rem3A_1316 = arith.constant 2 : i32
      %rem3A_1317 = arith.remsi %scan3A_1314, %rem3A_1316 : i32
      %div3A = arith.constant 8 : i32
      %div3A_1318 = arith.divsi %scan3A_1314, %div3A : i32
      %rem3A_1319 = arith.constant 8 : i32
      %rem3A_1320 = arith.remsi %scan3A_1314, %rem3A_1319 : i32
      %eq3A = arith.constant 0 : i32
      %eq3A_1321 = arith.cmpi eq, %rem3A_1320, %eq3A : i32
      %add3A_1322 = arith.constant 1 : i32
      %add3A_1323 = arith.addi %div3A_1318, %add3A_1322 : i32
      %lt3A = arith.constant 25 : i32
      %lt3A_1324 = arith.cmpi slt, %add3A_1323, %lt3A : i32
      %and3A = arith.andi %eq3A_1321, %lt3A_1324 : i1
      %convert_element_type3A = arith.extui %and3A : i1 to i32
      %cond3A = arith.constant 0 : i32
      %cond3A_1325 = arith.cmpi ne, %convert_element_type3A, %cond3A : i32
      scf.if %cond3A_1325 {
        %add3A_1735 = arith.constant 1 : i32
        %add3A_1736 = arith.addi %div3A_1318, %add3A_1735 : i32
        %add3A_1737 = arith.constant 1 : i32
        %add3A_1738 = arith.addi %div3A_1318, %add3A_1737 : i32
        %rem3A_1739 = arith.constant 2 : i32
        %rem3A_1740 = arith.remsi %add3A_1738, %rem3A_1739 : i32
        "tpu.region"() ({
          %run_scoped3A_1741 = tpu.sem_alloc : memref<!tpu.dma_semaphore, #tpu.memory_space<semaphore_mem>>
          %dma_start3A_1742 = arith.constant 0 : i32
          %dma_start3A_1743 = arith.constant 0 : i32
          %dma_start3A_1744 = tpu.memref_slice %arg7[%rem3A_1740, %dma_start3A_1742, %dma_start3A_1743] : memref<2x8x128xi32, #tpu.memory_space<vmem>> -> memref<1x8x128xi32, #tpu.memory_space<vmem>>
          %dma_start3A_1745 = tpu.memref_squeeze %dma_start3A_1744 : memref<1x8x128xi32, #tpu.memory_space<vmem>> -> memref<8x128xi32, #tpu.memory_space<vmem>>
          %dma_start3A_1746 = arith.constant 0 : i32
          %dma_start3A_1747 = arith.constant 0 : i32
          %dma_start3A_1748 = tpu.memref_slice %arg2[%add3A_1736, %add3A, %dma_start3A_1746, %dma_start3A_1747] : memref<25x32x8x128xi32, #tpu.memory_space<hbm>> -> memref<1x1x8x128xi32, #tpu.memory_space<hbm>>
          %dma_start3A_1749 = tpu.memref_squeeze %dma_start3A_1748 : memref<1x1x8x128xi32, #tpu.memory_space<hbm>> -> memref<8x128xi32, #tpu.memory_space<hbm>>
          %dma_start3A_1750 = arith.constant 0 : i32
          %dma_start3A_1751 = arith.constant 0 : i32
          %dma_start3A_1752 = tpu.memref_slice %arg7[%rem3A_1740, %dma_start3A_1750, %dma_start3A_1751] : memref<2x8x128xi32, #tpu.memory_space<vmem>> -> memref<1x8x128xi32, #tpu.memory_space<vmem>>
          %dma_start3A_1753 = tpu.memref_squeeze %dma_start3A_1752 : memref<1x8x128xi32, #tpu.memory_space<vmem>> -> memref<8x128xi32, #tpu.memory_space<vmem>>
          %dma_start3A_1754 = arith.constant 0 : i32
          %dma_start3A_1755 = arith.constant 0 : i32
          %dma_start3A_1756 = tpu.memref_slice %arg2[%add3A_1736, %add3A, %dma_start3A_1754, %dma_start3A_1755] : memref<25x32x8x128xi32, #tpu.memory_space<hbm>> -> memref<1x1x8x128xi32, #tpu.memory_space<hbm>>
          %dma_start3A_1757 = tpu.memref_squeeze %dma_start3A_1756 : memref<1x1x8x128xi32, #tpu.memory_space<hbm>> -> memref<8x128xi32, #tpu.memory_space<hbm>>
          tpu.enqueue_dma source(%dma_start3A_1757 : memref<8x128xi32, #tpu.memory_space<hbm>>) target(%dma_start3A_1753 : memref<8x128xi32, #tpu.memory_space<vmem>>) target_semaphore(%run_scoped3A_1741 : memref<!tpu.dma_semaphore, #tpu.memory_space<semaphore_mem>>)
          %dma_wait3A_1758 = arith.constant 0 : i32
          %dma_wait3A_1759 = arith.constant 0 : i32
          %dma_wait3A_1760 = tpu.memref_slice %arg7[%rem3A_1740, %dma_wait3A_1758, %dma_wait3A_1759] : memref<2x8x128xi32, #tpu.memory_space<vmem>> -> memref<1x8x128xi32, #tpu.memory_space<vmem>>
          %dma_wait3A_1761 = tpu.memref_squeeze %dma_wait3A_1760 : memref<1x8x128xi32, #tpu.memory_space<vmem>> -> memref<8x128xi32, #tpu.memory_space<vmem>>
          %dma_wait3A_1762 = arith.constant 0 : i32
          %dma_wait3A_1763 = arith.constant 0 : i32
          %dma_wait3A_1764 = tpu.memref_slice %arg2[%add3A_1736, %add3A, %dma_wait3A_1762, %dma_wait3A_1763] : memref<25x32x8x128xi32, #tpu.memory_space<hbm>> -> memref<1x1x8x128xi32, #tpu.memory_space<hbm>>
          %dma_wait3A_1765 = tpu.memref_squeeze %dma_wait3A_1764 : memref<1x1x8x128xi32, #tpu.memory_space<hbm>> -> memref<8x128xi32, #tpu.memory_space<hbm>>
          %dma_wait3A_1766 = arith.constant 0 : i32
          %dma_wait3A_1767 = arith.constant 0 : i32
          %dma_wait3A_1768 = tpu.memref_slice %arg7[%rem3A_1740, %dma_wait3A_1766, %dma_wait3A_1767] : memref<2x8x128xi32, #tpu.memory_space<vmem>> -> memref<1x8x128xi32, #tpu.memory_space<vmem>>
          %dma_wait3A_1769 = tpu.memref_squeeze %dma_wait3A_1768 : memref<1x8x128xi32, #tpu.memory_space<vmem>> -> memref<8x128xi32, #tpu.memory_space<vmem>>
          %dma_wait3A_1770 = arith.constant 0 : i32
          %dma_wait3A_1771 = arith.constant 0 : i32
          %dma_wait3A_1772 = tpu.memref_slice %arg2[%add3A_1736, %add3A, %dma_wait3A_1770, %dma_wait3A_1771] : memref<25x32x8x128xi32, #tpu.memory_space<hbm>> -> memref<1x1x8x128xi32, #tpu.memory_space<hbm>>
          %dma_wait3A_1773 = tpu.memref_squeeze %dma_wait3A_1772 : memref<1x1x8x128xi32, #tpu.memory_space<hbm>> -> memref<8x128xi32, #tpu.memory_space<hbm>>
          tpu.wait_dma2 semaphore(%run_scoped3A_1741 : memref<!tpu.dma_semaphore, #tpu.memory_space<semaphore_mem>>) src(%dma_wait3A_1773 : memref<8x128xi32, #tpu.memory_space<hbm>>) dst(%dma_wait3A_1769 : memref<8x128xi32, #tpu.memory_space<vmem>>)
          tpu.yield
        }) : () -> ()
      } else {
      }
      %add3A_1326 = arith.constant 2 : i32
      %add3A_1327 = arith.addi %scan3A_1314, %add3A_1326 : i32
      %lt3A_1328 = arith.constant 200 : i32
      %lt3A_1329 = arith.cmpi slt, %add3A_1327, %lt3A_1328 : i32
      %convert_element_type3A_1330 = arith.extui %lt3A_1329 : i1 to i32
      %cond3A_1331 = arith.constant 0 : i32
      %cond3A_1332 = arith.cmpi ne, %convert_element_type3A_1330, %cond3A_1331 : i32
      scf.if %cond3A_1332 {
        %add3A_1735 = arith.constant 2 : i32
        %add3A_1736 = arith.addi %scan3A_1314, %add3A_1735 : i32
        %div3A_1737 = arith.constant 8 : i32
        %div3A_1738 = arith.divsi %add3A_1736, %div3A_1737 : i32
        %add3A_1739 = arith.constant 2 : i32
        %add3A_1740 = arith.addi %scan3A_1314, %add3A_1739 : i32
        %rem3A_1741 = arith.constant 8 : i32
        %rem3A_1742 = arith.remsi %add3A_1740, %rem3A_1741 : i32
        %rem3A_1743 = arith.constant 2 : i32
        %rem3A_1744 = arith.remsi %div3A_1738, %rem3A_1743 : i32
        %add3A_1745 = arith.constant 2 : i32
        %add3A_1746 = arith.addi %scan3A_1314, %add3A_1745 : i32
        %rem3A_1747 = arith.constant 3 : i32
        %rem3A_1748 = arith.remsi %add3A_1746, %rem3A_1747 : i32
        %add3A_1749 = arith.constant 2 : i32
        %add3A_1750 = arith.addi %scan3A_1314, %add3A_1749 : i32
        %rem3A_1751 = arith.constant 3 : i32
        %rem3A_1752 = arith.remsi %add3A_1750, %rem3A_1751 : i32
        %dma_start3A_1753 = arith.constant 0 : i32
        %dma_start3A_1754 = arith.constant 0 : i32
        %dma_start3A_1755 = tpu.memref_slice %arg8[%rem3A_1748, %dma_start3A_1753, %dma_start3A_1754] : memref<3x128x64xf32, #tpu.memory_space<vmem>> -> memref<1x128x64xf32, #tpu.memory_space<vmem>>
        %dma_start3A_1756 = tpu.memref_squeeze %dma_start3A_1755 : memref<1x128x64xf32, #tpu.memory_space<vmem>> -> memref<128x64xf32, #tpu.memory_space<vmem>>
        %dma_start3A_1757 = arith.constant 0 : i32
        %dma_start3A_1758 = tpu.memref_slice %arg7[%rem3A_1744, %rem3A_1742, %dma_start3A_1757] : memref<2x8x128xi32, #tpu.memory_space<vmem>> -> memref<1x1x128xi32, #tpu.memory_space<vmem>>
        %dma_start3A_1759 = tpu.memref_squeeze %dma_start3A_1758 : memref<1x1x128xi32, #tpu.memory_space<vmem>> -> memref<128xi32, #tpu.memory_space<vmem>>
        %dma_start3A_1760 = arith.constant 0 : i32
        %dma_start3A_1761 = arith.constant 0 : i32
        %dma_start3A_1762 = tpu.memref_slice %arg3[%dma_start3A_1760, %dma_start3A_1761] : memref<1000000x64xf32, #tpu.memory_space<hbm>> -> memref<1000000x64xf32, #tpu.memory_space<hbm>>
        %dma_start3A_1763 = tpu.memref_slice %arg15[%rem3A_1752] : memref<3x!tpu.dma_semaphore, #tpu.memory_space<semaphore_mem>> -> memref<1x!tpu.dma_semaphore, #tpu.memory_space<semaphore_mem>>
        %dma_start3A_1764 = tpu.memref_squeeze %dma_start3A_1763 : memref<1x!tpu.dma_semaphore, #tpu.memory_space<semaphore_mem>> -> memref<!tpu.dma_semaphore, #tpu.memory_space<semaphore_mem>>
        tpu.enqueue_indirect_dma source(%dma_start3A_1762 : memref<1000000x64xf32, #tpu.memory_space<hbm>>) target(%dma_start3A_1756 : memref<128x64xf32, #tpu.memory_space<vmem>>) offsets(%dma_start3A_1759 : memref<128xi32, #tpu.memory_space<vmem>>) semaphore(%dma_start3A_1764 : memref<!tpu.dma_semaphore, #tpu.memory_space<semaphore_mem>>)
      } else {
      }
      %dma_wait3A_1333 = arith.constant 0 : i32
      %dma_wait3A_1334 = arith.constant 0 : i32
      %dma_wait3A_1335 = arith.constant 0 : i32
      %dma_wait3A_1336 = arith.constant 0 : i32
      %dma_wait3A_1337 = tpu.memref_slice %arg8[%rem3A_1315, %dma_wait3A_1335, %dma_wait3A_1336] : memref<3x128x64xf32, #tpu.memory_space<vmem>> -> memref<1x128x64xf32, #tpu.memory_space<vmem>>
      %dma_wait3A_1338 = tpu.memref_squeeze %dma_wait3A_1337 : memref<1x128x64xf32, #tpu.memory_space<vmem>> -> memref<128x64xf32, #tpu.memory_space<vmem>>
      %dma_wait3A_1339 = arith.constant 0 : i32
      %dma_wait3A_1340 = tpu.memref_slice %arg7[%dma_wait3A_1333, %dma_wait3A_1334, %dma_wait3A_1339] : memref<2x8x128xi32, #tpu.memory_space<vmem>> -> memref<1x1x128xi32, #tpu.memory_space<vmem>>
      %dma_wait3A_1341 = tpu.memref_squeeze %dma_wait3A_1340 : memref<1x1x128xi32, #tpu.memory_space<vmem>> -> memref<128xi32, #tpu.memory_space<vmem>>
      %dma_wait3A_1342 = arith.constant 0 : i32
      %dma_wait3A_1343 = arith.constant 0 : i32
      %dma_wait3A_1344 = tpu.memref_slice %arg3[%dma_wait3A_1342, %dma_wait3A_1343] : memref<1000000x64xf32, #tpu.memory_space<hbm>> -> memref<1000000x64xf32, #tpu.memory_space<hbm>>
      %dma_wait3A_1345 = tpu.memref_slice %arg15[%rem3A_1315] : memref<3x!tpu.dma_semaphore, #tpu.memory_space<semaphore_mem>> -> memref<1x!tpu.dma_semaphore, #tpu.memory_space<semaphore_mem>>
      %dma_wait3A_1346 = tpu.memref_squeeze %dma_wait3A_1345 : memref<1x!tpu.dma_semaphore, #tpu.memory_space<semaphore_mem>> -> memref<!tpu.dma_semaphore, #tpu.memory_space<semaphore_mem>>
      tpu.wait_indirect_dma semaphore(%dma_wait3A_1346 : memref<!tpu.dma_semaphore, #tpu.memory_space<semaphore_mem>>) src(%dma_wait3A_1344 : memref<1000000x64xf32, #tpu.memory_space<hbm>>) dst(%dma_wait3A_1338 : memref<128x64xf32, #tpu.memory_space<vmem>>)
      %ge3A = arith.constant 2 : i32
      %ge3A_1347 = arith.cmpi sge, %scan3A_1314, %ge3A : i32
      %convert_element_type3A_1348 = arith.extui %ge3A_1347 : i1 to i32
      %cond3A_1349 = arith.constant 0 : i32
      %cond3A_1350 = arith.cmpi ne, %convert_element_type3A_1348, %cond3A_1349 : i32
      scf.if %cond3A_1350 {
        %dma_wait3A_1735 = arith.constant 0 : i32
        %dma_wait3A_1736 = arith.constant 0 : i32
        %dma_wait3A_1737 = arith.constant 0 : i32
        %dma_wait3A_1738 = arith.constant 0 : i32
        %dma_wait3A_1739 = arith.constant 0 : i32
        %dma_wait3A_1740 = tpu.memref_slice %arg9[%rem3A_1317, %dma_wait3A_1738, %dma_wait3A_1739] : memref<2x64x128xf32, #tpu.memory_space<vmem>> -> memref<1x8x128xf32, #tpu.memory_space<vmem>>
        %dma_wait3A_1741 = tpu.memref_squeeze %dma_wait3A_1740 : memref<1x8x128xf32, #tpu.memory_space<vmem>> -> memref<8x128xf32, #tpu.memory_space<vmem>>
        %dma_wait3A_1742 = arith.constant 0 : i32
        %dma_wait3A_1743 = arith.constant 0 : i32
        %dma_wait3A_1744 = tpu.memref_slice %arg6[%dma_wait3A_1735, %dma_wait3A_1736, %dma_wait3A_1737, %dma_wait3A_1742, %dma_wait3A_1743] : memref<200x8x32x8x128xf32, #tpu.memory_space<hbm>> -> memref<1x1x1x8x128xf32, #tpu.memory_space<hbm>>
        %dma_wait3A_1745 = tpu.memref_squeeze %dma_wait3A_1744 : memref<1x1x1x8x128xf32, #tpu.memory_space<hbm>> -> memref<8x128xf32, #tpu.memory_space<hbm>>
        %dma_wait3A_1746 = tpu.memref_slice %arg16[%rem3A_1317] : memref<2x!tpu.dma_semaphore, #tpu.memory_space<semaphore_mem>> -> memref<1x!tpu.dma_semaphore, #tpu.memory_space<semaphore_mem>>
        %dma_wait3A_1747 = tpu.memref_squeeze %dma_wait3A_1746 : memref<1x!tpu.dma_semaphore, #tpu.memory_space<semaphore_mem>> -> memref<!tpu.dma_semaphore, #tpu.memory_space<semaphore_mem>>
        %dma_wait3A_1748 = arith.constant 0 : i32
        %dma_wait3A_1749 = arith.constant 0 : i32
        %dma_wait3A_1750 = tpu.memref_slice %arg6[%dma_wait3A_1735, %dma_wait3A_1736, %dma_wait3A_1737, %dma_wait3A_1748, %dma_wait3A_1749] : memref<200x8x32x8x128xf32, #tpu.memory_space<hbm>> -> memref<1x1x1x8x128xf32, #tpu.memory_space<hbm>>
        %dma_wait3A_1751 = tpu.memref_squeeze %dma_wait3A_1750 : memref<1x1x1x8x128xf32, #tpu.memory_space<hbm>> -> memref<8x128xf32, #tpu.memory_space<hbm>>
        %dma_wait3A_1752 = arith.constant 0 : i32
        %dma_wait3A_1753 = arith.constant 0 : i32
        %dma_wait3A_1754 = tpu.memref_slice %arg9[%rem3A_1317, %dma_wait3A_1752, %dma_wait3A_1753] : memref<2x64x128xf32, #tpu.memory_space<vmem>> -> memref<1x8x128xf32, #tpu.memory_space<vmem>>
        %dma_wait3A_1755 = tpu.memref_squeeze %dma_wait3A_1754 : memref<1x8x128xf32, #tpu.memory_space<vmem>> -> memref<8x128xf32, #tpu.memory_space<vmem>>
        tpu.wait_dma2 semaphore(%dma_wait3A_1747 : memref<!tpu.dma_semaphore, #tpu.memory_space<semaphore_mem>>) src(%dma_wait3A_1755 : memref<8x128xf32, #tpu.memory_space<vmem>>) dst(%dma_wait3A_1751 : memref<8x128xf32, #tpu.memory_space<hbm>>)
        %dma_wait3A_1756 = arith.constant 0 : i32
        %dma_wait3A_1757 = arith.constant 1 : i32
        %dma_wait3A_1758 = arith.constant 0 : i32
        %dma_wait3A_1759 = arith.constant 8 : i32
        %dma_wait3A_1760 = arith.constant 0 : i32
        %dma_wait3A_1761 = tpu.memref_slice %arg9[%rem3A_1317, %dma_wait3A_1759, %dma_wait3A_1760] : memref<2x64x128xf32, #tpu.memory_space<vmem>> -> memref<1x8x128xf32, #tpu.memory_space<vmem>>
        %dma_wait3A_1762 = tpu.memref_squeeze %dma_wait3A_1761 : memref<1x8x128xf32, #tpu.memory_space<vmem>> -> memref<8x128xf32, #tpu.memory_space<vmem>>
        %dma_wait3A_1763 = arith.constant 0 : i32
        %dma_wait3A_1764 = arith.constant 0 : i32
        %dma_wait3A_1765 = tpu.memref_slice %arg6[%dma_wait3A_1756, %dma_wait3A_1757, %dma_wait3A_1758, %dma_wait3A_1763, %dma_wait3A_1764] : memref<200x8x32x8x128xf32, #tpu.memory_space<hbm>> -> memref<1x1x1x8x128xf32, #tpu.memory_space<hbm>>
        %dma_wait3A_1766 = tpu.memref_squeeze %dma_wait3A_1765 : memref<1x1x1x8x128xf32, #tpu.memory_space<hbm>> -> memref<8x128xf32, #tpu.memory_space<hbm>>
        %dma_wait3A_1767 = tpu.memref_slice %arg16[%rem3A_1317] : memref<2x!tpu.dma_semaphore, #tpu.memory_space<semaphore_mem>> -> memref<1x!tpu.dma_semaphore, #tpu.memory_space<semaphore_mem>>
        %dma_wait3A_1768 = tpu.memref_squeeze %dma_wait3A_1767 : memref<1x!tpu.dma_semaphore, #tpu.memory_space<semaphore_mem>> -> memref<!tpu.dma_semaphore, #tpu.memory_space<semaphore_mem>>
        %dma_wait3A_1769 = arith.constant 0 : i32
        %dma_wait3A_1770 = arith.constant 0 : i32
        %dma_wait3A_1771 = tpu.memref_slice %arg6[%dma_wait3A_1756, %dma_wait3A_1757, %dma_wait3A_1758, %dma_wait3A_1769, %dma_wait3A_1770] : memref<200x8x32x8x128xf32, #tpu.memory_space<hbm>> -> memref<1x1x1x8x128xf32, #tpu.memory_space<hbm>>
        %dma_wait3A_1772 = tpu.memref_squeeze %dma_wait3A_1771 : memref<1x1x1x8x128xf32, #tpu.memory_space<hbm>> -> memref<8x128xf32, #tpu.memory_space<hbm>>
        %dma_wait3A_1773 = arith.constant 8 : i32
        %dma_wait3A_1774 = arith.constant 0 : i32
        %dma_wait3A_1775 = tpu.memref_slice %arg9[%rem3A_1317, %dma_wait3A_1773, %dma_wait3A_1774] : memref<2x64x128xf32, #tpu.memory_space<vmem>> -> memref<1x8x128xf32, #tpu.memory_space<vmem>>
        %dma_wait3A_1776 = tpu.memref_squeeze %dma_wait3A_1775 : memref<1x8x128xf32, #tpu.memory_space<vmem>> -> memref<8x128xf32, #tpu.memory_space<vmem>>
        tpu.wait_dma2 semaphore(%dma_wait3A_1768 : memref<!tpu.dma_semaphore, #tpu.memory_space<semaphore_mem>>) src(%dma_wait3A_1776 : memref<8x128xf32, #tpu.memory_space<vmem>>) dst(%dma_wait3A_1772 : memref<8x128xf32, #tpu.memory_space<hbm>>)
        %dma_wait3A_1777 = arith.constant 0 : i32
        %dma_wait3A_1778 = arith.constant 2 : i32
        %dma_wait3A_1779 = arith.constant 0 : i32
        %dma_wait3A_1780 = arith.constant 16 : i32
        %dma_wait3A_1781 = arith.constant 0 : i32
        %dma_wait3A_1782 = tpu.memref_slice %arg9[%rem3A_1317, %dma_wait3A_1780, %dma_wait3A_1781] : memref<2x64x128xf32, #tpu.memory_space<vmem>> -> memref<1x8x128xf32, #tpu.memory_space<vmem>>
        %dma_wait3A_1783 = tpu.memref_squeeze %dma_wait3A_1782 : memref<1x8x128xf32, #tpu.memory_space<vmem>> -> memref<8x128xf32, #tpu.memory_space<vmem>>
        %dma_wait3A_1784 = arith.constant 0 : i32
        %dma_wait3A_1785 = arith.constant 0 : i32
        %dma_wait3A_1786 = tpu.memref_slice %arg6[%dma_wait3A_1777, %dma_wait3A_1778, %dma_wait3A_1779, %dma_wait3A_1784, %dma_wait3A_1785] : memref<200x8x32x8x128xf32, #tpu.memory_space<hbm>> -> memref<1x1x1x8x128xf32, #tpu.memory_space<hbm>>
        %dma_wait3A_1787 = tpu.memref_squeeze %dma_wait3A_1786 : memref<1x1x1x8x128xf32, #tpu.memory_space<hbm>> -> memref<8x128xf32, #tpu.memory_space<hbm>>
        %dma_wait3A_1788 = tpu.memref_slice %arg16[%rem3A_1317] : memref<2x!tpu.dma_semaphore, #tpu.memory_space<semaphore_mem>> -> memref<1x!tpu.dma_semaphore, #tpu.memory_space<semaphore_mem>>
        %dma_wait3A_1789 = tpu.memref_squeeze %dma_wait3A_1788 : memref<1x!tpu.dma_semaphore, #tpu.memory_space<semaphore_mem>> -> memref<!tpu.dma_semaphore, #tpu.memory_space<semaphore_mem>>
        %dma_wait3A_1790 = arith.constant 0 : i32
        %dma_wait3A_1791 = arith.constant 0 : i32
        %dma_wait3A_1792 = tpu.memref_slice %arg6[%dma_wait3A_1777, %dma_wait3A_1778, %dma_wait3A_1779, %dma_wait3A_1790, %dma_wait3A_1791] : memref<200x8x32x8x128xf32, #tpu.memory_space<hbm>> -> memref<1x1x1x8x128xf32, #tpu.memory_space<hbm>>
        %dma_wait3A_1793 = tpu.memref_squeeze %dma_wait3A_1792 : memref<1x1x1x8x128xf32, #tpu.memory_space<hbm>> -> memref<8x128xf32, #tpu.memory_space<hbm>>
        %dma_wait3A_1794 = arith.constant 16 : i32
        %dma_wait3A_1795 = arith.constant 0 : i32
        %dma_wait3A_1796 = tpu.memref_slice %arg9[%rem3A_1317, %dma_wait3A_1794, %dma_wait3A_1795] : memref<2x64x128xf32, #tpu.memory_space<vmem>> -> memref<1x8x128xf32, #tpu.memory_space<vmem>>
        %dma_wait3A_1797 = tpu.memref_squeeze %dma_wait3A_1796 : memref<1x8x128xf32, #tpu.memory_space<vmem>> -> memref<8x128xf32, #tpu.memory_space<vmem>>
        tpu.wait_dma2 semaphore(%dma_wait3A_1789 : memref<!tpu.dma_semaphore, #tpu.memory_space<semaphore_mem>>) src(%dma_wait3A_1797 : memref<8x128xf32, #tpu.memory_space<vmem>>) dst(%dma_wait3A_1793 : memref<8x128xf32, #tpu.memory_space<hbm>>)
        %dma_wait3A_1798 = arith.constant 0 : i32
        %dma_wait3A_1799 = arith.constant 3 : i32
        %dma_wait3A_1800 = arith.constant 0 : i32
        %dma_wait3A_1801 = arith.constant 24 : i32
        %dma_wait3A_1802 = arith.constant 0 : i32
        %dma_wait3A_1803 = tpu.memref_slice %arg9[%rem3A_1317, %dma_wait3A_1801, %dma_wait3A_1802] : memref<2x64x128xf32, #tpu.memory_space<vmem>> -> memref<1x8x128xf32, #tpu.memory_space<vmem>>
        %dma_wait3A_1804 = tpu.memref_squeeze %dma_wait3A_1803 : memref<1x8x128xf32, #tpu.memory_space<vmem>> -> memref<8x128xf32, #tpu.memory_space<vmem>>
        %dma_wait3A_1805 = arith.constant 0 : i32
        %dma_wait3A_1806 = arith.constant 0 : i32
        %dma_wait3A_1807 = tpu.memref_slice %arg6[%dma_wait3A_1798, %dma_wait3A_1799, %dma_wait3A_1800, %dma_wait3A_1805, %dma_wait3A_1806] : memref<200x8x32x8x128xf32, #tpu.memory_space<hbm>> -> memref<1x1x1x8x128xf32, #tpu.memory_space<hbm>>
        %dma_wait3A_1808 = tpu.memref_squeeze %dma_wait3A_1807 : memref<1x1x1x8x128xf32, #tpu.memory_space<hbm>> -> memref<8x128xf32, #tpu.memory_space<hbm>>
        %dma_wait3A_1809 = tpu.memref_slice %arg16[%rem3A_1317] : memref<2x!tpu.dma_semaphore, #tpu.memory_space<semaphore_mem>> -> memref<1x!tpu.dma_semaphore, #tpu.memory_space<semaphore_mem>>
        %dma_wait3A_1810 = tpu.memref_squeeze %dma_wait3A_1809 : memref<1x!tpu.dma_semaphore, #tpu.memory_space<semaphore_mem>> -> memref<!tpu.dma_semaphore, #tpu.memory_space<semaphore_mem>>
        %dma_wait3A_1811 = arith.constant 0 : i32
        %dma_wait3A_1812 = arith.constant 0 : i32
        %dma_wait3A_1813 = tpu.memref_slice %arg6[%dma_wait3A_1798, %dma_wait3A_1799, %dma_wait3A_1800, %dma_wait3A_1811, %dma_wait3A_1812] : memref<200x8x32x8x128xf32, #tpu.memory_space<hbm>> -> memref<1x1x1x8x128xf32, #tpu.memory_space<hbm>>
        %dma_wait3A_1814 = tpu.memref_squeeze %dma_wait3A_1813 : memref<1x1x1x8x128xf32, #tpu.memory_space<hbm>> -> memref<8x128xf32, #tpu.memory_space<hbm>>
        %dma_wait3A_1815 = arith.constant 24 : i32
        %dma_wait3A_1816 = arith.constant 0 : i32
        %dma_wait3A_1817 = tpu.memref_slice %arg9[%rem3A_1317, %dma_wait3A_1815, %dma_wait3A_1816] : memref<2x64x128xf32, #tpu.memory_space<vmem>> -> memref<1x8x128xf32, #tpu.memory_space<vmem>>
        %dma_wait3A_1818 = tpu.memref_squeeze %dma_wait3A_1817 : memref<1x8x128xf32, #tpu.memory_space<vmem>> -> memref<8x128xf32, #tpu.memory_space<vmem>>
        tpu.wait_dma2 semaphore(%dma_wait3A_1810 : memref<!tpu.dma_semaphore, #tpu.memory_space<semaphore_mem>>) src(%dma_wait3A_1818 : memref<8x128xf32, #tpu.memory_space<vmem>>) dst(%dma_wait3A_1814 : memref<8x128xf32, #tpu.memory_space<hbm>>)
        %dma_wait3A_1819 = arith.constant 0 : i32
        %dma_wait3A_1820 = arith.constant 4 : i32
        %dma_wait3A_1821 = arith.constant 0 : i32
        %dma_wait3A_1822 = arith.constant 32 : i32
        %dma_wait3A_1823 = arith.constant 0 : i32
        %dma_wait3A_1824 = tpu.memref_slice %arg9[%rem3A_1317, %dma_wait3A_1822, %dma_wait3A_1823] : memref<2x64x128xf32, #tpu.memory_space<vmem>> -> memref<1x8x128xf32, #tpu.memory_space<vmem>>
        %dma_wait3A_1825 = tpu.memref_squeeze %dma_wait3A_1824 : memref<1x8x128xf32, #tpu.memory_space<vmem>> -> memref<8x128xf32, #tpu.memory_space<vmem>>
        %dma_wait3A_1826 = arith.constant 0 : i32
        %dma_wait3A_1827 = arith.constant 0 : i32
        %dma_wait3A_1828 = tpu.memref_slice %arg6[%dma_wait3A_1819, %dma_wait3A_1820, %dma_wait3A_1821, %dma_wait3A_1826, %dma_wait3A_1827] : memref<200x8x32x8x128xf32, #tpu.memory_space<hbm>> -> memref<1x1x1x8x128xf32, #tpu.memory_space<hbm>>
        %dma_wait3A_1829 = tpu.memref_squeeze %dma_wait3A_1828 : memref<1x1x1x8x128xf32, #tpu.memory_space<hbm>> -> memref<8x128xf32, #tpu.memory_space<hbm>>
        %dma_wait3A_1830 = tpu.memref_slice %arg16[%rem3A_1317] : memref<2x!tpu.dma_semaphore, #tpu.memory_space<semaphore_mem>> -> memref<1x!tpu.dma_semaphore, #tpu.memory_space<semaphore_mem>>
        %dma_wait3A_1831 = tpu.memref_squeeze %dma_wait3A_1830 : memref<1x!tpu.dma_semaphore, #tpu.memory_space<semaphore_mem>> -> memref<!tpu.dma_semaphore, #tpu.memory_space<semaphore_mem>>
        %dma_wait3A_1832 = arith.constant 0 : i32
        %dma_wait3A_1833 = arith.constant 0 : i32
        %dma_wait3A_1834 = tpu.memref_slice %arg6[%dma_wait3A_1819, %dma_wait3A_1820, %dma_wait3A_1821, %dma_wait3A_1832, %dma_wait3A_1833] : memref<200x8x32x8x128xf32, #tpu.memory_space<hbm>> -> memref<1x1x1x8x128xf32, #tpu.memory_space<hbm>>
        %dma_wait3A_1835 = tpu.memref_squeeze %dma_wait3A_1834 : memref<1x1x1x8x128xf32, #tpu.memory_space<hbm>> -> memref<8x128xf32, #tpu.memory_space<hbm>>
        %dma_wait3A_1836 = arith.constant 32 : i32
        %dma_wait3A_1837 = arith.constant 0 : i32
        %dma_wait3A_1838 = tpu.memref_slice %arg9[%rem3A_1317, %dma_wait3A_1836, %dma_wait3A_1837] : memref<2x64x128xf32, #tpu.memory_space<vmem>> -> memref<1x8x128xf32, #tpu.memory_space<vmem>>
        %dma_wait3A_1839 = tpu.memref_squeeze %dma_wait3A_1838 : memref<1x8x128xf32, #tpu.memory_space<vmem>> -> memref<8x128xf32, #tpu.memory_space<vmem>>
        tpu.wait_dma2 semaphore(%dma_wait3A_1831 : memref<!tpu.dma_semaphore, #tpu.memory_space<semaphore_mem>>) src(%dma_wait3A_1839 : memref<8x128xf32, #tpu.memory_space<vmem>>) dst(%dma_wait3A_1835 : memref<8x128xf32, #tpu.memory_space<hbm>>)
        %dma_wait3A_1840 = arith.constant 0 : i32
        %dma_wait3A_1841 = arith.constant 5 : i32
        %dma_wait3A_1842 = arith.constant 0 : i32
        %dma_wait3A_1843 = arith.constant 40 : i32
        %dma_wait3A_1844 = arith.constant 0 : i32
        %dma_wait3A_1845 = tpu.memref_slice %arg9[%rem3A_1317, %dma_wait3A_1843, %dma_wait3A_1844] : memref<2x64x128xf32, #tpu.memory_space<vmem>> -> memref<1x8x128xf32, #tpu.memory_space<vmem>>
        %dma_wait3A_1846 = tpu.memref_squeeze %dma_wait3A_1845 : memref<1x8x128xf32, #tpu.memory_space<vmem>> -> memref<8x128xf32, #tpu.memory_space<vmem>>
        %dma_wait3A_1847 = arith.constant 0 : i32
        %dma_wait3A_1848 = arith.constant 0 : i32
        %dma_wait3A_1849 = tpu.memref_slice %arg6[%dma_wait3A_1840, %dma_wait3A_1841, %dma_wait3A_1842, %dma_wait3A_1847, %dma_wait3A_1848] : memref<200x8x32x8x128xf32, #tpu.memory_space<hbm>> -> memref<1x1x1x8x128xf32, #tpu.memory_space<hbm>>
        %dma_wait3A_1850 = tpu.memref_squeeze %dma_wait3A_1849 : memref<1x1x1x8x128xf32, #tpu.memory_space<hbm>> -> memref<8x128xf32, #tpu.memory_space<hbm>>
        %dma_wait3A_1851 = tpu.memref_slice %arg16[%rem3A_1317] : memref<2x!tpu.dma_semaphore, #tpu.memory_space<semaphore_mem>> -> memref<1x!tpu.dma_semaphore, #tpu.memory_space<semaphore_mem>>
        %dma_wait3A_1852 = tpu.memref_squeeze %dma_wait3A_1851 : memref<1x!tpu.dma_semaphore, #tpu.memory_space<semaphore_mem>> -> memref<!tpu.dma_semaphore, #tpu.memory_space<semaphore_mem>>
        %dma_wait3A_1853 = arith.constant 0 : i32
        %dma_wait3A_1854 = arith.constant 0 : i32
        %dma_wait3A_1855 = tpu.memref_slice %arg6[%dma_wait3A_1840, %dma_wait3A_1841, %dma_wait3A_1842, %dma_wait3A_1853, %dma_wait3A_1854] : memref<200x8x32x8x128xf32, #tpu.memory_space<hbm>> -> memref<1x1x1x8x128xf32, #tpu.memory_space<hbm>>
        %dma_wait3A_1856 = tpu.memref_squeeze %dma_wait3A_1855 : memref<1x1x1x8x128xf32, #tpu.memory_space<hbm>> -> memref<8x128xf32, #tpu.memory_space<hbm>>
        %dma_wait3A_1857 = arith.constant 40 : i32
        %dma_wait3A_1858 = arith.constant 0 : i32
        %dma_wait3A_1859 = tpu.memref_slice %arg9[%rem3A_1317, %dma_wait3A_1857, %dma_wait3A_1858] : memref<2x64x128xf32, #tpu.memory_space<vmem>> -> memref<1x8x128xf32, #tpu.memory_space<vmem>>
        %dma_wait3A_1860 = tpu.memref_squeeze %dma_wait3A_1859 : memref<1x8x128xf32, #tpu.memory_space<vmem>> -> memref<8x128xf32, #tpu.memory_space<vmem>>
        tpu.wait_dma2 semaphore(%dma_wait3A_1852 : memref<!tpu.dma_semaphore, #tpu.memory_space<semaphore_mem>>) src(%dma_wait3A_1860 : memref<8x128xf32, #tpu.memory_space<vmem>>) dst(%dma_wait3A_1856 : memref<8x128xf32, #tpu.memory_space<hbm>>)
        %dma_wait3A_1861 = arith.constant 0 : i32
        %dma_wait3A_1862 = arith.constant 6 : i32
        %dma_wait3A_1863 = arith.constant 0 : i32
        %dma_wait3A_1864 = arith.constant 48 : i32
        %dma_wait3A_1865 = arith.constant 0 : i32
        %dma_wait3A_1866 = tpu.memref_slice %arg9[%rem3A_1317, %dma_wait3A_1864, %dma_wait3A_1865] : memref<2x64x128xf32, #tpu.memory_space<vmem>> -> memref<1x8x128xf32, #tpu.memory_space<vmem>>
        %dma_wait3A_1867 = tpu.memref_squeeze %dma_wait3A_1866 : memref<1x8x128xf32, #tpu.memory_space<vmem>> -> memref<8x128xf32, #tpu.memory_space<vmem>>
        %dma_wait3A_1868 = arith.constant 0 : i32
        %dma_wait3A_1869 = arith.constant 0 : i32
        %dma_wait3A_1870 = tpu.memref_slice %arg6[%dma_wait3A_1861, %dma_wait3A_1862, %dma_wait3A_1863, %dma_wait3A_1868, %dma_wait3A_1869] : memref<200x8x32x8x128xf32, #tpu.memory_space<hbm>> -> memref<1x1x1x8x128xf32, #tpu.memory_space<hbm>>
        %dma_wait3A_1871 = tpu.memref_squeeze %dma_wait3A_1870 : memref<1x1x1x8x128xf32, #tpu.memory_space<hbm>> -> memref<8x128xf32, #tpu.memory_space<hbm>>
        %dma_wait3A_1872 = tpu.memref_slice %arg16[%rem3A_1317] : memref<2x!tpu.dma_semaphore, #tpu.memory_space<semaphore_mem>> -> memref<1x!tpu.dma_semaphore, #tpu.memory_space<semaphore_mem>>
        %dma_wait3A_1873 = tpu.memref_squeeze %dma_wait3A_1872 : memref<1x!tpu.dma_semaphore, #tpu.memory_space<semaphore_mem>> -> memref<!tpu.dma_semaphore, #tpu.memory_space<semaphore_mem>>
        %dma_wait3A_1874 = arith.constant 0 : i32
        %dma_wait3A_1875 = arith.constant 0 : i32
        %dma_wait3A_1876 = tpu.memref_slice %arg6[%dma_wait3A_1861, %dma_wait3A_1862, %dma_wait3A_1863, %dma_wait3A_1874, %dma_wait3A_1875] : memref<200x8x32x8x128xf32, #tpu.memory_space<hbm>> -> memref<1x1x1x8x128xf32, #tpu.memory_space<hbm>>
        %dma_wait3A_1877 = tpu.memref_squeeze %dma_wait3A_1876 : memref<1x1x1x8x128xf32, #tpu.memory_space<hbm>> -> memref<8x128xf32, #tpu.memory_space<hbm>>
        %dma_wait3A_1878 = arith.constant 48 : i32
        %dma_wait3A_1879 = arith.constant 0 : i32
        %dma_wait3A_1880 = tpu.memref_slice %arg9[%rem3A_1317, %dma_wait3A_1878, %dma_wait3A_1879] : memref<2x64x128xf32, #tpu.memory_space<vmem>> -> memref<1x8x128xf32, #tpu.memory_space<vmem>>
        %dma_wait3A_1881 = tpu.memref_squeeze %dma_wait3A_1880 : memref<1x8x128xf32, #tpu.memory_space<vmem>> -> memref<8x128xf32, #tpu.memory_space<vmem>>
        tpu.wait_dma2 semaphore(%dma_wait3A_1873 : memref<!tpu.dma_semaphore, #tpu.memory_space<semaphore_mem>>) src(%dma_wait3A_1881 : memref<8x128xf32, #tpu.memory_space<vmem>>) dst(%dma_wait3A_1877 : memref<8x128xf32, #tpu.memory_space<hbm>>)
        %dma_wait3A_1882 = arith.constant 0 : i32
        %dma_wait3A_1883 = arith.constant 7 : i32
        %dma_wait3A_1884 = arith.constant 0 : i32
        %dma_wait3A_1885 = arith.constant 56 : i32
        %dma_wait3A_1886 = arith.constant 0 : i32
        %dma_wait3A_1887 = tpu.memref_slice %arg9[%rem3A_1317, %dma_wait3A_1885, %dma_wait3A_1886] : memref<2x64x128xf32, #tpu.memory_space<vmem>> -> memref<1x8x128xf32, #tpu.memory_space<vmem>>
        %dma_wait3A_1888 = tpu.memref_squeeze %dma_wait3A_1887 : memref<1x8x128xf32, #tpu.memory_space<vmem>> -> memref<8x128xf32, #tpu.memory_space<vmem>>
        %dma_wait3A_1889 = arith.constant 0 : i32
        %dma_wait3A_1890 = arith.constant 0 : i32
        %dma_wait3A_1891 = tpu.memref_slice %arg6[%dma_wait3A_1882, %dma_wait3A_1883, %dma_wait3A_1884, %dma_wait3A_1889, %dma_wait3A_1890] : memref<200x8x32x8x128xf32, #tpu.memory_space<hbm>> -> memref<1x1x1x8x128xf32, #tpu.memory_space<hbm>>
        %dma_wait3A_1892 = tpu.memref_squeeze %dma_wait3A_1891 : memref<1x1x1x8x128xf32, #tpu.memory_space<hbm>> -> memref<8x128xf32, #tpu.memory_space<hbm>>
        %dma_wait3A_1893 = tpu.memref_slice %arg16[%rem3A_1317] : memref<2x!tpu.dma_semaphore, #tpu.memory_space<semaphore_mem>> -> memref<1x!tpu.dma_semaphore, #tpu.memory_space<semaphore_mem>>
        %dma_wait3A_1894 = tpu.memref_squeeze %dma_wait3A_1893 : memref<1x!tpu.dma_semaphore, #tpu.memory_space<semaphore_mem>> -> memref<!tpu.dma_semaphore, #tpu.memory_space<semaphore_mem>>
        %dma_wait3A_1895 = arith.constant 0 : i32
        %dma_wait3A_1896 = arith.constant 0 : i32
        %dma_wait3A_1897 = tpu.memref_slice %arg6[%dma_wait3A_1882, %dma_wait3A_1883, %dma_wait3A_1884, %dma_wait3A_1895, %dma_wait3A_1896] : memref<200x8x32x8x128xf32, #tpu.memory_space<hbm>> -> memref<1x1x1x8x128xf32, #tpu.memory_space<hbm>>
        %dma_wait3A_1898 = tpu.memref_squeeze %dma_wait3A_1897 : memref<1x1x1x8x128xf32, #tpu.memory_space<hbm>> -> memref<8x128xf32, #tpu.memory_space<hbm>>
        %dma_wait3A_1899 = arith.constant 56 : i32
        %dma_wait3A_1900 = arith.constant 0 : i32
        %dma_wait3A_1901 = tpu.memref_slice %arg9[%rem3A_1317, %dma_wait3A_1899, %dma_wait3A_1900] : memref<2x64x128xf32, #tpu.memory_space<vmem>> -> memref<1x8x128xf32, #tpu.memory_space<vmem>>
        %dma_wait3A_1902 = tpu.memref_squeeze %dma_wait3A_1901 : memref<1x8x128xf32, #tpu.memory_space<vmem>> -> memref<8x128xf32, #tpu.memory_space<vmem>>
        tpu.wait_dma2 semaphore(%dma_wait3A_1894 : memref<!tpu.dma_semaphore, #tpu.memory_space<semaphore_mem>>) src(%dma_wait3A_1902 : memref<8x128xf32, #tpu.memory_space<vmem>>) dst(%dma_wait3A_1898 : memref<8x128xf32, #tpu.memory_space<hbm>>)
      } else {
      }
      %scan3A_1351 = arith.constant 0 : i32
      %scan3A_1352 = arith.constant 0 : i32
      %scan3A_1353 = arith.constant 8 : i32
      %scan3A_1354 = arith.addi %scan3A_1352, %scan3A_1353 : i32
      %scan3A_1355 = arith.constant 1 : i32
      scf.for %scan3A_1735 = %scan3A_1352 to %scan3A_1354 step %scan3A_1355  : i32 {
        %mul3A_1736 = arith.constant 16 : i32
        %mul3A_1737 = arith.muli %scan3A_1735, %mul3A_1736 : i32
        %add3A_1738 = vector.broadcast %mul3A_1737 : i32 to vector<16xi32>
        %add3A_1739 = arith.addi %add3A_1738, %iota3A : vector<16xi32>
        %parallel_loop3A_1740 = arith.constant 0 : i32
        %parallel_loop3A_1741 = arith.constant 64 : i32
        %parallel_loop3A_1742 = arith.constant 1 : i32
        %parallel_loop3A_1743:2 = scf.for %parallel_loop3A_1801 = %parallel_loop3A_1740 to %parallel_loop3A_1741 step %parallel_loop3A_1742 iter_args(%parallel_loop3A_1802 = %broadcast_in_dim3A_1, %parallel_loop3A_1803 = %broadcast_in_dim3A_1) -> (vector<16xf32>, vector<16xf32>)  : i32 {
          %parallel_loop3A_1804 = vector.broadcast %parallel_loop3A_1801 : i32 to vector<16xi32>
          %parallel_loop3A_1805 = arith.addi %iota3A, %parallel_loop3A_1804 : vector<16xi32>
          %parallel_loop3A_1806 = arith.constant 63 : i32
          %parallel_loop3A_1807 = vector.broadcast %parallel_loop3A_1806 : i32 to vector<16xi32>
          %parallel_loop3A_1808 = arith.andi %parallel_loop3A_1805, %parallel_loop3A_1807 : vector<16xi32>
          %parallel_loop3A_1809 = arith.constant 0 : i32
          %parallel_loop3A_1810 = arith.constant 0 : i32
          %parallel_loop3A_1811 = tpu.memref_slice %arg8[%rem3A_1315, %parallel_loop3A_1809, %parallel_loop3A_1810] : memref<3x128x64xf32, #tpu.memory_space<vmem>> -> memref<1x128x64xf32, #tpu.memory_space<vmem>>
          %parallel_loop3A_1812 = tpu.memref_squeeze %parallel_loop3A_1811 : memref<1x128x64xf32, #tpu.memory_space<vmem>> -> memref<128x64xf32, #tpu.memory_space<vmem>>
          %parallel_loop3A_1813 = tpu.vector_load_idx %parallel_loop3A_1812[%add3A_1739, %parallel_loop3A_1808] : memref<128x64xf32, #tpu.memory_space<vmem>>[vector<16xi32>, vector<16xi32>], vector<16xf32>,
          %parallel_loop3A_1814 = arith.constant 0 : i32
          %parallel_loop3A_1815 = arith.constant 0 : i32
          %parallel_loop3A_1816 = tpu.memref_slice %arg9[%rem3A_1317, %parallel_loop3A_1814, %parallel_loop3A_1815] : memref<2x64x128xf32, #tpu.memory_space<vmem>> -> memref<1x64x128xf32, #tpu.memory_space<vmem>>
          %parallel_loop3A_1817 = tpu.memref_squeeze %parallel_loop3A_1816 : memref<1x64x128xf32, #tpu.memory_space<vmem>> -> memref<64x128xf32, #tpu.memory_space<vmem>>
          tpu.vector_store_idx %parallel_loop3A_1817[%parallel_loop3A_1808, %add3A_1739], %parallel_loop3A_1813 : memref<64x128xf32, #tpu.memory_space<vmem>>[vector<16xi32>, vector<16xi32>], vector<16xf32>,
          %parallel_loop3A_1818 = arith.addf %parallel_loop3A_1802, %parallel_loop3A_1813 : vector<16xf32>
          %parallel_loop3A_1819 = arith.mulf %parallel_loop3A_1813, %parallel_loop3A_1813 : vector<16xf32>
          %parallel_loop3A_1820 = arith.addf %parallel_loop3A_1803, %parallel_loop3A_1819 : vector<16xf32>
          scf.yield %parallel_loop3A_1818, %parallel_loop3A_1820 : vector<16xf32>, vector<16xf32>
        } {sc.loop_unroll_factor = 32 : i64, sc.parallel_access}
        %mul3A_1744 = arith.constant 1.562500e-02 : f32
        %mul3A_1745 = vector.broadcast %mul3A_1744 : f32 to vector<16xf32>
        %mul3A_1746 = arith.mulf %parallel_loop3A_1743#0, %mul3A_1745 : vector<16xf32>
        %mul3A_1747 = arith.constant 1.562500e-02 : f32
        %mul3A_1748 = vector.broadcast %mul3A_1747 : f32 to vector<16xf32>
        %mul3A_1749 = arith.mulf %parallel_loop3A_1743#1, %mul3A_1748 : vector<16xf32>
        %mul3A_1750 = arith.mulf %mul3A_1746, %mul3A_1746 : vector<16xf32>
        %sub3A = arith.subf %mul3A_1749, %mul3A_1750 : vector<16xf32>
        %add3A_1751 = arith.constant 9.99999974E-6 : f32
        %add3A_1752 = vector.broadcast %add3A_1751 : f32 to vector<16xf32>
        %add3A_1753 = arith.addf %sub3A, %add3A_1752 : vector<16xf32>
        %bitcast_convert_type3A = tpu.bitcast %add3A_1753 : vector<16xf32> -> vector<16xi32>
        %shift_right_logical3A = arith.constant 1 : i32
        %shift_right_logical3A_1754 = vector.broadcast %shift_right_logical3A : i32 to vector<16xi32>
        %shift_right_logical3A_1755 = arith.shrui %bitcast_convert_type3A, %shift_right_logical3A_1754 : vector<16xi32>
        %sub3A_1756 = arith.constant 1597463007 : i32
        %sub3A_1757 = vector.broadcast %sub3A_1756 : i32 to vector<16xi32>
        %sub3A_1758 = arith.subi %sub3A_1757, %shift_right_logical3A_1755 : vector<16xi32>
        %bitcast_convert_type3A_1759 = tpu.bitcast %sub3A_1758 : vector<16xi32> -> vector<16xf32>
        %mul3A_1760 = arith.constant 5.000000e-01 : f32
        %mul3A_1761 = vector.broadcast %mul3A_1760 : f32 to vector<16xf32>
        %mul3A_1762 = arith.mulf %mul3A_1761, %add3A_1753 : vector<16xf32>
        %mul3A_1763 = arith.mulf %mul3A_1762, %bitcast_convert_type3A_1759 : vector<16xf32>
        %mul3A_1764 = arith.mulf %mul3A_1763, %bitcast_convert_type3A_1759 : vector<16xf32>
        %sub3A_1765 = arith.constant 1.500000e+00 : f32
        %sub3A_1766 = vector.broadcast %sub3A_1765 : f32 to vector<16xf32>
        %sub3A_1767 = arith.subf %sub3A_1766, %mul3A_1764 : vector<16xf32>
        %mul3A_1768 = arith.mulf %bitcast_convert_type3A_1759, %sub3A_1767 : vector<16xf32>
        %mul3A_1769 = arith.mulf %mul3A_1762, %mul3A_1768 : vector<16xf32>
        %mul3A_1770 = arith.mulf %mul3A_1769, %mul3A_1768 : vector<16xf32>
        %sub3A_1771 = arith.constant 1.500000e+00 : f32
        %sub3A_1772 = vector.broadcast %sub3A_1771 : f32 to vector<16xf32>
        %sub3A_1773 = arith.subf %sub3A_1772, %mul3A_1770 : vector<16xf32>
        %mul3A_1774 = arith.mulf %mul3A_1768, %sub3A_1773 : vector<16xf32>
        %mul3A_1775 = arith.mulf %mul3A_1762, %mul3A_1774 : vector<16xf32>
        %mul3A_1776 = arith.mulf %mul3A_1775, %mul3A_1774 : vector<16xf32>
        %sub3A_1777 = arith.constant 1.500000e+00 : f32
        %sub3A_1778 = vector.broadcast %sub3A_1777 : f32 to vector<16xf32>
        %sub3A_1779 = arith.subf %sub3A_1778, %mul3A_1776 : vector<16xf32>
        %mul3A_1780 = arith.mulf %mul3A_1774, %sub3A_1779 : vector<16xf32>
        %swap3A_1781 = arith.constant 0 : i32
        %swap3A_1782 = arith.constant 0 : i32
        %swap3A_1783 = arith.constant 0 : i32
        %swap3A_1784 = arith.constant 0 : i32
        %swap3A_1785 = tpu.memref_slice %arg10[%rem3A_1317, %swap3A_1782, %swap3A_1783, %swap3A_1784] : memref<2x2x8x16xf32, #tpu.memory_space<vmem>> -> memref<1x2x8x16xf32, #tpu.memory_space<vmem>>
        %swap3A_1786 = tpu.memref_squeeze %swap3A_1785 : memref<1x2x8x16xf32, #tpu.memory_space<vmem>> -> memref<2x8x16xf32, #tpu.memory_space<vmem>>
        %swap3A_1787 = arith.index_cast %swap3A_1781 : i32 to index
        %swap3A_1788 = arith.index_cast %scan3A_1735 : i32 to index
        %swap3A_1789 = arith.constant 0 : index
        %swap3A_1790 = tpu.vector_load %swap3A_1786[%swap3A_1787, %swap3A_1788, %swap3A_1789] {strides = array<i32>} : memref<2x8x16xf32, #tpu.memory_space<vmem>>, vector<16xf32>,
        tpu.vector_store %swap3A_1786[%swap3A_1787, %swap3A_1788, %swap3A_1789], %mul3A_1746 {strides = array<i32>} : memref<2x8x16xf32, #tpu.memory_space<vmem>>, vector<16xf32>,
        %swap3A_1791 = arith.constant 1 : i32
        %swap3A_1792 = arith.constant 0 : i32
        %swap3A_1793 = arith.constant 0 : i32
        %swap3A_1794 = arith.constant 0 : i32
        %swap3A_1795 = tpu.memref_slice %arg10[%rem3A_1317, %swap3A_1792, %swap3A_1793, %swap3A_1794] : memref<2x2x8x16xf32, #tpu.memory_space<vmem>> -> memref<1x2x8x16xf32, #tpu.memory_space<vmem>>
        %swap3A_1796 = tpu.memref_squeeze %swap3A_1795 : memref<1x2x8x16xf32, #tpu.memory_space<vmem>> -> memref<2x8x16xf32, #tpu.memory_space<vmem>>
        %swap3A_1797 = arith.index_cast %swap3A_1791 : i32 to index
        %swap3A_1798 = arith.index_cast %scan3A_1735 : i32 to index
        %swap3A_1799 = arith.constant 0 : index
        %swap3A_1800 = tpu.vector_load %swap3A_1796[%swap3A_1797, %swap3A_1798, %swap3A_1799] {strides = array<i32>} : memref<2x8x16xf32, #tpu.memory_space<vmem>>, vector<16xf32>,
        tpu.vector_store %swap3A_1796[%swap3A_1797, %swap3A_1798, %swap3A_1799], %mul3A_1780 {strides = array<i32>} : memref<2x8x16xf32, #tpu.memory_space<vmem>>, vector<16xf32>,
      }
      %scan3A_1356 = arith.constant 8 : i32
      %get3A_1357 = arith.constant 0 : i32
      %get3A_1358 = arith.constant 0 : i32
      %get3A_1359 = arith.constant 0 : i32
      %get3A_1360 = arith.constant 0 : i32
      %get3A_1361 = arith.constant 0 : i32
      %get3A_1362 = tpu.memref_slice %arg10[%rem3A_1317, %get3A_1359, %get3A_1360, %get3A_1361] : memref<2x2x8x16xf32, #tpu.memory_space<vmem>> -> memref<1x2x8x16xf32, #tpu.memory_space<vmem>>
      %get3A_1363 = tpu.memref_squeeze %get3A_1362 : memref<1x2x8x16xf32, #tpu.memory_space<vmem>> -> memref<2x8x16xf32, #tpu.memory_space<vmem>>
      %get3A_1364 = arith.index_cast %get3A_1357 : i32 to index
      %get3A_1365 = arith.index_cast %get3A_1358 : i32 to index
      %get3A_1366 = arith.constant 0 : index
      %get3A_1367 = tpu.vector_load %get3A_1363[%get3A_1364, %get3A_1365, %get3A_1366] {strides = array<i32>} : memref<2x8x16xf32, #tpu.memory_space<vmem>>, vector<16xf32>,
      %get3A_1368 = arith.constant 0 : i32
      %get3A_1369 = arith.constant 1 : i32
      %get3A_1370 = arith.constant 0 : i32
      %get3A_1371 = arith.constant 0 : i32
      %get3A_1372 = arith.constant 0 : i32
      %get3A_1373 = tpu.memref_slice %arg10[%rem3A_1317, %get3A_1370, %get3A_1371, %get3A_1372] : memref<2x2x8x16xf32, #tpu.memory_space<vmem>> -> memref<1x2x8x16xf32, #tpu.memory_space<vmem>>
      %get3A_1374 = tpu.memref_squeeze %get3A_1373 : memref<1x2x8x16xf32, #tpu.memory_space<vmem>> -> memref<2x8x16xf32, #tpu.memory_space<vmem>>
      %get3A_1375 = arith.index_cast %get3A_1368 : i32 to index
      %get3A_1376 = arith.index_cast %get3A_1369 : i32 to index
      %get3A_1377 = arith.constant 0 : index
      %get3A_1378 = tpu.vector_load %get3A_1374[%get3A_1375, %get3A_1376, %get3A_1377] {strides = array<i32>} : memref<2x8x16xf32, #tpu.memory_space<vmem>>, vector<16xf32>,
      %get3A_1379 = arith.constant 0 : i32
      %get3A_1380 = arith.constant 2 : i32
      %get3A_1381 = arith.constant 0 : i32
      %get3A_1382 = arith.constant 0 : i32
      %get3A_1383 = arith.constant 0 : i32
      %get3A_1384 = tpu.memref_slice %arg10[%rem3A_1317, %get3A_1381, %get3A_1382, %get3A_1383] : memref<2x2x8x16xf32, #tpu.memory_space<vmem>> -> memref<1x2x8x16xf32, #tpu.memory_space<vmem>>
      %get3A_1385 = tpu.memref_squeeze %get3A_1384 : memref<1x2x8x16xf32, #tpu.memory_space<vmem>> -> memref<2x8x16xf32, #tpu.memory_space<vmem>>
      %get3A_1386 = arith.index_cast %get3A_1379 : i32 to index
      %get3A_1387 = arith.index_cast %get3A_1380 : i32 to index
      %get3A_1388 = arith.constant 0 : index
      %get3A_1389 = tpu.vector_load %get3A_1385[%get3A_1386, %get3A_1387, %get3A_1388] {strides = array<i32>} : memref<2x8x16xf32, #tpu.memory_space<vmem>>, vector<16xf32>,
      %get3A_1390 = arith.constant 0 : i32
      %get3A_1391 = arith.constant 3 : i32
      %get3A_1392 = arith.constant 0 : i32
      %get3A_1393 = arith.constant 0 : i32
      %get3A_1394 = arith.constant 0 : i32
      %get3A_1395 = tpu.memref_slice %arg10[%rem3A_1317, %get3A_1392, %get3A_1393, %get3A_1394] : memref<2x2x8x16xf32, #tpu.memory_space<vmem>> -> memref<1x2x8x16xf32, #tpu.memory_space<vmem>>
      %get3A_1396 = tpu.memref_squeeze %get3A_1395 : memref<1x2x8x16xf32, #tpu.memory_space<vmem>> -> memref<2x8x16xf32, #tpu.memory_space<vmem>>
      %get3A_1397 = arith.index_cast %get3A_1390 : i32 to index
      %get3A_1398 = arith.index_cast %get3A_1391 : i32 to index
      %get3A_1399 = arith.constant 0 : index
      %get3A_1400 = tpu.vector_load %get3A_1396[%get3A_1397, %get3A_1398, %get3A_1399] {strides = array<i32>} : memref<2x8x16xf32, #tpu.memory_space<vmem>>, vector<16xf32>,
      %get3A_1401 = arith.constant 0 : i32
      %get3A_1402 = arith.constant 4 : i32
      %get3A_1403 = arith.constant 0 : i32
      %get3A_1404 = arith.constant 0 : i32
      %get3A_1405 = arith.constant 0 : i32
      %get3A_1406 = tpu.memref_slice %arg10[%rem3A_1317, %get3A_1403, %get3A_1404, %get3A_1405] : memref<2x2x8x16xf32, #tpu.memory_space<vmem>> -> memref<1x2x8x16xf32, #tpu.memory_space<vmem>>
      %get3A_1407 = tpu.memref_squeeze %get3A_1406 : memref<1x2x8x16xf32, #tpu.memory_space<vmem>> -> memref<2x8x16xf32, #tpu.memory_space<vmem>>
      %get3A_1408 = arith.index_cast %get3A_1401 : i32 to index
      %get3A_1409 = arith.index_cast %get3A_1402 : i32 to index
      %get3A_1410 = arith.constant 0 : index
      %get3A_1411 = tpu.vector_load %get3A_1407[%get3A_1408, %get3A_1409, %get3A_1410] {strides = array<i32>} : memref<2x8x16xf32, #tpu.memory_space<vmem>>, vector<16xf32>,
      %get3A_1412 = arith.constant 0 : i32
      %get3A_1413 = arith.constant 5 : i32
      %get3A_1414 = arith.constant 0 : i32
      %get3A_1415 = arith.constant 0 : i32
      %get3A_1416 = arith.constant 0 : i32
      %get3A_1417 = tpu.memref_slice %arg10[%rem3A_1317, %get3A_1414, %get3A_1415, %get3A_1416] : memref<2x2x8x16xf32, #tpu.memory_space<vmem>> -> memref<1x2x8x16xf32, #tpu.memory_space<vmem>>
      %get3A_1418 = tpu.memref_squeeze %get3A_1417 : memref<1x2x8x16xf32, #tpu.memory_space<vmem>> -> memref<2x8x16xf32, #tpu.memory_space<vmem>>
      %get3A_1419 = arith.index_cast %get3A_1412 : i32 to index
      %get3A_1420 = arith.index_cast %get3A_1413 : i32 to index
      %get3A_1421 = arith.constant 0 : index
      %get3A_1422 = tpu.vector_load %get3A_1418[%get3A_1419, %get3A_1420, %get3A_1421] {strides = array<i32>} : memref<2x8x16xf32, #tpu.memory_space<vmem>>, vector<16xf32>,
      %get3A_1423 = arith.constant 0 : i32
      %get3A_1424 = arith.constant 6 : i32
      %get3A_1425 = arith.constant 0 : i32
      %get3A_1426 = arith.constant 0 : i32
      %get3A_1427 = arith.constant 0 : i32
      %get3A_1428 = tpu.memref_slice %arg10[%rem3A_1317, %get3A_1425, %get3A_1426, %get3A_1427] : memref<2x2x8x16xf32, #tpu.memory_space<vmem>> -> memref<1x2x8x16xf32, #tpu.memory_space<vmem>>
      %get3A_1429 = tpu.memref_squeeze %get3A_1428 : memref<1x2x8x16xf32, #tpu.memory_space<vmem>> -> memref<2x8x16xf32, #tpu.memory_space<vmem>>
      %get3A_1430 = arith.index_cast %get3A_1423 : i32 to index
      %get3A_1431 = arith.index_cast %get3A_1424 : i32 to index
      %get3A_1432 = arith.constant 0 : index
      %get3A_1433 = tpu.vector_load %get3A_1429[%get3A_1430, %get3A_1431, %get3A_1432] {strides = array<i32>} : memref<2x8x16xf32, #tpu.memory_space<vmem>>, vector<16xf32>,
      %get3A_1434 = arith.constant 0 : i32
      %get3A_1435 = arith.constant 7 : i32
      %get3A_1436 = arith.constant 0 : i32
      %get3A_1437 = arith.constant 0 : i32
      %get3A_1438 = arith.constant 0 : i32
      %get3A_1439 = tpu.memref_slice %arg10[%rem3A_1317, %get3A_1436, %get3A_1437, %get3A_1438] : memref<2x2x8x16xf32, #tpu.memory_space<vmem>> -> memref<1x2x8x16xf32, #tpu.memory_space<vmem>>
      %get3A_1440 = tpu.memref_squeeze %get3A_1439 : memref<1x2x8x16xf32, #tpu.memory_space<vmem>> -> memref<2x8x16xf32, #tpu.memory_space<vmem>>
      %get3A_1441 = arith.index_cast %get3A_1434 : i32 to index
      %get3A_1442 = arith.index_cast %get3A_1435 : i32 to index
      %get3A_1443 = arith.constant 0 : index
      %get3A_1444 = tpu.vector_load %get3A_1440[%get3A_1441, %get3A_1442, %get3A_1443] {strides = array<i32>} : memref<2x8x16xf32, #tpu.memory_space<vmem>>, vector<16xf32>,
      %get3A_1445 = arith.constant 1 : i32
      %get3A_1446 = arith.constant 0 : i32
      %get3A_1447 = arith.constant 0 : i32
      %get3A_1448 = arith.constant 0 : i32
      %get3A_1449 = arith.constant 0 : i32
      %get3A_1450 = tpu.memref_slice %arg10[%rem3A_1317, %get3A_1447, %get3A_1448, %get3A_1449] : memref<2x2x8x16xf32, #tpu.memory_space<vmem>> -> memref<1x2x8x16xf32, #tpu.memory_space<vmem>>
      %get3A_1451 = tpu.memref_squeeze %get3A_1450 : memref<1x2x8x16xf32, #tpu.memory_space<vmem>> -> memref<2x8x16xf32, #tpu.memory_space<vmem>>
      %get3A_1452 = arith.index_cast %get3A_1445 : i32 to index
      %get3A_1453 = arith.index_cast %get3A_1446 : i32 to index
      %get3A_1454 = arith.constant 0 : index
      %get3A_1455 = tpu.vector_load %get3A_1451[%get3A_1452, %get3A_1453, %get3A_1454] {strides = array<i32>} : memref<2x8x16xf32, #tpu.memory_space<vmem>>, vector<16xf32>,
      %get3A_1456 = arith.constant 1 : i32
      %get3A_1457 = arith.constant 1 : i32
      %get3A_1458 = arith.constant 0 : i32
      %get3A_1459 = arith.constant 0 : i32
      %get3A_1460 = arith.constant 0 : i32
      %get3A_1461 = tpu.memref_slice %arg10[%rem3A_1317, %get3A_1458, %get3A_1459, %get3A_1460] : memref<2x2x8x16xf32, #tpu.memory_space<vmem>> -> memref<1x2x8x16xf32, #tpu.memory_space<vmem>>
      %get3A_1462 = tpu.memref_squeeze %get3A_1461 : memref<1x2x8x16xf32, #tpu.memory_space<vmem>> -> memref<2x8x16xf32, #tpu.memory_space<vmem>>
      %get3A_1463 = arith.index_cast %get3A_1456 : i32 to index
      %get3A_1464 = arith.index_cast %get3A_1457 : i32 to index
      %get3A_1465 = arith.constant 0 : index
      %get3A_1466 = tpu.vector_load %get3A_1462[%get3A_1463, %get3A_1464, %get3A_1465] {strides = array<i32>} : memref<2x8x16xf32, #tpu.memory_space<vmem>>, vector<16xf32>,
      %get3A_1467 = arith.constant 1 : i32
      %get3A_1468 = arith.constant 2 : i32
      %get3A_1469 = arith.constant 0 : i32
      %get3A_1470 = arith.constant 0 : i32
      %get3A_1471 = arith.constant 0 : i32
      %get3A_1472 = tpu.memref_slice %arg10[%rem3A_1317, %get3A_1469, %get3A_1470, %get3A_1471] : memref<2x2x8x16xf32, #tpu.memory_space<vmem>> -> memref<1x2x8x16xf32, #tpu.memory_space<vmem>>
      %get3A_1473 = tpu.memref_squeeze %get3A_1472 : memref<1x2x8x16xf32, #tpu.memory_space<vmem>> -> memref<2x8x16xf32, #tpu.memory_space<vmem>>
      %get3A_1474 = arith.index_cast %get3A_1467 : i32 to index
      %get3A_1475 = arith.index_cast %get3A_1468 : i32 to index
      %get3A_1476 = arith.constant 0 : index
      %get3A_1477 = tpu.vector_load %get3A_1473[%get3A_1474, %get3A_1475, %get3A_1476] {strides = array<i32>} : memref<2x8x16xf32, #tpu.memory_space<vmem>>, vector<16xf32>,
      %get3A_1478 = arith.constant 1 : i32
      %get3A_1479 = arith.constant 3 : i32
      %get3A_1480 = arith.constant 0 : i32
      %get3A_1481 = arith.constant 0 : i32
      %get3A_1482 = arith.constant 0 : i32
      %get3A_1483 = tpu.memref_slice %arg10[%rem3A_1317, %get3A_1480, %get3A_1481, %get3A_1482] : memref<2x2x8x16xf32, #tpu.memory_space<vmem>> -> memref<1x2x8x16xf32, #tpu.memory_space<vmem>>
      %get3A_1484 = tpu.memref_squeeze %get3A_1483 : memref<1x2x8x16xf32, #tpu.memory_space<vmem>> -> memref<2x8x16xf32, #tpu.memory_space<vmem>>
      %get3A_1485 = arith.index_cast %get3A_1478 : i32 to index
      %get3A_1486 = arith.index_cast %get3A_1479 : i32 to index
      %get3A_1487 = arith.constant 0 : index
      %get3A_1488 = tpu.vector_load %get3A_1484[%get3A_1485, %get3A_1486, %get3A_1487] {strides = array<i32>} : memref<2x8x16xf32, #tpu.memory_space<vmem>>, vector<16xf32>,
      %get3A_1489 = arith.constant 1 : i32
      %get3A_1490 = arith.constant 4 : i32
      %get3A_1491 = arith.constant 0 : i32
      %get3A_1492 = arith.constant 0 : i32
      %get3A_1493 = arith.constant 0 : i32
      %get3A_1494 = tpu.memref_slice %arg10[%rem3A_1317, %get3A_1491, %get3A_1492, %get3A_1493] : memref<2x2x8x16xf32, #tpu.memory_space<vmem>> -> memref<1x2x8x16xf32, #tpu.memory_space<vmem>>
      %get3A_1495 = tpu.memref_squeeze %get3A_1494 : memref<1x2x8x16xf32, #tpu.memory_space<vmem>> -> memref<2x8x16xf32, #tpu.memory_space<vmem>>
      %get3A_1496 = arith.index_cast %get3A_1489 : i32 to index
      %get3A_1497 = arith.index_cast %get3A_1490 : i32 to index
      %get3A_1498 = arith.constant 0 : index
      %get3A_1499 = tpu.vector_load %get3A_1495[%get3A_1496, %get3A_1497, %get3A_1498] {strides = array<i32>} : memref<2x8x16xf32, #tpu.memory_space<vmem>>, vector<16xf32>,
      %get3A_1500 = arith.constant 1 : i32
      %get3A_1501 = arith.constant 5 : i32
      %get3A_1502 = arith.constant 0 : i32
      %get3A_1503 = arith.constant 0 : i32
      %get3A_1504 = arith.constant 0 : i32
      %get3A_1505 = tpu.memref_slice %arg10[%rem3A_1317, %get3A_1502, %get3A_1503, %get3A_1504] : memref<2x2x8x16xf32, #tpu.memory_space<vmem>> -> memref<1x2x8x16xf32, #tpu.memory_space<vmem>>
      %get3A_1506 = tpu.memref_squeeze %get3A_1505 : memref<1x2x8x16xf32, #tpu.memory_space<vmem>> -> memref<2x8x16xf32, #tpu.memory_space<vmem>>
      %get3A_1507 = arith.index_cast %get3A_1500 : i32 to index
      %get3A_1508 = arith.index_cast %get3A_1501 : i32 to index
      %get3A_1509 = arith.constant 0 : index
      %get3A_1510 = tpu.vector_load %get3A_1506[%get3A_1507, %get3A_1508, %get3A_1509] {strides = array<i32>} : memref<2x8x16xf32, #tpu.memory_space<vmem>>, vector<16xf32>,
      %get3A_1511 = arith.constant 1 : i32
      %get3A_1512 = arith.constant 6 : i32
      %get3A_1513 = arith.constant 0 : i32
      %get3A_1514 = arith.constant 0 : i32
      %get3A_1515 = arith.constant 0 : i32
      %get3A_1516 = tpu.memref_slice %arg10[%rem3A_1317, %get3A_1513, %get3A_1514, %get3A_1515] : memref<2x2x8x16xf32, #tpu.memory_space<vmem>> -> memref<1x2x8x16xf32, #tpu.memory_space<vmem>>
      %get3A_1517 = tpu.memref_squeeze %get3A_1516 : memref<1x2x8x16xf32, #tpu.memory_space<vmem>> -> memref<2x8x16xf32, #tpu.memory_space<vmem>>
      %get3A_1518 = arith.index_cast %get3A_1511 : i32 to index
      %get3A_1519 = arith.index_cast %get3A_1512 : i32 to index
      %get3A_1520 = arith.constant 0 : index
      %get3A_1521 = tpu.vector_load %get3A_1517[%get3A_1518, %get3A_1519, %get3A_1520] {strides = array<i32>} : memref<2x8x16xf32, #tpu.memory_space<vmem>>, vector<16xf32>,
      %get3A_1522 = arith.constant 1 : i32
      %get3A_1523 = arith.constant 7 : i32
      %get3A_1524 = arith.constant 0 : i32
      %get3A_1525 = arith.constant 0 : i32
      %get3A_1526 = arith.constant 0 : i32
      %get3A_1527 = tpu.memref_slice %arg10[%rem3A_1317, %get3A_1524, %get3A_1525, %get3A_1526] : memref<2x2x8x16xf32, #tpu.memory_space<vmem>> -> memref<1x2x8x16xf32, #tpu.memory_space<vmem>>
      %get3A_1528 = tpu.memref_squeeze %get3A_1527 : memref<1x2x8x16xf32, #tpu.memory_space<vmem>> -> memref<2x8x16xf32, #tpu.memory_space<vmem>>
      %get3A_1529 = arith.index_cast %get3A_1522 : i32 to index
      %get3A_1530 = arith.index_cast %get3A_1523 : i32 to index
      %get3A_1531 = arith.constant 0 : index
      %get3A_1532 = tpu.vector_load %get3A_1528[%get3A_1529, %get3A_1530, %get3A_1531] {strides = array<i32>} : memref<2x8x16xf32, #tpu.memory_space<vmem>>, vector<16xf32>,
      %parallel_loop3A = arith.constant 0 : i32
      %parallel_loop3A_1533 = arith.constant 64 : i32
      %parallel_loop3A_1534 = arith.constant 1 : i32
      scf.for %parallel_loop3A_1735 = %parallel_loop3A to %parallel_loop3A_1533 step %parallel_loop3A_1534  : i32 {
        %parallel_loop3A_1736 = arith.index_cast %parallel_loop3A_1735 : i32 to index
        %parallel_loop3A_1737 = arith.constant 0 : index
        %parallel_loop3A_1738 = tpu.vector_load %arg13[%parallel_loop3A_1736, %parallel_loop3A_1737] {strides = array<i32>} : memref<64x16xf32, #tpu.memory_space<vmem>>, vector<16xf32>,
        %parallel_loop3A_1739 = arith.index_cast %parallel_loop3A_1735 : i32 to index
        %parallel_loop3A_1740 = arith.constant 0 : index
        %parallel_loop3A_1741 = tpu.vector_load %arg14[%parallel_loop3A_1739, %parallel_loop3A_1740] {strides = array<i32>} : memref<64x16xf32, #tpu.memory_space<vmem>>, vector<16xf32>,
        %parallel_loop3A_1742 = arith.constant 0 : i32
        %parallel_loop3A_1743 = arith.constant 0 : i32
        %parallel_loop3A_1744 = tpu.memref_slice %arg9[%rem3A_1317, %parallel_loop3A_1742, %parallel_loop3A_1743] : memref<2x64x128xf32, #tpu.memory_space<vmem>> -> memref<1x64x128xf32, #tpu.memory_space<vmem>>
        %parallel_loop3A_1745 = tpu.memref_squeeze %parallel_loop3A_1744 : memref<1x64x128xf32, #tpu.memory_space<vmem>> -> memref<64x128xf32, #tpu.memory_space<vmem>>
        %parallel_loop3A_1746 = arith.index_cast %parallel_loop3A_1735 : i32 to index
        %parallel_loop3A_1747 = arith.constant 0 : index
        %parallel_loop3A_1748 = tpu.vector_load %parallel_loop3A_1745[%parallel_loop3A_1746, %parallel_loop3A_1747] {strides = array<i32>} : memref<64x128xf32, #tpu.memory_space<vmem>>, vector<16xf32>,
        %parallel_loop3A_1749 = arith.subf %parallel_loop3A_1748, %get3A_1367 : vector<16xf32>
        %parallel_loop3A_1750 = arith.mulf %parallel_loop3A_1749, %get3A_1455 : vector<16xf32>
        %parallel_loop3A_1751 = arith.mulf %parallel_loop3A_1750, %parallel_loop3A_1738 : vector<16xf32>
        %parallel_loop3A_1752 = arith.addf %parallel_loop3A_1751, %parallel_loop3A_1741 : vector<16xf32>
        %parallel_loop3A_1753 = arith.constant 0 : i32
        %parallel_loop3A_1754 = arith.constant 0 : i32
        %parallel_loop3A_1755 = tpu.memref_slice %arg9[%rem3A_1317, %parallel_loop3A_1753, %parallel_loop3A_1754] : memref<2x64x128xf32, #tpu.memory_space<vmem>> -> memref<1x64x128xf32, #tpu.memory_space<vmem>>
        %parallel_loop3A_1756 = tpu.memref_squeeze %parallel_loop3A_1755 : memref<1x64x128xf32, #tpu.memory_space<vmem>> -> memref<64x128xf32, #tpu.memory_space<vmem>>
        %parallel_loop3A_1757 = arith.index_cast %parallel_loop3A_1735 : i32 to index
        %parallel_loop3A_1758 = arith.constant 0 : index
        %parallel_loop3A_1759 = tpu.vector_load %parallel_loop3A_1756[%parallel_loop3A_1757, %parallel_loop3A_1758] {strides = array<i32>} : memref<64x128xf32, #tpu.memory_space<vmem>>, vector<16xf32>,
        tpu.vector_store %parallel_loop3A_1756[%parallel_loop3A_1757, %parallel_loop3A_1758], %parallel_loop3A_1752 {strides = array<i32>} : memref<64x128xf32, #tpu.memory_space<vmem>>, vector<16xf32>,
        %parallel_loop3A_1760 = arith.constant 0 : i32
        %parallel_loop3A_1761 = arith.constant 0 : i32
        %parallel_loop3A_1762 = tpu.memref_slice %arg9[%rem3A_1317, %parallel_loop3A_1760, %parallel_loop3A_1761] : memref<2x64x128xf32, #tpu.memory_space<vmem>> -> memref<1x64x128xf32, #tpu.memory_space<vmem>>
        %parallel_loop3A_1763 = tpu.memref_squeeze %parallel_loop3A_1762 : memref<1x64x128xf32, #tpu.memory_space<vmem>> -> memref<64x128xf32, #tpu.memory_space<vmem>>
        %parallel_loop3A_1764 = arith.index_cast %parallel_loop3A_1735 : i32 to index
        %parallel_loop3A_1765 = arith.constant 16 : index
        %parallel_loop3A_1766 = tpu.vector_load %parallel_loop3A_1763[%parallel_loop3A_1764, %parallel_loop3A_1765] {strides = array<i32>} : memref<64x128xf32, #tpu.memory_space<vmem>>, vector<16xf32>,
        %parallel_loop3A_1767 = arith.subf %parallel_loop3A_1766, %get3A_1378 : vector<16xf32>
        %parallel_loop3A_1768 = arith.mulf %parallel_loop3A_1767, %get3A_1466 : vector<16xf32>
        %parallel_loop3A_1769 = arith.mulf %parallel_loop3A_1768, %parallel_loop3A_1738 : vector<16xf32>
        %parallel_loop3A_1770 = arith.addf %parallel_loop3A_1769, %parallel_loop3A_1741 : vector<16xf32>
        %parallel_loop3A_1771 = arith.constant 0 : i32
        %parallel_loop3A_1772 = arith.constant 0 : i32
        %parallel_loop3A_1773 = tpu.memref_slice %arg9[%rem3A_1317, %parallel_loop3A_1771, %parallel_loop3A_1772] : memref<2x64x128xf32, #tpu.memory_space<vmem>> -> memref<1x64x128xf32, #tpu.memory_space<vmem>>
        %parallel_loop3A_1774 = tpu.memref_squeeze %parallel_loop3A_1773 : memref<1x64x128xf32, #tpu.memory_space<vmem>> -> memref<64x128xf32, #tpu.memory_space<vmem>>
        %parallel_loop3A_1775 = arith.index_cast %parallel_loop3A_1735 : i32 to index
        %parallel_loop3A_1776 = arith.constant 16 : index
        %parallel_loop3A_1777 = tpu.vector_load %parallel_loop3A_1774[%parallel_loop3A_1775, %parallel_loop3A_1776] {strides = array<i32>} : memref<64x128xf32, #tpu.memory_space<vmem>>, vector<16xf32>,
        tpu.vector_store %parallel_loop3A_1774[%parallel_loop3A_1775, %parallel_loop3A_1776], %parallel_loop3A_1770 {strides = array<i32>} : memref<64x128xf32, #tpu.memory_space<vmem>>, vector<16xf32>,
        %parallel_loop3A_1778 = arith.constant 0 : i32
        %parallel_loop3A_1779 = arith.constant 0 : i32
        %parallel_loop3A_1780 = tpu.memref_slice %arg9[%rem3A_1317, %parallel_loop3A_1778, %parallel_loop3A_1779] : memref<2x64x128xf32, #tpu.memory_space<vmem>> -> memref<1x64x128xf32, #tpu.memory_space<vmem>>
        %parallel_loop3A_1781 = tpu.memref_squeeze %parallel_loop3A_1780 : memref<1x64x128xf32, #tpu.memory_space<vmem>> -> memref<64x128xf32, #tpu.memory_space<vmem>>
        %parallel_loop3A_1782 = arith.index_cast %parallel_loop3A_1735 : i32 to index
        %parallel_loop3A_1783 = arith.constant 32 : index
        %parallel_loop3A_1784 = tpu.vector_load %parallel_loop3A_1781[%parallel_loop3A_1782, %parallel_loop3A_1783] {strides = array<i32>} : memref<64x128xf32, #tpu.memory_space<vmem>>, vector<16xf32>,
        %parallel_loop3A_1785 = arith.subf %parallel_loop3A_1784, %get3A_1389 : vector<16xf32>
        %parallel_loop3A_1786 = arith.mulf %parallel_loop3A_1785, %get3A_1477 : vector<16xf32>
        %parallel_loop3A_1787 = arith.mulf %parallel_loop3A_1786, %parallel_loop3A_1738 : vector<16xf32>
        %parallel_loop3A_1788 = arith.addf %parallel_loop3A_1787, %parallel_loop3A_1741 : vector<16xf32>
        %parallel_loop3A_1789 = arith.constant 0 : i32
        %parallel_loop3A_1790 = arith.constant 0 : i32
        %parallel_loop3A_1791 = tpu.memref_slice %arg9[%rem3A_1317, %parallel_loop3A_1789, %parallel_loop3A_1790] : memref<2x64x128xf32, #tpu.memory_space<vmem>> -> memref<1x64x128xf32, #tpu.memory_space<vmem>>
        %parallel_loop3A_1792 = tpu.memref_squeeze %parallel_loop3A_1791 : memref<1x64x128xf32, #tpu.memory_space<vmem>> -> memref<64x128xf32, #tpu.memory_space<vmem>>
        %parallel_loop3A_1793 = arith.index_cast %parallel_loop3A_1735 : i32 to index
        %parallel_loop3A_1794 = arith.constant 32 : index
        %parallel_loop3A_1795 = tpu.vector_load %parallel_loop3A_1792[%parallel_loop3A_1793, %parallel_loop3A_1794] {strides = array<i32>} : memref<64x128xf32, #tpu.memory_space<vmem>>, vector<16xf32>,
        tpu.vector_store %parallel_loop3A_1792[%parallel_loop3A_1793, %parallel_loop3A_1794], %parallel_loop3A_1788 {strides = array<i32>} : memref<64x128xf32, #tpu.memory_space<vmem>>, vector<16xf32>,
        %parallel_loop3A_1796 = arith.constant 0 : i32
        %parallel_loop3A_1797 = arith.constant 0 : i32
        %parallel_loop3A_1798 = tpu.memref_slice %arg9[%rem3A_1317, %parallel_loop3A_1796, %parallel_loop3A_1797] : memref<2x64x128xf32, #tpu.memory_space<vmem>> -> memref<1x64x128xf32, #tpu.memory_space<vmem>>
        %parallel_loop3A_1799 = tpu.memref_squeeze %parallel_loop3A_1798 : memref<1x64x128xf32, #tpu.memory_space<vmem>> -> memref<64x128xf32, #tpu.memory_space<vmem>>
        %parallel_loop3A_1800 = arith.index_cast %parallel_loop3A_1735 : i32 to index
        %parallel_loop3A_1801 = arith.constant 48 : index
        %parallel_loop3A_1802 = tpu.vector_load %parallel_loop3A_1799[%parallel_loop3A_1800, %parallel_loop3A_1801] {strides = array<i32>} : memref<64x128xf32, #tpu.memory_space<vmem>>, vector<16xf32>,
        %parallel_loop3A_1803 = arith.subf %parallel_loop3A_1802, %get3A_1400 : vector<16xf32>
        %parallel_loop3A_1804 = arith.mulf %parallel_loop3A_1803, %get3A_1488 : vector<16xf32>
        %parallel_loop3A_1805 = arith.mulf %parallel_loop3A_1804, %parallel_loop3A_1738 : vector<16xf32>
        %parallel_loop3A_1806 = arith.addf %parallel_loop3A_1805, %parallel_loop3A_1741 : vector<16xf32>
        %parallel_loop3A_1807 = arith.constant 0 : i32
        %parallel_loop3A_1808 = arith.constant 0 : i32
        %parallel_loop3A_1809 = tpu.memref_slice %arg9[%rem3A_1317, %parallel_loop3A_1807, %parallel_loop3A_1808] : memref<2x64x128xf32, #tpu.memory_space<vmem>> -> memref<1x64x128xf32, #tpu.memory_space<vmem>>
        %parallel_loop3A_1810 = tpu.memref_squeeze %parallel_loop3A_1809 : memref<1x64x128xf32, #tpu.memory_space<vmem>> -> memref<64x128xf32, #tpu.memory_space<vmem>>
        %parallel_loop3A_1811 = arith.index_cast %parallel_loop3A_1735 : i32 to index
        %parallel_loop3A_1812 = arith.constant 48 : index
        %parallel_loop3A_1813 = tpu.vector_load %parallel_loop3A_1810[%parallel_loop3A_1811, %parallel_loop3A_1812] {strides = array<i32>} : memref<64x128xf32, #tpu.memory_space<vmem>>, vector<16xf32>,
        tpu.vector_store %parallel_loop3A_1810[%parallel_loop3A_1811, %parallel_loop3A_1812], %parallel_loop3A_1806 {strides = array<i32>} : memref<64x128xf32, #tpu.memory_space<vmem>>, vector<16xf32>,
        %parallel_loop3A_1814 = arith.constant 0 : i32
        %parallel_loop3A_1815 = arith.constant 0 : i32
        %parallel_loop3A_1816 = tpu.memref_slice %arg9[%rem3A_1317, %parallel_loop3A_1814, %parallel_loop3A_1815] : memref<2x64x128xf32, #tpu.memory_space<vmem>> -> memref<1x64x128xf32, #tpu.memory_space<vmem>>
        %parallel_loop3A_1817 = tpu.memref_squeeze %parallel_loop3A_1816 : memref<1x64x128xf32, #tpu.memory_space<vmem>> -> memref<64x128xf32, #tpu.memory_space<vmem>>
        %parallel_loop3A_1818 = arith.index_cast %parallel_loop3A_1735 : i32 to index
        %parallel_loop3A_1819 = arith.constant 64 : index
        %parallel_loop3A_1820 = tpu.vector_load %parallel_loop3A_1817[%parallel_loop3A_1818, %parallel_loop3A_1819] {strides = array<i32>} : memref<64x128xf32, #tpu.memory_space<vmem>>, vector<16xf32>,
        %parallel_loop3A_1821 = arith.subf %parallel_loop3A_1820, %get3A_1411 : vector<16xf32>
        %parallel_loop3A_1822 = arith.mulf %parallel_loop3A_1821, %get3A_1499 : vector<16xf32>
        %parallel_loop3A_1823 = arith.mulf %parallel_loop3A_1822, %parallel_loop3A_1738 : vector<16xf32>
        %parallel_loop3A_1824 = arith.addf %parallel_loop3A_1823, %parallel_loop3A_1741 : vector<16xf32>
        %parallel_loop3A_1825 = arith.constant 0 : i32
        %parallel_loop3A_1826 = arith.constant 0 : i32
        %parallel_loop3A_1827 = tpu.memref_slice %arg9[%rem3A_1317, %parallel_loop3A_1825, %parallel_loop3A_1826] : memref<2x64x128xf32, #tpu.memory_space<vmem>> -> memref<1x64x128xf32, #tpu.memory_space<vmem>>
        %parallel_loop3A_1828 = tpu.memref_squeeze %parallel_loop3A_1827 : memref<1x64x128xf32, #tpu.memory_space<vmem>> -> memref<64x128xf32, #tpu.memory_space<vmem>>
        %parallel_loop3A_1829 = arith.index_cast %parallel_loop3A_1735 : i32 to index
        %parallel_loop3A_1830 = arith.constant 64 : index
        %parallel_loop3A_1831 = tpu.vector_load %parallel_loop3A_1828[%parallel_loop3A_1829, %parallel_loop3A_1830] {strides = array<i32>} : memref<64x128xf32, #tpu.memory_space<vmem>>, vector<16xf32>,
        tpu.vector_store %parallel_loop3A_1828[%parallel_loop3A_1829, %parallel_loop3A_1830], %parallel_loop3A_1824 {strides = array<i32>} : memref<64x128xf32, #tpu.memory_space<vmem>>, vector<16xf32>,
        %parallel_loop3A_1832 = arith.constant 0 : i32
        %parallel_loop3A_1833 = arith.constant 0 : i32
        %parallel_loop3A_1834 = tpu.memref_slice %arg9[%rem3A_1317, %parallel_loop3A_1832, %parallel_loop3A_1833] : memref<2x64x128xf32, #tpu.memory_space<vmem>> -> memref<1x64x128xf32, #tpu.memory_space<vmem>>
        %parallel_loop3A_1835 = tpu.memref_squeeze %parallel_loop3A_1834 : memref<1x64x128xf32, #tpu.memory_space<vmem>> -> memref<64x128xf32, #tpu.memory_space<vmem>>
        %parallel_loop3A_1836 = arith.index_cast %parallel_loop3A_1735 : i32 to index
        %parallel_loop3A_1837 = arith.constant 80 : index
        %parallel_loop3A_1838 = tpu.vector_load %parallel_loop3A_1835[%parallel_loop3A_1836, %parallel_loop3A_1837] {strides = array<i32>} : memref<64x128xf32, #tpu.memory_space<vmem>>, vector<16xf32>,
        %parallel_loop3A_1839 = arith.subf %parallel_loop3A_1838, %get3A_1422 : vector<16xf32>
        %parallel_loop3A_1840 = arith.mulf %parallel_loop3A_1839, %get3A_1510 : vector<16xf32>
        %parallel_loop3A_1841 = arith.mulf %parallel_loop3A_1840, %parallel_loop3A_1738 : vector<16xf32>
        %parallel_loop3A_1842 = arith.addf %parallel_loop3A_1841, %parallel_loop3A_1741 : vector<16xf32>
        %parallel_loop3A_1843 = arith.constant 0 : i32
        %parallel_loop3A_1844 = arith.constant 0 : i32
        %parallel_loop3A_1845 = tpu.memref_slice %arg9[%rem3A_1317, %parallel_loop3A_1843, %parallel_loop3A_1844] : memref<2x64x128xf32, #tpu.memory_space<vmem>> -> memref<1x64x128xf32, #tpu.memory_space<vmem>>
        %parallel_loop3A_1846 = tpu.memref_squeeze %parallel_loop3A_1845 : memref<1x64x128xf32, #tpu.memory_space<vmem>> -> memref<64x128xf32, #tpu.memory_space<vmem>>
        %parallel_loop3A_1847 = arith.index_cast %parallel_loop3A_1735 : i32 to index
        %parallel_loop3A_1848 = arith.constant 80 : index
        %parallel_loop3A_1849 = tpu.vector_load %parallel_loop3A_1846[%parallel_loop3A_1847, %parallel_loop3A_1848] {strides = array<i32>} : memref<64x128xf32, #tpu.memory_space<vmem>>, vector<16xf32>,
        tpu.vector_store %parallel_loop3A_1846[%parallel_loop3A_1847, %parallel_loop3A_1848], %parallel_loop3A_1842 {strides = array<i32>} : memref<64x128xf32, #tpu.memory_space<vmem>>, vector<16xf32>,
        %parallel_loop3A_1850 = arith.constant 0 : i32
        %parallel_loop3A_1851 = arith.constant 0 : i32
        %parallel_loop3A_1852 = tpu.memref_slice %arg9[%rem3A_1317, %parallel_loop3A_1850, %parallel_loop3A_1851] : memref<2x64x128xf32, #tpu.memory_space<vmem>> -> memref<1x64x128xf32, #tpu.memory_space<vmem>>
        %parallel_loop3A_1853 = tpu.memref_squeeze %parallel_loop3A_1852 : memref<1x64x128xf32, #tpu.memory_space<vmem>> -> memref<64x128xf32, #tpu.memory_space<vmem>>
        %parallel_loop3A_1854 = arith.index_cast %parallel_loop3A_1735 : i32 to index
        %parallel_loop3A_1855 = arith.constant 96 : index
        %parallel_loop3A_1856 = tpu.vector_load %parallel_loop3A_1853[%parallel_loop3A_1854, %parallel_loop3A_1855] {strides = array<i32>} : memref<64x128xf32, #tpu.memory_space<vmem>>, vector<16xf32>,
        %parallel_loop3A_1857 = arith.subf %parallel_loop3A_1856, %get3A_1433 : vector<16xf32>
        %parallel_loop3A_1858 = arith.mulf %parallel_loop3A_1857, %get3A_1521 : vector<16xf32>
        %parallel_loop3A_1859 = arith.mulf %parallel_loop3A_1858, %parallel_loop3A_1738 : vector<16xf32>
        %parallel_loop3A_1860 = arith.addf %parallel_loop3A_1859, %parallel_loop3A_1741 : vector<16xf32>
        %parallel_loop3A_1861 = arith.constant 0 : i32
        %parallel_loop3A_1862 = arith.constant 0 : i32
        %parallel_loop3A_1863 = tpu.memref_slice %arg9[%rem3A_1317, %parallel_loop3A_1861, %parallel_loop3A_1862] : memref<2x64x128xf32, #tpu.memory_space<vmem>> -> memref<1x64x128xf32, #tpu.memory_space<vmem>>
        %parallel_loop3A_1864 = tpu.memref_squeeze %parallel_loop3A_1863 : memref<1x64x128xf32, #tpu.memory_space<vmem>> -> memref<64x128xf32, #tpu.memory_space<vmem>>
        %parallel_loop3A_1865 = arith.index_cast %parallel_loop3A_1735 : i32 to index
        %parallel_loop3A_1866 = arith.constant 96 : index
        %parallel_loop3A_1867 = tpu.vector_load %parallel_loop3A_1864[%parallel_loop3A_1865, %parallel_loop3A_1866] {strides = array<i32>} : memref<64x128xf32, #tpu.memory_space<vmem>>, vector<16xf32>,
        tpu.vector_store %parallel_loop3A_1864[%parallel_loop3A_1865, %parallel_loop3A_1866], %parallel_loop3A_1860 {strides = array<i32>} : memref<64x128xf32, #tpu.memory_space<vmem>>, vector<16xf32>,
        %parallel_loop3A_1868 = arith.constant 0 : i32
        %parallel_loop3A_1869 = arith.constant 0 : i32
        %parallel_loop3A_1870 = tpu.memref_slice %arg9[%rem3A_1317, %parallel_loop3A_1868, %parallel_loop3A_1869] : memref<2x64x128xf32, #tpu.memory_space<vmem>> -> memref<1x64x128xf32, #tpu.memory_space<vmem>>
        %parallel_loop3A_1871 = tpu.memref_squeeze %parallel_loop3A_1870 : memref<1x64x128xf32, #tpu.memory_space<vmem>> -> memref<64x128xf32, #tpu.memory_space<vmem>>
        %parallel_loop3A_1872 = arith.index_cast %parallel_loop3A_1735 : i32 to index
        %parallel_loop3A_1873 = arith.constant 112 : index
        %parallel_loop3A_1874 = tpu.vector_load %parallel_loop3A_1871[%parallel_loop3A_1872, %parallel_loop3A_1873] {strides = array<i32>} : memref<64x128xf32, #tpu.memory_space<vmem>>, vector<16xf32>,
        %parallel_loop3A_1875 = arith.subf %parallel_loop3A_1874, %get3A_1444 : vector<16xf32>
        %parallel_loop3A_1876 = arith.mulf %parallel_loop3A_1875, %get3A_1532 : vector<16xf32>
        %parallel_loop3A_1877 = arith.mulf %parallel_loop3A_1876, %parallel_loop3A_1738 : vector<16xf32>
        %parallel_loop3A_1878 = arith.addf %parallel_loop3A_1877, %parallel_loop3A_1741 : vector<16xf32>
        %parallel_loop3A_1879 = arith.constant 0 : i32
        %parallel_loop3A_1880 = arith.constant 0 : i32
        %parallel_loop3A_1881 = tpu.memref_slice %arg9[%rem3A_1317, %parallel_loop3A_1879, %parallel_loop3A_1880] : memref<2x64x128xf32, #tpu.memory_space<vmem>> -> memref<1x64x128xf32, #tpu.memory_space<vmem>>
        %parallel_loop3A_1882 = tpu.memref_squeeze %parallel_loop3A_1881 : memref<1x64x128xf32, #tpu.memory_space<vmem>> -> memref<64x128xf32, #tpu.memory_space<vmem>>
        %parallel_loop3A_1883 = arith.index_cast %parallel_loop3A_1735 : i32 to index
        %parallel_loop3A_1884 = arith.constant 112 : index
        %parallel_loop3A_1885 = tpu.vector_load %parallel_loop3A_1882[%parallel_loop3A_1883, %parallel_loop3A_1884] {strides = array<i32>} : memref<64x128xf32, #tpu.memory_space<vmem>>, vector<16xf32>,
        tpu.vector_store %parallel_loop3A_1882[%parallel_loop3A_1883, %parallel_loop3A_1884], %parallel_loop3A_1878 {strides = array<i32>} : memref<64x128xf32, #tpu.memory_space<vmem>>, vector<16xf32>,
      } {sc.loop_unroll_factor = 4 : i64, sc.parallel_access}
      %dma_start3A_1535 = arith.constant 0 : i32
      %dma_start3A_1536 = arith.constant 0 : i32
      %dma_start3A_1537 = arith.constant 0 : i32
      %dma_start3A_1538 = tpu.memref_slice %arg9[%rem3A_1317, %dma_start3A_1536, %dma_start3A_1537] : memref<2x64x128xf32, #tpu.memory_space<vmem>> -> memref<1x64x128xf32, #tpu.memory_space<vmem>>
      %dma_start3A_1539 = tpu.memref_squeeze %dma_start3A_1538 : memref<1x64x128xf32, #tpu.memory_space<vmem>> -> memref<64x128xf32, #tpu.memory_space<vmem>>
      %dma_start3A_1540 = arith.constant 0 : i32
      %dma_start3A_1541 = arith.constant 0 : i32
      %dma_start3A_1542 = tpu.memref_slice %dma_start3A_1539[%dma_start3A_1540, %dma_start3A_1541] : memref<64x128xf32, #tpu.memory_space<vmem>> -> memref<8x128xf32, #tpu.memory_space<vmem>>
      %dma_start3A_1543 = arith.constant 0 : i32
      %dma_start3A_1544 = arith.constant 0 : i32
      %dma_start3A_1545 = tpu.memref_slice %arg6[%scan3A_1314, %dma_start3A_1535, %add3A, %dma_start3A_1543, %dma_start3A_1544] : memref<200x8x32x8x128xf32, #tpu.memory_space<hbm>> -> memref<1x1x1x8x128xf32, #tpu.memory_space<hbm>>
      %dma_start3A_1546 = tpu.memref_squeeze %dma_start3A_1545 : memref<1x1x1x8x128xf32, #tpu.memory_space<hbm>> -> memref<8x128xf32, #tpu.memory_space<hbm>>
      %dma_start3A_1547 = tpu.memref_slice %arg16[%rem3A_1317] : memref<2x!tpu.dma_semaphore, #tpu.memory_space<semaphore_mem>> -> memref<1x!tpu.dma_semaphore, #tpu.memory_space<semaphore_mem>>
      %dma_start3A_1548 = tpu.memref_squeeze %dma_start3A_1547 : memref<1x!tpu.dma_semaphore, #tpu.memory_space<semaphore_mem>> -> memref<!tpu.dma_semaphore, #tpu.memory_space<semaphore_mem>>
      %dma_start3A_1549 = arith.constant 0 : i32
      %dma_start3A_1550 = arith.constant 0 : i32
      %dma_start3A_1551 = tpu.memref_slice %arg6[%scan3A_1314, %dma_start3A_1535, %add3A, %dma_start3A_1549, %dma_start3A_1550] : memref<200x8x32x8x128xf32, #tpu.memory_space<hbm>> -> memref<1x1x1x8x128xf32, #tpu.memory_space<hbm>>
      %dma_start3A_1552 = tpu.memref_squeeze %dma_start3A_1551 : memref<1x1x1x8x128xf32, #tpu.memory_space<hbm>> -> memref<8x128xf32, #tpu.memory_space<hbm>>
      %dma_start3A_1553 = arith.constant 0 : i32
      %dma_start3A_1554 = arith.constant 0 : i32
      %dma_start3A_1555 = tpu.memref_slice %arg9[%rem3A_1317, %dma_start3A_1553, %dma_start3A_1554] : memref<2x64x128xf32, #tpu.memory_space<vmem>> -> memref<1x64x128xf32, #tpu.memory_space<vmem>>
      %dma_start3A_1556 = tpu.memref_squeeze %dma_start3A_1555 : memref<1x64x128xf32, #tpu.memory_space<vmem>> -> memref<64x128xf32, #tpu.memory_space<vmem>>
      %dma_start3A_1557 = arith.constant 0 : i32
      %dma_start3A_1558 = arith.constant 0 : i32
      %dma_start3A_1559 = tpu.memref_slice %dma_start3A_1556[%dma_start3A_1557, %dma_start3A_1558] : memref<64x128xf32, #tpu.memory_space<vmem>> -> memref<8x128xf32, #tpu.memory_space<vmem>>
      tpu.enqueue_dma source(%dma_start3A_1559 : memref<8x128xf32, #tpu.memory_space<vmem>>) target(%dma_start3A_1552 : memref<8x128xf32, #tpu.memory_space<hbm>>) target_semaphore(%dma_start3A_1548 : memref<!tpu.dma_semaphore, #tpu.memory_space<semaphore_mem>>)
      %dma_start3A_1560 = arith.constant 1 : i32
      %dma_start3A_1561 = arith.constant 0 : i32
      %dma_start3A_1562 = arith.constant 0 : i32
      %dma_start3A_1563 = tpu.memref_slice %arg9[%rem3A_1317, %dma_start3A_1561, %dma_start3A_1562] : memref<2x64x128xf32, #tpu.memory_space<vmem>> -> memref<1x64x128xf32, #tpu.memory_space<vmem>>
      %dma_start3A_1564 = tpu.memref_squeeze %dma_start3A_1563 : memref<1x64x128xf32, #tpu.memory_space<vmem>> -> memref<64x128xf32, #tpu.memory_space<vmem>>
      %dma_start3A_1565 = arith.constant 8 : i32
      %dma_start3A_1566 = arith.constant 0 : i32
      %dma_start3A_1567 = tpu.memref_slice %dma_start3A_1564[%dma_start3A_1565, %dma_start3A_1566] : memref<64x128xf32, #tpu.memory_space<vmem>> -> memref<8x128xf32, #tpu.memory_space<vmem>>
      %dma_start3A_1568 = arith.constant 0 : i32
      %dma_start3A_1569 = arith.constant 0 : i32
      %dma_start3A_1570 = tpu.memref_slice %arg6[%scan3A_1314, %dma_start3A_1560, %add3A, %dma_start3A_1568, %dma_start3A_1569] : memref<200x8x32x8x128xf32, #tpu.memory_space<hbm>> -> memref<1x1x1x8x128xf32, #tpu.memory_space<hbm>>
      %dma_start3A_1571 = tpu.memref_squeeze %dma_start3A_1570 : memref<1x1x1x8x128xf32, #tpu.memory_space<hbm>> -> memref<8x128xf32, #tpu.memory_space<hbm>>
      %dma_start3A_1572 = tpu.memref_slice %arg16[%rem3A_1317] : memref<2x!tpu.dma_semaphore, #tpu.memory_space<semaphore_mem>> -> memref<1x!tpu.dma_semaphore, #tpu.memory_space<semaphore_mem>>
      %dma_start3A_1573 = tpu.memref_squeeze %dma_start3A_1572 : memref<1x!tpu.dma_semaphore, #tpu.memory_space<semaphore_mem>> -> memref<!tpu.dma_semaphore, #tpu.memory_space<semaphore_mem>>
      %dma_start3A_1574 = arith.constant 0 : i32
      %dma_start3A_1575 = arith.constant 0 : i32
      %dma_start3A_1576 = tpu.memref_slice %arg6[%scan3A_1314, %dma_start3A_1560, %add3A, %dma_start3A_1574, %dma_start3A_1575] : memref<200x8x32x8x128xf32, #tpu.memory_space<hbm>> -> memref<1x1x1x8x128xf32, #tpu.memory_space<hbm>>
      %dma_start3A_1577 = tpu.memref_squeeze %dma_start3A_1576 : memref<1x1x1x8x128xf32, #tpu.memory_space<hbm>> -> memref<8x128xf32, #tpu.memory_space<hbm>>
      %dma_start3A_1578 = arith.constant 0 : i32
      %dma_start3A_1579 = arith.constant 0 : i32
      %dma_start3A_1580 = tpu.memref_slice %arg9[%rem3A_1317, %dma_start3A_1578, %dma_start3A_1579] : memref<2x64x128xf32, #tpu.memory_space<vmem>> -> memref<1x64x128xf32, #tpu.memory_space<vmem>>
      %dma_start3A_1581 = tpu.memref_squeeze %dma_start3A_1580 : memref<1x64x128xf32, #tpu.memory_space<vmem>> -> memref<64x128xf32, #tpu.memory_space<vmem>>
      %dma_start3A_1582 = arith.constant 8 : i32
      %dma_start3A_1583 = arith.constant 0 : i32
      %dma_start3A_1584 = tpu.memref_slice %dma_start3A_1581[%dma_start3A_1582, %dma_start3A_1583] : memref<64x128xf32, #tpu.memory_space<vmem>> -> memref<8x128xf32, #tpu.memory_space<vmem>>
      tpu.enqueue_dma source(%dma_start3A_1584 : memref<8x128xf32, #tpu.memory_space<vmem>>) target(%dma_start3A_1577 : memref<8x128xf32, #tpu.memory_space<hbm>>) target_semaphore(%dma_start3A_1573 : memref<!tpu.dma_semaphore, #tpu.memory_space<semaphore_mem>>)
      %dma_start3A_1585 = arith.constant 2 : i32
      %dma_start3A_1586 = arith.constant 0 : i32
      %dma_start3A_1587 = arith.constant 0 : i32
      %dma_start3A_1588 = tpu.memref_slice %arg9[%rem3A_1317, %dma_start3A_1586, %dma_start3A_1587] : memref<2x64x128xf32, #tpu.memory_space<vmem>> -> memref<1x64x128xf32, #tpu.memory_space<vmem>>
      %dma_start3A_1589 = tpu.memref_squeeze %dma_start3A_1588 : memref<1x64x128xf32, #tpu.memory_space<vmem>> -> memref<64x128xf32, #tpu.memory_space<vmem>>
      %dma_start3A_1590 = arith.constant 16 : i32
      %dma_start3A_1591 = arith.constant 0 : i32
      %dma_start3A_1592 = tpu.memref_slice %dma_start3A_1589[%dma_start3A_1590, %dma_start3A_1591] : memref<64x128xf32, #tpu.memory_space<vmem>> -> memref<8x128xf32, #tpu.memory_space<vmem>>
      %dma_start3A_1593 = arith.constant 0 : i32
      %dma_start3A_1594 = arith.constant 0 : i32
      %dma_start3A_1595 = tpu.memref_slice %arg6[%scan3A_1314, %dma_start3A_1585, %add3A, %dma_start3A_1593, %dma_start3A_1594] : memref<200x8x32x8x128xf32, #tpu.memory_space<hbm>> -> memref<1x1x1x8x128xf32, #tpu.memory_space<hbm>>
      %dma_start3A_1596 = tpu.memref_squeeze %dma_start3A_1595 : memref<1x1x1x8x128xf32, #tpu.memory_space<hbm>> -> memref<8x128xf32, #tpu.memory_space<hbm>>
      %dma_start3A_1597 = tpu.memref_slice %arg16[%rem3A_1317] : memref<2x!tpu.dma_semaphore, #tpu.memory_space<semaphore_mem>> -> memref<1x!tpu.dma_semaphore, #tpu.memory_space<semaphore_mem>>
      %dma_start3A_1598 = tpu.memref_squeeze %dma_start3A_1597 : memref<1x!tpu.dma_semaphore, #tpu.memory_space<semaphore_mem>> -> memref<!tpu.dma_semaphore, #tpu.memory_space<semaphore_mem>>
      %dma_start3A_1599 = arith.constant 0 : i32
      %dma_start3A_1600 = arith.constant 0 : i32
      %dma_start3A_1601 = tpu.memref_slice %arg6[%scan3A_1314, %dma_start3A_1585, %add3A, %dma_start3A_1599, %dma_start3A_1600] : memref<200x8x32x8x128xf32, #tpu.memory_space<hbm>> -> memref<1x1x1x8x128xf32, #tpu.memory_space<hbm>>
      %dma_start3A_1602 = tpu.memref_squeeze %dma_start3A_1601 : memref<1x1x1x8x128xf32, #tpu.memory_space<hbm>> -> memref<8x128xf32, #tpu.memory_space<hbm>>
      %dma_start3A_1603 = arith.constant 0 : i32
      %dma_start3A_1604 = arith.constant 0 : i32
      %dma_start3A_1605 = tpu.memref_slice %arg9[%rem3A_1317, %dma_start3A_1603, %dma_start3A_1604] : memref<2x64x128xf32, #tpu.memory_space<vmem>> -> memref<1x64x128xf32, #tpu.memory_space<vmem>>
      %dma_start3A_1606 = tpu.memref_squeeze %dma_start3A_1605 : memref<1x64x128xf32, #tpu.memory_space<vmem>> -> memref<64x128xf32, #tpu.memory_space<vmem>>
      %dma_start3A_1607 = arith.constant 16 : i32
      %dma_start3A_1608 = arith.constant 0 : i32
      %dma_start3A_1609 = tpu.memref_slice %dma_start3A_1606[%dma_start3A_1607, %dma_start3A_1608] : memref<64x128xf32, #tpu.memory_space<vmem>> -> memref<8x128xf32, #tpu.memory_space<vmem>>
      tpu.enqueue_dma source(%dma_start3A_1609 : memref<8x128xf32, #tpu.memory_space<vmem>>) target(%dma_start3A_1602 : memref<8x128xf32, #tpu.memory_space<hbm>>) target_semaphore(%dma_start3A_1598 : memref<!tpu.dma_semaphore, #tpu.memory_space<semaphore_mem>>)
      %dma_start3A_1610 = arith.constant 3 : i32
      %dma_start3A_1611 = arith.constant 0 : i32
      %dma_start3A_1612 = arith.constant 0 : i32
      %dma_start3A_1613 = tpu.memref_slice %arg9[%rem3A_1317, %dma_start3A_1611, %dma_start3A_1612] : memref<2x64x128xf32, #tpu.memory_space<vmem>> -> memref<1x64x128xf32, #tpu.memory_space<vmem>>
      %dma_start3A_1614 = tpu.memref_squeeze %dma_start3A_1613 : memref<1x64x128xf32, #tpu.memory_space<vmem>> -> memref<64x128xf32, #tpu.memory_space<vmem>>
      %dma_start3A_1615 = arith.constant 24 : i32
      %dma_start3A_1616 = arith.constant 0 : i32
      %dma_start3A_1617 = tpu.memref_slice %dma_start3A_1614[%dma_start3A_1615, %dma_start3A_1616] : memref<64x128xf32, #tpu.memory_space<vmem>> -> memref<8x128xf32, #tpu.memory_space<vmem>>
      %dma_start3A_1618 = arith.constant 0 : i32
      %dma_start3A_1619 = arith.constant 0 : i32
      %dma_start3A_1620 = tpu.memref_slice %arg6[%scan3A_1314, %dma_start3A_1610, %add3A, %dma_start3A_1618, %dma_start3A_1619] : memref<200x8x32x8x128xf32, #tpu.memory_space<hbm>> -> memref<1x1x1x8x128xf32, #tpu.memory_space<hbm>>
      %dma_start3A_1621 = tpu.memref_squeeze %dma_start3A_1620 : memref<1x1x1x8x128xf32, #tpu.memory_space<hbm>> -> memref<8x128xf32, #tpu.memory_space<hbm>>
      %dma_start3A_1622 = tpu.memref_slice %arg16[%rem3A_1317] : memref<2x!tpu.dma_semaphore, #tpu.memory_space<semaphore_mem>> -> memref<1x!tpu.dma_semaphore, #tpu.memory_space<semaphore_mem>>
      %dma_start3A_1623 = tpu.memref_squeeze %dma_start3A_1622 : memref<1x!tpu.dma_semaphore, #tpu.memory_space<semaphore_mem>> -> memref<!tpu.dma_semaphore, #tpu.memory_space<semaphore_mem>>
      %dma_start3A_1624 = arith.constant 0 : i32
      %dma_start3A_1625 = arith.constant 0 : i32
      %dma_start3A_1626 = tpu.memref_slice %arg6[%scan3A_1314, %dma_start3A_1610, %add3A, %dma_start3A_1624, %dma_start3A_1625] : memref<200x8x32x8x128xf32, #tpu.memory_space<hbm>> -> memref<1x1x1x8x128xf32, #tpu.memory_space<hbm>>
      %dma_start3A_1627 = tpu.memref_squeeze %dma_start3A_1626 : memref<1x1x1x8x128xf32, #tpu.memory_space<hbm>> -> memref<8x128xf32, #tpu.memory_space<hbm>>
      %dma_start3A_1628 = arith.constant 0 : i32
      %dma_start3A_1629 = arith.constant 0 : i32
      %dma_start3A_1630 = tpu.memref_slice %arg9[%rem3A_1317, %dma_start3A_1628, %dma_start3A_1629] : memref<2x64x128xf32, #tpu.memory_space<vmem>> -> memref<1x64x128xf32, #tpu.memory_space<vmem>>
      %dma_start3A_1631 = tpu.memref_squeeze %dma_start3A_1630 : memref<1x64x128xf32, #tpu.memory_space<vmem>> -> memref<64x128xf32, #tpu.memory_space<vmem>>
      %dma_start3A_1632 = arith.constant 24 : i32
      %dma_start3A_1633 = arith.constant 0 : i32
      %dma_start3A_1634 = tpu.memref_slice %dma_start3A_1631[%dma_start3A_1632, %dma_start3A_1633] : memref<64x128xf32, #tpu.memory_space<vmem>> -> memref<8x128xf32, #tpu.memory_space<vmem>>
      tpu.enqueue_dma source(%dma_start3A_1634 : memref<8x128xf32, #tpu.memory_space<vmem>>) target(%dma_start3A_1627 : memref<8x128xf32, #tpu.memory_space<hbm>>) target_semaphore(%dma_start3A_1623 : memref<!tpu.dma_semaphore, #tpu.memory_space<semaphore_mem>>)
      %dma_start3A_1635 = arith.constant 4 : i32
      %dma_start3A_1636 = arith.constant 0 : i32
      %dma_start3A_1637 = arith.constant 0 : i32
      %dma_start3A_1638 = tpu.memref_slice %arg9[%rem3A_1317, %dma_start3A_1636, %dma_start3A_1637] : memref<2x64x128xf32, #tpu.memory_space<vmem>> -> memref<1x64x128xf32, #tpu.memory_space<vmem>>
      %dma_start3A_1639 = tpu.memref_squeeze %dma_start3A_1638 : memref<1x64x128xf32, #tpu.memory_space<vmem>> -> memref<64x128xf32, #tpu.memory_space<vmem>>
      %dma_start3A_1640 = arith.constant 32 : i32
      %dma_start3A_1641 = arith.constant 0 : i32
      %dma_start3A_1642 = tpu.memref_slice %dma_start3A_1639[%dma_start3A_1640, %dma_start3A_1641] : memref<64x128xf32, #tpu.memory_space<vmem>> -> memref<8x128xf32, #tpu.memory_space<vmem>>
      %dma_start3A_1643 = arith.constant 0 : i32
      %dma_start3A_1644 = arith.constant 0 : i32
      %dma_start3A_1645 = tpu.memref_slice %arg6[%scan3A_1314, %dma_start3A_1635, %add3A, %dma_start3A_1643, %dma_start3A_1644] : memref<200x8x32x8x128xf32, #tpu.memory_space<hbm>> -> memref<1x1x1x8x128xf32, #tpu.memory_space<hbm>>
      %dma_start3A_1646 = tpu.memref_squeeze %dma_start3A_1645 : memref<1x1x1x8x128xf32, #tpu.memory_space<hbm>> -> memref<8x128xf32, #tpu.memory_space<hbm>>
      %dma_start3A_1647 = tpu.memref_slice %arg16[%rem3A_1317] : memref<2x!tpu.dma_semaphore, #tpu.memory_space<semaphore_mem>> -> memref<1x!tpu.dma_semaphore, #tpu.memory_space<semaphore_mem>>
      %dma_start3A_1648 = tpu.memref_squeeze %dma_start3A_1647 : memref<1x!tpu.dma_semaphore, #tpu.memory_space<semaphore_mem>> -> memref<!tpu.dma_semaphore, #tpu.memory_space<semaphore_mem>>
      %dma_start3A_1649 = arith.constant 0 : i32
      %dma_start3A_1650 = arith.constant 0 : i32
      %dma_start3A_1651 = tpu.memref_slice %arg6[%scan3A_1314, %dma_start3A_1635, %add3A, %dma_start3A_1649, %dma_start3A_1650] : memref<200x8x32x8x128xf32, #tpu.memory_space<hbm>> -> memref<1x1x1x8x128xf32, #tpu.memory_space<hbm>>
      %dma_start3A_1652 = tpu.memref_squeeze %dma_start3A_1651 : memref<1x1x1x8x128xf32, #tpu.memory_space<hbm>> -> memref<8x128xf32, #tpu.memory_space<hbm>>
      %dma_start3A_1653 = arith.constant 0 : i32
      %dma_start3A_1654 = arith.constant 0 : i32
      %dma_start3A_1655 = tpu.memref_slice %arg9[%rem3A_1317, %dma_start3A_1653, %dma_start3A_1654] : memref<2x64x128xf32, #tpu.memory_space<vmem>> -> memref<1x64x128xf32, #tpu.memory_space<vmem>>
      %dma_start3A_1656 = tpu.memref_squeeze %dma_start3A_1655 : memref<1x64x128xf32, #tpu.memory_space<vmem>> -> memref<64x128xf32, #tpu.memory_space<vmem>>
      %dma_start3A_1657 = arith.constant 32 : i32
      %dma_start3A_1658 = arith.constant 0 : i32
      %dma_start3A_1659 = tpu.memref_slice %dma_start3A_1656[%dma_start3A_1657, %dma_start3A_1658] : memref<64x128xf32, #tpu.memory_space<vmem>> -> memref<8x128xf32, #tpu.memory_space<vmem>>
      tpu.enqueue_dma source(%dma_start3A_1659 : memref<8x128xf32, #tpu.memory_space<vmem>>) target(%dma_start3A_1652 : memref<8x128xf32, #tpu.memory_space<hbm>>) target_semaphore(%dma_start3A_1648 : memref<!tpu.dma_semaphore, #tpu.memory_space<semaphore_mem>>)
      %dma_start3A_1660 = arith.constant 5 : i32
      %dma_start3A_1661 = arith.constant 0 : i32
      %dma_start3A_1662 = arith.constant 0 : i32
      %dma_start3A_1663 = tpu.memref_slice %arg9[%rem3A_1317, %dma_start3A_1661, %dma_start3A_1662] : memref<2x64x128xf32, #tpu.memory_space<vmem>> -> memref<1x64x128xf32, #tpu.memory_space<vmem>>
      %dma_start3A_1664 = tpu.memref_squeeze %dma_start3A_1663 : memref<1x64x128xf32, #tpu.memory_space<vmem>> -> memref<64x128xf32, #tpu.memory_space<vmem>>
      %dma_start3A_1665 = arith.constant 40 : i32
      %dma_start3A_1666 = arith.constant 0 : i32
      %dma_start3A_1667 = tpu.memref_slice %dma_start3A_1664[%dma_start3A_1665, %dma_start3A_1666] : memref<64x128xf32, #tpu.memory_space<vmem>> -> memref<8x128xf32, #tpu.memory_space<vmem>>
      %dma_start3A_1668 = arith.constant 0 : i32
      %dma_start3A_1669 = arith.constant 0 : i32
      %dma_start3A_1670 = tpu.memref_slice %arg6[%scan3A_1314, %dma_start3A_1660, %add3A, %dma_start3A_1668, %dma_start3A_1669] : memref<200x8x32x8x128xf32, #tpu.memory_space<hbm>> -> memref<1x1x1x8x128xf32, #tpu.memory_space<hbm>>
      %dma_start3A_1671 = tpu.memref_squeeze %dma_start3A_1670 : memref<1x1x1x8x128xf32, #tpu.memory_space<hbm>> -> memref<8x128xf32, #tpu.memory_space<hbm>>
      %dma_start3A_1672 = tpu.memref_slice %arg16[%rem3A_1317] : memref<2x!tpu.dma_semaphore, #tpu.memory_space<semaphore_mem>> -> memref<1x!tpu.dma_semaphore, #tpu.memory_space<semaphore_mem>>
      %dma_start3A_1673 = tpu.memref_squeeze %dma_start3A_1672 : memref<1x!tpu.dma_semaphore, #tpu.memory_space<semaphore_mem>> -> memref<!tpu.dma_semaphore, #tpu.memory_space<semaphore_mem>>
      %dma_start3A_1674 = arith.constant 0 : i32
      %dma_start3A_1675 = arith.constant 0 : i32
      %dma_start3A_1676 = tpu.memref_slice %arg6[%scan3A_1314, %dma_start3A_1660, %add3A, %dma_start3A_1674, %dma_start3A_1675] : memref<200x8x32x8x128xf32, #tpu.memory_space<hbm>> -> memref<1x1x1x8x128xf32, #tpu.memory_space<hbm>>
      %dma_start3A_1677 = tpu.memref_squeeze %dma_start3A_1676 : memref<1x1x1x8x128xf32, #tpu.memory_space<hbm>> -> memref<8x128xf32, #tpu.memory_space<hbm>>
      %dma_start3A_1678 = arith.constant 0 : i32
      %dma_start3A_1679 = arith.constant 0 : i32
      %dma_start3A_1680 = tpu.memref_slice %arg9[%rem3A_1317, %dma_start3A_1678, %dma_start3A_1679] : memref<2x64x128xf32, #tpu.memory_space<vmem>> -> memref<1x64x128xf32, #tpu.memory_space<vmem>>
      %dma_start3A_1681 = tpu.memref_squeeze %dma_start3A_1680 : memref<1x64x128xf32, #tpu.memory_space<vmem>> -> memref<64x128xf32, #tpu.memory_space<vmem>>
      %dma_start3A_1682 = arith.constant 40 : i32
      %dma_start3A_1683 = arith.constant 0 : i32
      %dma_start3A_1684 = tpu.memref_slice %dma_start3A_1681[%dma_start3A_1682, %dma_start3A_1683] : memref<64x128xf32, #tpu.memory_space<vmem>> -> memref<8x128xf32, #tpu.memory_space<vmem>>
      tpu.enqueue_dma source(%dma_start3A_1684 : memref<8x128xf32, #tpu.memory_space<vmem>>) target(%dma_start3A_1677 : memref<8x128xf32, #tpu.memory_space<hbm>>) target_semaphore(%dma_start3A_1673 : memref<!tpu.dma_semaphore, #tpu.memory_space<semaphore_mem>>)
      %dma_start3A_1685 = arith.constant 6 : i32
      %dma_start3A_1686 = arith.constant 0 : i32
      %dma_start3A_1687 = arith.constant 0 : i32
      %dma_start3A_1688 = tpu.memref_slice %arg9[%rem3A_1317, %dma_start3A_1686, %dma_start3A_1687] : memref<2x64x128xf32, #tpu.memory_space<vmem>> -> memref<1x64x128xf32, #tpu.memory_space<vmem>>
      %dma_start3A_1689 = tpu.memref_squeeze %dma_start3A_1688 : memref<1x64x128xf32, #tpu.memory_space<vmem>> -> memref<64x128xf32, #tpu.memory_space<vmem>>
      %dma_start3A_1690 = arith.constant 48 : i32
      %dma_start3A_1691 = arith.constant 0 : i32
      %dma_start3A_1692 = tpu.memref_slice %dma_start3A_1689[%dma_start3A_1690, %dma_start3A_1691] : memref<64x128xf32, #tpu.memory_space<vmem>> -> memref<8x128xf32, #tpu.memory_space<vmem>>
      %dma_start3A_1693 = arith.constant 0 : i32
      %dma_start3A_1694 = arith.constant 0 : i32
      %dma_start3A_1695 = tpu.memref_slice %arg6[%scan3A_1314, %dma_start3A_1685, %add3A, %dma_start3A_1693, %dma_start3A_1694] : memref<200x8x32x8x128xf32, #tpu.memory_space<hbm>> -> memref<1x1x1x8x128xf32, #tpu.memory_space<hbm>>
      %dma_start3A_1696 = tpu.memref_squeeze %dma_start3A_1695 : memref<1x1x1x8x128xf32, #tpu.memory_space<hbm>> -> memref<8x128xf32, #tpu.memory_space<hbm>>
      %dma_start3A_1697 = tpu.memref_slice %arg16[%rem3A_1317] : memref<2x!tpu.dma_semaphore, #tpu.memory_space<semaphore_mem>> -> memref<1x!tpu.dma_semaphore, #tpu.memory_space<semaphore_mem>>
      %dma_start3A_1698 = tpu.memref_squeeze %dma_start3A_1697 : memref<1x!tpu.dma_semaphore, #tpu.memory_space<semaphore_mem>> -> memref<!tpu.dma_semaphore, #tpu.memory_space<semaphore_mem>>
      %dma_start3A_1699 = arith.constant 0 : i32
      %dma_start3A_1700 = arith.constant 0 : i32
      %dma_start3A_1701 = tpu.memref_slice %arg6[%scan3A_1314, %dma_start3A_1685, %add3A, %dma_start3A_1699, %dma_start3A_1700] : memref<200x8x32x8x128xf32, #tpu.memory_space<hbm>> -> memref<1x1x1x8x128xf32, #tpu.memory_space<hbm>>
      %dma_start3A_1702 = tpu.memref_squeeze %dma_start3A_1701 : memref<1x1x1x8x128xf32, #tpu.memory_space<hbm>> -> memref<8x128xf32, #tpu.memory_space<hbm>>
      %dma_start3A_1703 = arith.constant 0 : i32
      %dma_start3A_1704 = arith.constant 0 : i32
      %dma_start3A_1705 = tpu.memref_slice %arg9[%rem3A_1317, %dma_start3A_1703, %dma_start3A_1704] : memref<2x64x128xf32, #tpu.memory_space<vmem>> -> memref<1x64x128xf32, #tpu.memory_space<vmem>>
      %dma_start3A_1706 = tpu.memref_squeeze %dma_start3A_1705 : memref<1x64x128xf32, #tpu.memory_space<vmem>> -> memref<64x128xf32, #tpu.memory_space<vmem>>
      %dma_start3A_1707 = arith.constant 48 : i32
      %dma_start3A_1708 = arith.constant 0 : i32
      %dma_start3A_1709 = tpu.memref_slice %dma_start3A_1706[%dma_start3A_1707, %dma_start3A_1708] : memref<64x128xf32, #tpu.memory_space<vmem>> -> memref<8x128xf32, #tpu.memory_space<vmem>>
      tpu.enqueue_dma source(%dma_start3A_1709 : memref<8x128xf32, #tpu.memory_space<vmem>>) target(%dma_start3A_1702 : memref<8x128xf32, #tpu.memory_space<hbm>>) target_semaphore(%dma_start3A_1698 : memref<!tpu.dma_semaphore, #tpu.memory_space<semaphore_mem>>)
      %dma_start3A_1710 = arith.constant 7 : i32
      %dma_start3A_1711 = arith.constant 0 : i32
      %dma_start3A_1712 = arith.constant 0 : i32
      %dma_start3A_1713 = tpu.memref_slice %arg9[%rem3A_1317, %dma_start3A_1711, %dma_start3A_1712] : memref<2x64x128xf32, #tpu.memory_space<vmem>> -> memref<1x64x128xf32, #tpu.memory_space<vmem>>
      %dma_start3A_1714 = tpu.memref_squeeze %dma_start3A_1713 : memref<1x64x128xf32, #tpu.memory_space<vmem>> -> memref<64x128xf32, #tpu.memory_space<vmem>>
      %dma_start3A_1715 = arith.constant 56 : i32
      %dma_start3A_1716 = arith.constant 0 : i32
      %dma_start3A_1717 = tpu.memref_slice %dma_start3A_1714[%dma_start3A_1715, %dma_start3A_1716] : memref<64x128xf32, #tpu.memory_space<vmem>> -> memref<8x128xf32, #tpu.memory_space<vmem>>
      %dma_start3A_1718 = arith.constant 0 : i32
      %dma_start3A_1719 = arith.constant 0 : i32
      %dma_start3A_1720 = tpu.memref_slice %arg6[%scan3A_1314, %dma_start3A_1710, %add3A, %dma_start3A_1718, %dma_start3A_1719] : memref<200x8x32x8x128xf32, #tpu.memory_space<hbm>> -> memref<1x1x1x8x128xf32, #tpu.memory_space<hbm>>
      %dma_start3A_1721 = tpu.memref_squeeze %dma_start3A_1720 : memref<1x1x1x8x128xf32, #tpu.memory_space<hbm>> -> memref<8x128xf32, #tpu.memory_space<hbm>>
      %dma_start3A_1722 = tpu.memref_slice %arg16[%rem3A_1317] : memref<2x!tpu.dma_semaphore, #tpu.memory_space<semaphore_mem>> -> memref<1x!tpu.dma_semaphore, #tpu.memory_space<semaphore_mem>>
      %dma_start3A_1723 = tpu.memref_squeeze %dma_start3A_1722 : memref<1x!tpu.dma_semaphore, #tpu.memory_space<semaphore_mem>> -> memref<!tpu.dma_semaphore, #tpu.memory_space<semaphore_mem>>
      %dma_start3A_1724 = arith.constant 0 : i32
      %dma_start3A_1725 = arith.constant 0 : i32
      %dma_start3A_1726 = tpu.memref_slice %arg6[%scan3A_1314, %dma_start3A_1710, %add3A, %dma_start3A_1724, %dma_start3A_1725] : memref<200x8x32x8x128xf32, #tpu.memory_space<hbm>> -> memref<1x1x1x8x128xf32, #tpu.memory_space<hbm>>
      %dma_start3A_1727 = tpu.memref_squeeze %dma_start3A_1726 : memref<1x1x1x8x128xf32, #tpu.memory_space<hbm>> -> memref<8x128xf32, #tpu.memory_space<hbm>>
      %dma_start3A_1728 = arith.constant 0 : i32
      %dma_start3A_1729 = arith.constant 0 : i32
      %dma_start3A_1730 = tpu.memref_slice %arg9[%rem3A_1317, %dma_start3A_1728, %dma_start3A_1729] : memref<2x64x128xf32, #tpu.memory_space<vmem>> -> memref<1x64x128xf32, #tpu.memory_space<vmem>>
      %dma_start3A_1731 = tpu.memref_squeeze %dma_start3A_1730 : memref<1x64x128xf32, #tpu.memory_space<vmem>> -> memref<64x128xf32, #tpu.memory_space<vmem>>
      %dma_start3A_1732 = arith.constant 56 : i32
      %dma_start3A_1733 = arith.constant 0 : i32
      %dma_start3A_1734 = tpu.memref_slice %dma_start3A_1731[%dma_start3A_1732, %dma_start3A_1733] : memref<64x128xf32, #tpu.memory_space<vmem>> -> memref<8x128xf32, #tpu.memory_space<vmem>>
      tpu.enqueue_dma source(%dma_start3A_1734 : memref<8x128xf32, #tpu.memory_space<vmem>>) target(%dma_start3A_1727 : memref<8x128xf32, #tpu.memory_space<hbm>>) target_semaphore(%dma_start3A_1723 : memref<!tpu.dma_semaphore, #tpu.memory_space<semaphore_mem>>)
    }
    %scan3A_946 = arith.constant 200 : i32
    %dma_wait3A = arith.constant 0 : i32
    %dma_wait3A_947 = arith.constant 0 : i32
    %dma_wait3A_948 = arith.constant 0 : i32
    %dma_wait3A_949 = arith.constant 0 : i32
    %dma_wait3A_950 = arith.constant 0 : i32
    %dma_wait3A_951 = arith.constant 0 : i32
    %dma_wait3A_952 = arith.constant 0 : i32
    %dma_wait3A_953 = tpu.memref_slice %arg9[%dma_wait3A, %dma_wait3A_951, %dma_wait3A_952] : memref<2x64x128xf32, #tpu.memory_space<vmem>> -> memref<1x8x128xf32, #tpu.memory_space<vmem>>
    %dma_wait3A_954 = tpu.memref_squeeze %dma_wait3A_953 : memref<1x8x128xf32, #tpu.memory_space<vmem>> -> memref<8x128xf32, #tpu.memory_space<vmem>>
    %dma_wait3A_955 = arith.constant 0 : i32
    %dma_wait3A_956 = arith.constant 0 : i32
    %dma_wait3A_957 = tpu.memref_slice %arg6[%dma_wait3A_947, %dma_wait3A_948, %dma_wait3A_949, %dma_wait3A_955, %dma_wait3A_956] : memref<200x8x32x8x128xf32, #tpu.memory_space<hbm>> -> memref<1x1x1x8x128xf32, #tpu.memory_space<hbm>>
    %dma_wait3A_958 = tpu.memref_squeeze %dma_wait3A_957 : memref<1x1x1x8x128xf32, #tpu.memory_space<hbm>> -> memref<8x128xf32, #tpu.memory_space<hbm>>
    %dma_wait3A_959 = tpu.memref_slice %arg16[%dma_wait3A_950] : memref<2x!tpu.dma_semaphore, #tpu.memory_space<semaphore_mem>> -> memref<1x!tpu.dma_semaphore, #tpu.memory_space<semaphore_mem>>
    %dma_wait3A_960 = tpu.memref_squeeze %dma_wait3A_959 : memref<1x!tpu.dma_semaphore, #tpu.memory_space<semaphore_mem>> -> memref<!tpu.dma_semaphore, #tpu.memory_space<semaphore_mem>>
    %dma_wait3A_961 = arith.constant 0 : i32
    %dma_wait3A_962 = arith.constant 0 : i32
    %dma_wait3A_963 = tpu.memref_slice %arg6[%dma_wait3A_947, %dma_wait3A_948, %dma_wait3A_949, %dma_wait3A_961, %dma_wait3A_962] : memref<200x8x32x8x128xf32, #tpu.memory_space<hbm>> -> memref<1x1x1x8x128xf32, #tpu.memory_space<hbm>>
    %dma_wait3A_964 = tpu.memref_squeeze %dma_wait3A_963 : memref<1x1x1x8x128xf32, #tpu.memory_space<hbm>> -> memref<8x128xf32, #tpu.memory_space<hbm>>
    %dma_wait3A_965 = arith.constant 0 : i32
    %dma_wait3A_966 = arith.constant 0 : i32
    %dma_wait3A_967 = tpu.memref_slice %arg9[%dma_wait3A, %dma_wait3A_965, %dma_wait3A_966] : memref<2x64x128xf32, #tpu.memory_space<vmem>> -> memref<1x8x128xf32, #tpu.memory_space<vmem>>
    %dma_wait3A_968 = tpu.memref_squeeze %dma_wait3A_967 : memref<1x8x128xf32, #tpu.memory_space<vmem>> -> memref<8x128xf32, #tpu.memory_space<vmem>>
    tpu.wait_dma2 semaphore(%dma_wait3A_960 : memref<!tpu.dma_semaphore, #tpu.memory_space<semaphore_mem>>) src(%dma_wait3A_968 : memref<8x128xf32, #tpu.memory_space<vmem>>) dst(%dma_wait3A_964 : memref<8x128xf32, #tpu.memory_space<hbm>>)
    %dma_wait3A_969 = arith.constant 0 : i32
    %dma_wait3A_970 = arith.constant 0 : i32
    %dma_wait3A_971 = arith.constant 1 : i32
    %dma_wait3A_972 = arith.constant 0 : i32
    %dma_wait3A_973 = arith.constant 0 : i32
    %dma_wait3A_974 = arith.constant 8 : i32
    %dma_wait3A_975 = arith.constant 0 : i32
    %dma_wait3A_976 = tpu.memref_slice %arg9[%dma_wait3A_969, %dma_wait3A_974, %dma_wait3A_975] : memref<2x64x128xf32, #tpu.memory_space<vmem>> -> memref<1x8x128xf32, #tpu.memory_space<vmem>>
    %dma_wait3A_977 = tpu.memref_squeeze %dma_wait3A_976 : memref<1x8x128xf32, #tpu.memory_space<vmem>> -> memref<8x128xf32, #tpu.memory_space<vmem>>
    %dma_wait3A_978 = arith.constant 0 : i32
    %dma_wait3A_979 = arith.constant 0 : i32
    %dma_wait3A_980 = tpu.memref_slice %arg6[%dma_wait3A_970, %dma_wait3A_971, %dma_wait3A_972, %dma_wait3A_978, %dma_wait3A_979] : memref<200x8x32x8x128xf32, #tpu.memory_space<hbm>> -> memref<1x1x1x8x128xf32, #tpu.memory_space<hbm>>
    %dma_wait3A_981 = tpu.memref_squeeze %dma_wait3A_980 : memref<1x1x1x8x128xf32, #tpu.memory_space<hbm>> -> memref<8x128xf32, #tpu.memory_space<hbm>>
    %dma_wait3A_982 = tpu.memref_slice %arg16[%dma_wait3A_973] : memref<2x!tpu.dma_semaphore, #tpu.memory_space<semaphore_mem>> -> memref<1x!tpu.dma_semaphore, #tpu.memory_space<semaphore_mem>>
    %dma_wait3A_983 = tpu.memref_squeeze %dma_wait3A_982 : memref<1x!tpu.dma_semaphore, #tpu.memory_space<semaphore_mem>> -> memref<!tpu.dma_semaphore, #tpu.memory_space<semaphore_mem>>
    %dma_wait3A_984 = arith.constant 0 : i32
    %dma_wait3A_985 = arith.constant 0 : i32
    %dma_wait3A_986 = tpu.memref_slice %arg6[%dma_wait3A_970, %dma_wait3A_971, %dma_wait3A_972, %dma_wait3A_984, %dma_wait3A_985] : memref<200x8x32x8x128xf32, #tpu.memory_space<hbm>> -> memref<1x1x1x8x128xf32, #tpu.memory_space<hbm>>
    %dma_wait3A_987 = tpu.memref_squeeze %dma_wait3A_986 : memref<1x1x1x8x128xf32, #tpu.memory_space<hbm>> -> memref<8x128xf32, #tpu.memory_space<hbm>>
    %dma_wait3A_988 = arith.constant 8 : i32
    %dma_wait3A_989 = arith.constant 0 : i32
    %dma_wait3A_990 = tpu.memref_slice %arg9[%dma_wait3A_969, %dma_wait3A_988, %dma_wait3A_989] : memref<2x64x128xf32, #tpu.memory_space<vmem>> -> memref<1x8x128xf32, #tpu.memory_space<vmem>>
    %dma_wait3A_991 = tpu.memref_squeeze %dma_wait3A_990 : memref<1x8x128xf32, #tpu.memory_space<vmem>> -> memref<8x128xf32, #tpu.memory_space<vmem>>
    tpu.wait_dma2 semaphore(%dma_wait3A_983 : memref<!tpu.dma_semaphore, #tpu.memory_space<semaphore_mem>>) src(%dma_wait3A_991 : memref<8x128xf32, #tpu.memory_space<vmem>>) dst(%dma_wait3A_987 : memref<8x128xf32, #tpu.memory_space<hbm>>)
    %dma_wait3A_992 = arith.constant 0 : i32
    %dma_wait3A_993 = arith.constant 0 : i32
    %dma_wait3A_994 = arith.constant 2 : i32
    %dma_wait3A_995 = arith.constant 0 : i32
    %dma_wait3A_996 = arith.constant 0 : i32
    %dma_wait3A_997 = arith.constant 16 : i32
    %dma_wait3A_998 = arith.constant 0 : i32
    %dma_wait3A_999 = tpu.memref_slice %arg9[%dma_wait3A_992, %dma_wait3A_997, %dma_wait3A_998] : memref<2x64x128xf32, #tpu.memory_space<vmem>> -> memref<1x8x128xf32, #tpu.memory_space<vmem>>
    %dma_wait3A_1000 = tpu.memref_squeeze %dma_wait3A_999 : memref<1x8x128xf32, #tpu.memory_space<vmem>> -> memref<8x128xf32, #tpu.memory_space<vmem>>
    %dma_wait3A_1001 = arith.constant 0 : i32
    %dma_wait3A_1002 = arith.constant 0 : i32
    %dma_wait3A_1003 = tpu.memref_slice %arg6[%dma_wait3A_993, %dma_wait3A_994, %dma_wait3A_995, %dma_wait3A_1001, %dma_wait3A_1002] : memref<200x8x32x8x128xf32, #tpu.memory_space<hbm>> -> memref<1x1x1x8x128xf32, #tpu.memory_space<hbm>>
    %dma_wait3A_1004 = tpu.memref_squeeze %dma_wait3A_1003 : memref<1x1x1x8x128xf32, #tpu.memory_space<hbm>> -> memref<8x128xf32, #tpu.memory_space<hbm>>
    %dma_wait3A_1005 = tpu.memref_slice %arg16[%dma_wait3A_996] : memref<2x!tpu.dma_semaphore, #tpu.memory_space<semaphore_mem>> -> memref<1x!tpu.dma_semaphore, #tpu.memory_space<semaphore_mem>>
    %dma_wait3A_1006 = tpu.memref_squeeze %dma_wait3A_1005 : memref<1x!tpu.dma_semaphore, #tpu.memory_space<semaphore_mem>> -> memref<!tpu.dma_semaphore, #tpu.memory_space<semaphore_mem>>
    %dma_wait3A_1007 = arith.constant 0 : i32
    %dma_wait3A_1008 = arith.constant 0 : i32
    %dma_wait3A_1009 = tpu.memref_slice %arg6[%dma_wait3A_993, %dma_wait3A_994, %dma_wait3A_995, %dma_wait3A_1007, %dma_wait3A_1008] : memref<200x8x32x8x128xf32, #tpu.memory_space<hbm>> -> memref<1x1x1x8x128xf32, #tpu.memory_space<hbm>>
    %dma_wait3A_1010 = tpu.memref_squeeze %dma_wait3A_1009 : memref<1x1x1x8x128xf32, #tpu.memory_space<hbm>> -> memref<8x128xf32, #tpu.memory_space<hbm>>
    %dma_wait3A_1011 = arith.constant 16 : i32
    %dma_wait3A_1012 = arith.constant 0 : i32
    %dma_wait3A_1013 = tpu.memref_slice %arg9[%dma_wait3A_992, %dma_wait3A_1011, %dma_wait3A_1012] : memref<2x64x128xf32, #tpu.memory_space<vmem>> -> memref<1x8x128xf32, #tpu.memory_space<vmem>>
    %dma_wait3A_1014 = tpu.memref_squeeze %dma_wait3A_1013 : memref<1x8x128xf32, #tpu.memory_space<vmem>> -> memref<8x128xf32, #tpu.memory_space<vmem>>
    tpu.wait_dma2 semaphore(%dma_wait3A_1006 : memref<!tpu.dma_semaphore, #tpu.memory_space<semaphore_mem>>) src(%dma_wait3A_1014 : memref<8x128xf32, #tpu.memory_space<vmem>>) dst(%dma_wait3A_1010 : memref<8x128xf32, #tpu.memory_space<hbm>>)
    %dma_wait3A_1015 = arith.constant 0 : i32
    %dma_wait3A_1016 = arith.constant 0 : i32
    %dma_wait3A_1017 = arith.constant 3 : i32
    %dma_wait3A_1018 = arith.constant 0 : i32
    %dma_wait3A_1019 = arith.constant 0 : i32
    %dma_wait3A_1020 = arith.constant 24 : i32
    %dma_wait3A_1021 = arith.constant 0 : i32
    %dma_wait3A_1022 = tpu.memref_slice %arg9[%dma_wait3A_1015, %dma_wait3A_1020, %dma_wait3A_1021] : memref<2x64x128xf32, #tpu.memory_space<vmem>> -> memref<1x8x128xf32, #tpu.memory_space<vmem>>
    %dma_wait3A_1023 = tpu.memref_squeeze %dma_wait3A_1022 : memref<1x8x128xf32, #tpu.memory_space<vmem>> -> memref<8x128xf32, #tpu.memory_space<vmem>>
    %dma_wait3A_1024 = arith.constant 0 : i32
    %dma_wait3A_1025 = arith.constant 0 : i32
    %dma_wait3A_1026 = tpu.memref_slice %arg6[%dma_wait3A_1016, %dma_wait3A_1017, %dma_wait3A_1018, %dma_wait3A_1024, %dma_wait3A_1025] : memref<200x8x32x8x128xf32, #tpu.memory_space<hbm>> -> memref<1x1x1x8x128xf32, #tpu.memory_space<hbm>>
    %dma_wait3A_1027 = tpu.memref_squeeze %dma_wait3A_1026 : memref<1x1x1x8x128xf32, #tpu.memory_space<hbm>> -> memref<8x128xf32, #tpu.memory_space<hbm>>
    %dma_wait3A_1028 = tpu.memref_slice %arg16[%dma_wait3A_1019] : memref<2x!tpu.dma_semaphore, #tpu.memory_space<semaphore_mem>> -> memref<1x!tpu.dma_semaphore, #tpu.memory_space<semaphore_mem>>
    %dma_wait3A_1029 = tpu.memref_squeeze %dma_wait3A_1028 : memref<1x!tpu.dma_semaphore, #tpu.memory_space<semaphore_mem>> -> memref<!tpu.dma_semaphore, #tpu.memory_space<semaphore_mem>>
    %dma_wait3A_1030 = arith.constant 0 : i32
    %dma_wait3A_1031 = arith.constant 0 : i32
    %dma_wait3A_1032 = tpu.memref_slice %arg6[%dma_wait3A_1016, %dma_wait3A_1017, %dma_wait3A_1018, %dma_wait3A_1030, %dma_wait3A_1031] : memref<200x8x32x8x128xf32, #tpu.memory_space<hbm>> -> memref<1x1x1x8x128xf32, #tpu.memory_space<hbm>>
    %dma_wait3A_1033 = tpu.memref_squeeze %dma_wait3A_1032 : memref<1x1x1x8x128xf32, #tpu.memory_space<hbm>> -> memref<8x128xf32, #tpu.memory_space<hbm>>
    %dma_wait3A_1034 = arith.constant 24 : i32
    %dma_wait3A_1035 = arith.constant 0 : i32
    %dma_wait3A_1036 = tpu.memref_slice %arg9[%dma_wait3A_1015, %dma_wait3A_1034, %dma_wait3A_1035] : memref<2x64x128xf32, #tpu.memory_space<vmem>> -> memref<1x8x128xf32, #tpu.memory_space<vmem>>
    %dma_wait3A_1037 = tpu.memref_squeeze %dma_wait3A_1036 : memref<1x8x128xf32, #tpu.memory_space<vmem>> -> memref<8x128xf32, #tpu.memory_space<vmem>>
    tpu.wait_dma2 semaphore(%dma_wait3A_1029 : memref<!tpu.dma_semaphore, #tpu.memory_space<semaphore_mem>>) src(%dma_wait3A_1037 : memref<8x128xf32, #tpu.memory_space<vmem>>) dst(%dma_wait3A_1033 : memref<8x128xf32, #tpu.memory_space<hbm>>)
    %dma_wait3A_1038 = arith.constant 0 : i32
    %dma_wait3A_1039 = arith.constant 0 : i32
    %dma_wait3A_1040 = arith.constant 4 : i32
    %dma_wait3A_1041 = arith.constant 0 : i32
    %dma_wait3A_1042 = arith.constant 0 : i32
    %dma_wait3A_1043 = arith.constant 32 : i32
    %dma_wait3A_1044 = arith.constant 0 : i32
    %dma_wait3A_1045 = tpu.memref_slice %arg9[%dma_wait3A_1038, %dma_wait3A_1043, %dma_wait3A_1044] : memref<2x64x128xf32, #tpu.memory_space<vmem>> -> memref<1x8x128xf32, #tpu.memory_space<vmem>>
    %dma_wait3A_1046 = tpu.memref_squeeze %dma_wait3A_1045 : memref<1x8x128xf32, #tpu.memory_space<vmem>> -> memref<8x128xf32, #tpu.memory_space<vmem>>
    %dma_wait3A_1047 = arith.constant 0 : i32
    %dma_wait3A_1048 = arith.constant 0 : i32
    %dma_wait3A_1049 = tpu.memref_slice %arg6[%dma_wait3A_1039, %dma_wait3A_1040, %dma_wait3A_1041, %dma_wait3A_1047, %dma_wait3A_1048] : memref<200x8x32x8x128xf32, #tpu.memory_space<hbm>> -> memref<1x1x1x8x128xf32, #tpu.memory_space<hbm>>
    %dma_wait3A_1050 = tpu.memref_squeeze %dma_wait3A_1049 : memref<1x1x1x8x128xf32, #tpu.memory_space<hbm>> -> memref<8x128xf32, #tpu.memory_space<hbm>>
    %dma_wait3A_1051 = tpu.memref_slice %arg16[%dma_wait3A_1042] : memref<2x!tpu.dma_semaphore, #tpu.memory_space<semaphore_mem>> -> memref<1x!tpu.dma_semaphore, #tpu.memory_space<semaphore_mem>>
    %dma_wait3A_1052 = tpu.memref_squeeze %dma_wait3A_1051 : memref<1x!tpu.dma_semaphore, #tpu.memory_space<semaphore_mem>> -> memref<!tpu.dma_semaphore, #tpu.memory_space<semaphore_mem>>
    %dma_wait3A_1053 = arith.constant 0 : i32
    %dma_wait3A_1054 = arith.constant 0 : i32
    %dma_wait3A_1055 = tpu.memref_slice %arg6[%dma_wait3A_1039, %dma_wait3A_1040, %dma_wait3A_1041, %dma_wait3A_1053, %dma_wait3A_1054] : memref<200x8x32x8x128xf32, #tpu.memory_space<hbm>> -> memref<1x1x1x8x128xf32, #tpu.memory_space<hbm>>
    %dma_wait3A_1056 = tpu.memref_squeeze %dma_wait3A_1055 : memref<1x1x1x8x128xf32, #tpu.memory_space<hbm>> -> memref<8x128xf32, #tpu.memory_space<hbm>>
    %dma_wait3A_1057 = arith.constant 32 : i32
    %dma_wait3A_1058 = arith.constant 0 : i32
    %dma_wait3A_1059 = tpu.memref_slice %arg9[%dma_wait3A_1038, %dma_wait3A_1057, %dma_wait3A_1058] : memref<2x64x128xf32, #tpu.memory_space<vmem>> -> memref<1x8x128xf32, #tpu.memory_space<vmem>>
    %dma_wait3A_1060 = tpu.memref_squeeze %dma_wait3A_1059 : memref<1x8x128xf32, #tpu.memory_space<vmem>> -> memref<8x128xf32, #tpu.memory_space<vmem>>
    tpu.wait_dma2 semaphore(%dma_wait3A_1052 : memref<!tpu.dma_semaphore, #tpu.memory_space<semaphore_mem>>) src(%dma_wait3A_1060 : memref<8x128xf32, #tpu.memory_space<vmem>>) dst(%dma_wait3A_1056 : memref<8x128xf32, #tpu.memory_space<hbm>>)
    %dma_wait3A_1061 = arith.constant 0 : i32
    %dma_wait3A_1062 = arith.constant 0 : i32
    %dma_wait3A_1063 = arith.constant 5 : i32
    %dma_wait3A_1064 = arith.constant 0 : i32
    %dma_wait3A_1065 = arith.constant 0 : i32
    %dma_wait3A_1066 = arith.constant 40 : i32
    %dma_wait3A_1067 = arith.constant 0 : i32
    %dma_wait3A_1068 = tpu.memref_slice %arg9[%dma_wait3A_1061, %dma_wait3A_1066, %dma_wait3A_1067] : memref<2x64x128xf32, #tpu.memory_space<vmem>> -> memref<1x8x128xf32, #tpu.memory_space<vmem>>
    %dma_wait3A_1069 = tpu.memref_squeeze %dma_wait3A_1068 : memref<1x8x128xf32, #tpu.memory_space<vmem>> -> memref<8x128xf32, #tpu.memory_space<vmem>>
    %dma_wait3A_1070 = arith.constant 0 : i32
    %dma_wait3A_1071 = arith.constant 0 : i32
    %dma_wait3A_1072 = tpu.memref_slice %arg6[%dma_wait3A_1062, %dma_wait3A_1063, %dma_wait3A_1064, %dma_wait3A_1070, %dma_wait3A_1071] : memref<200x8x32x8x128xf32, #tpu.memory_space<hbm>> -> memref<1x1x1x8x128xf32, #tpu.memory_space<hbm>>
    %dma_wait3A_1073 = tpu.memref_squeeze %dma_wait3A_1072 : memref<1x1x1x8x128xf32, #tpu.memory_space<hbm>> -> memref<8x128xf32, #tpu.memory_space<hbm>>
    %dma_wait3A_1074 = tpu.memref_slice %arg16[%dma_wait3A_1065] : memref<2x!tpu.dma_semaphore, #tpu.memory_space<semaphore_mem>> -> memref<1x!tpu.dma_semaphore, #tpu.memory_space<semaphore_mem>>
    %dma_wait3A_1075 = tpu.memref_squeeze %dma_wait3A_1074 : memref<1x!tpu.dma_semaphore, #tpu.memory_space<semaphore_mem>> -> memref<!tpu.dma_semaphore, #tpu.memory_space<semaphore_mem>>
    %dma_wait3A_1076 = arith.constant 0 : i32
    %dma_wait3A_1077 = arith.constant 0 : i32
    %dma_wait3A_1078 = tpu.memref_slice %arg6[%dma_wait3A_1062, %dma_wait3A_1063, %dma_wait3A_1064, %dma_wait3A_1076, %dma_wait3A_1077] : memref<200x8x32x8x128xf32, #tpu.memory_space<hbm>> -> memref<1x1x1x8x128xf32, #tpu.memory_space<hbm>>
    %dma_wait3A_1079 = tpu.memref_squeeze %dma_wait3A_1078 : memref<1x1x1x8x128xf32, #tpu.memory_space<hbm>> -> memref<8x128xf32, #tpu.memory_space<hbm>>
    %dma_wait3A_1080 = arith.constant 40 : i32
    %dma_wait3A_1081 = arith.constant 0 : i32
    %dma_wait3A_1082 = tpu.memref_slice %arg9[%dma_wait3A_1061, %dma_wait3A_1080, %dma_wait3A_1081] : memref<2x64x128xf32, #tpu.memory_space<vmem>> -> memref<1x8x128xf32, #tpu.memory_space<vmem>>
    %dma_wait3A_1083 = tpu.memref_squeeze %dma_wait3A_1082 : memref<1x8x128xf32, #tpu.memory_space<vmem>> -> memref<8x128xf32, #tpu.memory_space<vmem>>
    tpu.wait_dma2 semaphore(%dma_wait3A_1075 : memref<!tpu.dma_semaphore, #tpu.memory_space<semaphore_mem>>) src(%dma_wait3A_1083 : memref<8x128xf32, #tpu.memory_space<vmem>>) dst(%dma_wait3A_1079 : memref<8x128xf32, #tpu.memory_space<hbm>>)
    %dma_wait3A_1084 = arith.constant 0 : i32
    %dma_wait3A_1085 = arith.constant 0 : i32
    %dma_wait3A_1086 = arith.constant 6 : i32
    %dma_wait3A_1087 = arith.constant 0 : i32
    %dma_wait3A_1088 = arith.constant 0 : i32
    %dma_wait3A_1089 = arith.constant 48 : i32
    %dma_wait3A_1090 = arith.constant 0 : i32
    %dma_wait3A_1091 = tpu.memref_slice %arg9[%dma_wait3A_1084, %dma_wait3A_1089, %dma_wait3A_1090] : memref<2x64x128xf32, #tpu.memory_space<vmem>> -> memref<1x8x128xf32, #tpu.memory_space<vmem>>
    %dma_wait3A_1092 = tpu.memref_squeeze %dma_wait3A_1091 : memref<1x8x128xf32, #tpu.memory_space<vmem>> -> memref<8x128xf32, #tpu.memory_space<vmem>>
    %dma_wait3A_1093 = arith.constant 0 : i32
    %dma_wait3A_1094 = arith.constant 0 : i32
    %dma_wait3A_1095 = tpu.memref_slice %arg6[%dma_wait3A_1085, %dma_wait3A_1086, %dma_wait3A_1087, %dma_wait3A_1093, %dma_wait3A_1094] : memref<200x8x32x8x128xf32, #tpu.memory_space<hbm>> -> memref<1x1x1x8x128xf32, #tpu.memory_space<hbm>>
    %dma_wait3A_1096 = tpu.memref_squeeze %dma_wait3A_1095 : memref<1x1x1x8x128xf32, #tpu.memory_space<hbm>> -> memref<8x128xf32, #tpu.memory_space<hbm>>
    %dma_wait3A_1097 = tpu.memref_slice %arg16[%dma_wait3A_1088] : memref<2x!tpu.dma_semaphore, #tpu.memory_space<semaphore_mem>> -> memref<1x!tpu.dma_semaphore, #tpu.memory_space<semaphore_mem>>
    %dma_wait3A_1098 = tpu.memref_squeeze %dma_wait3A_1097 : memref<1x!tpu.dma_semaphore, #tpu.memory_space<semaphore_mem>> -> memref<!tpu.dma_semaphore, #tpu.memory_space<semaphore_mem>>
    %dma_wait3A_1099 = arith.constant 0 : i32
    %dma_wait3A_1100 = arith.constant 0 : i32
    %dma_wait3A_1101 = tpu.memref_slice %arg6[%dma_wait3A_1085, %dma_wait3A_1086, %dma_wait3A_1087, %dma_wait3A_1099, %dma_wait3A_1100] : memref<200x8x32x8x128xf32, #tpu.memory_space<hbm>> -> memref<1x1x1x8x128xf32, #tpu.memory_space<hbm>>
    %dma_wait3A_1102 = tpu.memref_squeeze %dma_wait3A_1101 : memref<1x1x1x8x128xf32, #tpu.memory_space<hbm>> -> memref<8x128xf32, #tpu.memory_space<hbm>>
    %dma_wait3A_1103 = arith.constant 48 : i32
    %dma_wait3A_1104 = arith.constant 0 : i32
    %dma_wait3A_1105 = tpu.memref_slice %arg9[%dma_wait3A_1084, %dma_wait3A_1103, %dma_wait3A_1104] : memref<2x64x128xf32, #tpu.memory_space<vmem>> -> memref<1x8x128xf32, #tpu.memory_space<vmem>>
    %dma_wait3A_1106 = tpu.memref_squeeze %dma_wait3A_1105 : memref<1x8x128xf32, #tpu.memory_space<vmem>> -> memref<8x128xf32, #tpu.memory_space<vmem>>
    tpu.wait_dma2 semaphore(%dma_wait3A_1098 : memref<!tpu.dma_semaphore, #tpu.memory_space<semaphore_mem>>) src(%dma_wait3A_1106 : memref<8x128xf32, #tpu.memory_space<vmem>>) dst(%dma_wait3A_1102 : memref<8x128xf32, #tpu.memory_space<hbm>>)
    %dma_wait3A_1107 = arith.constant 0 : i32
    %dma_wait3A_1108 = arith.constant 0 : i32
    %dma_wait3A_1109 = arith.constant 7 : i32
    %dma_wait3A_1110 = arith.constant 0 : i32
    %dma_wait3A_1111 = arith.constant 0 : i32
    %dma_wait3A_1112 = arith.constant 56 : i32
    %dma_wait3A_1113 = arith.constant 0 : i32
    %dma_wait3A_1114 = tpu.memref_slice %arg9[%dma_wait3A_1107, %dma_wait3A_1112, %dma_wait3A_1113] : memref<2x64x128xf32, #tpu.memory_space<vmem>> -> memref<1x8x128xf32, #tpu.memory_space<vmem>>
    %dma_wait3A_1115 = tpu.memref_squeeze %dma_wait3A_1114 : memref<1x8x128xf32, #tpu.memory_space<vmem>> -> memref<8x128xf32, #tpu.memory_space<vmem>>
    %dma_wait3A_1116 = arith.constant 0 : i32
    %dma_wait3A_1117 = arith.constant 0 : i32
    %dma_wait3A_1118 = tpu.memref_slice %arg6[%dma_wait3A_1108, %dma_wait3A_1109, %dma_wait3A_1110, %dma_wait3A_1116, %dma_wait3A_1117] : memref<200x8x32x8x128xf32, #tpu.memory_space<hbm>> -> memref<1x1x1x8x128xf32, #tpu.memory_space<hbm>>
    %dma_wait3A_1119 = tpu.memref_squeeze %dma_wait3A_1118 : memref<1x1x1x8x128xf32, #tpu.memory_space<hbm>> -> memref<8x128xf32, #tpu.memory_space<hbm>>
    %dma_wait3A_1120 = tpu.memref_slice %arg16[%dma_wait3A_1111] : memref<2x!tpu.dma_semaphore, #tpu.memory_space<semaphore_mem>> -> memref<1x!tpu.dma_semaphore, #tpu.memory_space<semaphore_mem>>
    %dma_wait3A_1121 = tpu.memref_squeeze %dma_wait3A_1120 : memref<1x!tpu.dma_semaphore, #tpu.memory_space<semaphore_mem>> -> memref<!tpu.dma_semaphore, #tpu.memory_space<semaphore_mem>>
    %dma_wait3A_1122 = arith.constant 0 : i32
    %dma_wait3A_1123 = arith.constant 0 : i32
    %dma_wait3A_1124 = tpu.memref_slice %arg6[%dma_wait3A_1108, %dma_wait3A_1109, %dma_wait3A_1110, %dma_wait3A_1122, %dma_wait3A_1123] : memref<200x8x32x8x128xf32, #tpu.memory_space<hbm>> -> memref<1x1x1x8x128xf32, #tpu.memory_space<hbm>>
    %dma_wait3A_1125 = tpu.memref_squeeze %dma_wait3A_1124 : memref<1x1x1x8x128xf32, #tpu.memory_space<hbm>> -> memref<8x128xf32, #tpu.memory_space<hbm>>
    %dma_wait3A_1126 = arith.constant 56 : i32
    %dma_wait3A_1127 = arith.constant 0 : i32
    %dma_wait3A_1128 = tpu.memref_slice %arg9[%dma_wait3A_1107, %dma_wait3A_1126, %dma_wait3A_1127] : memref<2x64x128xf32, #tpu.memory_space<vmem>> -> memref<1x8x128xf32, #tpu.memory_space<vmem>>
    %dma_wait3A_1129 = tpu.memref_squeeze %dma_wait3A_1128 : memref<1x8x128xf32, #tpu.memory_space<vmem>> -> memref<8x128xf32, #tpu.memory_space<vmem>>
    tpu.wait_dma2 semaphore(%dma_wait3A_1121 : memref<!tpu.dma_semaphore, #tpu.memory_space<semaphore_mem>>) src(%dma_wait3A_1129 : memref<8x128xf32, #tpu.memory_space<vmem>>) dst(%dma_wait3A_1125 : memref<8x128xf32, #tpu.memory_space<hbm>>)
    %dma_wait3A_1130 = arith.constant 1 : i32
    %dma_wait3A_1131 = arith.constant 0 : i32
    %dma_wait3A_1132 = arith.constant 0 : i32
    %dma_wait3A_1133 = arith.constant 0 : i32
    %dma_wait3A_1134 = arith.constant 1 : i32
    %dma_wait3A_1135 = arith.constant 0 : i32
    %dma_wait3A_1136 = arith.constant 0 : i32
    %dma_wait3A_1137 = tpu.memref_slice %arg9[%dma_wait3A_1130, %dma_wait3A_1135, %dma_wait3A_1136] : memref<2x64x128xf32, #tpu.memory_space<vmem>> -> memref<1x8x128xf32, #tpu.memory_space<vmem>>
    %dma_wait3A_1138 = tpu.memref_squeeze %dma_wait3A_1137 : memref<1x8x128xf32, #tpu.memory_space<vmem>> -> memref<8x128xf32, #tpu.memory_space<vmem>>
    %dma_wait3A_1139 = arith.constant 0 : i32
    %dma_wait3A_1140 = arith.constant 0 : i32
    %dma_wait3A_1141 = tpu.memref_slice %arg6[%dma_wait3A_1131, %dma_wait3A_1132, %dma_wait3A_1133, %dma_wait3A_1139, %dma_wait3A_1140] : memref<200x8x32x8x128xf32, #tpu.memory_space<hbm>> -> memref<1x1x1x8x128xf32, #tpu.memory_space<hbm>>
    %dma_wait3A_1142 = tpu.memref_squeeze %dma_wait3A_1141 : memref<1x1x1x8x128xf32, #tpu.memory_space<hbm>> -> memref<8x128xf32, #tpu.memory_space<hbm>>
    %dma_wait3A_1143 = tpu.memref_slice %arg16[%dma_wait3A_1134] : memref<2x!tpu.dma_semaphore, #tpu.memory_space<semaphore_mem>> -> memref<1x!tpu.dma_semaphore, #tpu.memory_space<semaphore_mem>>
    %dma_wait3A_1144 = tpu.memref_squeeze %dma_wait3A_1143 : memref<1x!tpu.dma_semaphore, #tpu.memory_space<semaphore_mem>> -> memref<!tpu.dma_semaphore, #tpu.memory_space<semaphore_mem>>
    %dma_wait3A_1145 = arith.constant 0 : i32
    %dma_wait3A_1146 = arith.constant 0 : i32
    %dma_wait3A_1147 = tpu.memref_slice %arg6[%dma_wait3A_1131, %dma_wait3A_1132, %dma_wait3A_1133, %dma_wait3A_1145, %dma_wait3A_1146] : memref<200x8x32x8x128xf32, #tpu.memory_space<hbm>> -> memref<1x1x1x8x128xf32, #tpu.memory_space<hbm>>
    %dma_wait3A_1148 = tpu.memref_squeeze %dma_wait3A_1147 : memref<1x1x1x8x128xf32, #tpu.memory_space<hbm>> -> memref<8x128xf32, #tpu.memory_space<hbm>>
    %dma_wait3A_1149 = arith.constant 0 : i32
    %dma_wait3A_1150 = arith.constant 0 : i32
    %dma_wait3A_1151 = tpu.memref_slice %arg9[%dma_wait3A_1130, %dma_wait3A_1149, %dma_wait3A_1150] : memref<2x64x128xf32, #tpu.memory_space<vmem>> -> memref<1x8x128xf32, #tpu.memory_space<vmem>>
    %dma_wait3A_1152 = tpu.memref_squeeze %dma_wait3A_1151 : memref<1x8x128xf32, #tpu.memory_space<vmem>> -> memref<8x128xf32, #tpu.memory_space<vmem>>
    tpu.wait_dma2 semaphore(%dma_wait3A_1144 : memref<!tpu.dma_semaphore, #tpu.memory_space<semaphore_mem>>) src(%dma_wait3A_1152 : memref<8x128xf32, #tpu.memory_space<vmem>>) dst(%dma_wait3A_1148 : memref<8x128xf32, #tpu.memory_space<hbm>>)
    %dma_wait3A_1153 = arith.constant 1 : i32
    %dma_wait3A_1154 = arith.constant 0 : i32
    %dma_wait3A_1155 = arith.constant 1 : i32
    %dma_wait3A_1156 = arith.constant 0 : i32
    %dma_wait3A_1157 = arith.constant 1 : i32
    %dma_wait3A_1158 = arith.constant 8 : i32
    %dma_wait3A_1159 = arith.constant 0 : i32
    %dma_wait3A_1160 = tpu.memref_slice %arg9[%dma_wait3A_1153, %dma_wait3A_1158, %dma_wait3A_1159] : memref<2x64x128xf32, #tpu.memory_space<vmem>> -> memref<1x8x128xf32, #tpu.memory_space<vmem>>
    %dma_wait3A_1161 = tpu.memref_squeeze %dma_wait3A_1160 : memref<1x8x128xf32, #tpu.memory_space<vmem>> -> memref<8x128xf32, #tpu.memory_space<vmem>>
    %dma_wait3A_1162 = arith.constant 0 : i32
    %dma_wait3A_1163 = arith.constant 0 : i32
    %dma_wait3A_1164 = tpu.memref_slice %arg6[%dma_wait3A_1154, %dma_wait3A_1155, %dma_wait3A_1156, %dma_wait3A_1162, %dma_wait3A_1163] : memref<200x8x32x8x128xf32, #tpu.memory_space<hbm>> -> memref<1x1x1x8x128xf32, #tpu.memory_space<hbm>>
    %dma_wait3A_1165 = tpu.memref_squeeze %dma_wait3A_1164 : memref<1x1x1x8x128xf32, #tpu.memory_space<hbm>> -> memref<8x128xf32, #tpu.memory_space<hbm>>
    %dma_wait3A_1166 = tpu.memref_slice %arg16[%dma_wait3A_1157] : memref<2x!tpu.dma_semaphore, #tpu.memory_space<semaphore_mem>> -> memref<1x!tpu.dma_semaphore, #tpu.memory_space<semaphore_mem>>
    %dma_wait3A_1167 = tpu.memref_squeeze %dma_wait3A_1166 : memref<1x!tpu.dma_semaphore, #tpu.memory_space<semaphore_mem>> -> memref<!tpu.dma_semaphore, #tpu.memory_space<semaphore_mem>>
    %dma_wait3A_1168 = arith.constant 0 : i32
    %dma_wait3A_1169 = arith.constant 0 : i32
    %dma_wait3A_1170 = tpu.memref_slice %arg6[%dma_wait3A_1154, %dma_wait3A_1155, %dma_wait3A_1156, %dma_wait3A_1168, %dma_wait3A_1169] : memref<200x8x32x8x128xf32, #tpu.memory_space<hbm>> -> memref<1x1x1x8x128xf32, #tpu.memory_space<hbm>>
    %dma_wait3A_1171 = tpu.memref_squeeze %dma_wait3A_1170 : memref<1x1x1x8x128xf32, #tpu.memory_space<hbm>> -> memref<8x128xf32, #tpu.memory_space<hbm>>
    %dma_wait3A_1172 = arith.constant 8 : i32
    %dma_wait3A_1173 = arith.constant 0 : i32
    %dma_wait3A_1174 = tpu.memref_slice %arg9[%dma_wait3A_1153, %dma_wait3A_1172, %dma_wait3A_1173] : memref<2x64x128xf32, #tpu.memory_space<vmem>> -> memref<1x8x128xf32, #tpu.memory_space<vmem>>
    %dma_wait3A_1175 = tpu.memref_squeeze %dma_wait3A_1174 : memref<1x8x128xf32, #tpu.memory_space<vmem>> -> memref<8x128xf32, #tpu.memory_space<vmem>>
    tpu.wait_dma2 semaphore(%dma_wait3A_1167 : memref<!tpu.dma_semaphore, #tpu.memory_space<semaphore_mem>>) src(%dma_wait3A_1175 : memref<8x128xf32, #tpu.memory_space<vmem>>) dst(%dma_wait3A_1171 : memref<8x128xf32, #tpu.memory_space<hbm>>)
    %dma_wait3A_1176 = arith.constant 1 : i32
    %dma_wait3A_1177 = arith.constant 0 : i32
    %dma_wait3A_1178 = arith.constant 2 : i32
    %dma_wait3A_1179 = arith.constant 0 : i32
    %dma_wait3A_1180 = arith.constant 1 : i32
    %dma_wait3A_1181 = arith.constant 16 : i32
    %dma_wait3A_1182 = arith.constant 0 : i32
    %dma_wait3A_1183 = tpu.memref_slice %arg9[%dma_wait3A_1176, %dma_wait3A_1181, %dma_wait3A_1182] : memref<2x64x128xf32, #tpu.memory_space<vmem>> -> memref<1x8x128xf32, #tpu.memory_space<vmem>>
    %dma_wait3A_1184 = tpu.memref_squeeze %dma_wait3A_1183 : memref<1x8x128xf32, #tpu.memory_space<vmem>> -> memref<8x128xf32, #tpu.memory_space<vmem>>
    %dma_wait3A_1185 = arith.constant 0 : i32
    %dma_wait3A_1186 = arith.constant 0 : i32
    %dma_wait3A_1187 = tpu.memref_slice %arg6[%dma_wait3A_1177, %dma_wait3A_1178, %dma_wait3A_1179, %dma_wait3A_1185, %dma_wait3A_1186] : memref<200x8x32x8x128xf32, #tpu.memory_space<hbm>> -> memref<1x1x1x8x128xf32, #tpu.memory_space<hbm>>
    %dma_wait3A_1188 = tpu.memref_squeeze %dma_wait3A_1187 : memref<1x1x1x8x128xf32, #tpu.memory_space<hbm>> -> memref<8x128xf32, #tpu.memory_space<hbm>>
    %dma_wait3A_1189 = tpu.memref_slice %arg16[%dma_wait3A_1180] : memref<2x!tpu.dma_semaphore, #tpu.memory_space<semaphore_mem>> -> memref<1x!tpu.dma_semaphore, #tpu.memory_space<semaphore_mem>>
    %dma_wait3A_1190 = tpu.memref_squeeze %dma_wait3A_1189 : memref<1x!tpu.dma_semaphore, #tpu.memory_space<semaphore_mem>> -> memref<!tpu.dma_semaphore, #tpu.memory_space<semaphore_mem>>
    %dma_wait3A_1191 = arith.constant 0 : i32
    %dma_wait3A_1192 = arith.constant 0 : i32
    %dma_wait3A_1193 = tpu.memref_slice %arg6[%dma_wait3A_1177, %dma_wait3A_1178, %dma_wait3A_1179, %dma_wait3A_1191, %dma_wait3A_1192] : memref<200x8x32x8x128xf32, #tpu.memory_space<hbm>> -> memref<1x1x1x8x128xf32, #tpu.memory_space<hbm>>
    %dma_wait3A_1194 = tpu.memref_squeeze %dma_wait3A_1193 : memref<1x1x1x8x128xf32, #tpu.memory_space<hbm>> -> memref<8x128xf32, #tpu.memory_space<hbm>>
    %dma_wait3A_1195 = arith.constant 16 : i32
    %dma_wait3A_1196 = arith.constant 0 : i32
    %dma_wait3A_1197 = tpu.memref_slice %arg9[%dma_wait3A_1176, %dma_wait3A_1195, %dma_wait3A_1196] : memref<2x64x128xf32, #tpu.memory_space<vmem>> -> memref<1x8x128xf32, #tpu.memory_space<vmem>>
    %dma_wait3A_1198 = tpu.memref_squeeze %dma_wait3A_1197 : memref<1x8x128xf32, #tpu.memory_space<vmem>> -> memref<8x128xf32, #tpu.memory_space<vmem>>
    tpu.wait_dma2 semaphore(%dma_wait3A_1190 : memref<!tpu.dma_semaphore, #tpu.memory_space<semaphore_mem>>) src(%dma_wait3A_1198 : memref<8x128xf32, #tpu.memory_space<vmem>>) dst(%dma_wait3A_1194 : memref<8x128xf32, #tpu.memory_space<hbm>>)
    %dma_wait3A_1199 = arith.constant 1 : i32
    %dma_wait3A_1200 = arith.constant 0 : i32
    %dma_wait3A_1201 = arith.constant 3 : i32
    %dma_wait3A_1202 = arith.constant 0 : i32
    %dma_wait3A_1203 = arith.constant 1 : i32
    %dma_wait3A_1204 = arith.constant 24 : i32
    %dma_wait3A_1205 = arith.constant 0 : i32
    %dma_wait3A_1206 = tpu.memref_slice %arg9[%dma_wait3A_1199, %dma_wait3A_1204, %dma_wait3A_1205] : memref<2x64x128xf32, #tpu.memory_space<vmem>> -> memref<1x8x128xf32, #tpu.memory_space<vmem>>
    %dma_wait3A_1207 = tpu.memref_squeeze %dma_wait3A_1206 : memref<1x8x128xf32, #tpu.memory_space<vmem>> -> memref<8x128xf32, #tpu.memory_space<vmem>>
    %dma_wait3A_1208 = arith.constant 0 : i32
    %dma_wait3A_1209 = arith.constant 0 : i32
    %dma_wait3A_1210 = tpu.memref_slice %arg6[%dma_wait3A_1200, %dma_wait3A_1201, %dma_wait3A_1202, %dma_wait3A_1208, %dma_wait3A_1209] : memref<200x8x32x8x128xf32, #tpu.memory_space<hbm>> -> memref<1x1x1x8x128xf32, #tpu.memory_space<hbm>>
    %dma_wait3A_1211 = tpu.memref_squeeze %dma_wait3A_1210 : memref<1x1x1x8x128xf32, #tpu.memory_space<hbm>> -> memref<8x128xf32, #tpu.memory_space<hbm>>
    %dma_wait3A_1212 = tpu.memref_slice %arg16[%dma_wait3A_1203] : memref<2x!tpu.dma_semaphore, #tpu.memory_space<semaphore_mem>> -> memref<1x!tpu.dma_semaphore, #tpu.memory_space<semaphore_mem>>
    %dma_wait3A_1213 = tpu.memref_squeeze %dma_wait3A_1212 : memref<1x!tpu.dma_semaphore, #tpu.memory_space<semaphore_mem>> -> memref<!tpu.dma_semaphore, #tpu.memory_space<semaphore_mem>>
    %dma_wait3A_1214 = arith.constant 0 : i32
    %dma_wait3A_1215 = arith.constant 0 : i32
    %dma_wait3A_1216 = tpu.memref_slice %arg6[%dma_wait3A_1200, %dma_wait3A_1201, %dma_wait3A_1202, %dma_wait3A_1214, %dma_wait3A_1215] : memref<200x8x32x8x128xf32, #tpu.memory_space<hbm>> -> memref<1x1x1x8x128xf32, #tpu.memory_space<hbm>>
    %dma_wait3A_1217 = tpu.memref_squeeze %dma_wait3A_1216 : memref<1x1x1x8x128xf32, #tpu.memory_space<hbm>> -> memref<8x128xf32, #tpu.memory_space<hbm>>
    %dma_wait3A_1218 = arith.constant 24 : i32
    %dma_wait3A_1219 = arith.constant 0 : i32
    %dma_wait3A_1220 = tpu.memref_slice %arg9[%dma_wait3A_1199, %dma_wait3A_1218, %dma_wait3A_1219] : memref<2x64x128xf32, #tpu.memory_space<vmem>> -> memref<1x8x128xf32, #tpu.memory_space<vmem>>
    %dma_wait3A_1221 = tpu.memref_squeeze %dma_wait3A_1220 : memref<1x8x128xf32, #tpu.memory_space<vmem>> -> memref<8x128xf32, #tpu.memory_space<vmem>>
    tpu.wait_dma2 semaphore(%dma_wait3A_1213 : memref<!tpu.dma_semaphore, #tpu.memory_space<semaphore_mem>>) src(%dma_wait3A_1221 : memref<8x128xf32, #tpu.memory_space<vmem>>) dst(%dma_wait3A_1217 : memref<8x128xf32, #tpu.memory_space<hbm>>)
    %dma_wait3A_1222 = arith.constant 1 : i32
    %dma_wait3A_1223 = arith.constant 0 : i32
    %dma_wait3A_1224 = arith.constant 4 : i32
    %dma_wait3A_1225 = arith.constant 0 : i32
    %dma_wait3A_1226 = arith.constant 1 : i32
    %dma_wait3A_1227 = arith.constant 32 : i32
    %dma_wait3A_1228 = arith.constant 0 : i32
    %dma_wait3A_1229 = tpu.memref_slice %arg9[%dma_wait3A_1222, %dma_wait3A_1227, %dma_wait3A_1228] : memref<2x64x128xf32, #tpu.memory_space<vmem>> -> memref<1x8x128xf32, #tpu.memory_space<vmem>>
    %dma_wait3A_1230 = tpu.memref_squeeze %dma_wait3A_1229 : memref<1x8x128xf32, #tpu.memory_space<vmem>> -> memref<8x128xf32, #tpu.memory_space<vmem>>
    %dma_wait3A_1231 = arith.constant 0 : i32
    %dma_wait3A_1232 = arith.constant 0 : i32
    %dma_wait3A_1233 = tpu.memref_slice %arg6[%dma_wait3A_1223, %dma_wait3A_1224, %dma_wait3A_1225, %dma_wait3A_1231, %dma_wait3A_1232] : memref<200x8x32x8x128xf32, #tpu.memory_space<hbm>> -> memref<1x1x1x8x128xf32, #tpu.memory_space<hbm>>
    %dma_wait3A_1234 = tpu.memref_squeeze %dma_wait3A_1233 : memref<1x1x1x8x128xf32, #tpu.memory_space<hbm>> -> memref<8x128xf32, #tpu.memory_space<hbm>>
    %dma_wait3A_1235 = tpu.memref_slice %arg16[%dma_wait3A_1226] : memref<2x!tpu.dma_semaphore, #tpu.memory_space<semaphore_mem>> -> memref<1x!tpu.dma_semaphore, #tpu.memory_space<semaphore_mem>>
    %dma_wait3A_1236 = tpu.memref_squeeze %dma_wait3A_1235 : memref<1x!tpu.dma_semaphore, #tpu.memory_space<semaphore_mem>> -> memref<!tpu.dma_semaphore, #tpu.memory_space<semaphore_mem>>
    %dma_wait3A_1237 = arith.constant 0 : i32
    %dma_wait3A_1238 = arith.constant 0 : i32
    %dma_wait3A_1239 = tpu.memref_slice %arg6[%dma_wait3A_1223, %dma_wait3A_1224, %dma_wait3A_1225, %dma_wait3A_1237, %dma_wait3A_1238] : memref<200x8x32x8x128xf32, #tpu.memory_space<hbm>> -> memref<1x1x1x8x128xf32, #tpu.memory_space<hbm>>
    %dma_wait3A_1240 = tpu.memref_squeeze %dma_wait3A_1239 : memref<1x1x1x8x128xf32, #tpu.memory_space<hbm>> -> memref<8x128xf32, #tpu.memory_space<hbm>>
    %dma_wait3A_1241 = arith.constant 32 : i32
    %dma_wait3A_1242 = arith.constant 0 : i32
    %dma_wait3A_1243 = tpu.memref_slice %arg9[%dma_wait3A_1222, %dma_wait3A_1241, %dma_wait3A_1242] : memref<2x64x128xf32, #tpu.memory_space<vmem>> -> memref<1x8x128xf32, #tpu.memory_space<vmem>>
    %dma_wait3A_1244 = tpu.memref_squeeze %dma_wait3A_1243 : memref<1x8x128xf32, #tpu.memory_space<vmem>> -> memref<8x128xf32, #tpu.memory_space<vmem>>
    tpu.wait_dma2 semaphore(%dma_wait3A_1236 : memref<!tpu.dma_semaphore, #tpu.memory_space<semaphore_mem>>) src(%dma_wait3A_1244 : memref<8x128xf32, #tpu.memory_space<vmem>>) dst(%dma_wait3A_1240 : memref<8x128xf32, #tpu.memory_space<hbm>>)
    %dma_wait3A_1245 = arith.constant 1 : i32
    %dma_wait3A_1246 = arith.constant 0 : i32
    %dma_wait3A_1247 = arith.constant 5 : i32
    %dma_wait3A_1248 = arith.constant 0 : i32
    %dma_wait3A_1249 = arith.constant 1 : i32
    %dma_wait3A_1250 = arith.constant 40 : i32
    %dma_wait3A_1251 = arith.constant 0 : i32
    %dma_wait3A_1252 = tpu.memref_slice %arg9[%dma_wait3A_1245, %dma_wait3A_1250, %dma_wait3A_1251] : memref<2x64x128xf32, #tpu.memory_space<vmem>> -> memref<1x8x128xf32, #tpu.memory_space<vmem>>
    %dma_wait3A_1253 = tpu.memref_squeeze %dma_wait3A_1252 : memref<1x8x128xf32, #tpu.memory_space<vmem>> -> memref<8x128xf32, #tpu.memory_space<vmem>>
    %dma_wait3A_1254 = arith.constant 0 : i32
    %dma_wait3A_1255 = arith.constant 0 : i32
    %dma_wait3A_1256 = tpu.memref_slice %arg6[%dma_wait3A_1246, %dma_wait3A_1247, %dma_wait3A_1248, %dma_wait3A_1254, %dma_wait3A_1255] : memref<200x8x32x8x128xf32, #tpu.memory_space<hbm>> -> memref<1x1x1x8x128xf32, #tpu.memory_space<hbm>>
    %dma_wait3A_1257 = tpu.memref_squeeze %dma_wait3A_1256 : memref<1x1x1x8x128xf32, #tpu.memory_space<hbm>> -> memref<8x128xf32, #tpu.memory_space<hbm>>
    %dma_wait3A_1258 = tpu.memref_slice %arg16[%dma_wait3A_1249] : memref<2x!tpu.dma_semaphore, #tpu.memory_space<semaphore_mem>> -> memref<1x!tpu.dma_semaphore, #tpu.memory_space<semaphore_mem>>
    %dma_wait3A_1259 = tpu.memref_squeeze %dma_wait3A_1258 : memref<1x!tpu.dma_semaphore, #tpu.memory_space<semaphore_mem>> -> memref<!tpu.dma_semaphore, #tpu.memory_space<semaphore_mem>>
    %dma_wait3A_1260 = arith.constant 0 : i32
    %dma_wait3A_1261 = arith.constant 0 : i32
    %dma_wait3A_1262 = tpu.memref_slice %arg6[%dma_wait3A_1246, %dma_wait3A_1247, %dma_wait3A_1248, %dma_wait3A_1260, %dma_wait3A_1261] : memref<200x8x32x8x128xf32, #tpu.memory_space<hbm>> -> memref<1x1x1x8x128xf32, #tpu.memory_space<hbm>>
    %dma_wait3A_1263 = tpu.memref_squeeze %dma_wait3A_1262 : memref<1x1x1x8x128xf32, #tpu.memory_space<hbm>> -> memref<8x128xf32, #tpu.memory_space<hbm>>
    %dma_wait3A_1264 = arith.constant 40 : i32
    %dma_wait3A_1265 = arith.constant 0 : i32
    %dma_wait3A_1266 = tpu.memref_slice %arg9[%dma_wait3A_1245, %dma_wait3A_1264, %dma_wait3A_1265] : memref<2x64x128xf32, #tpu.memory_space<vmem>> -> memref<1x8x128xf32, #tpu.memory_space<vmem>>
    %dma_wait3A_1267 = tpu.memref_squeeze %dma_wait3A_1266 : memref<1x8x128xf32, #tpu.memory_space<vmem>> -> memref<8x128xf32, #tpu.memory_space<vmem>>
    tpu.wait_dma2 semaphore(%dma_wait3A_1259 : memref<!tpu.dma_semaphore, #tpu.memory_space<semaphore_mem>>) src(%dma_wait3A_1267 : memref<8x128xf32, #tpu.memory_space<vmem>>) dst(%dma_wait3A_1263 : memref<8x128xf32, #tpu.memory_space<hbm>>)
    %dma_wait3A_1268 = arith.constant 1 : i32
    %dma_wait3A_1269 = arith.constant 0 : i32
    %dma_wait3A_1270 = arith.constant 6 : i32
    %dma_wait3A_1271 = arith.constant 0 : i32
    %dma_wait3A_1272 = arith.constant 1 : i32
    %dma_wait3A_1273 = arith.constant 48 : i32
    %dma_wait3A_1274 = arith.constant 0 : i32
    %dma_wait3A_1275 = tpu.memref_slice %arg9[%dma_wait3A_1268, %dma_wait3A_1273, %dma_wait3A_1274] : memref<2x64x128xf32, #tpu.memory_space<vmem>> -> memref<1x8x128xf32, #tpu.memory_space<vmem>>
    %dma_wait3A_1276 = tpu.memref_squeeze %dma_wait3A_1275 : memref<1x8x128xf32, #tpu.memory_space<vmem>> -> memref<8x128xf32, #tpu.memory_space<vmem>>
    %dma_wait3A_1277 = arith.constant 0 : i32
    %dma_wait3A_1278 = arith.constant 0 : i32
    %dma_wait3A_1279 = tpu.memref_slice %arg6[%dma_wait3A_1269, %dma_wait3A_1270, %dma_wait3A_1271, %dma_wait3A_1277, %dma_wait3A_1278] : memref<200x8x32x8x128xf32, #tpu.memory_space<hbm>> -> memref<1x1x1x8x128xf32, #tpu.memory_space<hbm>>
    %dma_wait3A_1280 = tpu.memref_squeeze %dma_wait3A_1279 : memref<1x1x1x8x128xf32, #tpu.memory_space<hbm>> -> memref<8x128xf32, #tpu.memory_space<hbm>>
    %dma_wait3A_1281 = tpu.memref_slice %arg16[%dma_wait3A_1272] : memref<2x!tpu.dma_semaphore, #tpu.memory_space<semaphore_mem>> -> memref<1x!tpu.dma_semaphore, #tpu.memory_space<semaphore_mem>>
    %dma_wait3A_1282 = tpu.memref_squeeze %dma_wait3A_1281 : memref<1x!tpu.dma_semaphore, #tpu.memory_space<semaphore_mem>> -> memref<!tpu.dma_semaphore, #tpu.memory_space<semaphore_mem>>
    %dma_wait3A_1283 = arith.constant 0 : i32
    %dma_wait3A_1284 = arith.constant 0 : i32
    %dma_wait3A_1285 = tpu.memref_slice %arg6[%dma_wait3A_1269, %dma_wait3A_1270, %dma_wait3A_1271, %dma_wait3A_1283, %dma_wait3A_1284] : memref<200x8x32x8x128xf32, #tpu.memory_space<hbm>> -> memref<1x1x1x8x128xf32, #tpu.memory_space<hbm>>
    %dma_wait3A_1286 = tpu.memref_squeeze %dma_wait3A_1285 : memref<1x1x1x8x128xf32, #tpu.memory_space<hbm>> -> memref<8x128xf32, #tpu.memory_space<hbm>>
    %dma_wait3A_1287 = arith.constant 48 : i32
    %dma_wait3A_1288 = arith.constant 0 : i32
    %dma_wait3A_1289 = tpu.memref_slice %arg9[%dma_wait3A_1268, %dma_wait3A_1287, %dma_wait3A_1288] : memref<2x64x128xf32, #tpu.memory_space<vmem>> -> memref<1x8x128xf32, #tpu.memory_space<vmem>>
    %dma_wait3A_1290 = tpu.memref_squeeze %dma_wait3A_1289 : memref<1x8x128xf32, #tpu.memory_space<vmem>> -> memref<8x128xf32, #tpu.memory_space<vmem>>
    tpu.wait_dma2 semaphore(%dma_wait3A_1282 : memref<!tpu.dma_semaphore, #tpu.memory_space<semaphore_mem>>) src(%dma_wait3A_1290 : memref<8x128xf32, #tpu.memory_space<vmem>>) dst(%dma_wait3A_1286 : memref<8x128xf32, #tpu.memory_space<hbm>>)
    %dma_wait3A_1291 = arith.constant 1 : i32
    %dma_wait3A_1292 = arith.constant 0 : i32
    %dma_wait3A_1293 = arith.constant 7 : i32
    %dma_wait3A_1294 = arith.constant 0 : i32
    %dma_wait3A_1295 = arith.constant 1 : i32
    %dma_wait3A_1296 = arith.constant 56 : i32
    %dma_wait3A_1297 = arith.constant 0 : i32
    %dma_wait3A_1298 = tpu.memref_slice %arg9[%dma_wait3A_1291, %dma_wait3A_1296, %dma_wait3A_1297] : memref<2x64x128xf32, #tpu.memory_space<vmem>> -> memref<1x8x128xf32, #tpu.memory_space<vmem>>
    %dma_wait3A_1299 = tpu.memref_squeeze %dma_wait3A_1298 : memref<1x8x128xf32, #tpu.memory_space<vmem>> -> memref<8x128xf32, #tpu.memory_space<vmem>>
    %dma_wait3A_1300 = arith.constant 0 : i32
    %dma_wait3A_1301 = arith.constant 0 : i32
    %dma_wait3A_1302 = tpu.memref_slice %arg6[%dma_wait3A_1292, %dma_wait3A_1293, %dma_wait3A_1294, %dma_wait3A_1300, %dma_wait3A_1301] : memref<200x8x32x8x128xf32, #tpu.memory_space<hbm>> -> memref<1x1x1x8x128xf32, #tpu.memory_space<hbm>>
    %dma_wait3A_1303 = tpu.memref_squeeze %dma_wait3A_1302 : memref<1x1x1x8x128xf32, #tpu.memory_space<hbm>> -> memref<8x128xf32, #tpu.memory_space<hbm>>
    %dma_wait3A_1304 = tpu.memref_slice %arg16[%dma_wait3A_1295] : memref<2x!tpu.dma_semaphore, #tpu.memory_space<semaphore_mem>> -> memref<1x!tpu.dma_semaphore, #tpu.memory_space<semaphore_mem>>
    %dma_wait3A_1305 = tpu.memref_squeeze %dma_wait3A_1304 : memref<1x!tpu.dma_semaphore, #tpu.memory_space<semaphore_mem>> -> memref<!tpu.dma_semaphore, #tpu.memory_space<semaphore_mem>>
    %dma_wait3A_1306 = arith.constant 0 : i32
    %dma_wait3A_1307 = arith.constant 0 : i32
    %dma_wait3A_1308 = tpu.memref_slice %arg6[%dma_wait3A_1292, %dma_wait3A_1293, %dma_wait3A_1294, %dma_wait3A_1306, %dma_wait3A_1307] : memref<200x8x32x8x128xf32, #tpu.memory_space<hbm>> -> memref<1x1x1x8x128xf32, #tpu.memory_space<hbm>>
    %dma_wait3A_1309 = tpu.memref_squeeze %dma_wait3A_1308 : memref<1x1x1x8x128xf32, #tpu.memory_space<hbm>> -> memref<8x128xf32, #tpu.memory_space<hbm>>
    %dma_wait3A_1310 = arith.constant 56 : i32
    %dma_wait3A_1311 = arith.constant 0 : i32
    %dma_wait3A_1312 = tpu.memref_slice %arg9[%dma_wait3A_1291, %dma_wait3A_1310, %dma_wait3A_1311] : memref<2x64x128xf32, #tpu.memory_space<vmem>> -> memref<1x8x128xf32, #tpu.memory_space<vmem>>
    %dma_wait3A_1313 = tpu.memref_squeeze %dma_wait3A_1312 : memref<1x8x128xf32, #tpu.memory_space<vmem>> -> memref<8x128xf32, #tpu.memory_space<vmem>>
    tpu.wait_dma2 semaphore(%dma_wait3A_1305 : memref<!tpu.dma_semaphore, #tpu.memory_space<semaphore_mem>>) src(%dma_wait3A_1313 : memref<8x128xf32, #tpu.memory_space<vmem>>) dst(%dma_wait3A_1309 : memref<8x128xf32, #tpu.memory_space<hbm>>)
    return
  }
}

</mosaic_0001>

<sc_bundles>
// kernel: kernel.3.cloned.1.call-start
scs
__scs_entry_jumppad:
0x0: {  	(pc) =	sbr.rel $0x88, $3  }
0x1: {  	(tag) =	ssettag $0x0;
	lr =	simm.s32 $0x1  }
0x2: {  	[smem:$0x3F9D] =	sst lr;
	_ =	strace $0xD0000000  }
0x3: {  	_ = 	snop  }
0x4: {  	_ = 	snop  }
0x5: {  	_ = 	snop  }
0x6: {  	_ = 	snop  }
0x7: {  	_ = 	snop  }
__scs_overlays_trampoline_lowered:
0x8: {  	[smem:$0x3FAC] =	sst s0  }
0x9: {  	[smem:$0x3FAD] =	sst s1  }
0xa: {  	[smem:$0x3FAE] =	sst s2  }
0xb: {  	[smem:$0x3FAF] =	sst s3  }
0xc: {  	[smem:$0x3FB0] =	sst s4  }
0xd: {  	[smem:$0x3FB1] =	sst s5  }
0xe: {  	[smem:$0x3FB2] =	sst s6  }
0xf: {  	[smem:$0x3FB3] =	sst s7  }
0x10: {  	[smem:$0x3FB4] =	sst s8  }
0x11: {  	[smem:$0x3FB5] =	sst s9;
	s0 =	simm.s32 @!p0 $0x0  }
0x12: {  	s1 =	sld [smem:$0x3F9B];
	s0 =	simm.s32 @p0 $0x1  }
0x13: {  	[smem:$0x3FB6] =	sst s0;
	s0 =	simm.s32 @!p1 $0x0  }
0x14: {  	s2 =	sld [smem:$0x3F9A];
	s0 =	simm.s32 @p1 $0x1  }
0x15: {  	[smem:$0x3FB7] =	sst s0;
	s0 =	simm.s32 @!p2 $0x0  }
0x16: {  	s3 =	sld [smem:$0x3FDB];
	s0 =	simm.s32 @p2 $0x1  }
0x17: {  	s4 =	simm.s32 $0x1BF5;
	[smem:$0x3FB9] =	sst s0  }
0x18: {  	s0 =	sld [smem:$0x3F9C];
	_ =	swait.ge [sflag:s4], $0x0  }
0x19: {  	s7 =	sld [smem:$0x3F9D]  }
0x1a: {  	s8 =	sadd.s32 $0xFFFFE003, lr  }
0x1b: {  	s9 =	sadd.s32 $0xFFFFFEF7, lr;
	s5 =	simm.s32 $0xFFFFFFFF;
	p2 =	slt.u32 s8, $0xFFFFF086  }
0x1c: {  	p1 =	slt.u32 s9, $0xF7A;
	s5 =	simm.s32 @!p2 $0x0  }
0x1d: {  	s5 =	simm.s32 @p1 $0x1;
	p0 =	seq.s32 s7, s2  }
0x1e: {  	s7 =	smul.u32 @!p0 $0xF7A, s2;
	p2 =	seq.s32 @!p0 s5, $0x0  }
0x1f: {  	s9 =	smul.u32 $0xF7A, s1;
	s8 =	simm.s32 @!p0 $0x1BF5;
	p2 =	por !p2, p0  }
0x20: {  	[sflag:s8] =	ssyncset.s32 @!p0 $0xFFFFF086;
	s6 =	sadd.s32 @!p0 s3, s7;
	s7 =	simm.s32 @!p0 $0x108  }
0x21: {  	s3 =	sadd.s32 s3, s9;
	s6 =	sadd.s32 @!p0 $0x88, s6;
	s7 =	simm.s32 @p2 $0x1082  }
0x22: {  	[simem:s7], [sflag:s8] =	dma.local @!p0 [hbm:s6], $0xF7A  }
0x23: {  	s9 =	sor.u32 $0xD0000000, s2;
	s6 =	simm.s32 $0x108;
	_ =	swait.ge @!p0 [sflag:s8], $0x0  }
0x24: {  	s3 =	sadd.s32 $0x88, s3;
	s6 =	simm.s32 @!p1 $0x1082;
	[sflag:s4] =	ssyncset.s32 $0xFFFFF086  }
0x25: {  	[simem:s6], [sflag:s4] =	dma.local [hbm:s3], $0xF7A  }
0x26: {  	[smem:$0x3F9D] =	sst s1;
	(tag) =	ssettag s2;
	_ =	strace s9  }
0x27: {  	s1 =	sld [smem:$0x3FAD]  }
0x28: {  	s2 =	sld [smem:$0x3FAE]  }
0x29: {  	s4 =	sld [smem:$0x3FB0]  }
0x2a: {  	p0 =	seq.s32 s5, $0x0;
	s5 =	sld [smem:$0x3FB1]  }
0x2b: {  	s6 =	sld [smem:$0x3FB2]  }
0x2c: {  	s7 =	sld [smem:$0x3FB3]  }
0x2d: {  	s3 =	simm.s32 $0x108;
	s8 =	sld [smem:$0x3FB4]  }
0x2e: {  	s3 =	simm.s32 @!p0 $0x1082;
	s9 =	sld [smem:$0x3FB5]  }
0x2f: {  	lr =	sadd.s32 s0, s3;
	s0 =	sld [smem:$0x3FAC]  }
0x30: {  	s3 =	sld [smem:$0x3FAF]  }
0x31: {  	[smem:$0x3FB8] =	sst s10  }
0x32: {  	s10 =	sld [smem:$0x3FB6];
	_ =	sdelay $0x3  }
0x33: {  	p0 =	seq.s32 s10, $0x1;
	s10 =	sld [smem:$0x3FB8];
	_ =	sdelay $0x3  }
0x34: {  	[smem:$0x3FB8] =	sst s10  }
0x35: {  	s10 =	sld [smem:$0x3FB7];
	_ =	sdelay $0x3  }
0x36: {  	p1 =	seq.s32 s10, $0x1;
	s10 =	sld [smem:$0x3FB8];
	_ =	sdelay $0x3  }
0x37: {  	[smem:$0x3FB8] =	sst s10  }
0x38: {  	s10 =	sld [smem:$0x3FB9]  }
0x39: {  	_ = 	snop;
	(pc) =	sbr.ind lr, $3  }
0x3a: {  	_ = 	snop  }
0x3b: {  	_ = 	snop  }
0x3c: {  	p2 =	seq.s32 s10, $0x1;
	s10 =	sld [smem:$0x3FB8]  }
0x3d: {  	_ =	shalt  }
0x3e: {  	_ =	shalt  }
0x3f: {  	_ =	shalt  }
0x40: {  	_ =	shalt  }
0x41: {  	_ =	shalt  }
0x42: {  	_ =	shalt  }
0x43: {  	_ =	shalt  }
0x44: {  	_ =	shalt  }
0x45: {  	_ =	shalt  }
0x46: {  	_ =	shalt  }
0x47: {  	_ =	shalt  }
0x48: {  	_ =	shalt  }
0x49: {  	_ =	shalt  }
0x4a: {  	_ =	shalt  }
0x4b: {  	_ =	shalt  }
0x4c: {  	_ =	shalt  }
0x4d: {  	_ =	shalt  }
0x4e: {  	_ =	shalt  }
0x4f: {  	_ =	shalt  }
0x50: {  	_ =	shalt  }
0x51: {  	_ =	shalt  }
0x52: {  	_ =	shalt  }
0x53: {  	_ =	shalt  }
0x54: {  	_ =	shalt  }
0x55: {  	_ =	shalt  }
0x56: {  	_ =	shalt  }
0x57: {  	_ =	shalt  }
0x58: {  	_ =	shalt  }
0x59: {  	_ =	shalt  }
0x5a: {  	_ =	shalt  }
0x5b: {  	_ =	shalt  }
0x5c: {  	_ =	shalt  }
0x5d: {  	_ =	shalt  }
0x5e: {  	_ =	shalt  }
0x5f: {  	_ =	shalt  }
0x60: {  	_ =	shalt  }
0x61: {  	_ =	shalt  }
0x62: {  	_ =	shalt  }
0x63: {  	_ =	shalt  }
0x64: {  	_ =	shalt  }
0x65: {  	_ =	shalt  }
0x66: {  	_ =	shalt  }
0x67: {  	_ =	shalt  }
0x68: {  	_ =	shalt  }
0x69: {  	_ =	shalt  }
0x6a: {  	_ =	shalt  }
0x6b: {  	_ =	shalt  }
0x6c: {  	_ =	shalt  }
0x6d: {  	_ =	shalt  }
0x6e: {  	_ =	shalt  }
0x6f: {  	_ =	shalt  }
0x70: {  	_ =	shalt  }
0x71: {  	_ =	shalt  }
0x72: {  	_ =	shalt  }
0x73: {  	_ =	shalt  }
0x74: {  	_ =	shalt  }
0x75: {  	_ =	shalt  }
0x76: {  	_ =	shalt  }
0x77: {  	_ =	shalt  }
0x78: {  	_ =	shalt  }
0x79: {  	_ =	shalt  }
0x7a: {  	_ =	shalt  }
0x7b: {  	_ =	shalt  }
0x7c: {  	_ =	shalt  }
0x7d: {  	_ =	shalt  }
0x7e: {  	_ =	shalt  }
0x7f: {  	_ =	shalt  }
0x80: {  	_ =	shalt  }
0x81: {  	_ =	shalt  }
0x82: {  	_ =	shalt  }
0x83: {  	_ =	shalt  }
0x84: {  	_ =	shalt  }
0x85: {  	_ =	shalt  }
0x86: {  	_ =	shalt  }
0x87: {  	_ =	shalt  }
.Lfunc_end0:
.L_simem_size_0:
called_computation_lowered:
.L_overlay_start_0:
0x88: {  	s2 =	sld [smem:$0x3FD9]  }
0x89: {  	s3 =	sld [smem:$0x3FFE];
	_ =	sdelay $0x1  }
0x8a: {  	s1 =	srdreg.scid  }
0x8b: {  	s0 =	sand.u32 $0x1, s1  }
0x8c: {  	s17 =	sshll.u32 s0, $0xA;
	s2 =	sadd.s32 s3, s2  }
0x8d: {  	s2 =	sadd.s32 s2, s17  }
0x8e: {  	[smem:$0x3FC4] =	sst s2  }
0x8f: {  	_ = 	snop  }
0x90: {  	s2 =	sld [smem:$0x3FC9]  }
0x91: {  	s18 =	sld [smem:$0x3FC7]  }
0x92: {  	s4 =	sld [smem:$0x3FC6]  }
0x93: {  	s5 =	sld [smem:$0x3FD0];
	(tm) =	ssettm $0x1  }
0x94: {  	s6 =	sld [smem:$0x3FFB];
	_ =	sdelay $0x3  }
0x95: {  	_ =	strace s6  }
0x96: {  	s6 =	sld [smem:$0x3FFC];
	_ =	sdelay $0x3  }
0x97: {  	_ =	strace s6  }
0x98: {  	s6 =	sld [smem:$0x3FFD];
	_ =	sdelay $0x3  }
0x99: {  	_ =	strace s6  }
0x9a: {  	_ =	strace $0x8FFFFFFF  }
0x9b: {  	s19 =	sld [smem:$0x3FDB];
	_ =	sdelay $0x1  }
0x9c: {  	s7 =	simm.s32 $_scs_section_size  }
0x9d: {  	s8 =	simm.s32 $_size__tile_overlayer_lowered;
	s9 =	simm.s32 $_tile_overlayer_lowered  }
0x9e: {  	s22 =	simm.s32 $0x1BFF;
	s21 =	sshll.u32 s9, $0x1;
	s6 =	sadd.s32 s7, s19  }
0x9f: {  	s10 =	simm.s32 $0x0;
	s20 =	sshll.u32 s8, $0x1;
	s8 =	sadd.s32 s21, s6  }
0xa0: {  	[timem:s10], [sflag:s22] =	dma.local [hbm:s8], s20  }
0xa1: {  	_ =	swait.ge [sflag:s22], s20  }
0xa2: {  	s7 =	ssub.s32 $0x0, s20;
	[sflag:s22] =	ssyncset.done $0x0  }
0xa3: {  	[sflag:s22] =	ssyncadd.s32 s7;
	_ =	sdelay $0x1  }
0xa4: {  	s23 =	simm.s32 $0x1B8B  }
0xa5: {  	_ =	swait.ge [sflag:s23], $0x1  }
0xa6: {  	[sflag:s23] =	ssyncset.done $0x0  }
0xa7: {  	s25 =	simm.s32 $0x1B8E;
	s24 =	sld [smem:$0x3FFE];
	[sflag:s23] =	ssyncadd.s32 $0xFFFFFFFF  }
0xa8: {  	s26 =	simm.s32 $execute0_lowered;
	[smem:$0x3FD2] =	sst s25  }
0xa9: {  	s8 =	sshll.u32 s26, $0x1;
	_ =	strace $0x80000046;
	[dreg:$0x1] =	wrdreg $0xFFFFFFFF  }
0xaa: {  	s28 =	simm.s32 $_size_execute0_lowered;
	s6 =	sadd.s32 s6, s8;
	[dreg:$0x0] =	wrdreg $0x0  }
0xab: {  	s8 =	sshll.u32 s28, $0x1;
	[dreg:$0x2] =	wrdreg s6  }
0xac: {  	[dreg:$0x3] =	wrdreg s8  }
0xad: {  	[dreg:$0x4] =	wrdreg $0xC0  }
0xae: {  	_ =	task [dreg:s10], $0x5FFFF  }
0xaf: {  	[dreg:$0x1] =	wrdreg $0xFFFFFFFF  }
0xb0: {  	[dreg:$0x0] =	wrdreg $0x60  }
0xb1: {  	[dreg:$0x2] =	wrdreg s2  }
0xb2: {  	[dreg:$0x3] =	wrdreg s24  }
0xb3: {  	[dreg:$0x4] =	wrdreg s18  }
0xb4: {  	[dreg:$0x5] =	wrdreg s4  }
0xb5: {  	[dreg:$0x6] =	wrdreg s5  }
0xb6: {  	[dreg:$0x7] =	wrdreg $0x9  }
0xb7: {  	_ =	task.clear_ibuf [dreg:s10], $0x8FFFF;
	_ =	strace $0x90000046  }
0xb8: {  	s29 =	simm.s32 $0x9;
	_ =	strace $0x80000048  }
0xb9: {  	_ =	swait.ge [sflag:s29], $0x1  }
0xba: {  	[sflag:s29] =	ssyncadd.s32 $0xFFFFFFFF  }
0xbb: {  	_ =	strace $0x90000048  }
0xbc: {  	_ =	sfence  }
0xbd: {  	s30 =	sld [smem:$0x0];
	_ =	sdelay $0x2  }
0xbe: {  	s31 =	sshll.u32 s1, $0xD;
	s1 =	sshrl.u32 s1, $0x2  }
0xbf: {  	s3 =	sand.u32 $0x4000, s31;
	s1 =	sadd.s32 s1, s30  }
0xc0: {  	s0 =	sor.u32 s3, s0;
	s1 =	sshll.u32 s1, $0x11  }
0xc1: {  	s0 =	sor.u32 s1, s0  }
0xc2: {  	s0 =	sadd.s32 $0x8F2B, s0  }
0xc3: {  	[sflag:s0] =	ssyncadd.remote.s32 $0x1  }
0xc4: {  	_ =	sfence.sel $0xFFFF  }
0xc5: {  	[dreg:$0x0] =	wrdreg $0xFFFFFFFF;
	(pc) =	sbr.abs _section_cstart, $3  }
0xc6: {  	[dreg:$0x1] =	wrdreg $0xFFFFFFFF  }
0xc7: {  	_ =	task.clear_ibuf [dreg:s10], $0x2FFFF;
	_ =	strace $0x9FFFFFFF  }
0xc8: {  	(tm) =	ssettm $0x7FFFFFFF  }
0xc9: {  	_ =	shalt  }
tec
execute0_lowered:
.L_overlay_start_1:
0x0: {  	(tag) =	ssettag $0x1  }
0x1: {  	s1 =	rddreg [dreg:$0x0]  }
0x2: {  	s0 =	rddreg [dreg:$0x1]  }
0x3: {  	s4 =	rddreg [dreg:$0x4]  }
0x4: {  	s6 =	simm.s32 $0x0;
	s2 =	srdreg.scid;
	s5 =	stileid.u32  }
0x5: {  	s19 =	simm.s32 $0x6;
	s21 =	simm.s32 $0x80;
	s23 =	simm.s32 $0x2800  }
0x6: {  	s24 =	simm.s32 $0x4;
	s25 =	simm.s32 $0x5;
	s26 =	simm.s32 $0x0  }
0x7: {  	[smem:$0x7FF] =	sst s6;
	s2 =	sand.u32 $0x1, s2;
	s5 =	sshll.u32 s5, $0xB  }
0x8: {  	s8 =	sadd.s32 $0xF42800, s0;
	s10 =	sadd.s32 $0x1000, s4;
	s11 =	sadd.s32 $0x2000, s4  }
.Ltmp0:
0x9: {  	s12 =	sadd.s32 $0x3000, s4;
	s13 =	sadd.s32 $0x4000, s4;
	(pc) =	sbr.rel .LBB2_1-.Ltmp0, $4  }
0xa: {  	s14 =	sadd.s32 $0x5000, s4;
	s3 =	ssub.s32 $0x2, s2;
	s2 =	sshll.u32 s2, $0xA  }
0xb: {  	s15 =	sadd.s32 $0x6000, s4;
	s9 =	sshrl.u32 s3, $0x1;
	s7 =	sor.u32 s2, s5  }
0xc: {  	v0 =	vlaneseq.u32;
	s16 =	sadd.s32 $0x7000, s4;
	s31 =	ssub.s32 s3, s9;
	s2 =	sshrl.u32 s7, $0x3  }
0xd: {  	v1 =	vand.u32 $0x7, v0;
	v2 =	vor.u32 $0x78, v0;
	_ =	strace $0x80000047;
	s9 =	sadd.s32 s1, s2;
	s17 =	smax.u32 s31, $0x1  }
.LBB2_13:
0xe: {  	_ =	swait.ge [sflag:s24], $0x400  }
0xf: {  	[sflag:s24] =	ssyncset.done $0x0  }
0x10: {  	[sflag:s24] =	ssyncadd.s32 $0xFFFFFC00  }
0x11: {  	_ =	swait.ge [sflag:s24], $0x400  }
0x12: {  	[sflag:s24] =	ssyncset.done $0x0  }
0x13: {  	[sflag:s24] =	ssyncadd.s32 $0xFFFFFC00  }
0x14: {  	_ =	swait.ge [sflag:s24], $0x400  }
0x15: {  	[sflag:s24] =	ssyncset.done $0x0  }
0x16: {  	[sflag:s24] =	ssyncadd.s32 $0xFFFFFC00  }
0x17: {  	_ =	swait.ge [sflag:s24], $0x400  }
0x18: {  	[sflag:s24] =	ssyncset.done $0x0  }
0x19: {  	[sflag:s24] =	ssyncadd.s32 $0xFFFFFC00  }
0x1a: {  	_ =	swait.ge [sflag:s24], $0x400  }
0x1b: {  	[sflag:s24] =	ssyncset.done $0x0  }
0x1c: {  	[sflag:s24] =	ssyncadd.s32 $0xFFFFFC00  }
0x1d: {  	_ =	swait.ge [sflag:s24], $0x400  }
0x1e: {  	[sflag:s24] =	ssyncset.done $0x0  }
0x1f: {  	[sflag:s24] =	ssyncadd.s32 $0xFFFFFC00  }
0x20: {  	_ =	swait.ge [sflag:s24], $0x400  }
0x21: {  	[sflag:s24] =	ssyncset.done $0x0  }
0x22: {  	[sflag:s24] =	ssyncadd.s32 $0xFFFFFC00  }
0x23: {  	_ =	swait.ge [sflag:s24], $0x400  }
0x24: {  	[sflag:s24] =	ssyncset.done $0x0  }
0x25: {  	[sflag:s24] =	ssyncadd.s32 $0xFFFFFC00  }
0x26: {  	_ =	swait.ge [sflag:s25], $0x400  }
0x27: {  	[sflag:s25] =	ssyncset.done $0x0  }
0x28: {  	[sflag:s25] =	ssyncadd.s32 $0xFFFFFC00  }
0x29: {  	_ =	swait.ge [sflag:s25], $0x400  }
0x2a: {  	[sflag:s25] =	ssyncset.done $0x0  }
0x2b: {  	[sflag:s25] =	ssyncadd.s32 $0xFFFFFC00  }
0x2c: {  	_ =	swait.ge [sflag:s25], $0x400  }
0x2d: {  	[sflag:s25] =	ssyncset.done $0x0  }
0x2e: {  	[sflag:s25] =	ssyncadd.s32 $0xFFFFFC00  }
0x2f: {  	_ =	swait.ge [sflag:s25], $0x400  }
0x30: {  	[sflag:s25] =	ssyncset.done $0x0  }
0x31: {  	[sflag:s25] =	ssyncadd.s32 $0xFFFFFC00  }
0x32: {  	_ =	swait.ge [sflag:s25], $0x400  }
0x33: {  	[sflag:s25] =	ssyncset.done $0x0  }
0x34: {  	[sflag:s25] =	ssyncadd.s32 $0xFFFFFC00  }
0x35: {  	_ =	swait.ge [sflag:s25], $0x400  }
0x36: {  	[sflag:s25] =	ssyncset.done $0x0  }
0x37: {  	s26 =	sadd.s32 $0x1, s26;
	[sflag:s25] =	ssyncadd.s32 $0xFFFFFC00  }
0x38: {  	p0 =	sne.s32 s26, s17;
	_ =	swait.ge [sflag:s25], $0x400  }
.Ltmp1:
0x39: {  	[sflag:s25] =	ssyncset.done $0x0;
	(pc) =	sbr.rel @!p0 .LBB2_14-.Ltmp1, $4  }
0x3a: {  	[sflag:s25] =	ssyncadd.s32 $0xFFFFFC00  }
0x3b: {  	_ =	swait.ge [sflag:s25], $0x400  }
0x3c: {  	[sflag:s25] =	ssyncset.done $0x0  }
0x3d: {  	[sflag:s25] =	ssyncadd.s32 $0xFFFFFC00  }
.LBB2_1:
0x3e: {  	s0 =	rddreg [dreg:$0x2];
	s2 =	simm.s32 $0xAA00  }
0x3f: {  	[tilespmem:s2], [sflag:$0x6] =	stream.linear.gather [hbm4b:s0+s6], $0x40, $0x38;
	[tilespmem:$0xB280] =	vst v63  }
0x40: {  	_ =	swait.ge [sflag:s19], $0x40  }
0x41: {  	[sflag:s19] =	ssyncset.done $0x0  }
0x42: {  	[sflag:s19] =	ssyncadd.s32 $0xFFFFFFC0  }
0x43: {  	s30 =	simm.s32 $0xAA40;
	s29 =	rddreg [dreg:$0x3]  }
0x44: {  	[tilespmem:s30], [sflag:$0x6] =	stream.linear.gather [hbm4b:s29+s6], $0x40, $0x38;
	[tilespmem:$0xB280] =	vst v63  }
0x45: {  	_ =	swait.ge [sflag:s19], $0x40  }
0x46: {  	[sflag:s19] =	ssyncset.done $0x0  }
0x47: {  	[sflag:s19] =	ssyncadd.s32 $0xFFFFFFC0  }
0x48: {  	v3 =	vld [tilespmem:$0xAA00]  }
0x49: {  	v4 =	vld [tilespmem:$0xAA40];
	_ =	sdelay $0x3  }
0x4a: {  	v5 =	vbroadcast v3, $0x0  }
0x4b: {  	v6 =	vbroadcast v4, $0x0  }
0x4c: {  	v37 =	vbroadcast v3, $0x1;
	[tilespmem:$0xAA80] =	vst v5  }
0x4d: {  	v38 =	vbroadcast v4, $0x1;
	[tilespmem:$0xAE80] =	vst v6  }
0x4e: {  	v39 =	vbroadcast v3, $0x2;
	[tilespmem:$0xAA90] =	vst v37  }
0x4f: {  	v40 =	vbroadcast v4, $0x2;
	[tilespmem:$0xAE90] =	vst v38  }
0x50: {  	v41 =	vbroadcast v3, $0x3;
	[tilespmem:$0xAAA0] =	vst v39  }
0x51: {  	v42 =	vbroadcast v4, $0x3;
	[tilespmem:$0xAEA0] =	vst v40  }
0x52: {  	v43 =	vbroadcast v3, $0x4;
	[tilespmem:$0xAAB0] =	vst v41  }
0x53: {  	v44 =	vbroadcast v4, $0x4;
	[tilespmem:$0xAEB0] =	vst v42  }
0x54: {  	v45 =	vbroadcast v3, $0x5;
	[tilespmem:$0xAAC0] =	vst v43  }
0x55: {  	v46 =	vbroadcast v4, $0x5;
	[tilespmem:$0xAEC0] =	vst v44  }
0x56: {  	v47 =	vbroadcast v3, $0x6;
	[tilespmem:$0xAAD0] =	vst v45  }
0x57: {  	v48 =	vbroadcast v4, $0x6;
	[tilespmem:$0xAED0] =	vst v46  }
0x58: {  	v49 =	vbroadcast v3, $0x7;
	[tilespmem:$0xAAE0] =	vst v47  }
0x59: {  	v50 =	vbroadcast v4, $0x7;
	[tilespmem:$0xAEE0] =	vst v48  }
0x5a: {  	v51 =	vbroadcast v3, $0x8;
	[tilespmem:$0xAAF0] =	vst v49  }
0x5b: {  	v52 =	vbroadcast v4, $0x8;
	[tilespmem:$0xAEF0] =	vst v50  }
0x5c: {  	v53 =	vbroadcast v3, $0x9;
	[tilespmem:$0xAB00] =	vst v51  }
0x5d: {  	v54 =	vbroadcast v4, $0x9;
	[tilespmem:$0xAF00] =	vst v52  }
0x5e: {  	v55 =	vbroadcast v3, $0xA;
	[tilespmem:$0xAB10] =	vst v53  }
0x5f: {  	v56 =	vbroadcast v4, $0xA;
	[tilespmem:$0xAF10] =	vst v54  }
0x60: {  	v57 =	vbroadcast v3, $0xB;
	[tilespmem:$0xAB20] =	vst v55  }
0x61: {  	v58 =	vbroadcast v4, $0xB;
	[tilespmem:$0xAF20] =	vst v56  }
0x62: {  	v59 =	vbroadcast v3, $0xC;
	[tilespmem:$0xAB30] =	vst v57  }
0x63: {  	v60 =	vbroadcast v4, $0xC;
	[tilespmem:$0xAF30] =	vst v58  }
0x64: {  	v61 =	vbroadcast v3, $0xD;
	[tilespmem:$0xAB40] =	vst v59  }
0x65: {  	v8 =	vld [tilespmem:$0xAA50];
	v62 =	vbroadcast v4, $0xD;
	[tilespmem:$0xAF40] =	vst v60  }
0x66: {  	v7 =	vld [tilespmem:$0xAA10];
	v63 =	vbroadcast v3, $0xE;
	[tilespmem:$0xAB50] =	vst v61  }
0x67: {  	v11 =	vbroadcast v4, $0xE;
	[tilespmem:$0xAF50] =	vst v62  }
0x68: {  	v3 =	vbroadcast v3, $0xF;
	[tilespmem:$0xAB60] =	vst v63  }
0x69: {  	v4 =	vbroadcast v4, $0xF;
	[tilespmem:$0xAF60] =	vst v11  }
0x6a: {  	v12 =	vbroadcast v8, $0x0;
	[tilespmem:$0xAB70] =	vst v3  }
0x6b: {  	v3 =	vbroadcast v7, $0x0;
	[tilespmem:$0xAF70] =	vst v4  }
0x6c: {  	v13 =	vbroadcast v8, $0x1;
	[tilespmem:$0xAF80] =	vst v12  }
0x6d: {  	[tilespmem:$0xAB80] =	vst v3;
	v3 =	vbroadcast v7, $0x1  }
0x6e: {  	v14 =	vbroadcast v8, $0x2;
	[tilespmem:$0xAF90] =	vst v13  }
0x6f: {  	[tilespmem:$0xAB90] =	vst v3;
	v3 =	vbroadcast v7, $0x2  }
0x70: {  	v15 =	vbroadcast v8, $0x3;
	[tilespmem:$0xAFA0] =	vst v14  }
0x71: {  	[tilespmem:$0xABA0] =	vst v3;
	v3 =	vbroadcast v7, $0x3  }
0x72: {  	v16 =	vbroadcast v8, $0x4;
	[tilespmem:$0xAFB0] =	vst v15  }
0x73: {  	[tilespmem:$0xABB0] =	vst v3;
	v3 =	vbroadcast v7, $0x4  }
0x74: {  	v17 =	vbroadcast v8, $0x5;
	[tilespmem:$0xAFC0] =	vst v16  }
0x75: {  	[tilespmem:$0xABC0] =	vst v3;
	v3 =	vbroadcast v7, $0x5  }
0x76: {  	v18 =	vbroadcast v8, $0x6;
	[tilespmem:$0xAFD0] =	vst v17  }
0x77: {  	[tilespmem:$0xABD0] =	vst v3;
	v3 =	vbroadcast v7, $0x6  }
0x78: {  	v19 =	vbroadcast v8, $0x7;
	[tilespmem:$0xAFE0] =	vst v18  }
0x79: {  	[tilespmem:$0xABE0] =	vst v3;
	v3 =	vbroadcast v7, $0x7  }
0x7a: {  	v20 =	vbroadcast v8, $0x8;
	[tilespmem:$0xAFF0] =	vst v19  }
0x7b: {  	[tilespmem:$0xABF0] =	vst v3;
	v3 =	vbroadcast v7, $0x8  }
0x7c: {  	v21 =	vbroadcast v8, $0x9;
	[tilespmem:$0xB000] =	vst v20  }
0x7d: {  	[tilespmem:$0xAC00] =	vst v3;
	v3 =	vbroadcast v7, $0x9  }
0x7e: {  	v22 =	vbroadcast v8, $0xA;
	[tilespmem:$0xB010] =	vst v21  }
0x7f: {  	[tilespmem:$0xAC10] =	vst v3;
	v3 =	vbroadcast v7, $0xA  }
0x80: {  	v23 =	vbroadcast v8, $0xB;
	[tilespmem:$0xB020] =	vst v22  }
0x81: {  	[tilespmem:$0xAC20] =	vst v3;
	v3 =	vbroadcast v7, $0xB  }
0x82: {  	v24 =	vbroadcast v8, $0xC;
	[tilespmem:$0xB030] =	vst v23  }
0x83: {  	[tilespmem:$0xAC30] =	vst v3;
	v3 =	vbroadcast v7, $0xC  }
0x84: {  	v25 =	vbroadcast v8, $0xD;
	[tilespmem:$0xB040] =	vst v24  }
0x85: {  	v27 =	vld [tilespmem:$0xAA60];
	[tilespmem:$0xAC40] =	vst v3;
	v3 =	vbroadcast v7, $0xD  }
0x86: {  	v26 =	vld [tilespmem:$0xAA20];
	v28 =	vbroadcast v8, $0xE;
	[tilespmem:$0xB050] =	vst v25  }
0x87: {  	[tilespmem:$0xAC50] =	vst v3;
	v3 =	vbroadcast v7, $0xE  }
0x88: {  	v29 =	vbroadcast v8, $0xF;
	[tilespmem:$0xB060] =	vst v28  }
0x89: {  	[tilespmem:$0xAC60] =	vst v3;
	v3 =	vbroadcast v7, $0xF  }
0x8a: {  	v30 =	vbroadcast v27, $0x0;
	[tilespmem:$0xB070] =	vst v29  }
0x8b: {  	[tilespmem:$0xAC70] =	vst v3;
	v3 =	vbroadcast v26, $0x0  }
0x8c: {  	v31 =	vbroadcast v27, $0x1;
	[tilespmem:$0xB080] =	vst v30  }
0x8d: {  	[tilespmem:$0xAC80] =	vst v3;
	v3 =	vbroadcast v26, $0x1  }
0x8e: {  	v32 =	vbroadcast v27, $0x2;
	[tilespmem:$0xB090] =	vst v31  }
0x8f: {  	[tilespmem:$0xAC90] =	vst v3;
	v3 =	vbroadcast v26, $0x2  }
0x90: {  	v33 =	vbroadcast v27, $0x3;
	[tilespmem:$0xB0A0] =	vst v32  }
0x91: {  	[tilespmem:$0xACA0] =	vst v3;
	v3 =	vbroadcast v26, $0x3  }
0x92: {  	v34 =	vbroadcast v27, $0x4;
	[tilespmem:$0xB0B0] =	vst v33  }
0x93: {  	[tilespmem:$0xACB0] =	vst v3;
	v3 =	vbroadcast v26, $0x4  }
0x94: {  	v35 =	vbroadcast v27, $0x5;
	[tilespmem:$0xB0C0] =	vst v34  }
0x95: {  	[tilespmem:$0xACC0] =	vst v3;
	v3 =	vbroadcast v26, $0x5  }
0x96: {  	v36 =	vbroadcast v27, $0x6;
	[tilespmem:$0xB0D0] =	vst v35  }
0x97: {  	[tilespmem:$0xACD0] =	vst v3;
	v3 =	vbroadcast v26, $0x6  }
0x98: {  	[tilespmem:$0xB0E0] =	vst v36;
	v37 =	vbroadcast v27, $0x7  }
0x99: {  	[tilespmem:$0xACE0] =	vst v3;
	v3 =	vbroadcast v26, $0x7  }
0x9a: {  	v38 =	vbroadcast v27, $0x8;
	[tilespmem:$0xB0F0] =	vst v37  }
0x9b: {  	[tilespmem:$0xACF0] =	vst v3;
	v3 =	vbroadcast v26, $0x8  }
0x9c: {  	v39 =	vbroadcast v27, $0x9;
	[tilespmem:$0xB100] =	vst v38  }
0x9d: {  	[tilespmem:$0xAD00] =	vst v3;
	v3 =	vbroadcast v26, $0x9  }
0x9e: {  	v40 =	vbroadcast v27, $0xA;
	[tilespmem:$0xB110] =	vst v39  }
0x9f: {  	[tilespmem:$0xAD10] =	vst v3;
	v3 =	vbroadcast v26, $0xA  }
0xa0: {  	v41 =	vbroadcast v27, $0xB;
	[tilespmem:$0xB120] =	vst v40  }
0xa1: {  	[tilespmem:$0xAD20] =	vst v3;
	v3 =	vbroadcast v26, $0xB  }
0xa2: {  	v42 =	vbroadcast v27, $0xC;
	[tilespmem:$0xB130] =	vst v41  }
0xa3: {  	[tilespmem:$0xAD30] =	vst v3;
	v3 =	vbroadcast v26, $0xC  }
0xa4: {  	v43 =	vbroadcast v27, $0xD;
	[tilespmem:$0xB140] =	vst v42  }
0xa5: {  	v45 =	vld [tilespmem:$0xAA70];
	[tilespmem:$0xAD40] =	vst v3;
	v3 =	vbroadcast v26, $0xD  }
0xa6: {  	v44 =	vld [tilespmem:$0xAA30];
	v46 =	vbroadcast v27, $0xE;
	[tilespmem:$0xB150] =	vst v43  }
0xa7: {  	[tilespmem:$0xAD50] =	vst v3;
	v3 =	vbroadcast v26, $0xE  }
0xa8: {  	v47 =	vbroadcast v27, $0xF;
	[tilespmem:$0xB160] =	vst v46  }
0xa9: {  	[tilespmem:$0xAD60] =	vst v3;
	v3 =	vbroadcast v26, $0xF  }
0xaa: {  	[tilespmem:$0xB170] =	vst v47;
	v48 =	vbroadcast v45, $0x0  }
0xab: {  	[tilespmem:$0xAD70] =	vst v3;
	v3 =	vbroadcast v44, $0x0  }
0xac: {  	v49 =	vbroadcast v45, $0x1;
	[tilespmem:$0xB180] =	vst v48  }
0xad: {  	[tilespmem:$0xAD80] =	vst v3;
	v3 =	vbroadcast v44, $0x1  }
0xae: {  	v50 =	vbroadcast v45, $0x2;
	[tilespmem:$0xB190] =	vst v49  }
0xaf: {  	[tilespmem:$0xAD90] =	vst v3;
	v3 =	vbroadcast v44, $0x2  }
0xb0: {  	v51 =	vbroadcast v45, $0x3;
	[tilespmem:$0xB1A0] =	vst v50  }
0xb1: {  	[tilespmem:$0xADA0] =	vst v3;
	v3 =	vbroadcast v44, $0x3  }
0xb2: {  	v52 =	vbroadcast v45, $0x4;
	[tilespmem:$0xB1B0] =	vst v51  }
0xb3: {  	[tilespmem:$0xADB0] =	vst v3;
	v3 =	vbroadcast v44, $0x4  }
0xb4: {  	v53 =	vbroadcast v45, $0x5;
	[tilespmem:$0xB1C0] =	vst v52  }
0xb5: {  	[tilespmem:$0xADC0] =	vst v3;
	v3 =	vbroadcast v44, $0x5  }
0xb6: {  	v54 =	vbroadcast v45, $0x6;
	[tilespmem:$0xB1D0] =	vst v53  }
0xb7: {  	[tilespmem:$0xADD0] =	vst v3;
	v3 =	vbroadcast v44, $0x6  }
0xb8: {  	v55 =	vbroadcast v45, $0x7;
	[tilespmem:$0xB1E0] =	vst v54  }
0xb9: {  	[tilespmem:$0xADE0] =	vst v3;
	v3 =	vbroadcast v44, $0x7  }
0xba: {  	v56 =	vbroadcast v45, $0x8;
	[tilespmem:$0xB1F0] =	vst v55  }
0xbb: {  	[tilespmem:$0xADF0] =	vst v3;
	v3 =	vbroadcast v44, $0x8  }
0xbc: {  	v57 =	vbroadcast v45, $0x9;
	[tilespmem:$0xB200] =	vst v56  }
0xbd: {  	[tilespmem:$0xAE00] =	vst v3;
	v3 =	vbroadcast v44, $0x9  }
0xbe: {  	v58 =	vbroadcast v45, $0xA;
	[tilespmem:$0xB210] =	vst v57  }
0xbf: {  	[tilespmem:$0xAE10] =	vst v3;
	v3 =	vbroadcast v44, $0xA  }
0xc0: {  	v59 =	vbroadcast v45, $0xB;
	[tilespmem:$0xB220] =	vst v58  }
0xc1: {  	[tilespmem:$0xAE20] =	vst v3;
	v3 =	vbroadcast v44, $0xB  }
0xc2: {  	v60 =	vbroadcast v45, $0xC;
	[tilespmem:$0xB230] =	vst v59  }
0xc3: {  	[tilespmem:$0xAE30] =	vst v3;
	v3 =	vbroadcast v44, $0xC  }
0xc4: {  	v61 =	vbroadcast v45, $0xD;
	[tilespmem:$0xB240] =	vst v60  }
0xc5: {  	[tilespmem:$0xAE40] =	vst v3;
	v3 =	vbroadcast v44, $0xD  }
0xc6: {  	v62 =	vbroadcast v45, $0xE;
	[tilespmem:$0xB250] =	vst v61  }
0xc7: {  	[tilespmem:$0xAE50] =	vst v3;
	v3 =	vbroadcast v44, $0xE  }
0xc8: {  	v63 =	vbroadcast v45, $0xF;
	[tilespmem:$0xB260] =	vst v62  }
0xc9: {  	[tilespmem:$0xAE60] =	vst v3;
	v3 =	vbroadcast v44, $0xF  }
0xca: {  	[tilespmem:$0xB270] =	vst v63  }
0xcb: {  	[tilespmem:$0xAE70] =	vst v3  }
0xcc: {  	[tilespmem:s6], [sflag:$0x6] =	stream.linear.gather [hbm4b:s9+s6], $0x400, $0x38;
	[tilespmem:$0xB280] =	vst v63  }
0xcd: {  	_ =	swait.ge [sflag:s19], $0x400  }
0xce: {  	[sflag:s19] =	ssyncset.done $0x0  }
0xcf: {  	s31 =	simm.s32 $0x800;
	[sflag:s19] =	ssyncadd.s32 $0xFFFFFC00  }
0xd0: {  	[tilespmem:s31], [sflag:$0x1] =	stream.indirect.gather [hbm4b:s8+s21], $0x40, s6, s21, $0xb8;
	[tilespmem:$0xB280] =	vst v63  }
0xd1: {  	p0 =	por $0x0, $0x0;
	s28 =	simm.s32 $0x0  }
0xd2: {  	[tilespmem:s23], [sflag:$0x2] =	stream.indirect.gather [hbm4b:s8+s21], $0x40, s21, s21, $0xb8;
	[tilespmem:$0xB280] =	vst v63  }
.LBB2_2:
0xd3: {  	s0 =	sand.u32 $0x7, s28;
	p1 =	sgt.u32 s28, $0xBF  }
0xd4: {  	p2 =	sne.s32 @!p1 s0, $0x0  }
0xd5: {  	p1 =	por p1, p2  }
.Ltmp2:
0xd6: {  	_ = 	snop;
	(pc) =	sbr.rel @p1 .LBB2_4-.Ltmp2, $1  }
0xd7: {  	_ =	sdelay $0x3  }
0xd8: {  	s0 =	sshrl.u32 s28, $0x3  }
0xd9: {  	s0 =	sadd.s32 $0x1, s0  }
0xda: {  	s2 =	sshll.u32 s0, $0xF  }
0xdb: {  	s2 =	sor.u32 s7, s2  }
0xdc: {  	s0 =	sshll.u32 s0, $0xA;
	s2 =	sshrl.u32 s2, $0x3  }
0xdd: {  	s0 =	sand.u32 $0x400, s0;
	s2 =	sadd.s32 s1, s2  }
0xde: {  	[tilespmem:s0], [sflag:$0x6] =	stream.linear.gather [hbm4b:s2+s6], $0x400, $0x38;
	[tilespmem:$0xB280] =	vst v63  }
0xdf: {  	_ =	swait.ge [sflag:s19], $0x400  }
0xe0: {  	[sflag:s19] =	ssyncset.done $0x0  }
0xe1: {  	[sflag:s19] =	ssyncadd.s32 $0xFFFFFC00  }
.LBB2_5:
0xe2: {  	s0 =	sadd.s32 $0x2, s28  }
0xe3: {  	s2 =	smul.u32 $0xAB, s0;
	_ =	sdelay $0x1  }
0xe4: {  	s2 =	sshrl.u32 s2, $0x9  }
0xe5: {  	s2 =	sand.u32 $0x7F, s2  }
0xe6: {  	s2 =	smul.u32 $0x3, s2;
	_ =	sdelay $0x1  }
0xe7: {  	s2 =	ssub.s32 s0, s2  }
0xe8: {  	s2 =	sand.u32 $0xFF, s2  }
0xe9: {  	s0 =	sshll.u32 s0, $0x7;
	s3 =	sshll.u32 s2, $0xD  }
0xea: {  	s0 =	sand.u32 $0x780, s0;
	s2 =	sadd.s32 $0x1, s2;
	s3 =	sor.u32 $0x800, s3  }
0xeb: {  	[tilespmem:s3], [sflag:s2] =	stream.indirect.gather [hbm4b:s8+s21], $0x40, s0, s21, $0xb8;
	[tilespmem:$0xB280] =	vst v63  }
.LBB2_6:
0xec: {  	s0 =	smul.u32 $0xAB, s28;
	_ =	sdelay $0x1  }
0xed: {  	s0 =	sshrl.u32 s0, $0x9  }
0xee: {  	s0 =	sand.u32 $0x7F, s0  }
0xef: {  	s0 =	smul.u32 $0x3, s0;
	_ =	sdelay $0x1  }
0xf0: {  	s0 =	ssub.s32 s28, s0  }
0xf1: {  	s0 =	sand.u32 $0xFF, s0  }
0xf2: {  	s2 =	sadd.s32 $0x1, s0  }
0xf3: {  	_ =	swait.ge [sflag:s2], $0x2000  }
0xf4: {  	s29 =	sand.u32 $0x1, s28;
	p1 =	slt.u32 s28, $0x2;
	[sflag:s2] =	ssyncset.done $0x0  }
0xf5: {  	[sflag:s2] =	ssyncadd.s32 $0xFFFFE000;
	s2 =	sor.u32 @!p1 $0x4, s29  }
0xf6: {  	_ =	swait.ge @!p1 [sflag:s2], $0x400  }
0xf7: {  	[sflag:s2] =	ssyncset.done @!p1 $0x0  }
0xf8: {  	[sflag:s2] =	ssyncadd.s32 @!p1 $0xFFFFFC00  }
0xf9: {  	_ =	swait.ge @!p1 [sflag:s2], $0x400  }
0xfa: {  	[sflag:s2] =	ssyncset.done @!p1 $0x0  }
0xfb: {  	[sflag:s2] =	ssyncadd.s32 @!p1 $0xFFFFFC00  }
0xfc: {  	_ =	swait.ge @!p1 [sflag:s2], $0x400  }
0xfd: {  	[sflag:s2] =	ssyncset.done @!p1 $0x0  }
0xfe: {  	[sflag:s2] =	ssyncadd.s32 @!p1 $0xFFFFFC00  }
0xff: {  	_ =	swait.ge @!p1 [sflag:s2], $0x400  }
0x100: {  	[sflag:s2] =	ssyncset.done @!p1 $0x0  }
0x101: {  	[sflag:s2] =	ssyncadd.s32 @!p1 $0xFFFFFC00  }
0x102: {  	_ =	swait.ge @!p1 [sflag:s2], $0x400  }
0x103: {  	[sflag:s2] =	ssyncset.done @!p1 $0x0  }
0x104: {  	[sflag:s2] =	ssyncadd.s32 @!p1 $0xFFFFFC00  }
0x105: {  	_ =	swait.ge @!p1 [sflag:s2], $0x400  }
0x106: {  	[sflag:s2] =	ssyncset.done @!p1 $0x0  }
0x107: {  	[sflag:s2] =	ssyncadd.s32 @!p1 $0xFFFFFC00  }
0x108: {  	s3 =	simm.s32 $0x1;
	_ =	swait.ge @!p1 [sflag:s2], $0x400  }
0x109: {  	s3 =	simm.s32 @!p0 $0x0;
	s5 =	sshll.u32 s29, $0x8;
	[sflag:s2] =	ssyncset.done @!p1 $0x0  }
0x10a: {  	s30 =	sshll.u32 s29, $0xD;
	s3 =	sshll.u32 s3, $0xD;
	[sflag:s2] =	ssyncadd.s32 @!p1 $0xFFFFFC00  }
0x10b: {  	s18 =	sor.u32 $0xA800, s5;
	s31 =	sadd.s32 $0x6900, s3;
	_ =	swait.ge @!p1 [sflag:s2], $0x400  }
0x10c: {  	s3 =	simm.s32 $0x0;
	s0 =	sshll.u32 s0, $0xD;
	[sflag:s2] =	ssyncset.done @!p1 $0x0  }
0x10d: {  	v3 =	vmov s18;
	[sflag:s2] =	ssyncadd.s32 @!p1 $0xFFFFFC00;
	s2 =	sor.u32 $0x800, s0;
	s0 =	sadd.s32 $0x6800, s30  }
.LBB2_7:
0x10e: {  	s18 =	sshll.u32 s3, $0x4  }
0x10f: {  	v6 =	vor.u32 s18, v0  }
0x110: {  	v10 =	vimm.f32 $0.0e+00;
	v4 =	vshll.u32 v6, $0x6  }
0x111: {  	p1 =	por $0x1, $0x1;
	v11 =	vimm.f32 $0.0e+00;
	s20 =	simm.s32 $0x0;
	v6 =	vand.u32 v2, v6;
	v5 =	vor.u32 v1, v4  }
.LBB2_8:
0x112: {  	v8 =	vor.u32 s20, v0  }
0x113: {  	s22 =	sor.u32 $0x1, s20;
	v7 =	vand.u32 $0x28, v8  }
0x114: {  	v12 =	vadd.s32 s22, v0;
	s22 =	sor.u32 $0x2, s20;
	v7 =	vor.u32 v7, v5  }
0x115: {  	v19 =	vshll.u32 v8, $0x7;
	v13 =	vor.u32 v4, v12;
	v14 =	vadd.s32 s22, v0;
	s22 =	sor.u32 $0x3, s20  }
0x116: {  	v20 =	vor.u32 v6, v19;
	v15 =	vor.u32 v4, v14;
	v41 =	vadd.s32 s22, v0;
	s22 =	sor.u32 $0x4, s20  }
0x117: {  	v14 =	vshll.u32 v14, $0x7;
	v17 =	vor.u32 v4, v41;
	v18 =	vadd.s32 s22, v0;
	s22 =	sor.u32 $0x5, s20  }
0x118: {  	v19 =	vor.u32 v6, v14;
	v42 =	vor.u32 v4, v18;
	v23 =	vadd.s32 s22, v0;
	s22 =	sor.u32 $0x6, s20  }
0x119: {  	v51 =	vshll.u32 v18, $0x7;
	v22 =	vor.u32 v4, v23;
	v45 =	vadd.s32 s22, v0;
	v9 =	vld.idx.msk [tilespmem:v7+s2+$0x0], $0xffff  }
0x11a: {  	s22 =	sor.u32 $0x7, s20;
	v29 =	vor.u32 v6, v51;
	v55 =	vshll.u32 v23, $0x7;
	v46 =	vor.u32 v4, v45  }
0x11b: {  	v7 =	vld.idx.msk [tilespmem:v13+s2+$0x0], $0xffff;
	v25 =	vadd.s32 s22, v0;
	s22 =	sor.u32 $0x8, s20;
	v13 =	vshll.u32 v41, $0x7;
	v23 =	vor.u32 v6, v55  }
0x11c: {  	v48 =	vor.u32 v4, v25;
	v28 =	vadd.s32 s22, v0;
	s22 =	sor.u32 $0x9, s20;
	v61 =	vshll.u32 v25, $0x7  }
0x11d: {  	v27 =	vand.u32 $0x38, v28;
	v30 =	vadd.s32 s22, v0;
	v28 =	vshll.u32 v28, $0x7  }
0x11e: {  	v8 =	vld.idx.msk [tilespmem:v15+s2+$0x0], $0xffff;
	s22 =	sor.u32 $0xA, s20;
	v27 =	vor.u32 v27, v5;
	v31 =	vor.u32 v4, v30;
	v16 =	vmul.f32 v9, v9  }
0x11f: {  	v54 =	vadd.s32 s22, v0;
	v30 =	vshll.u32 v30, $0x7;
	v41 =	vor.u32 v6, v28  }
0x120: {  	s22 =	sor.u32 $0xB, s20;
	v32 =	vor.u32 v4, v54;
	v21 =	vadd.f32 v16, v10;
	v10 =	vshll.u32 v12, $0x7  }
0x121: {  	v33 =	vadd.s32 s22, v0;
	s22 =	sor.u32 $0xC, s20;
	v11 =	vadd.f32 v9, v11;
	v16 =	vor.u32 v6, v10;
	v10 =	vld.idx.msk [tilespmem:v17+s2+$0x0], $0xffff  }
0x122: {  	v43 =	vmul.f32 v7, v7;
	v60 =	vor.u32 v4, v33;
	v63 =	vadd.s32 s22, v0  }
0x123: {  	s22 =	sor.u32 $0xD, s20;
	v33 =	vshll.u32 v33, $0x7;
	v24 =	vmul.f32 v8, v8;
	v11 =	vadd.f32 v7, v11;
	v12 =	vld.idx.msk [tilespmem:v42+s2+$0x0], $0xffff  }
0x124: {  	v35 =	vor.u32 v4, v63;
	v37 =	vadd.s32 s22, v0;
	s22 =	sor.u32 $0xE, s20;
	v44 =	vadd.f32 v43, v21  }
0x125: {  	v33 =	vor.u32 v6, v33;
	v38 =	vadd.s32 s22, v0;
	v47 =	vadd.f32 v8, v11;
	v11 =	vld.idx.msk [tilespmem:v22+s2+$0x0], $0xffff  }
0x126: {  	v14 =	vld.idx.msk [tilespmem:v46+s2+$0x0], $0xffff;
	v42 =	vor.u32 v6, v30;
	v17 =	vadd.f32 v24, v44;
	v26 =	vmul.f32 v10, v10  }
0x127: {  	v15 =	vld.idx.msk [tilespmem:v31+s2+$0x0], $0xffff;
	v40 =	vor.u32 v4, v38;
	v38 =	vshll.u32 v38, $0x7;
	v22 =	vor.u32 v6, v13  }
0x128: {  	v13 =	vld.idx.msk [tilespmem:v48+s2+$0x0], $0xffff;
	v50 =	vmul.f32 v12, v12;
	v49 =	vadd.f32 v10, v47;
	v17 =	vadd.f32 v26, v17  }
0x129: {  	v21 =	vshll.u32 v45, $0x7;
	v18 =	vld.idx.msk [tilespmem:v32+s2+$0x0], $0xffff;
	v48 =	vshll.u32 v54, $0x7;
	v47 =	vor.u32 v4, v37  }
0x12a: {  	v53 =	vmul.f32 v11, v11;
	v52 =	vadd.f32 v12, v49;
	v17 =	vadd.f32 v50, v17  }
0x12b: {  	v32 =	vshll.u32 v63, $0x7;
	v38 =	vor.u32 v6, v38;
	v58 =	vmul.f32 v14, v14  }
0x12c: {  	v32 =	vor.u32 v6, v32;
	v56 =	vadd.f32 v11, v52;
	v57 =	vadd.f32 v53, v17;
	v17 =	vld.idx.msk [tilespmem:v27+s2+$0x0], $0xffff  }
0x12d: {  	v46 =	vmul.f32 v15, v15;
	v37 =	vshll.u32 v37, $0x7;
	v62 =	vmul.f32 v13, v13  }
0x12e: {  	s22 =	sor.u32 $0xF, s20;
	v28 =	vld.idx.msk [tilespmem:v40+s2+$0x0], $0xffff;
	v39 =	vmul.f32 v18, v18;
	v37 =	vor.u32 v6, v37;
	v59 =	vadd.f32 v14, v56  }
0x12f: {  	v26 =	vor.u32 v6, v61;
	v50 =	vadd.s32 s22, v0;
	v24 =	vld.idx.msk [tilespmem:v47+s2+$0x0], $0xffff;
	v34 =	vadd.f32 v58, v57  }
0x130: {  	s22 =	sor.u32 $0x10, s20;
	v52 =	vor.u32 v4, v50;
	v27 =	vor.u32 v6, v21;
	v21 =	vadd.f32 v13, v59  }
0x131: {  	v43 =	vor.u32 s22, v0;
	v25 =	vadd.f32 v62, v34;
	v45 =	vmul.f32 v17, v17  }
0x132: {  	v53 =	vand.u32 $0x38, v43;
	v43 =	vshll.u32 v43, $0x7;
	v36 =	vadd.f32 v17, v21  }
0x133: {  	s22 =	sor.u32 $0x11, s20;
	v43 =	vor.u32 v6, v43;
	v57 =	vmul.f32 v28, v28;
	v21 =	vld.idx.msk [tilespmem:v60+s2+$0x0], $0xffff;
	v25 =	vadd.f32 v45, v25  }
0x134: {  	v55 =	vmul.f32 v24, v24;
	v36 =	vadd.f32 v15, v36;
	v45 =	vadd.s32 s22, v0  }
0x135: {  	v56 =	vand.u32 $0x3F, v45;
	v45 =	vshll.u32 v45, $0x7;
	v34 =	vadd.f32 v46, v25  }
0x136: {  	s22 =	sor.u32 $0x12, s20;
	v49 =	vadd.f32 v18, v36;
	v36 =	vor.u32 v53, v5;
	v31 =	vor.u32 v4, v56  }
0x137: {  	[tilespmem:v20+s0+$0x0] =	vst.idx.msk $0xffff, v9;
	v25 =	vld.idx.msk [tilespmem:v35+s2+$0x0], $0xffff;
	v46 =	vadd.s32 s22, v0;
	v35 =	vshll.u32 v50, $0x7;
	v9 =	vand.u32 $0x1F80, v45  }
0x138: {  	v51 =	vmul.f32 v21, v21;
	v47 =	vand.u32 $0x3F, v46;
	v35 =	vor.u32 v6, v35  }
0x139: {  	s22 =	sor.u32 $0x13, s20;
	v9 =	vor.u32 v9, v6;
	v56 =	vshll.u32 v46, $0x7;
	v34 =	vadd.f32 v39, v34  }
0x13a: {  	v39 =	vor.u32 v6, v48;
	v30 =	vadd.f32 v21, v49;
	v48 =	vadd.s32 s22, v0  }
0x13b: {  	[tilespmem:v19+s0+$0x0] =	vst.idx.msk $0xffff, v8;
	v58 =	vor.u32 v4, v47;
	s22 =	sor.u32 $0x14, s20;
	v8 =	vand.u32 $0x1F80, v56;
	v49 =	vand.u32 $0x3F, v48  }
0x13c: {  	[tilespmem:v22+s0+$0x0] =	vst.idx.msk $0xffff, v10;
	v50 =	vadd.s32 s22, v0;
	v8 =	vor.u32 v8, v6;
	v10 =	vshll.u32 v48, $0x7  }
0x13d: {  	v34 =	vadd.f32 v51, v34;
	v54 =	vmul.f32 v25, v25;
	v44 =	vadd.f32 v25, v30;
	v30 =	vld.idx.msk [tilespmem:v52+s2+$0x0], $0xffff  }
0x13e: {  	v60 =	vor.u32 v4, v49;
	v51 =	vand.u32 $0x3F, v50;
	v10 =	vand.u32 $0x1F80, v10;
	v36 =	vld.idx.msk [tilespmem:v36+s2+$0x0], $0xffff  }
0x13f: {  	v50 =	vshll.u32 v50, $0x7;
	v31 =	vld.idx.msk [tilespmem:v31+s2+$0x0], $0xffff;
	v34 =	vadd.f32 v54, v34;
	v44 =	vadd.f32 v24, v44  }
0x140: {  	[tilespmem:v27+s0+$0x0] =	vst.idx.msk $0xffff, v14;
	s22 =	sor.u32 $0x15, s20;
	v62 =	vor.u32 v4, v51;
	v10 =	vor.u32 v10, v6;
	v14 =	vand.u32 $0x1F80, v50  }
0x141: {  	v40 =	vld.idx.msk [tilespmem:v58+s2+$0x0], $0xffff;
	v54 =	vadd.s32 s22, v0;
	v34 =	vadd.f32 v55, v34;
	v44 =	vadd.f32 v28, v44  }
0x142: {  	[tilespmem:v29+s0+$0x0] =	vst.idx.msk $0xffff, v12;
	v14 =	vor.u32 v14, v6;
	v53 =	vshll.u32 v54, $0x7;
	v55 =	vand.u32 $0x3F, v54  }
0x143: {  	v59 =	vmul.f32 v30, v30;
	v34 =	vadd.f32 v57, v34;
	v44 =	vadd.f32 v30, v44  }
0x144: {  	[tilespmem:v26+s0+$0x0] =	vst.idx.msk $0xffff, v13;
	v13 =	vand.u32 $0x1F80, v53;
	v61 =	vmul.f32 v36, v36;
	v63 =	vmul.f32 v31, v31  }
0x145: {  	s22 =	sor.u32 $0x16, s20;
	v13 =	vor.u32 v13, v6;
	v34 =	vadd.f32 v59, v34;
	v44 =	vadd.f32 v36, v44  }
0x146: {  	[tilespmem:v16+s0+$0x0] =	vst.idx.msk $0xffff, v7;
	v57 =	vor.u32 v4, v55;
	v58 =	vmul.f32 v40, v40;
	v59 =	vadd.s32 s22, v0;
	s22 =	sor.u32 $0x17, s20  }
0x147: {  	v47 =	vld.idx.msk [tilespmem:v60+s2+$0x0], $0xffff;
	v22 =	vadd.s32 s22, v0;
	s22 =	sor.u32 $0x18, s20;
	v34 =	vadd.f32 v61, v34;
	v44 =	vadd.f32 v31, v44  }
0x148: {  	[tilespmem:v42+s0+$0x0] =	vst.idx.msk $0xffff, v15;
	v61 =	vand.u32 $0x3F, v59;
	v48 =	vand.u32 $0x3F, v22;
	v49 =	vadd.s32 s22, v0  }
0x149: {  	[tilespmem:v23+s0+$0x0] =	vst.idx.msk $0xffff, v11;
	s22 =	sor.u32 $0x19, s20;
	v59 =	vshll.u32 v59, $0x7;
	v22 =	vshll.u32 v22, $0x7;
	v11 =	vor.u32 v4, v48  }
0x14a: {  	[tilespmem:v39+s0+$0x0] =	vst.idx.msk $0xffff, v18;
	v52 =	vand.u32 $0x38, v49;
	v54 =	vadd.s32 s22, v0;
	v18 =	vand.u32 $0x1F80, v59  }
0x14b: {  	[tilespmem:v38+s0+$0x0] =	vst.idx.msk $0xffff, v28;
	v22 =	vand.u32 $0x1F80, v22;
	v12 =	vshll.u32 v49, $0x7;
	v7 =	vadd.f32 v63, v34  }
0x14c: {  	v60 =	vadd.f32 v40, v44;
	v44 =	vld.idx.msk [tilespmem:v62+s2+$0x0], $0xffff;
	v62 =	vor.u32 v4, v61;
	v63 =	vmul.f32 v47, v47  }
0x14d: {  	v20 =	vld.idx.msk [tilespmem:v57+s2+$0x0], $0xffff;
	v27 =	vor.u32 v52, v5;
	v56 =	vand.u32 $0x3F, v54;
	v18 =	vor.u32 v18, v6  }
0x14e: {  	[tilespmem:v37+s0+$0x0] =	vst.idx.msk $0xffff, v24;
	v12 =	vand.u32 $0x1F80, v12;
	v23 =	vshll.u32 v54, $0x7;
	v22 =	vor.u32 v22, v6  }
0x14f: {  	[tilespmem:v41+s0+$0x0] =	vst.idx.msk $0xffff, v17;
	s22 =	sor.u32 $0x1A, s20;
	v26 =	vor.u32 v4, v56;
	v23 =	vand.u32 $0x1F80, v23;
	v12 =	vor.u32 v12, v6  }
0x150: {  	[tilespmem:v33+s0+$0x0] =	vst.idx.msk $0xffff, v21;
	v7 =	vadd.f32 v58, v7;
	v46 =	vadd.f32 v47, v60;
	v58 =	vadd.s32 s22, v0  }
0x151: {  	[tilespmem:v8+s0+$0x0] =	vst.idx.msk $0xffff, v40;
	s22 =	sor.u32 $0x1B, s20;
	v23 =	vor.u32 v23, v6;
	v61 =	vand.u32 $0x3F, v58;
	v8 =	vshll.u32 v58, $0x7  }
0x152: {  	[tilespmem:v32+s0+$0x0] =	vst.idx.msk $0xffff, v25;
	v7 =	vadd.f32 v63, v7;
	v55 =	vmul.f32 v20, v20;
	v63 =	vadd.s32 s22, v0  }
0x153: {  	s22 =	sor.u32 $0x1C, s20;
	v8 =	vand.u32 $0x1F80, v8;
	v51 =	vmul.f32 v44, v44;
	v29 =	vadd.f32 v44, v46;
	v16 =	vld.idx.msk [tilespmem:v62+s2+$0x0], $0xffff  }
0x154: {  	[tilespmem:v35+s0+$0x0] =	vst.idx.msk $0xffff, v30;
	v62 =	vor.u32 v4, v61;
	v33 =	vand.u32 $0x3F, v63;
	v41 =	vadd.s32 s22, v0  }
0x155: {  	v11 =	vld.idx.msk [tilespmem:v11+s2+$0x0], $0xffff;
	s22 =	sor.u32 $0x1D, s20;
	v8 =	vor.u32 v8, v6;
	v54 =	vshll.u32 v63, $0x7;
	v19 =	vor.u32 v4, v33  }
0x156: {  	[tilespmem:v43+s0+$0x0] =	vst.idx.msk $0xffff, v36;
	v42 =	vand.u32 $0x3F, v41;
	v45 =	vadd.s32 s22, v0;
	v7 =	vadd.f32 v51, v7  }
0x157: {  	[tilespmem:v13+s0+$0x0] =	vst.idx.msk $0xffff, v20;
	v27 =	vld.idx.msk [tilespmem:v27+s2+$0x0], $0xffff;
	v13 =	vand.u32 $0x1F80, v54;
	v56 =	vshll.u32 v41, $0x7;
	v57 =	vadd.f32 v20, v29  }
0x158: {  	s22 =	sor.u32 $0x1E, s20;
	v24 =	vor.u32 v4, v42;
	v7 =	vadd.f32 v55, v7;
	v60 =	vmul.f32 v16, v16  }
0x159: {  	[tilespmem:v9+s0+$0x0] =	vst.idx.msk $0xffff, v31;
	v26 =	vld.idx.msk [tilespmem:v26+s2+$0x0], $0xffff;
	v48 =	vand.u32 $0x3F, v45;
	v49 =	vadd.s32 s22, v0;
	v13 =	vor.u32 v13, v6  }
0x15a: {  	s22 =	sor.u32 $0x1F, s20;
	v34 =	vmul.f32 v11, v11;
	v15 =	vadd.f32 v16, v57;
	v7 =	vadd.f32 v60, v7  }
0x15b: {  	[tilespmem:v10+s0+$0x0] =	vst.idx.msk $0xffff, v47;
	v10 =	vor.u32 v4, v48;
	v51 =	vand.u32 $0x3F, v49;
	v53 =	vadd.s32 s22, v0;
	v21 =	vld.idx.msk [tilespmem:v62+s2+$0x0], $0xffff  }
0x15c: {  	v39 =	vmul.f32 v27, v27;
	v19 =	vld.idx.msk [tilespmem:v19+s2+$0x0], $0xffff;
	v15 =	vadd.f32 v11, v15;
	v7 =	vadd.f32 v34, v7  }
0x15d: {  	v52 =	vor.u32 v4, v51;
	v55 =	vand.u32 $0x3F, v53;
	[tilespmem:v18+s0+$0x0] =	vst.idx.msk $0xffff, v16;
	v16 =	vand.u32 $0x1F80, v56  }
0x15e: {  	v43 =	vmul.f32 v26, v26;
	v24 =	vld.idx.msk [tilespmem:v24+s2+$0x0], $0xffff;
	v15 =	vadd.f32 v27, v15;
	v7 =	vadd.f32 v39, v7  }
0x15f: {  	[tilespmem:v22+s0+$0x0] =	vst.idx.msk $0xffff, v11;
	v17 =	vor.u32 v4, v55;
	v11 =	vor.u32 v16, v6  }
0x160: {  	v10 =	vld.idx.msk [tilespmem:v10+s2+$0x0], $0xffff;
	v46 =	vmul.f32 v21, v21;
	v9 =	vadd.f32 v26, v15;
	v7 =	vadd.f32 v43, v7  }
0x161: {  	[tilespmem:v14+s0+$0x0] =	vst.idx.msk $0xffff, v44;
	v59 =	vshll.u32 v49, $0x7;
	v61 =	vshll.u32 v53, $0x7;
	v50 =	vmul.f32 v19, v19  }
0x162: {  	[tilespmem:v12+s0+$0x0] =	vst.idx.msk $0xffff, v27;
	v15 =	vshll.u32 v45, $0x7;
	v9 =	vadd.f32 v21, v9;
	v7 =	vadd.f32 v46, v7  }
0x163: {  	[tilespmem:v23+s0+$0x0] =	vst.idx.msk $0xffff, v26;
	v16 =	vand.u32 $0x1F80, v61;
	v14 =	vld.idx.msk [tilespmem:v52+s2+$0x0], $0xffff;
	v57 =	vmul.f32 v24, v24;
	v58 =	vand.u32 $0x1F80, v15  }
0x164: {  	v12 =	vor.u32 v58, v6;
	v9 =	vadd.f32 v19, v9;
	v7 =	vadd.f32 v50, v7  }
0x165: {  	v60 =	vld.idx.msk [tilespmem:v17+s2+$0x0], $0xffff;
	[tilespmem:v11+s0+$0x0] =	vst.idx.msk $0xffff, v24;
	v11 =	vor.u32 v16, v6;
	v62 =	vmul.f32 v10, v10  }
0x166: {  	[tilespmem:v8+s0+$0x0] =	vst.idx.msk $0xffff, v21;
	v8 =	vadd.f32 v24, v9;
	v9 =	vand.u32 $0x1F80, v59;
	v7 =	vadd.f32 v57, v7  }
0x167: {  	p2 =	por p1, p1;
	[tilespmem:v13+s0+$0x0] =	vst.idx.msk $0xffff, v19;
	v9 =	vor.u32 v9, v6  }
.Ltmp3:
0x168: {  	v63 =	vmul.f32 v14, v14;
	v8 =	vadd.f32 v10, v8;
	v7 =	vadd.f32 v62, v7;
	(pc) =	sbr.rel @p2 .LBB2_8-.Ltmp3, $4  }
0x169: {  	[tilespmem:v12+s0+$0x0] =	vst.idx.msk $0xffff, v10  }
0x16a: {  	v10 =	vmul.f32 v60, v60;
	v8 =	vadd.f32 v14, v8;
	v7 =	vadd.f32 v63, v7  }
0x16b: {  	[tilespmem:v11+s0+$0x0] =	vst.idx.msk $0xffff, v60  }
0x16c: {  	p1 =	por $0x0, $0x0;
	s20 =	simm.s32 $0x20;
	[tilespmem:v9+s0+$0x0] =	vst.idx.msk $0xffff, v14;
	v11 =	vadd.f32 v60, v8;
	v10 =	vadd.f32 v10, v7  }
0x16d: {  	_ = 	snop  }
0x16e: {  	v4 =	vmul.f32 $1.562500000e-02, v11;
	_ =	sdelay $0x1  }
0x16f: {  	v5 =	vmul.f32 $1.562500000e-02, v10;
	v6 =	vmul.f32 v4, v4;
	_ =	sdelay $0x1  }
0x170: {  	v5 =	vsub.f32 v5, v6;
	_ =	sdelay $0x1  }
0x171: {  	v5 =	vadd.f32 $9.999999740e-06, v5;
	_ =	sdelay $0x1  }
0x172: {  	v63 =	vshrl.u32 v5, $0x1;
	v5 =	vmul.f32 $5.000000000e-01, v5  }
0x173: {  	v6 =	vsub.s32 $0x5F3759DF, v63  }
0x174: {  	v7 =	vmul.f32 v6, v5;
	_ =	sdelay $0x1  }
0x175: {  	v7 =	vmul.f32 v6, v7;
	_ =	sdelay $0x1  }
0x176: {  	v7 =	vsub.f32 $1.500000000e+00, v7;
	_ =	sdelay $0x1  }
0x177: {  	v6 =	vmul.f32 v6, v7;
	_ =	sdelay $0x1  }
0x178: {  	v7 =	vmul.f32 v6, v5;
	_ =	sdelay $0x1  }
0x179: {  	v7 =	vmul.f32 v7, v6;
	_ =	sdelay $0x1  }
0x17a: {  	v7 =	vsub.f32 $1.500000000e+00, v7;
	_ =	sdelay $0x1  }
0x17b: {  	v6 =	vmul.f32 v7, v6;
	_ =	sdelay $0x1  }
0x17c: {  	v5 =	vmul.f32 v6, v5;
	_ =	sdelay $0x1  }
0x17d: {  	s3 =	sadd.s32 $0x1, s3;
	v5 =	vmul.f32 v5, v6  }
0x17e: {  	p1 =	sne.s32 s3, $0x8  }
.Ltmp4:
0x17f: {  	v5 =	vsub.f32 $1.500000000e+00, v5;
	(pc) =	sbr.rel @p1 .LBB2_7-.Ltmp4, $4  }
0x180: {  	_ = 	snop  }
0x181: {  	v5 =	vmul.f32 v5, v6  }
0x182: {  	[tilespmem:v3+s18+$0x0 ss:$0x1] =	vst.idx.msk $0xffff, v4  }
0x183: {  	[tilespmem:v3+s18+$0x80 ss:$0x1] =	vst.idx.msk $0xffff, v5  }
0x184: {  	v5 =	vld [tilespmem:s5+$0xA800]  }
0x185: {  	v6 =	vld [tilespmem:s5+$0xA810]  }
0x186: {  	v7 =	vld [tilespmem:s5+$0xA820]  }
0x187: {  	v8 =	vld [tilespmem:s5+$0xA830]  }
0x188: {  	v9 =	vld [tilespmem:s5+$0xA840]  }
0x189: {  	v10 =	vld [tilespmem:s5+$0xA850]  }
0x18a: {  	v11 =	vld [tilespmem:s5+$0xA860]  }
0x18b: {  	v12 =	vld [tilespmem:s5+$0xA870]  }
0x18c: {  	v13 =	vld [tilespmem:s5+$0xA880]  }
0x18d: {  	v14 =	vld [tilespmem:s5+$0xA890]  }
0x18e: {  	v15 =	vld [tilespmem:s5+$0xA8A0]  }
0x18f: {  	v16 =	vld [tilespmem:s5+$0xA8B0]  }
0x190: {  	v17 =	vld [tilespmem:s5+$0xA8C0]  }
0x191: {  	v18 =	vld [tilespmem:s5+$0xA8D0]  }
0x192: {  	v19 =	vld [tilespmem:s5+$0xA8E0]  }
0x193: {  	v20 =	vld [tilespmem:s5+$0xA8F0]  }
0x194: {  	v21 =	vld [tilespmem:s31+$0xF0]  }
0x195: {  	v22 =	vld [tilespmem:s31+$0xFFFFFF00]  }
0x196: {  	v23 =	vld [tilespmem:s31+$0xFFFFFF10]  }
0x197: {  	v24 =	vld [tilespmem:s31+$0xFFFFFF20]  }
0x198: {  	v25 =	vld [tilespmem:s31+$0xFFFFFF30]  }
0x199: {  	v26 =	vld [tilespmem:s31+$0xFFFFFF40]  }
0x19a: {  	v27 =	vld [tilespmem:s31+$0xFFFFFF50]  }
0x19b: {  	v28 =	vld [tilespmem:s31+$0xFFFFFF60]  }
0x19c: {  	v29 =	vld [tilespmem:s31+$0xFFFFFF70]  }
0x19d: {  	v30 =	vld [tilespmem:s31+$0xFFFFFF80]  }
0x19e: {  	v39 =	vld [tilespmem:s31+$0x10]  }
0x19f: {  	v40 =	vld [tilespmem:s31+$0x20]  }
0x1a0: {  	v41 =	vld [tilespmem:s31+$0x30]  }
0x1a1: {  	v47 =	vld [tilespmem:s31+$0x50]  }
0x1a2: {  	v50 =	vld [tilespmem:s31+$0x70]  }
0x1a3: {  	v58 =	vld [tilespmem:s31+$0xC0]  }
0x1a4: {  	v31 =	vld [tilespmem:s31+$0xFFFFFF90];
	v21 =	vsub.f32 v21, v12  }
0x1a5: {  	v34 =	vld [tilespmem:s31+$0xFFFFFFC0];
	v22 =	vsub.f32 v22, v5;
	v23 =	vsub.f32 v23, v6  }
0x1a6: {  	v37 =	vld [tilespmem:s31+$0xFFFFFFF0];
	v55 =	vsub.f32 v39, v6;
	v60 =	vsub.f32 v40, v7  }
0x1a7: {  	s2 =	simm.s32 $0xAAA0;
	v62 =	vld [tilespmem:s31+$0xA0];
	v61 =	vsub.f32 v41, v8;
	v57 =	vsub.f32 v47, v10  }
0x1a8: {  	v3 =	vld [tilespmem:s2+$0x10];
	v50 =	vsub.f32 v50, v12;
	v47 =	vsub.f32 v58, v9;
	v42 =	vmul.f32 v22, v13  }
0x1a9: {  	v32 =	vld [tilespmem:s31+$0xFFFFFFA0];
	v22 =	vsub.f32 v24, v7;
	v43 =	vmul.f32 v23, v14;
	v23 =	vsub.f32 v25, v8  }
0x1aa: {  	s3 =	simm.s32 $0xAEA0;
	v33 =	vld [tilespmem:s31+$0xFFFFFFB0];
	v21 =	vmul.f32 v21, v20;
	v24 =	vsub.f32 v27, v10;
	v25 =	vsub.f32 v29, v12  }
0x1ab: {  	v4 =	vld [tilespmem:s3+$0x10];
	v27 =	vsub.f32 v31, v6;
	v29 =	vsub.f32 v34, v9;
	v34 =	vmul.f32 v60, v15  }
0x1ac: {  	v35 =	vld [tilespmem:s31+$0xFFFFFFD0];
	v31 =	vsub.f32 v37, v12;
	v40 =	vmul.f32 v57, v18;
	v39 =	vmul.f32 v50, v20  }
0x1ad: {  	v36 =	vld [tilespmem:s31+$0xFFFFFFE0];
	v60 =	vsub.f32 v62, v7;
	v47 =	vmul.f32 v47, v17;
	v21 =	vmul.f32 v21, v3  }
0x1ae: {  	v54 =	vld [tilespmem:s31+$0x80];
	v45 =	vmul.f32 v22, v15;
	v22 =	vsub.f32 v26, v9;
	v46 =	vmul.f32 v23, v16  }
0x1af: {  	v38 =	vld [tilespmem:s31+$0x0];
	v23 =	vsub.f32 v28, v11;
	v24 =	vmul.f32 v24, v18;
	v26 =	vsub.f32 v30, v5  }
0x1b0: {  	v44 =	vld [tilespmem:s31+$0x40];
	v25 =	vmul.f32 v25, v20;
	v28 =	vsub.f32 v33, v8;
	v21 =	vadd.f32 v21, v4  }
0x1b1: {  	v53 =	vld [tilespmem:s31+$0x60];
	v49 =	vmul.f32 v27, v14;
	v30 =	vsub.f32 v35, v10;
	v31 =	vmul.f32 v31, v20  }
0x1b2: {  	v56 =	vld [tilespmem:s31+$0x90];
	v33 =	vmul.f32 v55, v14;
	v35 =	vmul.f32 v60, v15;
	[tilespmem:s31+$0xF0] =	vst v21;
	v21 =	vsub.f32 v36, v11  }
0x1b3: {  	v51 =	vld [tilespmem:s31+$0xD0];
	v59 =	vsub.f32 v54, v5;
	v27 =	vmul.f32 v28, v16;
	v28 =	vmul.f32 v29, v17  }
0x1b4: {  	v54 =	vld [tilespmem:s2+$0xFFFFFFF0];
	v29 =	vmul.f32 v30, v18;
	v30 =	vmul.f32 v21, v19;
	v21 =	vsub.f32 v38, v5  }
0x1b5: {  	v22 =	vmul.f32 v22, v17;
	v48 =	vmul.f32 v26, v13;
	v26 =	vsub.f32 v32, v7  }
0x1b6: {  	v23 =	vmul.f32 v23, v19;
	v32 =	vmul.f32 v21, v13;
	v21 =	vsub.f32 v44, v9  }
0x1b7: {  	v52 =	vsub.f32 v56, v6;
	v55 =	vld [tilespmem:s2+$0xFFFFFFE0];
	v57 =	vmul.f32 v35, v3;
	v26 =	vmul.f32 v26, v15  }
0x1b8: {  	v63 =	vld [tilespmem:s31+$0xB0];
	v36 =	vmul.f32 v61, v16;
	v38 =	vmul.f32 v21, v17;
	v21 =	vsub.f32 v53, v11  }
0x1b9: {  	v51 =	vsub.f32 v51, v10;
	v61 =	vmul.f32 v52, v14;
	v52 =	vmul.f32 v48, v54;
	v53 =	vld [tilespmem:s31+$0xE0]  }
0x1ba: {  	v37 =	vmul.f32 v21, v19;
	v21 =	vmul.f32 v59, v13  }
0x1bb: {  	v48 =	vmul.f32 v51, v18;
	v62 =	vmul.f32 v61, v3  }
0x1bc: {  	v51 =	vld [tilespmem:s3+$0xFFFFFFE0];
	v56 =	vmul.f32 v42, v55;
	v21 =	vmul.f32 v21, v3  }
0x1bd: {  	v43 =	vmul.f32 v43, v55;
	v44 =	vsub.f32 v63, v8;
	v50 =	vadd.f32 v62, v4  }
0x1be: {  	v41 =	vld [tilespmem:s2+$0x0];
	v45 =	vmul.f32 v45, v55;
	v63 =	vsub.f32 v53, v11;
	v21 =	vadd.f32 v21, v4  }
0x1bf: {  	v35 =	vld [tilespmem:s3+$0xFFFFFFF0];
	v57 =	vadd.f32 v57, v4;
	v42 =	vmul.f32 v46, v55;
	v44 =	vmul.f32 v44, v16;
	[tilespmem:s31+$0x90] =	vst v50  }
0x1c0: {  	s5 =	simm.s32 $0x0;
	s18 =	sadd.s32 $0x200, s31;
	v53 =	vmul.f32 v49, v54;
	v49 =	vmul.f32 v63, v19;
	[tilespmem:s31+$0x80] =	vst v21;
	v21 =	vld [tilespmem:s3+$0x0]  }
.LBB2_11:
0x1c1: {  	v46 =	vld [tilespmem:s18+$0xF0];
	s5 =	sadd.s32 $0x4, s5;
	v50 =	vadd.f32 v56, v51;
	v22 =	vmul.f32 v22, v55;
	v24 =	vmul.f32 v24, v55;
	[tilespmem:s31+$0xA0] =	vst v57  }
0x1c2: {  	v43 =	vadd.f32 v43, v51;
	v23 =	vmul.f32 v23, v55;
	v25 =	vmul.f32 v25, v55;
	v56 =	vld [tilespmem:s18+$0xFFFFFF00];
	p1 =	slt.u32 s5, $0x3C  }
0x1c3: {  	v26 =	vmul.f32 v26, v54;
	v27 =	vmul.f32 v27, v54;
	v45 =	vadd.f32 v45, v51;
	v55 =	vld [tilespmem:s18+$0xFFFFFF10];
	[tilespmem:s31+$0xFFFFFF00] =	vst v50  }
0x1c4: {  	v28 =	vmul.f32 v28, v54;
	v29 =	vmul.f32 v29, v54;
	s2 =	sadd.s32 $0x40, s2;
	v42 =	vadd.f32 v42, v51;
	v50 =	vld [tilespmem:s18+$0xFFFFFF20];
	[tilespmem:s31+$0xFFFFFF10] =	vst v43  }
0x1c5: {  	v30 =	vmul.f32 v30, v54;
	v31 =	vmul.f32 v31, v54;
	v22 =	vadd.f32 v22, v51;
	v57 =	vld [tilespmem:s2+$0x10];
	[tilespmem:s31+$0xFFFFFF20] =	vst v45  }
0x1c6: {  	v32 =	vmul.f32 v32, v41;
	v33 =	vmul.f32 v33, v41;
	s3 =	sadd.s32 $0x40, s3;
	v54 =	vld [tilespmem:s18+$0xFFFFFF30];
	v45 =	vsub.f32 v46, v12;
	[tilespmem:s31+$0xFFFFFF30] =	vst v42  }
0x1c7: {  	v34 =	vmul.f32 v34, v41;
	v36 =	vmul.f32 v36, v41;
	v42 =	vsub.f32 v56, v5;
	v43 =	vld [tilespmem:s3+$0x10];
	[tilespmem:s31+$0xFFFFFF40] =	vst v22  }
0x1c8: {  	v38 =	vmul.f32 v38, v41;
	v22 =	vsub.f32 v55, v6;
	v55 =	vld [tilespmem:s18+$0xFFFFFF40];
	v46 =	vmul.f32 v45, v20  }
0x1c9: {  	v40 =	vmul.f32 v40, v41;
	v42 =	vmul.f32 v42, v13;
	v50 =	vsub.f32 v50, v7;
	v56 =	vld [tilespmem:s18+$0xFFFFFF50]  }
0x1ca: {  	v24 =	vadd.f32 v24, v51;
	v45 =	vmul.f32 v22, v14;
	v58 =	vld [tilespmem:s18+$0xFFFFFF60];
	v22 =	vmul.f32 v46, v57  }
0x1cb: {  	v37 =	vmul.f32 v37, v41;
	v46 =	vmul.f32 v50, v15;
	v50 =	vsub.f32 v54, v8;
	v54 =	vld [tilespmem:s18+$0xFFFFFF70]  }
0x1cc: {  	v39 =	vmul.f32 v39, v41;
	v41 =	vmul.f32 v44, v3;
	v59 =	vld [tilespmem:s18+$0xFFFFFF80];
	v22 =	vadd.f32 v22, v43;
	[tilespmem:s31+$0xFFFFFF50] =	vst v24  }
0x1cd: {  	v47 =	vmul.f32 v47, v3;
	v50 =	vmul.f32 v50, v16;
	v24 =	vsub.f32 v55, v9;
	v55 =	vld [tilespmem:s18+$0xFFFFFF90]  }
0x1ce: {  	v48 =	vmul.f32 v48, v3;
	v44 =	vmul.f32 v49, v3;
	v56 =	vsub.f32 v56, v10;
	v60 =	vld [tilespmem:s18+$0xFFFFFFA0];
	[tilespmem:s18+$0xF0] =	vst v22  }
0x1cf: {  	v61 =	vadd.f32 v23, v51;
	v3 =	vmovc v57;
	v22 =	vmul.f32 v24, v17;
	v49 =	vsub.f32 v58, v11;
	v58 =	vld [tilespmem:s18+$0xFFFFFFB0]  }
0x1d0: {  	v51 =	vadd.f32 v25, v51;
	v24 =	vmul.f32 v56, v18;
	v54 =	vsub.f32 v54, v12;
	v56 =	vld [tilespmem:s18+$0xFFFFFFC0]  }
0x1d1: {  	v52 =	vadd.f32 v52, v35;
	v23 =	vmul.f32 v49, v19;
	v49 =	vsub.f32 v59, v5;
	v57 =	vld [tilespmem:s18+$0xFFFFFFD0];
	[tilespmem:s31+$0xFFFFFF60] =	vst v61  }
0x1d2: {  	v25 =	vmul.f32 v54, v20;
	v54 =	vsub.f32 v55, v6;
	v55 =	vld [tilespmem:s18+$0xFFFFFFE0];
	[tilespmem:s31+$0xFFFFFF70] =	vst v51;
	v51 =	vadd.f32 v53, v35  }
0x1d3: {  	v49 =	vmul.f32 v49, v13;
	v53 =	vsub.f32 v60, v7;
	v59 =	vld [tilespmem:s18+$0xFFFFFFF0];
	[tilespmem:s31+$0xFFFFFF80] =	vst v52;
	v52 =	vadd.f32 v26, v35  }
0x1d4: {  	v60 =	vmul.f32 v54, v14;
	v54 =	vsub.f32 v58, v8;
	v58 =	vld [tilespmem:s18+$0x0];
	[tilespmem:s31+$0xFFFFFF90] =	vst v51;
	v51 =	vadd.f32 v27, v35  }
0x1d5: {  	v26 =	vmul.f32 v53, v15;
	v53 =	vsub.f32 v56, v9;
	v56 =	vld [tilespmem:s18+$0x10];
	[tilespmem:s31+$0xFFFFFFA0] =	vst v52;
	v52 =	vadd.f32 v28, v35  }
0x1d6: {  	v27 =	vmul.f32 v54, v16;
	v54 =	vsub.f32 v57, v10;
	v57 =	vld [tilespmem:s18+$0x20];
	[tilespmem:s31+$0xFFFFFFB0] =	vst v51;
	v51 =	vadd.f32 v29, v35  }
0x1d7: {  	v28 =	vmul.f32 v53, v17;
	v53 =	vsub.f32 v55, v11;
	v55 =	vld [tilespmem:s18+$0x30];
	[tilespmem:s31+$0xFFFFFFC0] =	vst v52;
	v52 =	vadd.f32 v30, v35  }
0x1d8: {  	v35 =	vadd.f32 v31, v35;
	v29 =	vmul.f32 v54, v18;
	v54 =	vsub.f32 v59, v12;
	v59 =	vld [tilespmem:s18+$0x40];
	[tilespmem:s31+$0xFFFFFFD0] =	vst v51  }
0x1d9: {  	v30 =	vmul.f32 v53, v19;
	v51 =	vsub.f32 v58, v5;
	v53 =	vld [tilespmem:s18+$0x50];
	[tilespmem:s31+$0xFFFFFFE0] =	vst v52;
	v52 =	vadd.f32 v32, v21  }
0x1da: {  	v31 =	vmul.f32 v54, v20;
	v54 =	vsub.f32 v56, v6;
	v56 =	vld [tilespmem:s18+$0x60];
	[tilespmem:s31+$0xFFFFFFF0] =	vst v35;
	v35 =	vadd.f32 v33, v21  }
0x1db: {  	v32 =	vmul.f32 v51, v13;
	v51 =	vsub.f32 v57, v7;
	v57 =	vld [tilespmem:s18+$0x70];
	[tilespmem:s31+$0x0] =	vst v52;
	v52 =	vadd.f32 v34, v21  }
0x1dc: {  	v33 =	vmul.f32 v54, v14;
	v54 =	vsub.f32 v55, v8;
	v55 =	vld [tilespmem:s18+$0x80];
	[tilespmem:s31+$0x10] =	vst v35;
	v35 =	vadd.f32 v36, v21  }
0x1dd: {  	v34 =	vmul.f32 v51, v15;
	v51 =	vsub.f32 v59, v9;
	v58 =	vld [tilespmem:s18+$0x90];
	[tilespmem:s31+$0x20] =	vst v52;
	v52 =	vadd.f32 v38, v21  }
0x1de: {  	v36 =	vmul.f32 v54, v16;
	v53 =	vsub.f32 v53, v10;
	v59 =	vld [tilespmem:s18+$0xA0];
	[tilespmem:s31+$0x30] =	vst v35;
	v35 =	vadd.f32 v40, v21  }
0x1df: {  	v38 =	vmul.f32 v51, v17;
	v51 =	vsub.f32 v56, v11;
	v56 =	vld [tilespmem:s18+$0xB0];
	[tilespmem:s31+$0x40] =	vst v52;
	v52 =	vadd.f32 v37, v21  }
0x1e0: {  	v21 =	vadd.f32 v39, v21;
	v40 =	vmul.f32 v53, v18;
	v53 =	vsub.f32 v57, v12;
	v57 =	vld [tilespmem:s18+$0xC0];
	[tilespmem:s31+$0x50] =	vst v35  }
0x1e1: {  	v41 =	vadd.f32 v41, v4;
	v37 =	vmul.f32 v51, v19;
	v35 =	vsub.f32 v55, v5;
	v61 =	vld [tilespmem:s18+$0xD0];
	[tilespmem:s31+$0x60] =	vst v52  }
0x1e2: {  	v39 =	vmul.f32 v53, v20;
	v51 =	vsub.f32 v58, v6;
	v52 =	vld [tilespmem:s18+$0xE0];
	[tilespmem:s31+$0x70] =	vst v21;
	v21 =	vadd.f32 v47, v4  }
0x1e3: {  	v48 =	vadd.f32 v48, v4;
	v54 =	vld [tilespmem:s2+$0xFFFFFFF0];
	v35 =	vmul.f32 v35, v13;
	v47 =	vsub.f32 v59, v7;
	[tilespmem:s31+$0xB0] =	vst v41  }
0x1e4: {  	v62 =	vadd.f32 v44, v4;
	v41 =	vld [tilespmem:s2+$0x0];
	v53 =	vmul.f32 v51, v14;
	v56 =	vsub.f32 v56, v8;
	[tilespmem:s31+$0xC0] =	vst v21  }
0x1e5: {  	v55 =	vld [tilespmem:s2+$0xFFFFFFE0];
	v58 =	vmul.f32 v35, v3;
	v21 =	vmul.f32 v47, v15;
	v47 =	vsub.f32 v57, v9;
	[tilespmem:s31+$0xD0] =	vst v48  }
0x1e6: {  	v51 =	vld [tilespmem:s3+$0xFFFFFFE0];
	v57 =	vmul.f32 v53, v3;
	v44 =	vmul.f32 v56, v16;
	v48 =	vsub.f32 v61, v10;
	[tilespmem:s31+$0xE0] =	vst v62;
	s31 =	smov.u32 s18  }
.Ltmp5:
0x1e7: {  	v4 =	vmovc v43;
	v35 =	vld [tilespmem:s3+$0xFFFFFFF0];
	v59 =	vmul.f32 v21, v3;
	v47 =	vmul.f32 v47, v17;
	v56 =	vsub.f32 v52, v11;
	(pc) =	sbr.rel @p1 .LBB2_11-.Ltmp5, $4  }
0x1e8: {  	v58 =	vadd.f32 v58, v4;
	v52 =	vmul.f32 v49, v54;
	v21 =	vld [tilespmem:s3+$0x0];
	v48 =	vmul.f32 v48, v18  }
0x1e9: {  	v53 =	vmul.f32 v60, v54;
	v60 =	vadd.f32 v57, v4;
	v49 =	vmul.f32 v56, v19  }
0x1ea: {  	v57 =	vadd.f32 v59, v4;
	v56 =	vmul.f32 v42, v55;
	v43 =	vmul.f32 v45, v55;
	[tilespmem:s18+$0x80] =	vst v58  }
0x1eb: {  	v45 =	vmul.f32 v46, v55;
	v42 =	vmul.f32 v50, v55;
	s18 =	sadd.s32 $0x200, s18;
	[tilespmem:s31+$0x90] =	vst v60  }
0x1ec: {  	v5 =	vadd.f32 v56, v51  }
0x1ed: {  	[tilespmem:s31+$0xA0] =	vst v57;
	v6 =	vadd.f32 v43, v51  }
0x1ee: {  	v18 =	vadd.f32 v52, v35;
	[tilespmem:s31+$0xFFFFFF00] =	vst v5  }
0x1ef: {  	v20 =	vadd.f32 v53, v35;
	[tilespmem:s31+$0xFFFFFF10] =	vst v6  }
0x1f0: {  	v7 =	vmul.f32 v22, v55;
	v62 =	vadd.f32 v45, v51;
	[tilespmem:s31+$0xFFFFFF80] =	vst v18  }
0x1f1: {  	v8 =	vmul.f32 v24, v55;
	v63 =	vadd.f32 v42, v51;
	[tilespmem:s31+$0xFFFFFF90] =	vst v20  }
0x1f2: {  	v9 =	vmul.f32 v23, v55;
	v12 =	vadd.f32 v7, v51;
	[tilespmem:s31+$0xFFFFFF20] =	vst v62  }
0x1f3: {  	v13 =	vmul.f32 v25, v55;
	v14 =	vadd.f32 v8, v51;
	[tilespmem:s31+$0xFFFFFF30] =	vst v63  }
0x1f4: {  	v17 =	vmul.f32 v26, v54;
	v15 =	vadd.f32 v9, v51;
	[tilespmem:s31+$0xFFFFFF40] =	vst v12  }
0x1f5: {  	v19 =	vmul.f32 v27, v54;
	v16 =	vadd.f32 v13, v51;
	[tilespmem:s31+$0xFFFFFF50] =	vst v14  }
0x1f6: {  	v22 =	vmul.f32 v28, v54;
	v23 =	vadd.f32 v17, v35;
	[tilespmem:s31+$0xFFFFFF60] =	vst v15  }
0x1f7: {  	v24 =	vmul.f32 v29, v54;
	v25 =	vadd.f32 v19, v35;
	[tilespmem:s31+$0xFFFFFF70] =	vst v16  }
0x1f8: {  	v26 =	vmul.f32 v30, v54;
	v27 =	vadd.f32 v22, v35;
	[tilespmem:s31+$0xFFFFFFA0] =	vst v23  }
0x1f9: {  	v28 =	vmul.f32 v31, v54;
	v29 =	vadd.f32 v24, v35;
	[tilespmem:s31+$0xFFFFFFB0] =	vst v25  }
0x1fa: {  	v30 =	vmul.f32 v32, v41;
	v31 =	vadd.f32 v26, v35;
	[tilespmem:s31+$0xFFFFFFC0] =	vst v27  }
0x1fb: {  	v32 =	vmul.f32 v33, v41;
	v33 =	vadd.f32 v28, v35;
	[tilespmem:s31+$0xFFFFFFD0] =	vst v29  }
0x1fc: {  	v34 =	vmul.f32 v34, v41;
	v35 =	vadd.f32 v30, v21;
	[tilespmem:s31+$0xFFFFFFE0] =	vst v31  }
0x1fd: {  	v50 =	vmul.f32 v40, v41;
	v43 =	vadd.f32 v32, v21;
	[tilespmem:s31+$0xFFFFFFF0] =	vst v33  }
0x1fe: {  	v52 =	vmul.f32 v37, v41;
	v46 =	vadd.f32 v34, v21;
	[tilespmem:s31+$0x0] =	vst v35  }
0x1ff: {  	v54 =	vmul.f32 v39, v41;
	v55 =	vadd.f32 v50, v21;
	[tilespmem:s31+$0x10] =	vst v43  }
0x200: {  	v56 =	vmul.f32 v44, v3;
	v58 =	vmul.f32 v47, v3;
	v57 =	vadd.f32 v52, v21;
	[tilespmem:s31+$0x20] =	vst v46  }
0x201: {  	v60 =	vmul.f32 v48, v3;
	v3 =	vmul.f32 v49, v3;
	v59 =	vadd.f32 v54, v21;
	[tilespmem:s31+$0x50] =	vst v55  }
0x202: {  	v42 =	vmul.f32 v36, v41;
	v61 =	vadd.f32 v56, v4;
	[tilespmem:s31+$0x60] =	vst v57  }
0x203: {  	v45 =	vmul.f32 v38, v41;
	v3 =	vadd.f32 v3, v4;
	[tilespmem:s31+$0x70] =	vst v59  }
0x204: {  	v51 =	vadd.f32 v42, v21;
	[tilespmem:s31+$0xB0] =	vst v61  }
0x205: {  	v53 =	vadd.f32 v45, v21;
	[tilespmem:s31+$0xE0] =	vst v3  }
0x206: {  	s2 =	sshll.u32 s28, $0x12;
	v62 =	vadd.f32 v58, v4;
	[tilespmem:s31+$0x30] =	vst v51  }
0x207: {  	s2 =	sor.u32 s7, s2;
	v63 =	vadd.f32 v60, v4;
	[tilespmem:s31+$0x40] =	vst v53  }
0x208: {  	s2 =	sshrl.u32 s2, $0x3;
	[tilespmem:s31+$0xC0] =	vst v62  }
0x209: {  	s3 =	sor.u32 $0x4, s29;
	s5 =	sadd.s32 s4, s2;
	[tilespmem:s31+$0xD0] =	vst v63  }
0x20a: {  	[hbm4b:s5+s6] =	stream.linear.scatter [tilespmem:s0], [sflag:s3], $0x400, $0x38;
	[tilespmem:$0xB280] =	vst v63  }
0x20b: {  	s29 =	sadd.s32 s2, s10;
	s31 =	sadd.s32 $0x6C00, s30  }
0x20c: {  	[hbm4b:s29+s6] =	stream.linear.scatter [tilespmem:s31], [sflag:s3], $0x400, $0x38;
	[tilespmem:$0xB280] =	vst v63  }
0x20d: {  	s18 =	sadd.s32 $0x7000, s30;
	s5 =	sadd.s32 s2, s11  }
0x20e: {  	[hbm4b:s5+s6] =	stream.linear.scatter [tilespmem:s18], [sflag:s3], $0x400, $0x38;
	[tilespmem:$0xB280] =	vst v63  }
0x20f: {  	s22 =	sadd.s32 $0x7400, s30;
	s20 =	sadd.s32 s2, s12  }
0x210: {  	[hbm4b:s20+s6] =	stream.linear.scatter [tilespmem:s22], [sflag:s3], $0x400, $0x38;
	[tilespmem:$0xB280] =	vst v63  }
0x211: {  	s28 =	sadd.s32 $0x1, s28;
	s29 =	sadd.s32 s2, s13;
	s31 =	sadd.s32 $0x7800, s30  }
0x212: {  	[hbm4b:s29+s6] =	stream.linear.scatter [tilespmem:s31], [sflag:s3], $0x400, $0x38;
	[tilespmem:$0xB280] =	vst v63  }
0x213: {  	p1 =	sne.s32 s28, $0xC8;
	s5 =	sadd.s32 s2, s14;
	s18 =	sadd.s32 $0x7C00, s30  }
0x214: {  	[hbm4b:s5+s6] =	stream.linear.scatter [tilespmem:s18], [sflag:s3], $0x400, $0x38;
	[tilespmem:$0xB280] =	vst v63  }
.Ltmp6:
0x215: {  	_ = 	snop;
	(pc) =	sbr.rel @p1 .LBB2_2-.Ltmp6, $4  }
.Ltmp7:
0x216: {  	s20 =	sadd.s32 s2, s15;
	s22 =	sor.u32 $0x8000, s30;
	(pc) =	sbr.rel @!p1 .LBB2_13-.Ltmp7, $4  }
0x217: {  	[hbm4b:s20+s6] =	stream.linear.scatter [tilespmem:s22], [sflag:s3], $0x400, $0x38;
	[tilespmem:$0xB280] =	vst v63  }
0x218: {  	p0 =	por !p0, !p0;
	s29 =	sadd.s32 s2, s16;
	s31 =	sadd.s32 $0x8400, s30  }
0x219: {  	[hbm4b:s29+s6] =	stream.linear.scatter [tilespmem:s31], [sflag:s3], $0x400, $0x38;
	[tilespmem:$0xB280] =	vst v63  }
0x21a: {  	_ = 	snop  }
.LBB2_4:
0x21b: {  	p1 =	sgt.u32 s28, $0xC5  }
.Ltmp8:
0x21c: {  	_ = 	snop;
	(pc) =	sbr.rel @p1 .LBB2_6-.Ltmp8, $4  }
.Ltmp9:
0x21d: {  	_ = 	snop;
	(pc) =	sbr.rel @!p1 .LBB2_5-.Ltmp9, $4  }
0x21e: {  	_ = 	snop  }
0x21f: {  	_ = 	snop  }
0x220: {  	_ = 	snop  }
0x221: {  	_ = 	snop  }
.LBB2_14:
0x222: {  	_ =	sfence.sel $0x180000  }
0x223: {  	[bflag:$0x0] =	sbarrier.arrive $0xFFFF  }
0x224: {  	_ =	strace $0x90000047  }
0x225: {  	s0 =	stileid.u32;
	[bflag:$0x2] =	sbarrier.arrive $0xFFFF  }
0x226: {  	p0 =	sne.s32 s0, $0x0;
	s0 =	rddreg [dreg:$0x5]  }
0x227: {  	s0 =	sadd.s32 @!p0 $0x100000, s0  }
0x228: {  	[sflag:s0] =	ssyncadd.tile.s32 @!p0 $0x1;
	_ =	shalt  }
.Lfunc_end2:
_tile_overlayer_lowered:
.L_overlay_start_2:
0x229: {  	(tag) =	ssettag $0x2  }
0x22a: {  	s0 =	rddreg [dreg:$0x0];
	s2 =	stileid.u32  }
0x22b: {  	s1 =	rddreg [dreg:$0x1];
	p0 =	sne.s32 s2, $0x0  }
0x22c: {  	s3 =	rddreg [dreg:$0x2];
	[bflag:$0x3] =	sbarrier.arrive $0xFFFF;
	s2 =	simm.s32 @!p0 $0x1C06  }
0x22d: {  	[timem:s3], [sflag:s2] =	dma.local @!p0 [hbm:s0], s1  }
0x22e: {  	s0 =	simm.s32 @!p0 $0x6  }
0x22f: {  	_ =	swait.ge @!p0 [sflag:s0], s1  }
0x230: {  	s1 =	ssub.s32 @!p0 $0x0, s1;
	[sflag:s0] =	ssyncset.done @!p0 $0x0  }
0x231: {  	[sflag:s0] =	ssyncadd.s32 @!p0 s1  }
0x232: {  	[bflag:$0x3] =	sbarrier.arrive $0xFFFF  }
0x233: {  	_ =	shalt  }

</sc_bundles>
